<compile_context>
chip_gen: v7x
topology: tpu7x:2x2x1
jax: 0.10.2.dev20260603
libtpu: 0.0.44.dev20260713+nightly
codegen_flags: <defaults>
</compile_context>

<pallas_src>
import functools

import jax
import jax.numpy as jnp
from jax import lax
from jax.experimental import pallas as pl
from jax.experimental.pallas import tpu as pltpu
from jax.experimental.pallas import tpu_sc as plsc

_N = 10000
_E = 320000
_F_IN = 128
_HID = 16
_LBL = 64

_NC = 2
_NS = 16
_NW = _NC * _NS
_CHUNK = 128
_G = 8
_EPW = 10240
_K = _EPW // (_CHUNK * _G)
_NBUF = 4
_DEPTH = 2
_NPAD = 10112
_RPT = _NPAD // _NS


def _edge_pass(mode: str):
    mesh = plsc.VectorSubcoreMesh(core_axis_name="c", subcore_axis_name="s")

    out_main = jax.ShapeDtypeStruct((_NC, _NPAD, _HID), jnp.float32)
    tbl = jax.ShapeDtypeStruct((_NPAD, _HID), jnp.float32)
    if mode == "agg1":
        out_type = [out_main, tbl, tbl]
    elif mode == "agg2":
        out_type = [out_main, tbl]
    else:
        out_type = out_main

    scratch = [
        pltpu.VMEM((_K, _G * _CHUNK), jnp.int32),
        pltpu.VMEM((_K, _G * _CHUNK), jnp.int32),
        pltpu.VMEM((_NBUF, _G * _CHUNK, _HID), jnp.float32),
        pltpu.VMEM((_HID,), jnp.float32),
        pltpu.VMEM_SHARED((_NPAD, _HID), jnp.float32),
        pltpu.VMEM_SHARED((_NPAD, _HID), jnp.float32),
        pltpu.SemaphoreType.DMA((_NBUF,)),
        pltpu.SemaphoreType.DMA((_NBUF,)),
    ]

    def k(*refs):
        if mode == "agg1":
            (src_hbm, dst_hbm, h_hbm, degp_hbm, zero_hbm,
             out_hbm, a1_hbm, dv_hbm,
             src_v, dst_v, rows_v, b1_v,
             acc_sh, feat_sh, gsem, ssem) = refs
        elif mode == "agg2":
            (src_hbm, dst_hbm, a1t_hbm, dvt_hbm, p1_hbm, b1_hbm, zero_hbm,
             out_hbm, a2_hbm,
             src_v, dst_v, rows_v, b1_v,
             acc_sh, feat_sh, gsem, ssem) = refs
        else:
            (src_hbm, dst_hbm, feat_hbm, zero_hbm,
             out_hbm,
             src_v, dst_v, rows_v, b1_v,
             acc_sh, feat_sh, gsem, ssem) = refs
        gather = mode != "deg"
        cid = lax.axis_index("c")
        sid = lax.axis_index("s")
        wid = sid * _NC + cid
        r0 = sid * _RPT

        def stage(copies):
            for i, (s, d) in enumerate(copies):
                pltpu.async_copy(s, d, gsem.at[i % _NBUF])
            for i, (s, d) in enumerate(copies):
                pltpu.make_async_copy(s, d, gsem.at[i % _NBUF]).wait()

        common = [
            (zero_hbm.at[pl.ds(r0, _RPT)], acc_sh.at[pl.ds(r0, _RPT)]),
            (src_hbm.at[wid], src_v),
            (dst_hbm.at[wid], dst_v),
        ]

        if mode == "agg1":
            stage(common + [
                (h_hbm.at[pl.ds(r0, _RPT)], rows_v.at[0, pl.ds(0, _RPT)]),
                (degp_hbm.at[0, pl.ds(r0, _RPT)],
                 rows_v.at[1, pl.ds(0, _RPT)]),
                (degp_hbm.at[1, pl.ds(r0, _RPT)],
                 rows_v.at[2, pl.ds(0, _RPT)]),
            ])

            def prow1(j, _):
                d = rows_v[1, j] + rows_v[2, j] + 1.0
                i = lax.bitcast_convert_type(d, jnp.int32)
                i = jnp.int32(0x5F3759DF) - lax.shift_right_logical(i, 1)
                dvr = lax.bitcast_convert_type(i, jnp.float32)
                for _it in range(3):
                    dvr = dvr * (1.5 - 0.5 * d * dvr * dvr)
                rows_v[0, j] = dvr * rows_v[0, j]
                rows_v[1, j] = dvr
                return 0
            lax.fori_loop(0, _RPT, prow1, 0, unroll=8)
            pltpu.async_copy(rows_v.at[0, pl.ds(0, _RPT)],
                             feat_sh.at[pl.ds(r0, _RPT)], ssem.at[0])

            @pl.when(cid == 0)
            def _():
                pltpu.async_copy(rows_v.at[0, pl.ds(0, _RPT)],
                                 a1_hbm.at[pl.ds(r0, _RPT)], ssem.at[1])
                pltpu.async_copy(rows_v.at[1, pl.ds(0, _RPT)],
                                 dv_hbm.at[pl.ds(r0, _RPT)], ssem.at[2])
                pltpu.make_async_copy(rows_v.at[0, pl.ds(0, _RPT)],
                                      a1_hbm.at[pl.ds(r0, _RPT)],
                                      ssem.at[1]).wait()
                pltpu.make_async_copy(rows_v.at[1, pl.ds(0, _RPT)],
                                      dv_hbm.at[pl.ds(r0, _RPT)],
                                      ssem.at[2]).wait()
            pltpu.make_async_copy(rows_v.at[0, pl.ds(0, _RPT)],
                                  feat_sh.at[pl.ds(r0, _RPT)],
                                  ssem.at[0]).wait()
        elif mode == "agg2":
            stage(common + [
                (a1t_hbm.at[pl.ds(r0, _RPT)], rows_v.at[0, pl.ds(0, _RPT)]),
                (dvt_hbm.at[pl.ds(r0, _RPT)], rows_v.at[1, pl.ds(0, _RPT)]),
                (p1_hbm.at[0, pl.ds(r0, _RPT)],
                 rows_v.at[2, pl.ds(0, _RPT)]),
                (p1_hbm.at[1, pl.ds(r0, _RPT)],
                 rows_v.at[3, pl.ds(0, _RPT)]),
                (b1_hbm, b1_v),
            ])

            def prow2(j, _):
                dvr = rows_v[1, j]
                pre = dvr * (rows_v[2, j] + rows_v[3, j] + rows_v[0, j])
                pre = pre + b1_v[...]
                rows_v[0, j] = dvr * jnp.maximum(pre, 0.0)
                return 0
            lax.fori_loop(0, _RPT, prow2, 0, unroll=8)
            pltpu.async_copy(rows_v.at[0, pl.ds(0, _RPT)],
                             feat_sh.at[pl.ds(r0, _RPT)], ssem.at[0])

            @pl.when(cid == 0)
            def _():
                pltpu.async_copy(rows_v.at[0, pl.ds(0, _RPT)],
                                 a2_hbm.at[pl.ds(r0, _RPT)], ssem.at[1])
                pltpu.make_async_copy(rows_v.at[0, pl.ds(0, _RPT)],
                                      a2_hbm.at[pl.ds(r0, _RPT)],
                                      ssem.at[1]).wait()
            pltpu.make_async_copy(rows_v.at[0, pl.ds(0, _RPT)],
                                  feat_sh.at[pl.ds(r0, _RPT)],
                                  ssem.at[0]).wait()
        else:
            stage(common +
                  [(feat_hbm.at[pl.ds(0, _G * _CHUNK)], rows_v.at[0])])
        plsc.subcore_barrier()

        def gissue(j):
            s = lax.rem(j, _NBUF) if isinstance(j, jax.Array) else j % _NBUF
            pltpu.async_copy(feat_sh.at[src_v.at[j]], rows_v.at[s],
                             gsem.at[s])

        def sissue(j):
            s = lax.rem(j, _NBUF) if isinstance(j, jax.Array) else j % _NBUF
            if gather:
                pltpu.make_async_copy(feat_sh.at[src_v.at[j]], rows_v.at[s],
                                      gsem.at[s]).wait()
                pltpu.async_copy(rows_v.at[s], acc_sh.at[dst_v.at[j]],
                                 ssem.at[s], add=True)
            else:
                pltpu.async_copy(rows_v.at[0], acc_sh.at[dst_v.at[j]],
                                 ssem.at[s], add=True)

        def swait(j):
            s = lax.rem(j, _NBUF) if isinstance(j, jax.Array) else j % _NBUF
            pltpu.make_async_copy(rows_v.at[0], acc_sh.at[dst_v.at[0]],
                                  ssem.at[s]).wait()

        if gather:
            for j in range(_DEPTH):
                gissue(j)
            for j in range(_DEPTH, _NBUF):
                gissue(j)
                sissue(j - _DEPTH)

            def body(j, _):
                swait(j - _NBUF)
                gissue(j)
                sissue(j - _DEPTH)
                return 0
            lax.fori_loop(_NBUF, _K, body, 0)

            for j in range(_K - _DEPTH, _K):
                sissue(j)
            for j in range(_K - _NBUF, _K):
                swait(j)
        else:
            for j in range(_NBUF):
                sissue(j)

            def body(j, _):
                swait(j - _NBUF)
                sissue(j)
                return 0
            lax.fori_loop(_NBUF, _K, body, 0)
            for j in range(_K - _NBUF, _K):
                swait(j)

        plsc.subcore_barrier()
        pltpu.sync_copy(acc_sh.at[pl.ds(sid * _RPT, _RPT)],
                        out_hbm.at[cid, pl.ds(sid * _RPT, _RPT)])

    return pl.kernel(
        k,
        mesh=mesh,
        compiler_params=pltpu.CompilerParams(use_tc_tiling_on_sc=False),
        out_type=out_type,
        scratch_types=scratch,
    )


_edge_pass = functools.lru_cache(maxsize=None)(_edge_pass)


def _matmul1_body(xp_ref, w1_ref, h_ref):
    h_ref[...] = jnp.dot(xp_ref[...], w1_ref[...],
                         preferred_element_type=jnp.float32)


def _dense3_body(p_ref, a2_ref, dv_ref, w2_ref, b2_ref, out_ref):
    pre = dv_ref[...] * (p_ref[0] + p_ref[1] + a2_ref[...])
    logits = jnp.dot(pre, w2_ref[...], preferred_element_type=jnp.float32)
    logits = logits + b2_ref[...][None, :]
    m = jnp.max(logits, axis=1, keepdims=True)
    s = logits - m
    out_ref[...] = s - jnp.log(jnp.sum(jnp.exp(s), axis=1, keepdims=True))


def kernel(x, edge_index, W1, b1, W2, b2):
    src = edge_index[0].astype(jnp.int32)
    dst = edge_index[1].astype(jnp.int32)
    pad = _NW * _EPW - _E
    padv = jnp.full((pad,), _N, jnp.int32)
    srcp = jnp.concatenate([src, padv]).reshape(_NW, _K, _G * _CHUNK)
    dstp = jnp.concatenate([dst, padv]).reshape(_NW, _K, _G * _CHUNK)
    zeros16 = jnp.zeros((_NPAD, _HID), jnp.float32)
    ones16 = jnp.ones((_NPAD, _HID), jnp.float32)
    xp = jnp.zeros((_NPAD, _F_IN), jnp.float32).at[:_N].set(x)

    h = pl.pallas_call(
        _matmul1_body,
        out_shape=jax.ShapeDtypeStruct((_NPAD, _HID), jnp.float32),
    )(xp, W1)

    degp = _edge_pass("deg")(srcp, dstp, ones16, zeros16)

    p1, a1, dv = _edge_pass("agg1")(srcp, dstp, h, degp, zeros16)

    p2, a2 = _edge_pass("agg2")(srcp, dstp, a1, dv, p1, b1, zeros16)

    out = pl.pallas_call(
        _dense3_body,
        out_shape=jax.ShapeDtypeStruct((_NPAD, _LBL), jnp.float32),
    )(p2, a2, dv, W2, b2)

    return out[:_N]

# --- scband reference (transcript-rebuilt; emitter-appended) ---
"""Pipeline reference for scband-gcnnet-27247272526424 (READ-ONLY COPY).

The authoritative reference and input builder live on the scoring server;
editing this copy changes nothing except your own understanding.
"""

import jax, jax.numpy as jnp
import numpy as np

N = 10000
E = 320000
F_IN = 128
HID = 16
NUM_LABEL = 64


def setup_inputs(seed: int = 0) -> dict:
    key = jax.random.key(seed)
    k1, k2, k3, k4 = jax.random.split(key, 4)
    x = jax.random.normal(k1, (N, F_IN), dtype=jnp.float32)
    edge_index = jax.random.randint(k2, (2, E), 0, N)
    W1 = jax.random.normal(k3, (F_IN, HID), dtype=jnp.float32) * (1.0 / np.sqrt(F_IN))
    b1 = jnp.zeros((HID,), dtype=jnp.float32)
    W2 = jax.random.normal(k4, (HID, NUM_LABEL), dtype=jnp.float32) * (1.0 / np.sqrt(HID))
    b2 = jnp.zeros((NUM_LABEL,), dtype=jnp.float32)
    return {"x": x, "edge_index": edge_index, "W1": W1, "b1": b1, "W2": W2, "b2": b2}


def _gcn_layer(x, edge_index, W, b):
    # GCNConv: D^{-1/2} (A + I) D^{-1/2} X W + b (symmetric normalization with self-loops)
    n = x.shape[0]
    src = edge_index[0]
    dst = edge_index[1]
    loop = jnp.arange(n, dtype=src.dtype)
    src2 = jnp.concatenate([src, loop])
    dst2 = jnp.concatenate([dst, loop])
    h = x @ W
    deg = jax.ops.segment_sum(jnp.ones(src2.shape[0], dtype=h.dtype), dst2, num_segments=n)
    dinv = jnp.where(deg > 0, 1.0 / jnp.sqrt(deg), 0.0)
    norm = dinv[src2] * dinv[dst2]
    msg = h[src2] * norm[:, None]
    out = jax.ops.segment_sum(msg, dst2, num_segments=n)
    return out + b


def reference(x, edge_index, W1, b1, W2, b2):
    h = _gcn_layer(x, edge_index, W1, b1)
    h = jax.nn.relu(h)
    h = _gcn_layer(h, edge_index, W2, b2)
    return jax.nn.log_softmax(h, axis=1)

if __name__ == "__main__":
    import jax
    _d = setup_inputs()
    print(jax.jit(kernel)(*tuple(_d.values())))

</pallas_src>

<mosaic_0001>
#map = affine_map<(d0, d1) -> (0, 0, 0)>
#map1 = affine_map<(d0, d1) -> (0, 0)>
module attributes {stable_mosaic.version = 14 : i64} {
  func.func @k(%arg0: i32, %arg1: i32, %arg2: memref<32x10x1024xi32, #tpu.memory_space<hbm>>, %arg3: memref<32x10x1024xi32, #tpu.memory_space<hbm>>, %arg4: memref<10112x16xf32, #tpu.memory_space<hbm>>, %arg5: memref<10112x16xf32, #tpu.memory_space<hbm>>, %arg6: memref<2x10112x16xf32, #tpu.memory_space<hbm>>, %arg7: memref<10x1024xi32, #tpu.memory_space<vmem>>, %arg8: memref<10x1024xi32, #tpu.memory_space<vmem>>, %arg9: memref<4x1024x16xf32, #tpu.memory_space<vmem>>, %arg10: memref<16xf32, #tpu.memory_space<vmem>>, %arg11: memref<10112x16xf32, #tpu.memory_space<vmem_shared>>, %arg12: memref<10112x16xf32, #tpu.memory_space<vmem_shared>>, %arg13: memref<4x!tpu.dma_semaphore, #tpu.memory_space<semaphore_mem>>, %arg14: memref<4x!tpu.dma_semaphore, #tpu.memory_space<semaphore_mem>>) attributes {dimension_semantics = [#tpu.dimension_semantics<core_parallel>, #tpu.dimension_semantics<subcore_parallel>], iteration_bounds = array<i64: 2, 16>, scalar_prefetch = 0 : i64, scratch_operands = 8 : i64, tpu.core_type = #tpu.core_type<sc_vector_subcore>, window_params = [{transform_indices = #map}, {transform_indices = #map}, {transform_indices = #map1}, {transform_indices = #map1}, {transform_indices = #map}]} {
    %mul3A = arith.constant 2 : i32
    %mul3A_0 = arith.muli %arg1, %mul3A : i32
    %add3A = arith.addi %mul3A_0, %arg0 : i32
    %mul3A_1 = arith.constant 632 : i32
    %mul3A_2 = arith.muli %arg1, %mul3A_1 : i32
    %dma_start3A = arith.constant 0 : i32
    %dma_start3A_3 = tpu.memref_slice %arg13[%dma_start3A] : memref<4x!tpu.dma_semaphore, #tpu.memory_space<semaphore_mem>> -> memref<1x!tpu.dma_semaphore, #tpu.memory_space<semaphore_mem>>
    %dma_start3A_4 = tpu.memref_squeeze %dma_start3A_3 : memref<1x!tpu.dma_semaphore, #tpu.memory_space<semaphore_mem>> -> memref<!tpu.dma_semaphore, #tpu.memory_space<semaphore_mem>>
    %dma_start3A_5 = arith.constant 0 : i32
    %dma_start3A_6 = tpu.memref_slice %arg11[%mul3A_2, %dma_start3A_5] : memref<10112x16xf32, #tpu.memory_space<vmem_shared>> -> memref<632x16xf32, #tpu.memory_space<vmem_shared>>
    %dma_start3A_7 = arith.constant 0 : i32
    %dma_start3A_8 = tpu.memref_slice %arg5[%mul3A_2, %dma_start3A_7] : memref<10112x16xf32, #tpu.memory_space<hbm>> -> memref<632x16xf32, #tpu.memory_space<hbm>>
    tpu.enqueue_dma source(%dma_start3A_8 : memref<632x16xf32, #tpu.memory_space<hbm>>) target(%dma_start3A_6 : memref<632x16xf32, #tpu.memory_space<vmem_shared>>) target_semaphore(%dma_start3A_4 : memref<!tpu.dma_semaphore, #tpu.memory_space<semaphore_mem>>)
    %dma_start3A_9 = arith.constant 1 : i32
    %dma_start3A_10 = arith.constant 0 : i32
    %dma_start3A_11 = arith.constant 0 : i32
    %dma_start3A_12 = tpu.memref_slice %arg2[%add3A, %dma_start3A_10, %dma_start3A_11] : memref<32x10x1024xi32, #tpu.memory_space<hbm>> -> memref<1x10x1024xi32, #tpu.memory_space<hbm>>
    %dma_start3A_13 = tpu.memref_squeeze %dma_start3A_12 : memref<1x10x1024xi32, #tpu.memory_space<hbm>> -> memref<10x1024xi32, #tpu.memory_space<hbm>>
    %dma_start3A_14 = tpu.memref_slice %arg13[%dma_start3A_9] : memref<4x!tpu.dma_semaphore, #tpu.memory_space<semaphore_mem>> -> memref<1x!tpu.dma_semaphore, #tpu.memory_space<semaphore_mem>>
    %dma_start3A_15 = tpu.memref_squeeze %dma_start3A_14 : memref<1x!tpu.dma_semaphore, #tpu.memory_space<semaphore_mem>> -> memref<!tpu.dma_semaphore, #tpu.memory_space<semaphore_mem>>
    %dma_start3A_16 = arith.constant 0 : i32
    %dma_start3A_17 = arith.constant 0 : i32
    %dma_start3A_18 = tpu.memref_slice %arg2[%add3A, %dma_start3A_16, %dma_start3A_17] : memref<32x10x1024xi32, #tpu.memory_space<hbm>> -> memref<1x10x1024xi32, #tpu.memory_space<hbm>>
    %dma_start3A_19 = tpu.memref_squeeze %dma_start3A_18 : memref<1x10x1024xi32, #tpu.memory_space<hbm>> -> memref<10x1024xi32, #tpu.memory_space<hbm>>
    tpu.enqueue_dma source(%dma_start3A_19 : memref<10x1024xi32, #tpu.memory_space<hbm>>) target(%arg7 : memref<10x1024xi32, #tpu.memory_space<vmem>>) target_semaphore(%dma_start3A_15 : memref<!tpu.dma_semaphore, #tpu.memory_space<semaphore_mem>>)
    %dma_start3A_20 = arith.constant 2 : i32
    %dma_start3A_21 = arith.constant 0 : i32
    %dma_start3A_22 = arith.constant 0 : i32
    %dma_start3A_23 = tpu.memref_slice %arg3[%add3A, %dma_start3A_21, %dma_start3A_22] : memref<32x10x1024xi32, #tpu.memory_space<hbm>> -> memref<1x10x1024xi32, #tpu.memory_space<hbm>>
    %dma_start3A_24 = tpu.memref_squeeze %dma_start3A_23 : memref<1x10x1024xi32, #tpu.memory_space<hbm>> -> memref<10x1024xi32, #tpu.memory_space<hbm>>
    %dma_start3A_25 = tpu.memref_slice %arg13[%dma_start3A_20] : memref<4x!tpu.dma_semaphore, #tpu.memory_space<semaphore_mem>> -> memref<1x!tpu.dma_semaphore, #tpu.memory_space<semaphore_mem>>
    %dma_start3A_26 = tpu.memref_squeeze %dma_start3A_25 : memref<1x!tpu.dma_semaphore, #tpu.memory_space<semaphore_mem>> -> memref<!tpu.dma_semaphore, #tpu.memory_space<semaphore_mem>>
    %dma_start3A_27 = arith.constant 0 : i32
    %dma_start3A_28 = arith.constant 0 : i32
    %dma_start3A_29 = tpu.memref_slice %arg3[%add3A, %dma_start3A_27, %dma_start3A_28] : memref<32x10x1024xi32, #tpu.memory_space<hbm>> -> memref<1x10x1024xi32, #tpu.memory_space<hbm>>
    %dma_start3A_30 = tpu.memref_squeeze %dma_start3A_29 : memref<1x10x1024xi32, #tpu.memory_space<hbm>> -> memref<10x1024xi32, #tpu.memory_space<hbm>>
    tpu.enqueue_dma source(%dma_start3A_30 : memref<10x1024xi32, #tpu.memory_space<hbm>>) target(%arg8 : memref<10x1024xi32, #tpu.memory_space<vmem>>) target_semaphore(%dma_start3A_26 : memref<!tpu.dma_semaphore, #tpu.memory_space<semaphore_mem>>)
    %dma_start3A_31 = arith.constant 0 : i32
    %dma_start3A_32 = arith.constant 3 : i32
    %dma_start3A_33 = arith.constant 0 : i32
    %dma_start3A_34 = arith.constant 0 : i32
    %dma_start3A_35 = tpu.memref_slice %arg9[%dma_start3A_31, %dma_start3A_33, %dma_start3A_34] : memref<4x1024x16xf32, #tpu.memory_space<vmem>> -> memref<1x1024x16xf32, #tpu.memory_space<vmem>>
    %dma_start3A_36 = tpu.memref_squeeze %dma_start3A_35 : memref<1x1024x16xf32, #tpu.memory_space<vmem>> -> memref<1024x16xf32, #tpu.memory_space<vmem>>
    %dma_start3A_37 = arith.constant 0 : i32
    %dma_start3A_38 = arith.constant 0 : i32
    %dma_start3A_39 = tpu.memref_slice %arg4[%dma_start3A_37, %dma_start3A_38] : memref<10112x16xf32, #tpu.memory_space<hbm>> -> memref<1024x16xf32, #tpu.memory_space<hbm>>
    %dma_start3A_40 = tpu.memref_slice %arg13[%dma_start3A_32] : memref<4x!tpu.dma_semaphore, #tpu.memory_space<semaphore_mem>> -> memref<1x!tpu.dma_semaphore, #tpu.memory_space<semaphore_mem>>
    %dma_start3A_41 = tpu.memref_squeeze %dma_start3A_40 : memref<1x!tpu.dma_semaphore, #tpu.memory_space<semaphore_mem>> -> memref<!tpu.dma_semaphore, #tpu.memory_space<semaphore_mem>>
    %dma_start3A_42 = arith.constant 0 : i32
    %dma_start3A_43 = arith.constant 0 : i32
    %dma_start3A_44 = tpu.memref_slice %arg9[%dma_start3A_31, %dma_start3A_42, %dma_start3A_43] : memref<4x1024x16xf32, #tpu.memory_space<vmem>> -> memref<1x1024x16xf32, #tpu.memory_space<vmem>>
    %dma_start3A_45 = tpu.memref_squeeze %dma_start3A_44 : memref<1x1024x16xf32, #tpu.memory_space<vmem>> -> memref<1024x16xf32, #tpu.memory_space<vmem>>
    %dma_start3A_46 = arith.constant 0 : i32
    %dma_start3A_47 = arith.constant 0 : i32
    %dma_start3A_48 = tpu.memref_slice %arg4[%dma_start3A_46, %dma_start3A_47] : memref<10112x16xf32, #tpu.memory_space<hbm>> -> memref<1024x16xf32, #tpu.memory_space<hbm>>
    tpu.enqueue_dma source(%dma_start3A_48 : memref<1024x16xf32, #tpu.memory_space<hbm>>) target(%dma_start3A_45 : memref<1024x16xf32, #tpu.memory_space<vmem>>) target_semaphore(%dma_start3A_41 : memref<!tpu.dma_semaphore, #tpu.memory_space<semaphore_mem>>)
    %dma_wait3A = arith.constant 0 : i32
    %dma_wait3A_49 = tpu.memref_slice %arg13[%dma_wait3A] : memref<4x!tpu.dma_semaphore, #tpu.memory_space<semaphore_mem>> -> memref<1x!tpu.dma_semaphore, #tpu.memory_space<semaphore_mem>>
    %dma_wait3A_50 = tpu.memref_squeeze %dma_wait3A_49 : memref<1x!tpu.dma_semaphore, #tpu.memory_space<semaphore_mem>> -> memref<!tpu.dma_semaphore, #tpu.memory_space<semaphore_mem>>
    %dma_wait3A_51 = arith.constant 0 : i32
    %dma_wait3A_52 = tpu.memref_slice %arg11[%mul3A_2, %dma_wait3A_51] : memref<10112x16xf32, #tpu.memory_space<vmem_shared>> -> memref<632x16xf32, #tpu.memory_space<vmem_shared>>
    %dma_wait3A_53 = arith.constant 0 : i32
    %dma_wait3A_54 = tpu.memref_slice %arg5[%mul3A_2, %dma_wait3A_53] : memref<10112x16xf32, #tpu.memory_space<hbm>> -> memref<632x16xf32, #tpu.memory_space<hbm>>
    tpu.wait_dma2 semaphore(%dma_wait3A_50 : memref<!tpu.dma_semaphore, #tpu.memory_space<semaphore_mem>>) src(%dma_wait3A_54 : memref<632x16xf32, #tpu.memory_space<hbm>>) dst(%dma_wait3A_52 : memref<632x16xf32, #tpu.memory_space<vmem_shared>>)
    %dma_wait3A_55 = arith.constant 1 : i32
    %dma_wait3A_56 = arith.constant 0 : i32
    %dma_wait3A_57 = arith.constant 0 : i32
    %dma_wait3A_58 = tpu.memref_slice %arg2[%add3A, %dma_wait3A_56, %dma_wait3A_57] : memref<32x10x1024xi32, #tpu.memory_space<hbm>> -> memref<1x10x1024xi32, #tpu.memory_space<hbm>>
    %dma_wait3A_59 = tpu.memref_squeeze %dma_wait3A_58 : memref<1x10x1024xi32, #tpu.memory_space<hbm>> -> memref<10x1024xi32, #tpu.memory_space<hbm>>
    %dma_wait3A_60 = tpu.memref_slice %arg13[%dma_wait3A_55] : memref<4x!tpu.dma_semaphore, #tpu.memory_space<semaphore_mem>> -> memref<1x!tpu.dma_semaphore, #tpu.memory_space<semaphore_mem>>
    %dma_wait3A_61 = tpu.memref_squeeze %dma_wait3A_60 : memref<1x!tpu.dma_semaphore, #tpu.memory_space<semaphore_mem>> -> memref<!tpu.dma_semaphore, #tpu.memory_space<semaphore_mem>>
    %dma_wait3A_62 = arith.constant 0 : i32
    %dma_wait3A_63 = arith.constant 0 : i32
    %dma_wait3A_64 = tpu.memref_slice %arg2[%add3A, %dma_wait3A_62, %dma_wait3A_63] : memref<32x10x1024xi32, #tpu.memory_space<hbm>> -> memref<1x10x1024xi32, #tpu.memory_space<hbm>>
    %dma_wait3A_65 = tpu.memref_squeeze %dma_wait3A_64 : memref<1x10x1024xi32, #tpu.memory_space<hbm>> -> memref<10x1024xi32, #tpu.memory_space<hbm>>
    tpu.wait_dma2 semaphore(%dma_wait3A_61 : memref<!tpu.dma_semaphore, #tpu.memory_space<semaphore_mem>>) src(%dma_wait3A_65 : memref<10x1024xi32, #tpu.memory_space<hbm>>) dst(%arg7 : memref<10x1024xi32, #tpu.memory_space<vmem>>)
    %dma_wait3A_66 = arith.constant 2 : i32
    %dma_wait3A_67 = arith.constant 0 : i32
    %dma_wait3A_68 = arith.constant 0 : i32
    %dma_wait3A_69 = tpu.memref_slice %arg3[%add3A, %dma_wait3A_67, %dma_wait3A_68] : memref<32x10x1024xi32, #tpu.memory_space<hbm>> -> memref<1x10x1024xi32, #tpu.memory_space<hbm>>
    %dma_wait3A_70 = tpu.memref_squeeze %dma_wait3A_69 : memref<1x10x1024xi32, #tpu.memory_space<hbm>> -> memref<10x1024xi32, #tpu.memory_space<hbm>>
    %dma_wait3A_71 = tpu.memref_slice %arg13[%dma_wait3A_66] : memref<4x!tpu.dma_semaphore, #tpu.memory_space<semaphore_mem>> -> memref<1x!tpu.dma_semaphore, #tpu.memory_space<semaphore_mem>>
    %dma_wait3A_72 = tpu.memref_squeeze %dma_wait3A_71 : memref<1x!tpu.dma_semaphore, #tpu.memory_space<semaphore_mem>> -> memref<!tpu.dma_semaphore, #tpu.memory_space<semaphore_mem>>
    %dma_wait3A_73 = arith.constant 0 : i32
    %dma_wait3A_74 = arith.constant 0 : i32
    %dma_wait3A_75 = tpu.memref_slice %arg3[%add3A, %dma_wait3A_73, %dma_wait3A_74] : memref<32x10x1024xi32, #tpu.memory_space<hbm>> -> memref<1x10x1024xi32, #tpu.memory_space<hbm>>
    %dma_wait3A_76 = tpu.memref_squeeze %dma_wait3A_75 : memref<1x10x1024xi32, #tpu.memory_space<hbm>> -> memref<10x1024xi32, #tpu.memory_space<hbm>>
    tpu.wait_dma2 semaphore(%dma_wait3A_72 : memref<!tpu.dma_semaphore, #tpu.memory_space<semaphore_mem>>) src(%dma_wait3A_76 : memref<10x1024xi32, #tpu.memory_space<hbm>>) dst(%arg8 : memref<10x1024xi32, #tpu.memory_space<vmem>>)
    %dma_wait3A_77 = arith.constant 0 : i32
    %dma_wait3A_78 = arith.constant 3 : i32
    %dma_wait3A_79 = arith.constant 0 : i32
    %dma_wait3A_80 = arith.constant 0 : i32
    %dma_wait3A_81 = tpu.memref_slice %arg9[%dma_wait3A_77, %dma_wait3A_79, %dma_wait3A_80] : memref<4x1024x16xf32, #tpu.memory_space<vmem>> -> memref<1x1024x16xf32, #tpu.memory_space<vmem>>
    %dma_wait3A_82 = tpu.memref_squeeze %dma_wait3A_81 : memref<1x1024x16xf32, #tpu.memory_space<vmem>> -> memref<1024x16xf32, #tpu.memory_space<vmem>>
    %dma_wait3A_83 = arith.constant 0 : i32
    %dma_wait3A_84 = arith.constant 0 : i32
    %dma_wait3A_85 = tpu.memref_slice %arg4[%dma_wait3A_83, %dma_wait3A_84] : memref<10112x16xf32, #tpu.memory_space<hbm>> -> memref<1024x16xf32, #tpu.memory_space<hbm>>
    %dma_wait3A_86 = tpu.memref_slice %arg13[%dma_wait3A_78] : memref<4x!tpu.dma_semaphore, #tpu.memory_space<semaphore_mem>> -> memref<1x!tpu.dma_semaphore, #tpu.memory_space<semaphore_mem>>
    %dma_wait3A_87 = tpu.memref_squeeze %dma_wait3A_86 : memref<1x!tpu.dma_semaphore, #tpu.memory_space<semaphore_mem>> -> memref<!tpu.dma_semaphore, #tpu.memory_space<semaphore_mem>>
    %dma_wait3A_88 = arith.constant 0 : i32
    %dma_wait3A_89 = arith.constant 0 : i32
    %dma_wait3A_90 = tpu.memref_slice %arg9[%dma_wait3A_77, %dma_wait3A_88, %dma_wait3A_89] : memref<4x1024x16xf32, #tpu.memory_space<vmem>> -> memref<1x1024x16xf32, #tpu.memory_space<vmem>>
    %dma_wait3A_91 = tpu.memref_squeeze %dma_wait3A_90 : memref<1x1024x16xf32, #tpu.memory_space<vmem>> -> memref<1024x16xf32, #tpu.memory_space<vmem>>
    %dma_wait3A_92 = arith.constant 0 : i32
    %dma_wait3A_93 = arith.constant 0 : i32
    %dma_wait3A_94 = tpu.memref_slice %arg4[%dma_wait3A_92, %dma_wait3A_93] : memref<10112x16xf32, #tpu.memory_space<hbm>> -> memref<1024x16xf32, #tpu.memory_space<hbm>>
    tpu.wait_dma2 semaphore(%dma_wait3A_87 : memref<!tpu.dma_semaphore, #tpu.memory_space<semaphore_mem>>) src(%dma_wait3A_94 : memref<1024x16xf32, #tpu.memory_space<hbm>>) dst(%dma_wait3A_91 : memref<1024x16xf32, #tpu.memory_space<vmem>>)
    %barrier3A = arith.constant 0 : index
    tpu.barrier barrier_id(%barrier3A)
    %dma_start3A_95 = arith.constant 0 : i32
    %dma_start3A_96 = arith.constant 0 : i32
    %dma_start3A_97 = arith.constant 0 : i32
    %dma_start3A_98 = arith.constant 0 : i32
    %dma_start3A_99 = arith.constant 0 : i32
    %dma_start3A_100 = tpu.memref_slice %arg9[%dma_start3A_95, %dma_start3A_98, %dma_start3A_99] : memref<4x1024x16xf32, #tpu.memory_space<vmem>> -> memref<1x1024x16xf32, #tpu.memory_space<vmem>>
    %dma_start3A_101 = tpu.memref_squeeze %dma_start3A_100 : memref<1x1024x16xf32, #tpu.memory_space<vmem>> -> memref<1024x16xf32, #tpu.memory_space<vmem>>
    %dma_start3A_102 = arith.constant 0 : i32
    %dma_start3A_103 = tpu.memref_slice %arg8[%dma_start3A_96, %dma_start3A_102] : memref<10x1024xi32, #tpu.memory_space<vmem>> -> memref<1x1024xi32, #tpu.memory_space<vmem>>
    %dma_start3A_104 = tpu.memref_squeeze %dma_start3A_103 : memref<1x1024xi32, #tpu.memory_space<vmem>> -> memref<1024xi32, #tpu.memory_space<vmem>>
    %dma_start3A_105 = arith.constant 0 : i32
    %dma_start3A_106 = arith.constant 0 : i32
    %dma_start3A_107 = tpu.memref_slice %arg11[%dma_start3A_105, %dma_start3A_106] : memref<10112x16xf32, #tpu.memory_space<vmem_shared>> -> memref<10112x16xf32, #tpu.memory_space<vmem_shared>>
    %dma_start3A_108 = tpu.memref_slice %arg14[%dma_start3A_97] : memref<4x!tpu.dma_semaphore, #tpu.memory_space<semaphore_mem>> -> memref<1x!tpu.dma_semaphore, #tpu.memory_space<semaphore_mem>>
    %dma_start3A_109 = tpu.memref_squeeze %dma_start3A_108 : memref<1x!tpu.dma_semaphore, #tpu.memory_space<semaphore_mem>> -> memref<!tpu.dma_semaphore, #tpu.memory_space<semaphore_mem>>
    tpu.enqueue_indirect_dma source(%dma_start3A_101 : memref<1024x16xf32, #tpu.memory_space<vmem>>) target(%dma_start3A_107 : memref<10112x16xf32, #tpu.memory_space<vmem_shared>>) offsets(%dma_start3A_104 : memref<1024xi32, #tpu.memory_space<vmem>>) semaphore(%dma_start3A_109 : memref<!tpu.dma_semaphore, #tpu.memory_space<semaphore_mem>>) {add = true}
    %dma_start3A_110 = arith.constant 0 : i32
    %dma_start3A_111 = arith.constant 1 : i32
    %dma_start3A_112 = arith.constant 1 : i32
    %dma_start3A_113 = arith.constant 0 : i32
    %dma_start3A_114 = arith.constant 0 : i32
    %dma_start3A_115 = tpu.memref_slice %arg9[%dma_start3A_110, %dma_start3A_113, %dma_start3A_114] : memref<4x1024x16xf32, #tpu.memory_space<vmem>> -> memref<1x1024x16xf32, #tpu.memory_space<vmem>>
    %dma_start3A_116 = tpu.memref_squeeze %dma_start3A_115 : memref<1x1024x16xf32, #tpu.memory_space<vmem>> -> memref<1024x16xf32, #tpu.memory_space<vmem>>
    %dma_start3A_117 = arith.constant 0 : i32
    %dma_start3A_118 = tpu.memref_slice %arg8[%dma_start3A_111, %dma_start3A_117] : memref<10x1024xi32, #tpu.memory_space<vmem>> -> memref<1x1024xi32, #tpu.memory_space<vmem>>
    %dma_start3A_119 = tpu.memref_squeeze %dma_start3A_118 : memref<1x1024xi32, #tpu.memory_space<vmem>> -> memref<1024xi32, #tpu.memory_space<vmem>>
    %dma_start3A_120 = arith.constant 0 : i32
    %dma_start3A_121 = arith.constant 0 : i32
    %dma_start3A_122 = tpu.memref_slice %arg11[%dma_start3A_120, %dma_start3A_121] : memref<10112x16xf32, #tpu.memory_space<vmem_shared>> -> memref<10112x16xf32, #tpu.memory_space<vmem_shared>>
    %dma_start3A_123 = tpu.memref_slice %arg14[%dma_start3A_112] : memref<4x!tpu.dma_semaphore, #tpu.memory_space<semaphore_mem>> -> memref<1x!tpu.dma_semaphore, #tpu.memory_space<semaphore_mem>>
    %dma_start3A_124 = tpu.memref_squeeze %dma_start3A_123 : memref<1x!tpu.dma_semaphore, #tpu.memory_space<semaphore_mem>> -> memref<!tpu.dma_semaphore, #tpu.memory_space<semaphore_mem>>
    tpu.enqueue_indirect_dma source(%dma_start3A_116 : memref<1024x16xf32, #tpu.memory_space<vmem>>) target(%dma_start3A_122 : memref<10112x16xf32, #tpu.memory_space<vmem_shared>>) offsets(%dma_start3A_119 : memref<1024xi32, #tpu.memory_space<vmem>>) semaphore(%dma_start3A_124 : memref<!tpu.dma_semaphore, #tpu.memory_space<semaphore_mem>>) {add = true}
    %dma_start3A_125 = arith.constant 0 : i32
    %dma_start3A_126 = arith.constant 2 : i32
    %dma_start3A_127 = arith.constant 2 : i32
    %dma_start3A_128 = arith.constant 0 : i32
    %dma_start3A_129 = arith.constant 0 : i32
    %dma_start3A_130 = tpu.memref_slice %arg9[%dma_start3A_125, %dma_start3A_128, %dma_start3A_129] : memref<4x1024x16xf32, #tpu.memory_space<vmem>> -> memref<1x1024x16xf32, #tpu.memory_space<vmem>>
    %dma_start3A_131 = tpu.memref_squeeze %dma_start3A_130 : memref<1x1024x16xf32, #tpu.memory_space<vmem>> -> memref<1024x16xf32, #tpu.memory_space<vmem>>
    %dma_start3A_132 = arith.constant 0 : i32
    %dma_start3A_133 = tpu.memref_slice %arg8[%dma_start3A_126, %dma_start3A_132] : memref<10x1024xi32, #tpu.memory_space<vmem>> -> memref<1x1024xi32, #tpu.memory_space<vmem>>
    %dma_start3A_134 = tpu.memref_squeeze %dma_start3A_133 : memref<1x1024xi32, #tpu.memory_space<vmem>> -> memref<1024xi32, #tpu.memory_space<vmem>>
    %dma_start3A_135 = arith.constant 0 : i32
    %dma_start3A_136 = arith.constant 0 : i32
    %dma_start3A_137 = tpu.memref_slice %arg11[%dma_start3A_135, %dma_start3A_136] : memref<10112x16xf32, #tpu.memory_space<vmem_shared>> -> memref<10112x16xf32, #tpu.memory_space<vmem_shared>>
    %dma_start3A_138 = tpu.memref_slice %arg14[%dma_start3A_127] : memref<4x!tpu.dma_semaphore, #tpu.memory_space<semaphore_mem>> -> memref<1x!tpu.dma_semaphore, #tpu.memory_space<semaphore_mem>>
    %dma_start3A_139 = tpu.memref_squeeze %dma_start3A_138 : memref<1x!tpu.dma_semaphore, #tpu.memory_space<semaphore_mem>> -> memref<!tpu.dma_semaphore, #tpu.memory_space<semaphore_mem>>
    tpu.enqueue_indirect_dma source(%dma_start3A_131 : memref<1024x16xf32, #tpu.memory_space<vmem>>) target(%dma_start3A_137 : memref<10112x16xf32, #tpu.memory_space<vmem_shared>>) offsets(%dma_start3A_134 : memref<1024xi32, #tpu.memory_space<vmem>>) semaphore(%dma_start3A_139 : memref<!tpu.dma_semaphore, #tpu.memory_space<semaphore_mem>>) {add = true}
    %dma_start3A_140 = arith.constant 0 : i32
    %dma_start3A_141 = arith.constant 3 : i32
    %dma_start3A_142 = arith.constant 3 : i32
    %dma_start3A_143 = arith.constant 0 : i32
    %dma_start3A_144 = arith.constant 0 : i32
    %dma_start3A_145 = tpu.memref_slice %arg9[%dma_start3A_140, %dma_start3A_143, %dma_start3A_144] : memref<4x1024x16xf32, #tpu.memory_space<vmem>> -> memref<1x1024x16xf32, #tpu.memory_space<vmem>>
    %dma_start3A_146 = tpu.memref_squeeze %dma_start3A_145 : memref<1x1024x16xf32, #tpu.memory_space<vmem>> -> memref<1024x16xf32, #tpu.memory_space<vmem>>
    %dma_start3A_147 = arith.constant 0 : i32
    %dma_start3A_148 = tpu.memref_slice %arg8[%dma_start3A_141, %dma_start3A_147] : memref<10x1024xi32, #tpu.memory_space<vmem>> -> memref<1x1024xi32, #tpu.memory_space<vmem>>
    %dma_start3A_149 = tpu.memref_squeeze %dma_start3A_148 : memref<1x1024xi32, #tpu.memory_space<vmem>> -> memref<1024xi32, #tpu.memory_space<vmem>>
    %dma_start3A_150 = arith.constant 0 : i32
    %dma_start3A_151 = arith.constant 0 : i32
    %dma_start3A_152 = tpu.memref_slice %arg11[%dma_start3A_150, %dma_start3A_151] : memref<10112x16xf32, #tpu.memory_space<vmem_shared>> -> memref<10112x16xf32, #tpu.memory_space<vmem_shared>>
    %dma_start3A_153 = tpu.memref_slice %arg14[%dma_start3A_142] : memref<4x!tpu.dma_semaphore, #tpu.memory_space<semaphore_mem>> -> memref<1x!tpu.dma_semaphore, #tpu.memory_space<semaphore_mem>>
    %dma_start3A_154 = tpu.memref_squeeze %dma_start3A_153 : memref<1x!tpu.dma_semaphore, #tpu.memory_space<semaphore_mem>> -> memref<!tpu.dma_semaphore, #tpu.memory_space<semaphore_mem>>
    tpu.enqueue_indirect_dma source(%dma_start3A_146 : memref<1024x16xf32, #tpu.memory_space<vmem>>) target(%dma_start3A_152 : memref<10112x16xf32, #tpu.memory_space<vmem_shared>>) offsets(%dma_start3A_149 : memref<1024xi32, #tpu.memory_space<vmem>>) semaphore(%dma_start3A_154 : memref<!tpu.dma_semaphore, #tpu.memory_space<semaphore_mem>>) {add = true}
    %scan3A = arith.constant 0 : i32
    %scan3A_155 = arith.constant 4 : i32
    %scan3A_156 = arith.constant 6 : i32
    %scan3A_157 = arith.addi %scan3A_155, %scan3A_156 : i32
    %scan3A_158 = arith.constant 1 : i32
    %scan3A_159 = scf.for %scan3A_226 = %scan3A_155 to %scan3A_157 step %scan3A_158 iter_args(%scan3A_227 = %scan3A) -> (i32)  : i32 {
      %sub3A = arith.constant 4 : i32
      %sub3A_228 = arith.subi %scan3A_226, %sub3A : i32
      %rem3A = arith.constant 4 : i32
      %rem3A_229 = arith.remsi %sub3A_228, %rem3A : i32
      %dma_wait3A_230 = arith.constant 0 : i32
      %dma_wait3A_231 = arith.constant 0 : i32
      %dma_wait3A_232 = arith.constant 0 : i32
      %dma_wait3A_233 = arith.constant 0 : i32
      %dma_wait3A_234 = tpu.memref_slice %arg9[%dma_wait3A_230, %dma_wait3A_232, %dma_wait3A_233] : memref<4x1024x16xf32, #tpu.memory_space<vmem>> -> memref<1x1024x16xf32, #tpu.memory_space<vmem>>
      %dma_wait3A_235 = tpu.memref_squeeze %dma_wait3A_234 : memref<1x1024x16xf32, #tpu.memory_space<vmem>> -> memref<1024x16xf32, #tpu.memory_space<vmem>>
      %dma_wait3A_236 = arith.constant 0 : i32
      %dma_wait3A_237 = tpu.memref_slice %arg8[%dma_wait3A_231, %dma_wait3A_236] : memref<10x1024xi32, #tpu.memory_space<vmem>> -> memref<1x1024xi32, #tpu.memory_space<vmem>>
      %dma_wait3A_238 = tpu.memref_squeeze %dma_wait3A_237 : memref<1x1024xi32, #tpu.memory_space<vmem>> -> memref<1024xi32, #tpu.memory_space<vmem>>
      %dma_wait3A_239 = arith.constant 0 : i32
      %dma_wait3A_240 = arith.constant 0 : i32
      %dma_wait3A_241 = tpu.memref_slice %arg11[%dma_wait3A_239, %dma_wait3A_240] : memref<10112x16xf32, #tpu.memory_space<vmem_shared>> -> memref<10112x16xf32, #tpu.memory_space<vmem_shared>>
      %dma_wait3A_242 = tpu.memref_slice %arg14[%rem3A_229] : memref<4x!tpu.dma_semaphore, #tpu.memory_space<semaphore_mem>> -> memref<1x!tpu.dma_semaphore, #tpu.memory_space<semaphore_mem>>
      %dma_wait3A_243 = tpu.memref_squeeze %dma_wait3A_242 : memref<1x!tpu.dma_semaphore, #tpu.memory_space<semaphore_mem>> -> memref<!tpu.dma_semaphore, #tpu.memory_space<semaphore_mem>>
      tpu.wait_indirect_dma semaphore(%dma_wait3A_243 : memref<!tpu.dma_semaphore, #tpu.memory_space<semaphore_mem>>) src(%dma_wait3A_235 : memref<1024x16xf32, #tpu.memory_space<vmem>>) dst(%dma_wait3A_241 : memref<10112x16xf32, #tpu.memory_space<vmem_shared>>)
      %rem3A_244 = arith.constant 4 : i32
      %rem3A_245 = arith.remsi %scan3A_226, %rem3A_244 : i32
      %dma_start3A_246 = arith.constant 0 : i32
      %dma_start3A_247 = arith.constant 0 : i32
      %dma_start3A_248 = arith.constant 0 : i32
      %dma_start3A_249 = tpu.memref_slice %arg9[%dma_start3A_246, %dma_start3A_247, %dma_start3A_248] : memref<4x1024x16xf32, #tpu.memory_space<vmem>> -> memref<1x1024x16xf32, #tpu.memory_space<vmem>>
      %dma_start3A_250 = tpu.memref_squeeze %dma_start3A_249 : memref<1x1024x16xf32, #tpu.memory_space<vmem>> -> memref<1024x16xf32, #tpu.memory_space<vmem>>
      %dma_start3A_251 = arith.constant 0 : i32
      %dma_start3A_252 = tpu.memref_slice %arg8[%scan3A_226, %dma_start3A_251] : memref<10x1024xi32, #tpu.memory_space<vmem>> -> memref<1x1024xi32, #tpu.memory_space<vmem>>
      %dma_start3A_253 = tpu.memref_squeeze %dma_start3A_252 : memref<1x1024xi32, #tpu.memory_space<vmem>> -> memref<1024xi32, #tpu.memory_space<vmem>>
      %dma_start3A_254 = arith.constant 0 : i32
      %dma_start3A_255 = arith.constant 0 : i32
      %dma_start3A_256 = tpu.memref_slice %arg11[%dma_start3A_254, %dma_start3A_255] : memref<10112x16xf32, #tpu.memory_space<vmem_shared>> -> memref<10112x16xf32, #tpu.memory_space<vmem_shared>>
      %dma_start3A_257 = tpu.memref_slice %arg14[%rem3A_245] : memref<4x!tpu.dma_semaphore, #tpu.memory_space<semaphore_mem>> -> memref<1x!tpu.dma_semaphore, #tpu.memory_space<semaphore_mem>>
      %dma_start3A_258 = tpu.memref_squeeze %dma_start3A_257 : memref<1x!tpu.dma_semaphore, #tpu.memory_space<semaphore_mem>> -> memref<!tpu.dma_semaphore, #tpu.memory_space<semaphore_mem>>
      tpu.enqueue_indirect_dma source(%dma_start3A_250 : memref<1024x16xf32, #tpu.memory_space<vmem>>) target(%dma_start3A_256 : memref<10112x16xf32, #tpu.memory_space<vmem_shared>>) offsets(%dma_start3A_253 : memref<1024xi32, #tpu.memory_space<vmem>>) semaphore(%dma_start3A_258 : memref<!tpu.dma_semaphore, #tpu.memory_space<semaphore_mem>>) {add = true}
      %scan3A_259 = arith.constant 0 : i32
      scf.yield %scan3A_259 : i32
    }
    %scan3A_160 = arith.constant 6 : i32
    %dma_wait3A_161 = arith.constant 0 : i32
    %dma_wait3A_162 = arith.constant 0 : i32
    %dma_wait3A_163 = arith.constant 2 : i32
    %dma_wait3A_164 = arith.constant 0 : i32
    %dma_wait3A_165 = arith.constant 0 : i32
    %dma_wait3A_166 = tpu.memref_slice %arg9[%dma_wait3A_161, %dma_wait3A_164, %dma_wait3A_165] : memref<4x1024x16xf32, #tpu.memory_space<vmem>> -> memref<1x1024x16xf32, #tpu.memory_space<vmem>>
    %dma_wait3A_167 = tpu.memref_squeeze %dma_wait3A_166 : memref<1x1024x16xf32, #tpu.memory_space<vmem>> -> memref<1024x16xf32, #tpu.memory_space<vmem>>
    %dma_wait3A_168 = arith.constant 0 : i32
    %dma_wait3A_169 = tpu.memref_slice %arg8[%dma_wait3A_162, %dma_wait3A_168] : memref<10x1024xi32, #tpu.memory_space<vmem>> -> memref<1x1024xi32, #tpu.memory_space<vmem>>
    %dma_wait3A_170 = tpu.memref_squeeze %dma_wait3A_169 : memref<1x1024xi32, #tpu.memory_space<vmem>> -> memref<1024xi32, #tpu.memory_space<vmem>>
    %dma_wait3A_171 = arith.constant 0 : i32
    %dma_wait3A_172 = arith.constant 0 : i32
    %dma_wait3A_173 = tpu.memref_slice %arg11[%dma_wait3A_171, %dma_wait3A_172] : memref<10112x16xf32, #tpu.memory_space<vmem_shared>> -> memref<10112x16xf32, #tpu.memory_space<vmem_shared>>
    %dma_wait3A_174 = tpu.memref_slice %arg14[%dma_wait3A_163] : memref<4x!tpu.dma_semaphore, #tpu.memory_space<semaphore_mem>> -> memref<1x!tpu.dma_semaphore, #tpu.memory_space<semaphore_mem>>
    %dma_wait3A_175 = tpu.memref_squeeze %dma_wait3A_174 : memref<1x!tpu.dma_semaphore, #tpu.memory_space<semaphore_mem>> -> memref<!tpu.dma_semaphore, #tpu.memory_space<semaphore_mem>>
    tpu.wait_indirect_dma semaphore(%dma_wait3A_175 : memref<!tpu.dma_semaphore, #tpu.memory_space<semaphore_mem>>) src(%dma_wait3A_167 : memref<1024x16xf32, #tpu.memory_space<vmem>>) dst(%dma_wait3A_173 : memref<10112x16xf32, #tpu.memory_space<vmem_shared>>)
    %dma_wait3A_176 = arith.constant 0 : i32
    %dma_wait3A_177 = arith.constant 0 : i32
    %dma_wait3A_178 = arith.constant 3 : i32
    %dma_wait3A_179 = arith.constant 0 : i32
    %dma_wait3A_180 = arith.constant 0 : i32
    %dma_wait3A_181 = tpu.memref_slice %arg9[%dma_wait3A_176, %dma_wait3A_179, %dma_wait3A_180] : memref<4x1024x16xf32, #tpu.memory_space<vmem>> -> memref<1x1024x16xf32, #tpu.memory_space<vmem>>
    %dma_wait3A_182 = tpu.memref_squeeze %dma_wait3A_181 : memref<1x1024x16xf32, #tpu.memory_space<vmem>> -> memref<1024x16xf32, #tpu.memory_space<vmem>>
    %dma_wait3A_183 = arith.constant 0 : i32
    %dma_wait3A_184 = tpu.memref_slice %arg8[%dma_wait3A_177, %dma_wait3A_183] : memref<10x1024xi32, #tpu.memory_space<vmem>> -> memref<1x1024xi32, #tpu.memory_space<vmem>>
    %dma_wait3A_185 = tpu.memref_squeeze %dma_wait3A_184 : memref<1x1024xi32, #tpu.memory_space<vmem>> -> memref<1024xi32, #tpu.memory_space<vmem>>
    %dma_wait3A_186 = arith.constant 0 : i32
    %dma_wait3A_187 = arith.constant 0 : i32
    %dma_wait3A_188 = tpu.memref_slice %arg11[%dma_wait3A_186, %dma_wait3A_187] : memref<10112x16xf32, #tpu.memory_space<vmem_shared>> -> memref<10112x16xf32, #tpu.memory_space<vmem_shared>>
    %dma_wait3A_189 = tpu.memref_slice %arg14[%dma_wait3A_178] : memref<4x!tpu.dma_semaphore, #tpu.memory_space<semaphore_mem>> -> memref<1x!tpu.dma_semaphore, #tpu.memory_space<semaphore_mem>>
    %dma_wait3A_190 = tpu.memref_squeeze %dma_wait3A_189 : memref<1x!tpu.dma_semaphore, #tpu.memory_space<semaphore_mem>> -> memref<!tpu.dma_semaphore, #tpu.memory_space<semaphore_mem>>
    tpu.wait_indirect_dma semaphore(%dma_wait3A_190 : memref<!tpu.dma_semaphore, #tpu.memory_space<semaphore_mem>>) src(%dma_wait3A_182 : memref<1024x16xf32, #tpu.memory_space<vmem>>) dst(%dma_wait3A_188 : memref<10112x16xf32, #tpu.memory_space<vmem_shared>>)
    %dma_wait3A_191 = arith.constant 0 : i32
    %dma_wait3A_192 = arith.constant 0 : i32
    %dma_wait3A_193 = arith.constant 0 : i32
    %dma_wait3A_194 = arith.constant 0 : i32
    %dma_wait3A_195 = arith.constant 0 : i32
    %dma_wait3A_196 = tpu.memref_slice %arg9[%dma_wait3A_191, %dma_wait3A_194, %dma_wait3A_195] : memref<4x1024x16xf32, #tpu.memory_space<vmem>> -> memref<1x1024x16xf32, #tpu.memory_space<vmem>>
    %dma_wait3A_197 = tpu.memref_squeeze %dma_wait3A_196 : memref<1x1024x16xf32, #tpu.memory_space<vmem>> -> memref<1024x16xf32, #tpu.memory_space<vmem>>
    %dma_wait3A_198 = arith.constant 0 : i32
    %dma_wait3A_199 = tpu.memref_slice %arg8[%dma_wait3A_192, %dma_wait3A_198] : memref<10x1024xi32, #tpu.memory_space<vmem>> -> memref<1x1024xi32, #tpu.memory_space<vmem>>
    %dma_wait3A_200 = tpu.memref_squeeze %dma_wait3A_199 : memref<1x1024xi32, #tpu.memory_space<vmem>> -> memref<1024xi32, #tpu.memory_space<vmem>>
    %dma_wait3A_201 = arith.constant 0 : i32
    %dma_wait3A_202 = arith.constant 0 : i32
    %dma_wait3A_203 = tpu.memref_slice %arg11[%dma_wait3A_201, %dma_wait3A_202] : memref<10112x16xf32, #tpu.memory_space<vmem_shared>> -> memref<10112x16xf32, #tpu.memory_space<vmem_shared>>
    %dma_wait3A_204 = tpu.memref_slice %arg14[%dma_wait3A_193] : memref<4x!tpu.dma_semaphore, #tpu.memory_space<semaphore_mem>> -> memref<1x!tpu.dma_semaphore, #tpu.memory_space<semaphore_mem>>
    %dma_wait3A_205 = tpu.memref_squeeze %dma_wait3A_204 : memref<1x!tpu.dma_semaphore, #tpu.memory_space<semaphore_mem>> -> memref<!tpu.dma_semaphore, #tpu.memory_space<semaphore_mem>>
    tpu.wait_indirect_dma semaphore(%dma_wait3A_205 : memref<!tpu.dma_semaphore, #tpu.memory_space<semaphore_mem>>) src(%dma_wait3A_197 : memref<1024x16xf32, #tpu.memory_space<vmem>>) dst(%dma_wait3A_203 : memref<10112x16xf32, #tpu.memory_space<vmem_shared>>)
    %dma_wait3A_206 = arith.constant 0 : i32
    %dma_wait3A_207 = arith.constant 0 : i32
    %dma_wait3A_208 = arith.constant 1 : i32
    %dma_wait3A_209 = arith.constant 0 : i32
    %dma_wait3A_210 = arith.constant 0 : i32
    %dma_wait3A_211 = tpu.memref_slice %arg9[%dma_wait3A_206, %dma_wait3A_209, %dma_wait3A_210] : memref<4x1024x16xf32, #tpu.memory_space<vmem>> -> memref<1x1024x16xf32, #tpu.memory_space<vmem>>
    %dma_wait3A_212 = tpu.memref_squeeze %dma_wait3A_211 : memref<1x1024x16xf32, #tpu.memory_space<vmem>> -> memref<1024x16xf32, #tpu.memory_space<vmem>>
    %dma_wait3A_213 = arith.constant 0 : i32
    %dma_wait3A_214 = tpu.memref_slice %arg8[%dma_wait3A_207, %dma_wait3A_213] : memref<10x1024xi32, #tpu.memory_space<vmem>> -> memref<1x1024xi32, #tpu.memory_space<vmem>>
    %dma_wait3A_215 = tpu.memref_squeeze %dma_wait3A_214 : memref<1x1024xi32, #tpu.memory_space<vmem>> -> memref<1024xi32, #tpu.memory_space<vmem>>
    %dma_wait3A_216 = arith.constant 0 : i32
    %dma_wait3A_217 = arith.constant 0 : i32
    %dma_wait3A_218 = tpu.memref_slice %arg11[%dma_wait3A_216, %dma_wait3A_217] : memref<10112x16xf32, #tpu.memory_space<vmem_shared>> -> memref<10112x16xf32, #tpu.memory_space<vmem_shared>>
    %dma_wait3A_219 = tpu.memref_slice %arg14[%dma_wait3A_208] : memref<4x!tpu.dma_semaphore, #tpu.memory_space<semaphore_mem>> -> memref<1x!tpu.dma_semaphore, #tpu.memory_space<semaphore_mem>>
    %dma_wait3A_220 = tpu.memref_squeeze %dma_wait3A_219 : memref<1x!tpu.dma_semaphore, #tpu.memory_space<semaphore_mem>> -> memref<!tpu.dma_semaphore, #tpu.memory_space<semaphore_mem>>
    tpu.wait_indirect_dma semaphore(%dma_wait3A_220 : memref<!tpu.dma_semaphore, #tpu.memory_space<semaphore_mem>>) src(%dma_wait3A_212 : memref<1024x16xf32, #tpu.memory_space<vmem>>) dst(%dma_wait3A_218 : memref<10112x16xf32, #tpu.memory_space<vmem_shared>>)
    %barrier3A_221 = arith.constant 0 : index
    tpu.barrier barrier_id(%barrier3A_221)
    %mul3A_222 = arith.constant 632 : i32
    %mul3A_223 = arith.muli %arg1, %mul3A_222 : i32
    %mul3A_224 = arith.constant 632 : i32
    %mul3A_225 = arith.muli %arg1, %mul3A_224 : i32
    "tpu.region"() ({
      %run_scoped3A = tpu.sem_alloc : memref<!tpu.dma_semaphore, #tpu.memory_space<semaphore_mem>>
      %dma_start3A_226 = arith.constant 0 : i32
      %dma_start3A_227 = tpu.memref_slice %arg6[%arg0, %mul3A_225, %dma_start3A_226] : memref<2x10112x16xf32, #tpu.memory_space<hbm>> -> memref<1x632x16xf32, #tpu.memory_space<hbm>>
      %dma_start3A_228 = tpu.memref_squeeze %dma_start3A_227 : memref<1x632x16xf32, #tpu.memory_space<hbm>> -> memref<632x16xf32, #tpu.memory_space<hbm>>
      %dma_start3A_229 = arith.constant 0 : i32
      %dma_start3A_230 = tpu.memref_slice %arg11[%mul3A_223, %dma_start3A_229] : memref<10112x16xf32, #tpu.memory_space<vmem_shared>> -> memref<632x16xf32, #tpu.memory_space<vmem_shared>>
      tpu.enqueue_dma source(%dma_start3A_230 : memref<632x16xf32, #tpu.memory_space<vmem_shared>>) target(%dma_start3A_228 : memref<632x16xf32, #tpu.memory_space<hbm>>) target_semaphore(%run_scoped3A : memref<!tpu.dma_semaphore, #tpu.memory_space<semaphore_mem>>)
      %dma_wait3A_231 = arith.constant 0 : i32
      %dma_wait3A_232 = tpu.memref_slice %arg6[%arg0, %mul3A_225, %dma_wait3A_231] : memref<2x10112x16xf32, #tpu.memory_space<hbm>> -> memref<1x632x16xf32, #tpu.memory_space<hbm>>
      %dma_wait3A_233 = tpu.memref_squeeze %dma_wait3A_232 : memref<1x632x16xf32, #tpu.memory_space<hbm>> -> memref<632x16xf32, #tpu.memory_space<hbm>>
      %dma_wait3A_234 = arith.constant 0 : i32
      %dma_wait3A_235 = tpu.memref_slice %arg11[%mul3A_223, %dma_wait3A_234] : memref<10112x16xf32, #tpu.memory_space<vmem_shared>> -> memref<632x16xf32, #tpu.memory_space<vmem_shared>>
      tpu.wait_dma2 semaphore(%run_scoped3A : memref<!tpu.dma_semaphore, #tpu.memory_space<semaphore_mem>>) src(%dma_wait3A_235 : memref<632x16xf32, #tpu.memory_space<vmem_shared>>) dst(%dma_wait3A_233 : memref<632x16xf32, #tpu.memory_space<hbm>>)
      tpu.yield
    }) : () -> ()
    return
  }
}

#map = affine_map<(d0, d1) -> (0, 0, 0)>
#map1 = affine_map<(d0, d1) -> (0, 0)>
#map2 = affine_map<(d0, d1) -> (0)>
module attributes {stable_mosaic.version = 14 : i64} {
  func.func @k(%arg0: i32, %arg1: i32, %arg2: memref<32x10x1024xi32, #tpu.memory_space<hbm>>, %arg3: memref<32x10x1024xi32, #tpu.memory_space<hbm>>, %arg4: memref<10112x16xf32, #tpu.memory_space<hbm>>, %arg5: memref<10112x16xf32, #tpu.memory_space<hbm>>, %arg6: memref<2x10112x16xf32, #tpu.memory_space<hbm>>, %arg7: memref<16xf32, #tpu.memory_space<hbm>>, %arg8: memref<10112x16xf32, #tpu.memory_space<hbm>>, %arg9: memref<2x10112x16xf32, #tpu.memory_space<hbm>>, %arg10: memref<10112x16xf32, #tpu.memory_space<hbm>>, %arg11: memref<10x1024xi32, #tpu.memory_space<vmem>>, %arg12: memref<10x1024xi32, #tpu.memory_space<vmem>>, %arg13: memref<4x1024x16xf32, #tpu.memory_space<vmem>>, %arg14: memref<16xf32, #tpu.memory_space<vmem>>, %arg15: memref<10112x16xf32, #tpu.memory_space<vmem_shared>>, %arg16: memref<10112x16xf32, #tpu.memory_space<vmem_shared>>, %arg17: memref<4x!tpu.dma_semaphore, #tpu.memory_space<semaphore_mem>>, %arg18: memref<4x!tpu.dma_semaphore, #tpu.memory_space<semaphore_mem>>) attributes {dimension_semantics = [#tpu.dimension_semantics<core_parallel>, #tpu.dimension_semantics<subcore_parallel>], iteration_bounds = array<i64: 2, 16>, scalar_prefetch = 0 : i64, scratch_operands = 8 : i64, tpu.core_type = #tpu.core_type<sc_vector_subcore>, window_params = [{transform_indices = #map}, {transform_indices = #map}, {transform_indices = #map1}, {transform_indices = #map1}, {transform_indices = #map}, {transform_indices = #map2}, {transform_indices = #map1}, {transform_indices = #map}, {transform_indices = #map1}]} {
    %mul3A = arith.constant 2 : i32
    %mul3A_0 = arith.muli %arg1, %mul3A : i32
    %add3A = arith.addi %mul3A_0, %arg0 : i32
    %mul3A_1 = arith.constant 632 : i32
    %mul3A_2 = arith.muli %arg1, %mul3A_1 : i32
    %dma_start3A = arith.constant 0 : i32
    %dma_start3A_3 = tpu.memref_slice %arg17[%dma_start3A] : memref<4x!tpu.dma_semaphore, #tpu.memory_space<semaphore_mem>> -> memref<1x!tpu.dma_semaphore, #tpu.memory_space<semaphore_mem>>
    %dma_start3A_4 = tpu.memref_squeeze %dma_start3A_3 : memref<1x!tpu.dma_semaphore, #tpu.memory_space<semaphore_mem>> -> memref<!tpu.dma_semaphore, #tpu.memory_space<semaphore_mem>>
    %dma_start3A_5 = arith.constant 0 : i32
    %dma_start3A_6 = tpu.memref_slice %arg15[%mul3A_2, %dma_start3A_5] : memref<10112x16xf32, #tpu.memory_space<vmem_shared>> -> memref<632x16xf32, #tpu.memory_space<vmem_shared>>
    %dma_start3A_7 = arith.constant 0 : i32
    %dma_start3A_8 = tpu.memref_slice %arg8[%mul3A_2, %dma_start3A_7] : memref<10112x16xf32, #tpu.memory_space<hbm>> -> memref<632x16xf32, #tpu.memory_space<hbm>>
    tpu.enqueue_dma source(%dma_start3A_8 : memref<632x16xf32, #tpu.memory_space<hbm>>) target(%dma_start3A_6 : memref<632x16xf32, #tpu.memory_space<vmem_shared>>) target_semaphore(%dma_start3A_4 : memref<!tpu.dma_semaphore, #tpu.memory_space<semaphore_mem>>)
    %dma_start3A_9 = arith.constant 1 : i32
    %dma_start3A_10 = arith.constant 0 : i32
    %dma_start3A_11 = arith.constant 0 : i32
    %dma_start3A_12 = tpu.memref_slice %arg2[%add3A, %dma_start3A_10, %dma_start3A_11] : memref<32x10x1024xi32, #tpu.memory_space<hbm>> -> memref<1x10x1024xi32, #tpu.memory_space<hbm>>
    %dma_start3A_13 = tpu.memref_squeeze %dma_start3A_12 : memref<1x10x1024xi32, #tpu.memory_space<hbm>> -> memref<10x1024xi32, #tpu.memory_space<hbm>>
    %dma_start3A_14 = tpu.memref_slice %arg17[%dma_start3A_9] : memref<4x!tpu.dma_semaphore, #tpu.memory_space<semaphore_mem>> -> memref<1x!tpu.dma_semaphore, #tpu.memory_space<semaphore_mem>>
    %dma_start3A_15 = tpu.memref_squeeze %dma_start3A_14 : memref<1x!tpu.dma_semaphore, #tpu.memory_space<semaphore_mem>> -> memref<!tpu.dma_semaphore, #tpu.memory_space<semaphore_mem>>
    %dma_start3A_16 = arith.constant 0 : i32
    %dma_start3A_17 = arith.constant 0 : i32
    %dma_start3A_18 = tpu.memref_slice %arg2[%add3A, %dma_start3A_16, %dma_start3A_17] : memref<32x10x1024xi32, #tpu.memory_space<hbm>> -> memref<1x10x1024xi32, #tpu.memory_space<hbm>>
    %dma_start3A_19 = tpu.memref_squeeze %dma_start3A_18 : memref<1x10x1024xi32, #tpu.memory_space<hbm>> -> memref<10x1024xi32, #tpu.memory_space<hbm>>
    tpu.enqueue_dma source(%dma_start3A_19 : memref<10x1024xi32, #tpu.memory_space<hbm>>) target(%arg11 : memref<10x1024xi32, #tpu.memory_space<vmem>>) target_semaphore(%dma_start3A_15 : memref<!tpu.dma_semaphore, #tpu.memory_space<semaphore_mem>>)
    %dma_start3A_20 = arith.constant 2 : i32
    %dma_start3A_21 = arith.constant 0 : i32
    %dma_start3A_22 = arith.constant 0 : i32
    %dma_start3A_23 = tpu.memref_slice %arg3[%add3A, %dma_start3A_21, %dma_start3A_22] : memref<32x10x1024xi32, #tpu.memory_space<hbm>> -> memref<1x10x1024xi32, #tpu.memory_space<hbm>>
    %dma_start3A_24 = tpu.memref_squeeze %dma_start3A_23 : memref<1x10x1024xi32, #tpu.memory_space<hbm>> -> memref<10x1024xi32, #tpu.memory_space<hbm>>
    %dma_start3A_25 = tpu.memref_slice %arg17[%dma_start3A_20] : memref<4x!tpu.dma_semaphore, #tpu.memory_space<semaphore_mem>> -> memref<1x!tpu.dma_semaphore, #tpu.memory_space<semaphore_mem>>
    %dma_start3A_26 = tpu.memref_squeeze %dma_start3A_25 : memref<1x!tpu.dma_semaphore, #tpu.memory_space<semaphore_mem>> -> memref<!tpu.dma_semaphore, #tpu.memory_space<semaphore_mem>>
    %dma_start3A_27 = arith.constant 0 : i32
    %dma_start3A_28 = arith.constant 0 : i32
    %dma_start3A_29 = tpu.memref_slice %arg3[%add3A, %dma_start3A_27, %dma_start3A_28] : memref<32x10x1024xi32, #tpu.memory_space<hbm>> -> memref<1x10x1024xi32, #tpu.memory_space<hbm>>
    %dma_start3A_30 = tpu.memref_squeeze %dma_start3A_29 : memref<1x10x1024xi32, #tpu.memory_space<hbm>> -> memref<10x1024xi32, #tpu.memory_space<hbm>>
    tpu.enqueue_dma source(%dma_start3A_30 : memref<10x1024xi32, #tpu.memory_space<hbm>>) target(%arg12 : memref<10x1024xi32, #tpu.memory_space<vmem>>) target_semaphore(%dma_start3A_26 : memref<!tpu.dma_semaphore, #tpu.memory_space<semaphore_mem>>)
    %dma_start3A_31 = arith.constant 0 : i32
    %dma_start3A_32 = arith.constant 3 : i32
    %dma_start3A_33 = arith.constant 0 : i32
    %dma_start3A_34 = arith.constant 0 : i32
    %dma_start3A_35 = tpu.memref_slice %arg13[%dma_start3A_31, %dma_start3A_33, %dma_start3A_34] : memref<4x1024x16xf32, #tpu.memory_space<vmem>> -> memref<1x632x16xf32, #tpu.memory_space<vmem>>
    %dma_start3A_36 = tpu.memref_squeeze %dma_start3A_35 : memref<1x632x16xf32, #tpu.memory_space<vmem>> -> memref<632x16xf32, #tpu.memory_space<vmem>>
    %dma_start3A_37 = arith.constant 0 : i32
    %dma_start3A_38 = tpu.memref_slice %arg4[%mul3A_2, %dma_start3A_37] : memref<10112x16xf32, #tpu.memory_space<hbm>> -> memref<632x16xf32, #tpu.memory_space<hbm>>
    %dma_start3A_39 = tpu.memref_slice %arg17[%dma_start3A_32] : memref<4x!tpu.dma_semaphore, #tpu.memory_space<semaphore_mem>> -> memref<1x!tpu.dma_semaphore, #tpu.memory_space<semaphore_mem>>
    %dma_start3A_40 = tpu.memref_squeeze %dma_start3A_39 : memref<1x!tpu.dma_semaphore, #tpu.memory_space<semaphore_mem>> -> memref<!tpu.dma_semaphore, #tpu.memory_space<semaphore_mem>>
    %dma_start3A_41 = arith.constant 0 : i32
    %dma_start3A_42 = arith.constant 0 : i32
    %dma_start3A_43 = tpu.memref_slice %arg13[%dma_start3A_31, %dma_start3A_41, %dma_start3A_42] : memref<4x1024x16xf32, #tpu.memory_space<vmem>> -> memref<1x632x16xf32, #tpu.memory_space<vmem>>
    %dma_start3A_44 = tpu.memref_squeeze %dma_start3A_43 : memref<1x632x16xf32, #tpu.memory_space<vmem>> -> memref<632x16xf32, #tpu.memory_space<vmem>>
    %dma_start3A_45 = arith.constant 0 : i32
    %dma_start3A_46 = tpu.memref_slice %arg4[%mul3A_2, %dma_start3A_45] : memref<10112x16xf32, #tpu.memory_space<hbm>> -> memref<632x16xf32, #tpu.memory_space<hbm>>
    tpu.enqueue_dma source(%dma_start3A_46 : memref<632x16xf32, #tpu.memory_space<hbm>>) target(%dma_start3A_44 : memref<632x16xf32, #tpu.memory_space<vmem>>) target_semaphore(%dma_start3A_40 : memref<!tpu.dma_semaphore, #tpu.memory_space<semaphore_mem>>)
    %dma_start3A_47 = arith.constant 1 : i32
    %dma_start3A_48 = arith.constant 0 : i32
    %dma_start3A_49 = arith.constant 0 : i32
    %dma_start3A_50 = arith.constant 0 : i32
    %dma_start3A_51 = tpu.memref_slice %arg13[%dma_start3A_47, %dma_start3A_49, %dma_start3A_50] : memref<4x1024x16xf32, #tpu.memory_space<vmem>> -> memref<1x632x16xf32, #tpu.memory_space<vmem>>
    %dma_start3A_52 = tpu.memref_squeeze %dma_start3A_51 : memref<1x632x16xf32, #tpu.memory_space<vmem>> -> memref<632x16xf32, #tpu.memory_space<vmem>>
    %dma_start3A_53 = arith.constant 0 : i32
    %dma_start3A_54 = tpu.memref_slice %arg5[%mul3A_2, %dma_start3A_53] : memref<10112x16xf32, #tpu.memory_space<hbm>> -> memref<632x16xf32, #tpu.memory_space<hbm>>
    %dma_start3A_55 = tpu.memref_slice %arg17[%dma_start3A_48] : memref<4x!tpu.dma_semaphore, #tpu.memory_space<semaphore_mem>> -> memref<1x!tpu.dma_semaphore, #tpu.memory_space<semaphore_mem>>
    %dma_start3A_56 = tpu.memref_squeeze %dma_start3A_55 : memref<1x!tpu.dma_semaphore, #tpu.memory_space<semaphore_mem>> -> memref<!tpu.dma_semaphore, #tpu.memory_space<semaphore_mem>>
    %dma_start3A_57 = arith.constant 0 : i32
    %dma_start3A_58 = arith.constant 0 : i32
    %dma_start3A_59 = tpu.memref_slice %arg13[%dma_start3A_47, %dma_start3A_57, %dma_start3A_58] : memref<4x1024x16xf32, #tpu.memory_space<vmem>> -> memref<1x632x16xf32, #tpu.memory_space<vmem>>
    %dma_start3A_60 = tpu.memref_squeeze %dma_start3A_59 : memref<1x632x16xf32, #tpu.memory_space<vmem>> -> memref<632x16xf32, #tpu.memory_space<vmem>>
    %dma_start3A_61 = arith.constant 0 : i32
    %dma_start3A_62 = tpu.memref_slice %arg5[%mul3A_2, %dma_start3A_61] : memref<10112x16xf32, #tpu.memory_space<hbm>> -> memref<632x16xf32, #tpu.memory_space<hbm>>
    tpu.enqueue_dma source(%dma_start3A_62 : memref<632x16xf32, #tpu.memory_space<hbm>>) target(%dma_start3A_60 : memref<632x16xf32, #tpu.memory_space<vmem>>) target_semaphore(%dma_start3A_56 : memref<!tpu.dma_semaphore, #tpu.memory_space<semaphore_mem>>)
    %dma_start3A_63 = arith.constant 0 : i32
    %dma_start3A_64 = arith.constant 2 : i32
    %dma_start3A_65 = arith.constant 1 : i32
    %dma_start3A_66 = arith.constant 0 : i32
    %dma_start3A_67 = arith.constant 0 : i32
    %dma_start3A_68 = tpu.memref_slice %arg13[%dma_start3A_64, %dma_start3A_66, %dma_start3A_67] : memref<4x1024x16xf32, #tpu.memory_space<vmem>> -> memref<1x632x16xf32, #tpu.memory_space<vmem>>
    %dma_start3A_69 = tpu.memref_squeeze %dma_start3A_68 : memref<1x632x16xf32, #tpu.memory_space<vmem>> -> memref<632x16xf32, #tpu.memory_space<vmem>>
    %dma_start3A_70 = arith.constant 0 : i32
    %dma_start3A_71 = tpu.memref_slice %arg6[%dma_start3A_63, %mul3A_2, %dma_start3A_70] : memref<2x10112x16xf32, #tpu.memory_space<hbm>> -> memref<1x632x16xf32, #tpu.memory_space<hbm>>
    %dma_start3A_72 = tpu.memref_squeeze %dma_start3A_71 : memref<1x632x16xf32, #tpu.memory_space<hbm>> -> memref<632x16xf32, #tpu.memory_space<hbm>>
    %dma_start3A_73 = tpu.memref_slice %arg17[%dma_start3A_65] : memref<4x!tpu.dma_semaphore, #tpu.memory_space<semaphore_mem>> -> memref<1x!tpu.dma_semaphore, #tpu.memory_space<semaphore_mem>>
    %dma_start3A_74 = tpu.memref_squeeze %dma_start3A_73 : memref<1x!tpu.dma_semaphore, #tpu.memory_space<semaphore_mem>> -> memref<!tpu.dma_semaphore, #tpu.memory_space<semaphore_mem>>
    %dma_start3A_75 = arith.constant 0 : i32
    %dma_start3A_76 = arith.constant 0 : i32
    %dma_start3A_77 = tpu.memref_slice %arg13[%dma_start3A_64, %dma_start3A_75, %dma_start3A_76] : memref<4x1024x16xf32, #tpu.memory_space<vmem>> -> memref<1x632x16xf32, #tpu.memory_space<vmem>>
    %dma_start3A_78 = tpu.memref_squeeze %dma_start3A_77 : memref<1x632x16xf32, #tpu.memory_space<vmem>> -> memref<632x16xf32, #tpu.memory_space<vmem>>
    %dma_start3A_79 = arith.constant 0 : i32
    %dma_start3A_80 = tpu.memref_slice %arg6[%dma_start3A_63, %mul3A_2, %dma_start3A_79] : memref<2x10112x16xf32, #tpu.memory_space<hbm>> -> memref<1x632x16xf32, #tpu.memory_space<hbm>>
    %dma_start3A_81 = tpu.memref_squeeze %dma_start3A_80 : memref<1x632x16xf32, #tpu.memory_space<hbm>> -> memref<632x16xf32, #tpu.memory_space<hbm>>
    tpu.enqueue_dma source(%dma_start3A_81 : memref<632x16xf32, #tpu.memory_space<hbm>>) target(%dma_start3A_78 : memref<632x16xf32, #tpu.memory_space<vmem>>) target_semaphore(%dma_start3A_74 : memref<!tpu.dma_semaphore, #tpu.memory_space<semaphore_mem>>)
    %dma_start3A_82 = arith.constant 1 : i32
    %dma_start3A_83 = arith.constant 3 : i32
    %dma_start3A_84 = arith.constant 2 : i32
    %dma_start3A_85 = arith.constant 0 : i32
    %dma_start3A_86 = arith.constant 0 : i32
    %dma_start3A_87 = tpu.memref_slice %arg13[%dma_start3A_83, %dma_start3A_85, %dma_start3A_86] : memref<4x1024x16xf32, #tpu.memory_space<vmem>> -> memref<1x632x16xf32, #tpu.memory_space<vmem>>
    %dma_start3A_88 = tpu.memref_squeeze %dma_start3A_87 : memref<1x632x16xf32, #tpu.memory_space<vmem>> -> memref<632x16xf32, #tpu.memory_space<vmem>>
    %dma_start3A_89 = arith.constant 0 : i32
    %dma_start3A_90 = tpu.memref_slice %arg6[%dma_start3A_82, %mul3A_2, %dma_start3A_89] : memref<2x10112x16xf32, #tpu.memory_space<hbm>> -> memref<1x632x16xf32, #tpu.memory_space<hbm>>
    %dma_start3A_91 = tpu.memref_squeeze %dma_start3A_90 : memref<1x632x16xf32, #tpu.memory_space<hbm>> -> memref<632x16xf32, #tpu.memory_space<hbm>>
    %dma_start3A_92 = tpu.memref_slice %arg17[%dma_start3A_84] : memref<4x!tpu.dma_semaphore, #tpu.memory_space<semaphore_mem>> -> memref<1x!tpu.dma_semaphore, #tpu.memory_space<semaphore_mem>>
    %dma_start3A_93 = tpu.memref_squeeze %dma_start3A_92 : memref<1x!tpu.dma_semaphore, #tpu.memory_space<semaphore_mem>> -> memref<!tpu.dma_semaphore, #tpu.memory_space<semaphore_mem>>
    %dma_start3A_94 = arith.constant 0 : i32
    %dma_start3A_95 = arith.constant 0 : i32
    %dma_start3A_96 = tpu.memref_slice %arg13[%dma_start3A_83, %dma_start3A_94, %dma_start3A_95] : memref<4x1024x16xf32, #tpu.memory_space<vmem>> -> memref<1x632x16xf32, #tpu.memory_space<vmem>>
    %dma_start3A_97 = tpu.memref_squeeze %dma_start3A_96 : memref<1x632x16xf32, #tpu.memory_space<vmem>> -> memref<632x16xf32, #tpu.memory_space<vmem>>
    %dma_start3A_98 = arith.constant 0 : i32
    %dma_start3A_99 = tpu.memref_slice %arg6[%dma_start3A_82, %mul3A_2, %dma_start3A_98] : memref<2x10112x16xf32, #tpu.memory_space<hbm>> -> memref<1x632x16xf32, #tpu.memory_space<hbm>>
    %dma_start3A_100 = tpu.memref_squeeze %dma_start3A_99 : memref<1x632x16xf32, #tpu.memory_space<hbm>> -> memref<632x16xf32, #tpu.memory_space<hbm>>
    tpu.enqueue_dma source(%dma_start3A_100 : memref<632x16xf32, #tpu.memory_space<hbm>>) target(%dma_start3A_97 : memref<632x16xf32, #tpu.memory_space<vmem>>) target_semaphore(%dma_start3A_93 : memref<!tpu.dma_semaphore, #tpu.memory_space<semaphore_mem>>)
    %dma_start3A_101 = arith.constant 3 : i32
    %dma_start3A_102 = tpu.memref_slice %arg17[%dma_start3A_101] : memref<4x!tpu.dma_semaphore, #tpu.memory_space<semaphore_mem>> -> memref<1x!tpu.dma_semaphore, #tpu.memory_space<semaphore_mem>>
    %dma_start3A_103 = tpu.memref_squeeze %dma_start3A_102 : memref<1x!tpu.dma_semaphore, #tpu.memory_space<semaphore_mem>> -> memref<!tpu.dma_semaphore, #tpu.memory_space<semaphore_mem>>
    tpu.enqueue_dma source(%arg7 : memref<16xf32, #tpu.memory_space<hbm>>) target(%arg14 : memref<16xf32, #tpu.memory_space<vmem>>) target_semaphore(%dma_start3A_103 : memref<!tpu.dma_semaphore, #tpu.memory_space<semaphore_mem>>)
    %dma_wait3A = arith.constant 0 : i32
    %dma_wait3A_104 = tpu.memref_slice %arg17[%dma_wait3A] : memref<4x!tpu.dma_semaphore, #tpu.memory_space<semaphore_mem>> -> memref<1x!tpu.dma_semaphore, #tpu.memory_space<semaphore_mem>>
    %dma_wait3A_105 = tpu.memref_squeeze %dma_wait3A_104 : memref<1x!tpu.dma_semaphore, #tpu.memory_space<semaphore_mem>> -> memref<!tpu.dma_semaphore, #tpu.memory_space<semaphore_mem>>
    %dma_wait3A_106 = arith.constant 0 : i32
    %dma_wait3A_107 = tpu.memref_slice %arg15[%mul3A_2, %dma_wait3A_106] : memref<10112x16xf32, #tpu.memory_space<vmem_shared>> -> memref<632x16xf32, #tpu.memory_space<vmem_shared>>
    %dma_wait3A_108 = arith.constant 0 : i32
    %dma_wait3A_109 = tpu.memref_slice %arg8[%mul3A_2, %dma_wait3A_108] : memref<10112x16xf32, #tpu.memory_space<hbm>> -> memref<632x16xf32, #tpu.memory_space<hbm>>
    tpu.wait_dma2 semaphore(%dma_wait3A_105 : memref<!tpu.dma_semaphore, #tpu.memory_space<semaphore_mem>>) src(%dma_wait3A_109 : memref<632x16xf32, #tpu.memory_space<hbm>>) dst(%dma_wait3A_107 : memref<632x16xf32, #tpu.memory_space<vmem_shared>>)
    %dma_wait3A_110 = arith.constant 1 : i32
    %dma_wait3A_111 = arith.constant 0 : i32
    %dma_wait3A_112 = arith.constant 0 : i32
    %dma_wait3A_113 = tpu.memref_slice %arg2[%add3A, %dma_wait3A_111, %dma_wait3A_112] : memref<32x10x1024xi32, #tpu.memory_space<hbm>> -> memref<1x10x1024xi32, #tpu.memory_space<hbm>>
    %dma_wait3A_114 = tpu.memref_squeeze %dma_wait3A_113 : memref<1x10x1024xi32, #tpu.memory_space<hbm>> -> memref<10x1024xi32, #tpu.memory_space<hbm>>
    %dma_wait3A_115 = tpu.memref_slice %arg17[%dma_wait3A_110] : memref<4x!tpu.dma_semaphore, #tpu.memory_space<semaphore_mem>> -> memref<1x!tpu.dma_semaphore, #tpu.memory_space<semaphore_mem>>
    %dma_wait3A_116 = tpu.memref_squeeze %dma_wait3A_115 : memref<1x!tpu.dma_semaphore, #tpu.memory_space<semaphore_mem>> -> memref<!tpu.dma_semaphore, #tpu.memory_space<semaphore_mem>>
    %dma_wait3A_117 = arith.constant 0 : i32
    %dma_wait3A_118 = arith.constant 0 : i32
    %dma_wait3A_119 = tpu.memref_slice %arg2[%add3A, %dma_wait3A_117, %dma_wait3A_118] : memref<32x10x1024xi32, #tpu.memory_space<hbm>> -> memref<1x10x1024xi32, #tpu.memory_space<hbm>>
    %dma_wait3A_120 = tpu.memref_squeeze %dma_wait3A_119 : memref<1x10x1024xi32, #tpu.memory_space<hbm>> -> memref<10x1024xi32, #tpu.memory_space<hbm>>
    tpu.wait_dma2 semaphore(%dma_wait3A_116 : memref<!tpu.dma_semaphore, #tpu.memory_space<semaphore_mem>>) src(%dma_wait3A_120 : memref<10x1024xi32, #tpu.memory_space<hbm>>) dst(%arg11 : memref<10x1024xi32, #tpu.memory_space<vmem>>)
    %dma_wait3A_121 = arith.constant 2 : i32
    %dma_wait3A_122 = arith.constant 0 : i32
    %dma_wait3A_123 = arith.constant 0 : i32
    %dma_wait3A_124 = tpu.memref_slice %arg3[%add3A, %dma_wait3A_122, %dma_wait3A_123] : memref<32x10x1024xi32, #tpu.memory_space<hbm>> -> memref<1x10x1024xi32, #tpu.memory_space<hbm>>
    %dma_wait3A_125 = tpu.memref_squeeze %dma_wait3A_124 : memref<1x10x1024xi32, #tpu.memory_space<hbm>> -> memref<10x1024xi32, #tpu.memory_space<hbm>>
    %dma_wait3A_126 = tpu.memref_slice %arg17[%dma_wait3A_121] : memref<4x!tpu.dma_semaphore, #tpu.memory_space<semaphore_mem>> -> memref<1x!tpu.dma_semaphore, #tpu.memory_space<semaphore_mem>>
    %dma_wait3A_127 = tpu.memref_squeeze %dma_wait3A_126 : memref<1x!tpu.dma_semaphore, #tpu.memory_space<semaphore_mem>> -> memref<!tpu.dma_semaphore, #tpu.memory_space<semaphore_mem>>
    %dma_wait3A_128 = arith.constant 0 : i32
    %dma_wait3A_129 = arith.constant 0 : i32
    %dma_wait3A_130 = tpu.memref_slice %arg3[%add3A, %dma_wait3A_128, %dma_wait3A_129] : memref<32x10x1024xi32, #tpu.memory_space<hbm>> -> memref<1x10x1024xi32, #tpu.memory_space<hbm>>
    %dma_wait3A_131 = tpu.memref_squeeze %dma_wait3A_130 : memref<1x10x1024xi32, #tpu.memory_space<hbm>> -> memref<10x1024xi32, #tpu.memory_space<hbm>>
    tpu.wait_dma2 semaphore(%dma_wait3A_127 : memref<!tpu.dma_semaphore, #tpu.memory_space<semaphore_mem>>) src(%dma_wait3A_131 : memref<10x1024xi32, #tpu.memory_space<hbm>>) dst(%arg12 : memref<10x1024xi32, #tpu.memory_space<vmem>>)
    %dma_wait3A_132 = arith.constant 0 : i32
    %dma_wait3A_133 = arith.constant 3 : i32
    %dma_wait3A_134 = arith.constant 0 : i32
    %dma_wait3A_135 = arith.constant 0 : i32
    %dma_wait3A_136 = tpu.memref_slice %arg13[%dma_wait3A_132, %dma_wait3A_134, %dma_wait3A_135] : memref<4x1024x16xf32, #tpu.memory_space<vmem>> -> memref<1x632x16xf32, #tpu.memory_space<vmem>>
    %dma_wait3A_137 = tpu.memref_squeeze %dma_wait3A_136 : memref<1x632x16xf32, #tpu.memory_space<vmem>> -> memref<632x16xf32, #tpu.memory_space<vmem>>
    %dma_wait3A_138 = arith.constant 0 : i32
    %dma_wait3A_139 = tpu.memref_slice %arg4[%mul3A_2, %dma_wait3A_138] : memref<10112x16xf32, #tpu.memory_space<hbm>> -> memref<632x16xf32, #tpu.memory_space<hbm>>
    %dma_wait3A_140 = tpu.memref_slice %arg17[%dma_wait3A_133] : memref<4x!tpu.dma_semaphore, #tpu.memory_space<semaphore_mem>> -> memref<1x!tpu.dma_semaphore, #tpu.memory_space<semaphore_mem>>
    %dma_wait3A_141 = tpu.memref_squeeze %dma_wait3A_140 : memref<1x!tpu.dma_semaphore, #tpu.memory_space<semaphore_mem>> -> memref<!tpu.dma_semaphore, #tpu.memory_space<semaphore_mem>>
    %dma_wait3A_142 = arith.constant 0 : i32
    %dma_wait3A_143 = arith.constant 0 : i32
    %dma_wait3A_144 = tpu.memref_slice %arg13[%dma_wait3A_132, %dma_wait3A_142, %dma_wait3A_143] : memref<4x1024x16xf32, #tpu.memory_space<vmem>> -> memref<1x632x16xf32, #tpu.memory_space<vmem>>
    %dma_wait3A_145 = tpu.memref_squeeze %dma_wait3A_144 : memref<1x632x16xf32, #tpu.memory_space<vmem>> -> memref<632x16xf32, #tpu.memory_space<vmem>>
    %dma_wait3A_146 = arith.constant 0 : i32
    %dma_wait3A_147 = tpu.memref_slice %arg4[%mul3A_2, %dma_wait3A_146] : memref<10112x16xf32, #tpu.memory_space<hbm>> -> memref<632x16xf32, #tpu.memory_space<hbm>>
    tpu.wait_dma2 semaphore(%dma_wait3A_141 : memref<!tpu.dma_semaphore, #tpu.memory_space<semaphore_mem>>) src(%dma_wait3A_147 : memref<632x16xf32, #tpu.memory_space<hbm>>) dst(%dma_wait3A_145 : memref<632x16xf32, #tpu.memory_space<vmem>>)
    %dma_wait3A_148 = arith.constant 1 : i32
    %dma_wait3A_149 = arith.constant 0 : i32
    %dma_wait3A_150 = arith.constant 0 : i32
    %dma_wait3A_151 = arith.constant 0 : i32
    %dma_wait3A_152 = tpu.memref_slice %arg13[%dma_wait3A_148, %dma_wait3A_150, %dma_wait3A_151] : memref<4x1024x16xf32, #tpu.memory_space<vmem>> -> memref<1x632x16xf32, #tpu.memory_space<vmem>>
    %dma_wait3A_153 = tpu.memref_squeeze %dma_wait3A_152 : memref<1x632x16xf32, #tpu.memory_space<vmem>> -> memref<632x16xf32, #tpu.memory_space<vmem>>
    %dma_wait3A_154 = arith.constant 0 : i32
    %dma_wait3A_155 = tpu.memref_slice %arg5[%mul3A_2, %dma_wait3A_154] : memref<10112x16xf32, #tpu.memory_space<hbm>> -> memref<632x16xf32, #tpu.memory_space<hbm>>
    %dma_wait3A_156 = tpu.memref_slice %arg17[%dma_wait3A_149] : memref<4x!tpu.dma_semaphore, #tpu.memory_space<semaphore_mem>> -> memref<1x!tpu.dma_semaphore, #tpu.memory_space<semaphore_mem>>
    %dma_wait3A_157 = tpu.memref_squeeze %dma_wait3A_156 : memref<1x!tpu.dma_semaphore, #tpu.memory_space<semaphore_mem>> -> memref<!tpu.dma_semaphore, #tpu.memory_space<semaphore_mem>>
    %dma_wait3A_158 = arith.constant 0 : i32
    %dma_wait3A_159 = arith.constant 0 : i32
    %dma_wait3A_160 = tpu.memref_slice %arg13[%dma_wait3A_148, %dma_wait3A_158, %dma_wait3A_159] : memref<4x1024x16xf32, #tpu.memory_space<vmem>> -> memref<1x632x16xf32, #tpu.memory_space<vmem>>
    %dma_wait3A_161 = tpu.memref_squeeze %dma_wait3A_160 : memref<1x632x16xf32, #tpu.memory_space<vmem>> -> memref<632x16xf32, #tpu.memory_space<vmem>>
    %dma_wait3A_162 = arith.constant 0 : i32
    %dma_wait3A_163 = tpu.memref_slice %arg5[%mul3A_2, %dma_wait3A_162] : memref<10112x16xf32, #tpu.memory_space<hbm>> -> memref<632x16xf32, #tpu.memory_space<hbm>>
    tpu.wait_dma2 semaphore(%dma_wait3A_157 : memref<!tpu.dma_semaphore, #tpu.memory_space<semaphore_mem>>) src(%dma_wait3A_163 : memref<632x16xf32, #tpu.memory_space<hbm>>) dst(%dma_wait3A_161 : memref<632x16xf32, #tpu.memory_space<vmem>>)
    %dma_wait3A_164 = arith.constant 0 : i32
    %dma_wait3A_165 = arith.constant 2 : i32
    %dma_wait3A_166 = arith.constant 1 : i32
    %dma_wait3A_167 = arith.constant 0 : i32
    %dma_wait3A_168 = arith.constant 0 : i32
    %dma_wait3A_169 = tpu.memref_slice %arg13[%dma_wait3A_165, %dma_wait3A_167, %dma_wait3A_168] : memref<4x1024x16xf32, #tpu.memory_space<vmem>> -> memref<1x632x16xf32, #tpu.memory_space<vmem>>
    %dma_wait3A_170 = tpu.memref_squeeze %dma_wait3A_169 : memref<1x632x16xf32, #tpu.memory_space<vmem>> -> memref<632x16xf32, #tpu.memory_space<vmem>>
    %dma_wait3A_171 = arith.constant 0 : i32
    %dma_wait3A_172 = tpu.memref_slice %arg6[%dma_wait3A_164, %mul3A_2, %dma_wait3A_171] : memref<2x10112x16xf32, #tpu.memory_space<hbm>> -> memref<1x632x16xf32, #tpu.memory_space<hbm>>
    %dma_wait3A_173 = tpu.memref_squeeze %dma_wait3A_172 : memref<1x632x16xf32, #tpu.memory_space<hbm>> -> memref<632x16xf32, #tpu.memory_space<hbm>>
    %dma_wait3A_174 = tpu.memref_slice %arg17[%dma_wait3A_166] : memref<4x!tpu.dma_semaphore, #tpu.memory_space<semaphore_mem>> -> memref<1x!tpu.dma_semaphore, #tpu.memory_space<semaphore_mem>>
    %dma_wait3A_175 = tpu.memref_squeeze %dma_wait3A_174 : memref<1x!tpu.dma_semaphore, #tpu.memory_space<semaphore_mem>> -> memref<!tpu.dma_semaphore, #tpu.memory_space<semaphore_mem>>
    %dma_wait3A_176 = arith.constant 0 : i32
    %dma_wait3A_177 = arith.constant 0 : i32
    %dma_wait3A_178 = tpu.memref_slice %arg13[%dma_wait3A_165, %dma_wait3A_176, %dma_wait3A_177] : memref<4x1024x16xf32, #tpu.memory_space<vmem>> -> memref<1x632x16xf32, #tpu.memory_space<vmem>>
    %dma_wait3A_179 = tpu.memref_squeeze %dma_wait3A_178 : memref<1x632x16xf32, #tpu.memory_space<vmem>> -> memref<632x16xf32, #tpu.memory_space<vmem>>
    %dma_wait3A_180 = arith.constant 0 : i32
    %dma_wait3A_181 = tpu.memref_slice %arg6[%dma_wait3A_164, %mul3A_2, %dma_wait3A_180] : memref<2x10112x16xf32, #tpu.memory_space<hbm>> -> memref<1x632x16xf32, #tpu.memory_space<hbm>>
    %dma_wait3A_182 = tpu.memref_squeeze %dma_wait3A_181 : memref<1x632x16xf32, #tpu.memory_space<hbm>> -> memref<632x16xf32, #tpu.memory_space<hbm>>
    tpu.wait_dma2 semaphore(%dma_wait3A_175 : memref<!tpu.dma_semaphore, #tpu.memory_space<semaphore_mem>>) src(%dma_wait3A_182 : memref<632x16xf32, #tpu.memory_space<hbm>>) dst(%dma_wait3A_179 : memref<632x16xf32, #tpu.memory_space<vmem>>)
    %dma_wait3A_183 = arith.constant 1 : i32
    %dma_wait3A_184 = arith.constant 3 : i32
    %dma_wait3A_185 = arith.constant 2 : i32
    %dma_wait3A_186 = arith.constant 0 : i32
    %dma_wait3A_187 = arith.constant 0 : i32
    %dma_wait3A_188 = tpu.memref_slice %arg13[%dma_wait3A_184, %dma_wait3A_186, %dma_wait3A_187] : memref<4x1024x16xf32, #tpu.memory_space<vmem>> -> memref<1x632x16xf32, #tpu.memory_space<vmem>>
    %dma_wait3A_189 = tpu.memref_squeeze %dma_wait3A_188 : memref<1x632x16xf32, #tpu.memory_space<vmem>> -> memref<632x16xf32, #tpu.memory_space<vmem>>
    %dma_wait3A_190 = arith.constant 0 : i32
    %dma_wait3A_191 = tpu.memref_slice %arg6[%dma_wait3A_183, %mul3A_2, %dma_wait3A_190] : memref<2x10112x16xf32, #tpu.memory_space<hbm>> -> memref<1x632x16xf32, #tpu.memory_space<hbm>>
    %dma_wait3A_192 = tpu.memref_squeeze %dma_wait3A_191 : memref<1x632x16xf32, #tpu.memory_space<hbm>> -> memref<632x16xf32, #tpu.memory_space<hbm>>
    %dma_wait3A_193 = tpu.memref_slice %arg17[%dma_wait3A_185] : memref<4x!tpu.dma_semaphore, #tpu.memory_space<semaphore_mem>> -> memref<1x!tpu.dma_semaphore, #tpu.memory_space<semaphore_mem>>
    %dma_wait3A_194 = tpu.memref_squeeze %dma_wait3A_193 : memref<1x!tpu.dma_semaphore, #tpu.memory_space<semaphore_mem>> -> memref<!tpu.dma_semaphore, #tpu.memory_space<semaphore_mem>>
    %dma_wait3A_195 = arith.constant 0 : i32
    %dma_wait3A_196 = arith.constant 0 : i32
    %dma_wait3A_197 = tpu.memref_slice %arg13[%dma_wait3A_184, %dma_wait3A_195, %dma_wait3A_196] : memref<4x1024x16xf32, #tpu.memory_space<vmem>> -> memref<1x632x16xf32, #tpu.memory_space<vmem>>
    %dma_wait3A_198 = tpu.memref_squeeze %dma_wait3A_197 : memref<1x632x16xf32, #tpu.memory_space<vmem>> -> memref<632x16xf32, #tpu.memory_space<vmem>>
    %dma_wait3A_199 = arith.constant 0 : i32
    %dma_wait3A_200 = tpu.memref_slice %arg6[%dma_wait3A_183, %mul3A_2, %dma_wait3A_199] : memref<2x10112x16xf32, #tpu.memory_space<hbm>> -> memref<1x632x16xf32, #tpu.memory_space<hbm>>
    %dma_wait3A_201 = tpu.memref_squeeze %dma_wait3A_200 : memref<1x632x16xf32, #tpu.memory_space<hbm>> -> memref<632x16xf32, #tpu.memory_space<hbm>>
    tpu.wait_dma2 semaphore(%dma_wait3A_194 : memref<!tpu.dma_semaphore, #tpu.memory_space<semaphore_mem>>) src(%dma_wait3A_201 : memref<632x16xf32, #tpu.memory_space<hbm>>) dst(%dma_wait3A_198 : memref<632x16xf32, #tpu.memory_space<vmem>>)
    %dma_wait3A_202 = arith.constant 3 : i32
    %dma_wait3A_203 = tpu.memref_slice %arg17[%dma_wait3A_202] : memref<4x!tpu.dma_semaphore, #tpu.memory_space<semaphore_mem>> -> memref<1x!tpu.dma_semaphore, #tpu.memory_space<semaphore_mem>>
    %dma_wait3A_204 = tpu.memref_squeeze %dma_wait3A_203 : memref<1x!tpu.dma_semaphore, #tpu.memory_space<semaphore_mem>> -> memref<!tpu.dma_semaphore, #tpu.memory_space<semaphore_mem>>
    tpu.wait_dma2 semaphore(%dma_wait3A_204 : memref<!tpu.dma_semaphore, #tpu.memory_space<semaphore_mem>>) src(%arg7 : memref<16xf32, #tpu.memory_space<hbm>>) dst(%arg14 : memref<16xf32, #tpu.memory_space<vmem>>)
    %scan3A = arith.constant 0 : i32
    %scan3A_205 = arith.constant 0 : i32
    %scan3A_206 = arith.constant 632 : i32
    %scan3A_207 = arith.addi %scan3A_205, %scan3A_206 : i32
    %scan3A_208 = arith.constant 8 : i32
    %scan3A_209 = scf.for %scan3A_497 = %scan3A_205 to %scan3A_207 step %scan3A_208 iter_args(%scan3A_498 = %scan3A) -> (i32)  : i32 {
      %get3A = arith.constant 1 : i32
      %get3A_499 = arith.index_cast %get3A : i32 to index
      %get3A_500 = arith.index_cast %scan3A_497 : i32 to index
      %get3A_501 = arith.constant 0 : index
      %get3A_502 = tpu.vector_load %arg13[%get3A_499, %get3A_500, %get3A_501] {strides = array<i32>} : memref<4x1024x16xf32, #tpu.memory_space<vmem>>, vector<1x1x16xf32>,
      %get3A_503 = vector.shape_cast %get3A_502 : vector<1x1x16xf32> to vector<16xf32>
      %get3A_504 = arith.constant 2 : i32
      %get3A_505 = arith.index_cast %get3A_504 : i32 to index
      %get3A_506 = arith.index_cast %scan3A_497 : i32 to index
      %get3A_507 = arith.constant 0 : index
      %get3A_508 = tpu.vector_load %arg13[%get3A_505, %get3A_506, %get3A_507] {strides = array<i32>} : memref<4x1024x16xf32, #tpu.memory_space<vmem>>, vector<1x1x16xf32>,
      %get3A_509 = vector.shape_cast %get3A_508 : vector<1x1x16xf32> to vector<16xf32>
      %get3A_510 = arith.constant 3 : i32
      %get3A_511 = arith.index_cast %get3A_510 : i32 to index
      %get3A_512 = arith.index_cast %scan3A_497 : i32 to index
      %get3A_513 = arith.constant 0 : index
      %get3A_514 = tpu.vector_load %arg13[%get3A_511, %get3A_512, %get3A_513] {strides = array<i32>} : memref<4x1024x16xf32, #tpu.memory_space<vmem>>, vector<1x1x16xf32>,
      %get3A_515 = vector.shape_cast %get3A_514 : vector<1x1x16xf32> to vector<16xf32>
      %add3A_516 = arith.addf %get3A_509, %get3A_515 : vector<16xf32>
      %get3A_517 = arith.constant 0 : i32
      %get3A_518 = arith.index_cast %get3A_517 : i32 to index
      %get3A_519 = arith.index_cast %scan3A_497 : i32 to index
      %get3A_520 = arith.constant 0 : index
      %get3A_521 = tpu.vector_load %arg13[%get3A_518, %get3A_519, %get3A_520] {strides = array<i32>} : memref<4x1024x16xf32, #tpu.memory_space<vmem>>, vector<1x1x16xf32>,
      %get3A_522 = vector.shape_cast %get3A_521 : vector<1x1x16xf32> to vector<16xf32>
      %add3A_523 = arith.addf %add3A_516, %get3A_522 : vector<16xf32>
      %mul3A_524 = arith.mulf %get3A_503, %add3A_523 : vector<16xf32>
      %get3A_525 = arith.constant 0 : index
      %get3A_526 = tpu.vector_load %arg14[%get3A_525] {strides = array<i32>} : memref<16xf32, #tpu.memory_space<vmem>>, vector<16xf32>,
      %get3A_527 = vector.shape_cast %get3A_526 : vector<16xf32> to vector<16xf32>
      %add3A_528 = arith.addf %mul3A_524, %get3A_527 : vector<16xf32>
      %max3A = arith.constant 0.000000e+00 : f32
      %max3A_529 = vector.broadcast %max3A : f32 to vector<16xf32>
      %max3A_530 = arith.maximumf %add3A_528, %max3A_529 : vector<16xf32>
      %mul3A_531 = arith.mulf %get3A_503, %max3A_530 : vector<16xf32>
      %swap3A = arith.constant 0 : i32
      %swap3A_532 = arith.index_cast %swap3A : i32 to index
      %swap3A_533 = arith.index_cast %scan3A_497 : i32 to index
      %swap3A_534 = arith.constant 0 : index
      %swap3A_535 = tpu.vector_load %arg13[%swap3A_532, %swap3A_533, %swap3A_534] {strides = array<i32>} : memref<4x1024x16xf32, #tpu.memory_space<vmem>>, vector<1x1x16xf32>,
      %swap3A_536 = vector.shape_cast %swap3A_535 : vector<1x1x16xf32> to vector<16xf32>
      %swap3A_537 = vector.shape_cast %mul3A_531 : vector<16xf32> to vector<1x1x16xf32>
      tpu.vector_store %arg13[%swap3A_532, %swap3A_533, %swap3A_534], %swap3A_537 {strides = array<i32>} : memref<4x1024x16xf32, #tpu.memory_space<vmem>>, vector<1x1x16xf32>,
      %scan3A_538 = arith.constant 0 : i32
      %scan3A_539 = arith.constant 1 : i32
      %scan3A_540 = arith.addi %scan3A_497, %scan3A_539 : i32
      %get3A_541 = arith.constant 1 : i32
      %get3A_542 = arith.index_cast %get3A_541 : i32 to index
      %get3A_543 = arith.index_cast %scan3A_540 : i32 to index
      %get3A_544 = arith.constant 0 : index
      %get3A_545 = tpu.vector_load %arg13[%get3A_542, %get3A_543, %get3A_544] {strides = array<i32>} : memref<4x1024x16xf32, #tpu.memory_space<vmem>>, vector<1x1x16xf32>,
      %get3A_546 = vector.shape_cast %get3A_545 : vector<1x1x16xf32> to vector<16xf32>
      %get3A_547 = arith.constant 2 : i32
      %get3A_548 = arith.index_cast %get3A_547 : i32 to index
      %get3A_549 = arith.index_cast %scan3A_540 : i32 to index
      %get3A_550 = arith.constant 0 : index
      %get3A_551 = tpu.vector_load %arg13[%get3A_548, %get3A_549, %get3A_550] {strides = array<i32>} : memref<4x1024x16xf32, #tpu.memory_space<vmem>>, vector<1x1x16xf32>,
      %get3A_552 = vector.shape_cast %get3A_551 : vector<1x1x16xf32> to vector<16xf32>
      %get3A_553 = arith.constant 3 : i32
      %get3A_554 = arith.index_cast %get3A_553 : i32 to index
      %get3A_555 = arith.index_cast %scan3A_540 : i32 to index
      %get3A_556 = arith.constant 0 : index
      %get3A_557 = tpu.vector_load %arg13[%get3A_554, %get3A_555, %get3A_556] {strides = array<i32>} : memref<4x1024x16xf32, #tpu.memory_space<vmem>>, vector<1x1x16xf32>,
      %get3A_558 = vector.shape_cast %get3A_557 : vector<1x1x16xf32> to vector<16xf32>
      %add3A_559 = arith.addf %get3A_552, %get3A_558 : vector<16xf32>
      %get3A_560 = arith.constant 0 : i32
      %get3A_561 = arith.index_cast %get3A_560 : i32 to index
      %get3A_562 = arith.index_cast %scan3A_540 : i32 to index
      %get3A_563 = arith.constant 0 : index
      %get3A_564 = tpu.vector_load %arg13[%get3A_561, %get3A_562, %get3A_563] {strides = array<i32>} : memref<4x1024x16xf32, #tpu.memory_space<vmem>>, vector<1x1x16xf32>,
      %get3A_565 = vector.shape_cast %get3A_564 : vector<1x1x16xf32> to vector<16xf32>
      %add3A_566 = arith.addf %add3A_559, %get3A_565 : vector<16xf32>
      %mul3A_567 = arith.mulf %get3A_546, %add3A_566 : vector<16xf32>
      %get3A_568 = arith.constant 0 : index
      %get3A_569 = tpu.vector_load %arg14[%get3A_568] {strides = array<i32>} : memref<16xf32, #tpu.memory_space<vmem>>, vector<16xf32>,
      %get3A_570 = vector.shape_cast %get3A_569 : vector<16xf32> to vector<16xf32>
      %add3A_571 = arith.addf %mul3A_567, %get3A_570 : vector<16xf32>
      %max3A_572 = arith.constant 0.000000e+00 : f32
      %max3A_573 = vector.broadcast %max3A_572 : f32 to vector<16xf32>
      %max3A_574 = arith.maximumf %add3A_571, %max3A_573 : vector<16xf32>
      %mul3A_575 = arith.mulf %get3A_546, %max3A_574 : vector<16xf32>
      %swap3A_576 = arith.constant 0 : i32
      %swap3A_577 = arith.index_cast %swap3A_576 : i32 to index
      %swap3A_578 = arith.index_cast %scan3A_540 : i32 to index
      %swap3A_579 = arith.constant 0 : index
      %swap3A_580 = tpu.vector_load %arg13[%swap3A_577, %swap3A_578, %swap3A_579] {strides = array<i32>} : memref<4x1024x16xf32, #tpu.memory_space<vmem>>, vector<1x1x16xf32>,
      %swap3A_581 = vector.shape_cast %swap3A_580 : vector<1x1x16xf32> to vector<16xf32>
      %swap3A_582 = vector.shape_cast %mul3A_575 : vector<16xf32> to vector<1x1x16xf32>
      tpu.vector_store %arg13[%swap3A_577, %swap3A_578, %swap3A_579], %swap3A_582 {strides = array<i32>} : memref<4x1024x16xf32, #tpu.memory_space<vmem>>, vector<1x1x16xf32>,
      %scan3A_583 = arith.constant 0 : i32
      %scan3A_584 = arith.constant 2 : i32
      %scan3A_585 = arith.addi %scan3A_497, %scan3A_584 : i32
      %get3A_586 = arith.constant 1 : i32
      %get3A_587 = arith.index_cast %get3A_586 : i32 to index
      %get3A_588 = arith.index_cast %scan3A_585 : i32 to index
      %get3A_589 = arith.constant 0 : index
      %get3A_590 = tpu.vector_load %arg13[%get3A_587, %get3A_588, %get3A_589] {strides = array<i32>} : memref<4x1024x16xf32, #tpu.memory_space<vmem>>, vector<1x1x16xf32>,
      %get3A_591 = vector.shape_cast %get3A_590 : vector<1x1x16xf32> to vector<16xf32>
      %get3A_592 = arith.constant 2 : i32
      %get3A_593 = arith.index_cast %get3A_592 : i32 to index
      %get3A_594 = arith.index_cast %scan3A_585 : i32 to index
      %get3A_595 = arith.constant 0 : index
      %get3A_596 = tpu.vector_load %arg13[%get3A_593, %get3A_594, %get3A_595] {strides = array<i32>} : memref<4x1024x16xf32, #tpu.memory_space<vmem>>, vector<1x1x16xf32>,
      %get3A_597 = vector.shape_cast %get3A_596 : vector<1x1x16xf32> to vector<16xf32>
      %get3A_598 = arith.constant 3 : i32
      %get3A_599 = arith.index_cast %get3A_598 : i32 to index
      %get3A_600 = arith.index_cast %scan3A_585 : i32 to index
      %get3A_601 = arith.constant 0 : index
      %get3A_602 = tpu.vector_load %arg13[%get3A_599, %get3A_600, %get3A_601] {strides = array<i32>} : memref<4x1024x16xf32, #tpu.memory_space<vmem>>, vector<1x1x16xf32>,
      %get3A_603 = vector.shape_cast %get3A_602 : vector<1x1x16xf32> to vector<16xf32>
      %add3A_604 = arith.addf %get3A_597, %get3A_603 : vector<16xf32>
      %get3A_605 = arith.constant 0 : i32
      %get3A_606 = arith.index_cast %get3A_605 : i32 to index
      %get3A_607 = arith.index_cast %scan3A_585 : i32 to index
      %get3A_608 = arith.constant 0 : index
      %get3A_609 = tpu.vector_load %arg13[%get3A_606, %get3A_607, %get3A_608] {strides = array<i32>} : memref<4x1024x16xf32, #tpu.memory_space<vmem>>, vector<1x1x16xf32>,
      %get3A_610 = vector.shape_cast %get3A_609 : vector<1x1x16xf32> to vector<16xf32>
      %add3A_611 = arith.addf %add3A_604, %get3A_610 : vector<16xf32>
      %mul3A_612 = arith.mulf %get3A_591, %add3A_611 : vector<16xf32>
      %get3A_613 = arith.constant 0 : index
      %get3A_614 = tpu.vector_load %arg14[%get3A_613] {strides = array<i32>} : memref<16xf32, #tpu.memory_space<vmem>>, vector<16xf32>,
      %get3A_615 = vector.shape_cast %get3A_614 : vector<16xf32> to vector<16xf32>
      %add3A_616 = arith.addf %mul3A_612, %get3A_615 : vector<16xf32>
      %max3A_617 = arith.constant 0.000000e+00 : f32
      %max3A_618 = vector.broadcast %max3A_617 : f32 to vector<16xf32>
      %max3A_619 = arith.maximumf %add3A_616, %max3A_618 : vector<16xf32>
      %mul3A_620 = arith.mulf %get3A_591, %max3A_619 : vector<16xf32>
      %swap3A_621 = arith.constant 0 : i32
      %swap3A_622 = arith.index_cast %swap3A_621 : i32 to index
      %swap3A_623 = arith.index_cast %scan3A_585 : i32 to index
      %swap3A_624 = arith.constant 0 : index
      %swap3A_625 = tpu.vector_load %arg13[%swap3A_622, %swap3A_623, %swap3A_624] {strides = array<i32>} : memref<4x1024x16xf32, #tpu.memory_space<vmem>>, vector<1x1x16xf32>,
      %swap3A_626 = vector.shape_cast %swap3A_625 : vector<1x1x16xf32> to vector<16xf32>
      %swap3A_627 = vector.shape_cast %mul3A_620 : vector<16xf32> to vector<1x1x16xf32>
      tpu.vector_store %arg13[%swap3A_622, %swap3A_623, %swap3A_624], %swap3A_627 {strides = array<i32>} : memref<4x1024x16xf32, #tpu.memory_space<vmem>>, vector<1x1x16xf32>,
      %scan3A_628 = arith.constant 0 : i32
      %scan3A_629 = arith.constant 3 : i32
      %scan3A_630 = arith.addi %scan3A_497, %scan3A_629 : i32
      %get3A_631 = arith.constant 1 : i32
      %get3A_632 = arith.index_cast %get3A_631 : i32 to index
      %get3A_633 = arith.index_cast %scan3A_630 : i32 to index
      %get3A_634 = arith.constant 0 : index
      %get3A_635 = tpu.vector_load %arg13[%get3A_632, %get3A_633, %get3A_634] {strides = array<i32>} : memref<4x1024x16xf32, #tpu.memory_space<vmem>>, vector<1x1x16xf32>,
      %get3A_636 = vector.shape_cast %get3A_635 : vector<1x1x16xf32> to vector<16xf32>
      %get3A_637 = arith.constant 2 : i32
      %get3A_638 = arith.index_cast %get3A_637 : i32 to index
      %get3A_639 = arith.index_cast %scan3A_630 : i32 to index
      %get3A_640 = arith.constant 0 : index
      %get3A_641 = tpu.vector_load %arg13[%get3A_638, %get3A_639, %get3A_640] {strides = array<i32>} : memref<4x1024x16xf32, #tpu.memory_space<vmem>>, vector<1x1x16xf32>,
      %get3A_642 = vector.shape_cast %get3A_641 : vector<1x1x16xf32> to vector<16xf32>
      %get3A_643 = arith.constant 3 : i32
      %get3A_644 = arith.index_cast %get3A_643 : i32 to index
      %get3A_645 = arith.index_cast %scan3A_630 : i32 to index
      %get3A_646 = arith.constant 0 : index
      %get3A_647 = tpu.vector_load %arg13[%get3A_644, %get3A_645, %get3A_646] {strides = array<i32>} : memref<4x1024x16xf32, #tpu.memory_space<vmem>>, vector<1x1x16xf32>,
      %get3A_648 = vector.shape_cast %get3A_647 : vector<1x1x16xf32> to vector<16xf32>
      %add3A_649 = arith.addf %get3A_642, %get3A_648 : vector<16xf32>
      %get3A_650 = arith.constant 0 : i32
      %get3A_651 = arith.index_cast %get3A_650 : i32 to index
      %get3A_652 = arith.index_cast %scan3A_630 : i32 to index
      %get3A_653 = arith.constant 0 : index
      %get3A_654 = tpu.vector_load %arg13[%get3A_651, %get3A_652, %get3A_653] {strides = array<i32>} : memref<4x1024x16xf32, #tpu.memory_space<vmem>>, vector<1x1x16xf32>,
      %get3A_655 = vector.shape_cast %get3A_654 : vector<1x1x16xf32> to vector<16xf32>
      %add3A_656 = arith.addf %add3A_649, %get3A_655 : vector<16xf32>
      %mul3A_657 = arith.mulf %get3A_636, %add3A_656 : vector<16xf32>
      %get3A_658 = arith.constant 0 : index
      %get3A_659 = tpu.vector_load %arg14[%get3A_658] {strides = array<i32>} : memref<16xf32, #tpu.memory_space<vmem>>, vector<16xf32>,
      %get3A_660 = vector.shape_cast %get3A_659 : vector<16xf32> to vector<16xf32>
      %add3A_661 = arith.addf %mul3A_657, %get3A_660 : vector<16xf32>
      %max3A_662 = arith.constant 0.000000e+00 : f32
      %max3A_663 = vector.broadcast %max3A_662 : f32 to vector<16xf32>
      %max3A_664 = arith.maximumf %add3A_661, %max3A_663 : vector<16xf32>
      %mul3A_665 = arith.mulf %get3A_636, %max3A_664 : vector<16xf32>
      %swap3A_666 = arith.constant 0 : i32
      %swap3A_667 = arith.index_cast %swap3A_666 : i32 to index
      %swap3A_668 = arith.index_cast %scan3A_630 : i32 to index
      %swap3A_669 = arith.constant 0 : index
      %swap3A_670 = tpu.vector_load %arg13[%swap3A_667, %swap3A_668, %swap3A_669] {strides = array<i32>} : memref<4x1024x16xf32, #tpu.memory_space<vmem>>, vector<1x1x16xf32>,
      %swap3A_671 = vector.shape_cast %swap3A_670 : vector<1x1x16xf32> to vector<16xf32>
      %swap3A_672 = vector.shape_cast %mul3A_665 : vector<16xf32> to vector<1x1x16xf32>
      tpu.vector_store %arg13[%swap3A_667, %swap3A_668, %swap3A_669], %swap3A_672 {strides = array<i32>} : memref<4x1024x16xf32, #tpu.memory_space<vmem>>, vector<1x1x16xf32>,
      %scan3A_673 = arith.constant 0 : i32
      %scan3A_674 = arith.constant 4 : i32
      %scan3A_675 = arith.addi %scan3A_497, %scan3A_674 : i32
      %get3A_676 = arith.constant 1 : i32
      %get3A_677 = arith.index_cast %get3A_676 : i32 to index
      %get3A_678 = arith.index_cast %scan3A_675 : i32 to index
      %get3A_679 = arith.constant 0 : index
      %get3A_680 = tpu.vector_load %arg13[%get3A_677, %get3A_678, %get3A_679] {strides = array<i32>} : memref<4x1024x16xf32, #tpu.memory_space<vmem>>, vector<1x1x16xf32>,
      %get3A_681 = vector.shape_cast %get3A_680 : vector<1x1x16xf32> to vector<16xf32>
      %get3A_682 = arith.constant 2 : i32
      %get3A_683 = arith.index_cast %get3A_682 : i32 to index
      %get3A_684 = arith.index_cast %scan3A_675 : i32 to index
      %get3A_685 = arith.constant 0 : index
      %get3A_686 = tpu.vector_load %arg13[%get3A_683, %get3A_684, %get3A_685] {strides = array<i32>} : memref<4x1024x16xf32, #tpu.memory_space<vmem>>, vector<1x1x16xf32>,
      %get3A_687 = vector.shape_cast %get3A_686 : vector<1x1x16xf32> to vector<16xf32>
      %get3A_688 = arith.constant 3 : i32
      %get3A_689 = arith.index_cast %get3A_688 : i32 to index
      %get3A_690 = arith.index_cast %scan3A_675 : i32 to index
      %get3A_691 = arith.constant 0 : index
      %get3A_692 = tpu.vector_load %arg13[%get3A_689, %get3A_690, %get3A_691] {strides = array<i32>} : memref<4x1024x16xf32, #tpu.memory_space<vmem>>, vector<1x1x16xf32>,
      %get3A_693 = vector.shape_cast %get3A_692 : vector<1x1x16xf32> to vector<16xf32>
      %add3A_694 = arith.addf %get3A_687, %get3A_693 : vector<16xf32>
      %get3A_695 = arith.constant 0 : i32
      %get3A_696 = arith.index_cast %get3A_695 : i32 to index
      %get3A_697 = arith.index_cast %scan3A_675 : i32 to index
      %get3A_698 = arith.constant 0 : index
      %get3A_699 = tpu.vector_load %arg13[%get3A_696, %get3A_697, %get3A_698] {strides = array<i32>} : memref<4x1024x16xf32, #tpu.memory_space<vmem>>, vector<1x1x16xf32>,
      %get3A_700 = vector.shape_cast %get3A_699 : vector<1x1x16xf32> to vector<16xf32>
      %add3A_701 = arith.addf %add3A_694, %get3A_700 : vector<16xf32>
      %mul3A_702 = arith.mulf %get3A_681, %add3A_701 : vector<16xf32>
      %get3A_703 = arith.constant 0 : index
      %get3A_704 = tpu.vector_load %arg14[%get3A_703] {strides = array<i32>} : memref<16xf32, #tpu.memory_space<vmem>>, vector<16xf32>,
      %get3A_705 = vector.shape_cast %get3A_704 : vector<16xf32> to vector<16xf32>
      %add3A_706 = arith.addf %mul3A_702, %get3A_705 : vector<16xf32>
      %max3A_707 = arith.constant 0.000000e+00 : f32
      %max3A_708 = vector.broadcast %max3A_707 : f32 to vector<16xf32>
      %max3A_709 = arith.maximumf %add3A_706, %max3A_708 : vector<16xf32>
      %mul3A_710 = arith.mulf %get3A_681, %max3A_709 : vector<16xf32>
      %swap3A_711 = arith.constant 0 : i32
      %swap3A_712 = arith.index_cast %swap3A_711 : i32 to index
      %swap3A_713 = arith.index_cast %scan3A_675 : i32 to index
      %swap3A_714 = arith.constant 0 : index
      %swap3A_715 = tpu.vector_load %arg13[%swap3A_712, %swap3A_713, %swap3A_714] {strides = array<i32>} : memref<4x1024x16xf32, #tpu.memory_space<vmem>>, vector<1x1x16xf32>,
      %swap3A_716 = vector.shape_cast %swap3A_715 : vector<1x1x16xf32> to vector<16xf32>
      %swap3A_717 = vector.shape_cast %mul3A_710 : vector<16xf32> to vector<1x1x16xf32>
      tpu.vector_store %arg13[%swap3A_712, %swap3A_713, %swap3A_714], %swap3A_717 {strides = array<i32>} : memref<4x1024x16xf32, #tpu.memory_space<vmem>>, vector<1x1x16xf32>,
      %scan3A_718 = arith.constant 0 : i32
      %scan3A_719 = arith.constant 5 : i32
      %scan3A_720 = arith.addi %scan3A_497, %scan3A_719 : i32
      %get3A_721 = arith.constant 1 : i32
      %get3A_722 = arith.index_cast %get3A_721 : i32 to index
      %get3A_723 = arith.index_cast %scan3A_720 : i32 to index
      %get3A_724 = arith.constant 0 : index
      %get3A_725 = tpu.vector_load %arg13[%get3A_722, %get3A_723, %get3A_724] {strides = array<i32>} : memref<4x1024x16xf32, #tpu.memory_space<vmem>>, vector<1x1x16xf32>,
      %get3A_726 = vector.shape_cast %get3A_725 : vector<1x1x16xf32> to vector<16xf32>
      %get3A_727 = arith.constant 2 : i32
      %get3A_728 = arith.index_cast %get3A_727 : i32 to index
      %get3A_729 = arith.index_cast %scan3A_720 : i32 to index
      %get3A_730 = arith.constant 0 : index
      %get3A_731 = tpu.vector_load %arg13[%get3A_728, %get3A_729, %get3A_730] {strides = array<i32>} : memref<4x1024x16xf32, #tpu.memory_space<vmem>>, vector<1x1x16xf32>,
      %get3A_732 = vector.shape_cast %get3A_731 : vector<1x1x16xf32> to vector<16xf32>
      %get3A_733 = arith.constant 3 : i32
      %get3A_734 = arith.index_cast %get3A_733 : i32 to index
      %get3A_735 = arith.index_cast %scan3A_720 : i32 to index
      %get3A_736 = arith.constant 0 : index
      %get3A_737 = tpu.vector_load %arg13[%get3A_734, %get3A_735, %get3A_736] {strides = array<i32>} : memref<4x1024x16xf32, #tpu.memory_space<vmem>>, vector<1x1x16xf32>,
      %get3A_738 = vector.shape_cast %get3A_737 : vector<1x1x16xf32> to vector<16xf32>
      %add3A_739 = arith.addf %get3A_732, %get3A_738 : vector<16xf32>
      %get3A_740 = arith.constant 0 : i32
      %get3A_741 = arith.index_cast %get3A_740 : i32 to index
      %get3A_742 = arith.index_cast %scan3A_720 : i32 to index
      %get3A_743 = arith.constant 0 : index
      %get3A_744 = tpu.vector_load %arg13[%get3A_741, %get3A_742, %get3A_743] {strides = array<i32>} : memref<4x1024x16xf32, #tpu.memory_space<vmem>>, vector<1x1x16xf32>,
      %get3A_745 = vector.shape_cast %get3A_744 : vector<1x1x16xf32> to vector<16xf32>
      %add3A_746 = arith.addf %add3A_739, %get3A_745 : vector<16xf32>
      %mul3A_747 = arith.mulf %get3A_726, %add3A_746 : vector<16xf32>
      %get3A_748 = arith.constant 0 : index
      %get3A_749 = tpu.vector_load %arg14[%get3A_748] {strides = array<i32>} : memref<16xf32, #tpu.memory_space<vmem>>, vector<16xf32>,
      %get3A_750 = vector.shape_cast %get3A_749 : vector<16xf32> to vector<16xf32>
      %add3A_751 = arith.addf %mul3A_747, %get3A_750 : vector<16xf32>
      %max3A_752 = arith.constant 0.000000e+00 : f32
      %max3A_753 = vector.broadcast %max3A_752 : f32 to vector<16xf32>
      %max3A_754 = arith.maximumf %add3A_751, %max3A_753 : vector<16xf32>
      %mul3A_755 = arith.mulf %get3A_726, %max3A_754 : vector<16xf32>
      %swap3A_756 = arith.constant 0 : i32
      %swap3A_757 = arith.index_cast %swap3A_756 : i32 to index
      %swap3A_758 = arith.index_cast %scan3A_720 : i32 to index
      %swap3A_759 = arith.constant 0 : index
      %swap3A_760 = tpu.vector_load %arg13[%swap3A_757, %swap3A_758, %swap3A_759] {strides = array<i32>} : memref<4x1024x16xf32, #tpu.memory_space<vmem>>, vector<1x1x16xf32>,
      %swap3A_761 = vector.shape_cast %swap3A_760 : vector<1x1x16xf32> to vector<16xf32>
      %swap3A_762 = vector.shape_cast %mul3A_755 : vector<16xf32> to vector<1x1x16xf32>
      tpu.vector_store %arg13[%swap3A_757, %swap3A_758, %swap3A_759], %swap3A_762 {strides = array<i32>} : memref<4x1024x16xf32, #tpu.memory_space<vmem>>, vector<1x1x16xf32>,
      %scan3A_763 = arith.constant 0 : i32
      %scan3A_764 = arith.constant 6 : i32
      %scan3A_765 = arith.addi %scan3A_497, %scan3A_764 : i32
      %get3A_766 = arith.constant 1 : i32
      %get3A_767 = arith.index_cast %get3A_766 : i32 to index
      %get3A_768 = arith.index_cast %scan3A_765 : i32 to index
      %get3A_769 = arith.constant 0 : index
      %get3A_770 = tpu.vector_load %arg13[%get3A_767, %get3A_768, %get3A_769] {strides = array<i32>} : memref<4x1024x16xf32, #tpu.memory_space<vmem>>, vector<1x1x16xf32>,
      %get3A_771 = vector.shape_cast %get3A_770 : vector<1x1x16xf32> to vector<16xf32>
      %get3A_772 = arith.constant 2 : i32
      %get3A_773 = arith.index_cast %get3A_772 : i32 to index
      %get3A_774 = arith.index_cast %scan3A_765 : i32 to index
      %get3A_775 = arith.constant 0 : index
      %get3A_776 = tpu.vector_load %arg13[%get3A_773, %get3A_774, %get3A_775] {strides = array<i32>} : memref<4x1024x16xf32, #tpu.memory_space<vmem>>, vector<1x1x16xf32>,
      %get3A_777 = vector.shape_cast %get3A_776 : vector<1x1x16xf32> to vector<16xf32>
      %get3A_778 = arith.constant 3 : i32
      %get3A_779 = arith.index_cast %get3A_778 : i32 to index
      %get3A_780 = arith.index_cast %scan3A_765 : i32 to index
      %get3A_781 = arith.constant 0 : index
      %get3A_782 = tpu.vector_load %arg13[%get3A_779, %get3A_780, %get3A_781] {strides = array<i32>} : memref<4x1024x16xf32, #tpu.memory_space<vmem>>, vector<1x1x16xf32>,
      %get3A_783 = vector.shape_cast %get3A_782 : vector<1x1x16xf32> to vector<16xf32>
      %add3A_784 = arith.addf %get3A_777, %get3A_783 : vector<16xf32>
      %get3A_785 = arith.constant 0 : i32
      %get3A_786 = arith.index_cast %get3A_785 : i32 to index
      %get3A_787 = arith.index_cast %scan3A_765 : i32 to index
      %get3A_788 = arith.constant 0 : index
      %get3A_789 = tpu.vector_load %arg13[%get3A_786, %get3A_787, %get3A_788] {strides = array<i32>} : memref<4x1024x16xf32, #tpu.memory_space<vmem>>, vector<1x1x16xf32>,
      %get3A_790 = vector.shape_cast %get3A_789 : vector<1x1x16xf32> to vector<16xf32>
      %add3A_791 = arith.addf %add3A_784, %get3A_790 : vector<16xf32>
      %mul3A_792 = arith.mulf %get3A_771, %add3A_791 : vector<16xf32>
      %get3A_793 = arith.constant 0 : index
      %get3A_794 = tpu.vector_load %arg14[%get3A_793] {strides = array<i32>} : memref<16xf32, #tpu.memory_space<vmem>>, vector<16xf32>,
      %get3A_795 = vector.shape_cast %get3A_794 : vector<16xf32> to vector<16xf32>
      %add3A_796 = arith.addf %mul3A_792, %get3A_795 : vector<16xf32>
      %max3A_797 = arith.constant 0.000000e+00 : f32
      %max3A_798 = vector.broadcast %max3A_797 : f32 to vector<16xf32>
      %max3A_799 = arith.maximumf %add3A_796, %max3A_798 : vector<16xf32>
      %mul3A_800 = arith.mulf %get3A_771, %max3A_799 : vector<16xf32>
      %swap3A_801 = arith.constant 0 : i32
      %swap3A_802 = arith.index_cast %swap3A_801 : i32 to index
      %swap3A_803 = arith.index_cast %scan3A_765 : i32 to index
      %swap3A_804 = arith.constant 0 : index
      %swap3A_805 = tpu.vector_load %arg13[%swap3A_802, %swap3A_803, %swap3A_804] {strides = array<i32>} : memref<4x1024x16xf32, #tpu.memory_space<vmem>>, vector<1x1x16xf32>,
      %swap3A_806 = vector.shape_cast %swap3A_805 : vector<1x1x16xf32> to vector<16xf32>
      %swap3A_807 = vector.shape_cast %mul3A_800 : vector<16xf32> to vector<1x1x16xf32>
      tpu.vector_store %arg13[%swap3A_802, %swap3A_803, %swap3A_804], %swap3A_807 {strides = array<i32>} : memref<4x1024x16xf32, #tpu.memory_space<vmem>>, vector<1x1x16xf32>,
      %scan3A_808 = arith.constant 0 : i32
      %scan3A_809 = arith.constant 7 : i32
      %scan3A_810 = arith.addi %scan3A_497, %scan3A_809 : i32
      %get3A_811 = arith.constant 1 : i32
      %get3A_812 = arith.index_cast %get3A_811 : i32 to index
      %get3A_813 = arith.index_cast %scan3A_810 : i32 to index
      %get3A_814 = arith.constant 0 : index
      %get3A_815 = tpu.vector_load %arg13[%get3A_812, %get3A_813, %get3A_814] {strides = array<i32>} : memref<4x1024x16xf32, #tpu.memory_space<vmem>>, vector<1x1x16xf32>,
      %get3A_816 = vector.shape_cast %get3A_815 : vector<1x1x16xf32> to vector<16xf32>
      %get3A_817 = arith.constant 2 : i32
      %get3A_818 = arith.index_cast %get3A_817 : i32 to index
      %get3A_819 = arith.index_cast %scan3A_810 : i32 to index
      %get3A_820 = arith.constant 0 : index
      %get3A_821 = tpu.vector_load %arg13[%get3A_818, %get3A_819, %get3A_820] {strides = array<i32>} : memref<4x1024x16xf32, #tpu.memory_space<vmem>>, vector<1x1x16xf32>,
      %get3A_822 = vector.shape_cast %get3A_821 : vector<1x1x16xf32> to vector<16xf32>
      %get3A_823 = arith.constant 3 : i32
      %get3A_824 = arith.index_cast %get3A_823 : i32 to index
      %get3A_825 = arith.index_cast %scan3A_810 : i32 to index
      %get3A_826 = arith.constant 0 : index
      %get3A_827 = tpu.vector_load %arg13[%get3A_824, %get3A_825, %get3A_826] {strides = array<i32>} : memref<4x1024x16xf32, #tpu.memory_space<vmem>>, vector<1x1x16xf32>,
      %get3A_828 = vector.shape_cast %get3A_827 : vector<1x1x16xf32> to vector<16xf32>
      %add3A_829 = arith.addf %get3A_822, %get3A_828 : vector<16xf32>
      %get3A_830 = arith.constant 0 : i32
      %get3A_831 = arith.index_cast %get3A_830 : i32 to index
      %get3A_832 = arith.index_cast %scan3A_810 : i32 to index
      %get3A_833 = arith.constant 0 : index
      %get3A_834 = tpu.vector_load %arg13[%get3A_831, %get3A_832, %get3A_833] {strides = array<i32>} : memref<4x1024x16xf32, #tpu.memory_space<vmem>>, vector<1x1x16xf32>,
      %get3A_835 = vector.shape_cast %get3A_834 : vector<1x1x16xf32> to vector<16xf32>
      %add3A_836 = arith.addf %add3A_829, %get3A_835 : vector<16xf32>
      %mul3A_837 = arith.mulf %get3A_816, %add3A_836 : vector<16xf32>
      %get3A_838 = arith.constant 0 : index
      %get3A_839 = tpu.vector_load %arg14[%get3A_838] {strides = array<i32>} : memref<16xf32, #tpu.memory_space<vmem>>, vector<16xf32>,
      %get3A_840 = vector.shape_cast %get3A_839 : vector<16xf32> to vector<16xf32>
      %add3A_841 = arith.addf %mul3A_837, %get3A_840 : vector<16xf32>
      %max3A_842 = arith.constant 0.000000e+00 : f32
      %max3A_843 = vector.broadcast %max3A_842 : f32 to vector<16xf32>
      %max3A_844 = arith.maximumf %add3A_841, %max3A_843 : vector<16xf32>
      %mul3A_845 = arith.mulf %get3A_816, %max3A_844 : vector<16xf32>
      %swap3A_846 = arith.constant 0 : i32
      %swap3A_847 = arith.index_cast %swap3A_846 : i32 to index
      %swap3A_848 = arith.index_cast %scan3A_810 : i32 to index
      %swap3A_849 = arith.constant 0 : index
      %swap3A_850 = tpu.vector_load %arg13[%swap3A_847, %swap3A_848, %swap3A_849] {strides = array<i32>} : memref<4x1024x16xf32, #tpu.memory_space<vmem>>, vector<1x1x16xf32>,
      %swap3A_851 = vector.shape_cast %swap3A_850 : vector<1x1x16xf32> to vector<16xf32>
      %swap3A_852 = vector.shape_cast %mul3A_845 : vector<16xf32> to vector<1x1x16xf32>
      tpu.vector_store %arg13[%swap3A_847, %swap3A_848, %swap3A_849], %swap3A_852 {strides = array<i32>} : memref<4x1024x16xf32, #tpu.memory_space<vmem>>, vector<1x1x16xf32>,
      %scan3A_853 = arith.constant 0 : i32
      scf.yield %scan3A_853 : i32
    }
    %scan3A_210 = arith.constant 632 : i32
    %dma_start3A_211 = arith.constant 0 : i32
    %dma_start3A_212 = arith.constant 0 : i32
    %dma_start3A_213 = arith.constant 0 : i32
    %dma_start3A_214 = arith.constant 0 : i32
    %dma_start3A_215 = tpu.memref_slice %arg13[%dma_start3A_211, %dma_start3A_213, %dma_start3A_214] : memref<4x1024x16xf32, #tpu.memory_space<vmem>> -> memref<1x632x16xf32, #tpu.memory_space<vmem>>
    %dma_start3A_216 = tpu.memref_squeeze %dma_start3A_215 : memref<1x632x16xf32, #tpu.memory_space<vmem>> -> memref<632x16xf32, #tpu.memory_space<vmem>>
    %dma_start3A_217 = arith.constant 0 : i32
    %dma_start3A_218 = tpu.memref_slice %arg16[%mul3A_2, %dma_start3A_217] : memref<10112x16xf32, #tpu.memory_space<vmem_shared>> -> memref<632x16xf32, #tpu.memory_space<vmem_shared>>
    %dma_start3A_219 = tpu.memref_slice %arg18[%dma_start3A_212] : memref<4x!tpu.dma_semaphore, #tpu.memory_space<semaphore_mem>> -> memref<1x!tpu.dma_semaphore, #tpu.memory_space<semaphore_mem>>
    %dma_start3A_220 = tpu.memref_squeeze %dma_start3A_219 : memref<1x!tpu.dma_semaphore, #tpu.memory_space<semaphore_mem>> -> memref<!tpu.dma_semaphore, #tpu.memory_space<semaphore_mem>>
    %dma_start3A_221 = arith.constant 0 : i32
    %dma_start3A_222 = tpu.memref_slice %arg16[%mul3A_2, %dma_start3A_221] : memref<10112x16xf32, #tpu.memory_space<vmem_shared>> -> memref<632x16xf32, #tpu.memory_space<vmem_shared>>
    %dma_start3A_223 = arith.constant 0 : i32
    %dma_start3A_224 = arith.constant 0 : i32
    %dma_start3A_225 = tpu.memref_slice %arg13[%dma_start3A_211, %dma_start3A_223, %dma_start3A_224] : memref<4x1024x16xf32, #tpu.memory_space<vmem>> -> memref<1x632x16xf32, #tpu.memory_space<vmem>>
    %dma_start3A_226 = tpu.memref_squeeze %dma_start3A_225 : memref<1x632x16xf32, #tpu.memory_space<vmem>> -> memref<632x16xf32, #tpu.memory_space<vmem>>
    tpu.enqueue_dma source(%dma_start3A_226 : memref<632x16xf32, #tpu.memory_space<vmem>>) target(%dma_start3A_222 : memref<632x16xf32, #tpu.memory_space<vmem_shared>>) target_semaphore(%dma_start3A_220 : memref<!tpu.dma_semaphore, #tpu.memory_space<semaphore_mem>>)
    %eq3A = arith.constant 0 : i32
    %eq3A_227 = arith.cmpi eq, %arg0, %eq3A : i32
    %convert_element_type3A = arith.extui %eq3A_227 : i1 to i32
    %cond3A = arith.constant 0 : i32
    %cond3A_228 = arith.cmpi ne, %convert_element_type3A, %cond3A : i32
    scf.if %cond3A_228 {
      %dma_start3A_497 = arith.constant 0 : i32
      %dma_start3A_498 = arith.constant 1 : i32
      %dma_start3A_499 = arith.constant 0 : i32
      %dma_start3A_500 = arith.constant 0 : i32
      %dma_start3A_501 = tpu.memref_slice %arg13[%dma_start3A_497, %dma_start3A_499, %dma_start3A_500] : memref<4x1024x16xf32, #tpu.memory_space<vmem>> -> memref<1x632x16xf32, #tpu.memory_space<vmem>>
      %dma_start3A_502 = tpu.memref_squeeze %dma_start3A_501 : memref<1x632x16xf32, #tpu.memory_space<vmem>> -> memref<632x16xf32, #tpu.memory_space<vmem>>
      %dma_start3A_503 = arith.constant 0 : i32
      %dma_start3A_504 = tpu.memref_slice %arg10[%mul3A_2, %dma_start3A_503] : memref<10112x16xf32, #tpu.memory_space<hbm>> -> memref<632x16xf32, #tpu.memory_space<hbm>>
      %dma_start3A_505 = tpu.memref_slice %arg18[%dma_start3A_498] : memref<4x!tpu.dma_semaphore, #tpu.memory_space<semaphore_mem>> -> memref<1x!tpu.dma_semaphore, #tpu.memory_space<semaphore_mem>>
      %dma_start3A_506 = tpu.memref_squeeze %dma_start3A_505 : memref<1x!tpu.dma_semaphore, #tpu.memory_space<semaphore_mem>> -> memref<!tpu.dma_semaphore, #tpu.memory_space<semaphore_mem>>
      %dma_start3A_507 = arith.constant 0 : i32
      %dma_start3A_508 = tpu.memref_slice %arg10[%mul3A_2, %dma_start3A_507] : memref<10112x16xf32, #tpu.memory_space<hbm>> -> memref<632x16xf32, #tpu.memory_space<hbm>>
      %dma_start3A_509 = arith.constant 0 : i32
      %dma_start3A_510 = arith.constant 0 : i32
      %dma_start3A_511 = tpu.memref_slice %arg13[%dma_start3A_497, %dma_start3A_509, %dma_start3A_510] : memref<4x1024x16xf32, #tpu.memory_space<vmem>> -> memref<1x632x16xf32, #tpu.memory_space<vmem>>
      %dma_start3A_512 = tpu.memref_squeeze %dma_start3A_511 : memref<1x632x16xf32, #tpu.memory_space<vmem>> -> memref<632x16xf32, #tpu.memory_space<vmem>>
      tpu.enqueue_dma source(%dma_start3A_512 : memref<632x16xf32, #tpu.memory_space<vmem>>) target(%dma_start3A_508 : memref<632x16xf32, #tpu.memory_space<hbm>>) target_semaphore(%dma_start3A_506 : memref<!tpu.dma_semaphore, #tpu.memory_space<semaphore_mem>>)
      %dma_wait3A_513 = arith.constant 0 : i32
      %dma_wait3A_514 = arith.constant 1 : i32
      %dma_wait3A_515 = arith.constant 0 : i32
      %dma_wait3A_516 = arith.constant 0 : i32
      %dma_wait3A_517 = tpu.memref_slice %arg13[%dma_wait3A_513, %dma_wait3A_515, %dma_wait3A_516] : memref<4x1024x16xf32, #tpu.memory_space<vmem>> -> memref<1x632x16xf32, #tpu.memory_space<vmem>>
      %dma_wait3A_518 = tpu.memref_squeeze %dma_wait3A_517 : memref<1x632x16xf32, #tpu.memory_space<vmem>> -> memref<632x16xf32, #tpu.memory_space<vmem>>
      %dma_wait3A_519 = arith.constant 0 : i32
      %dma_wait3A_520 = tpu.memref_slice %arg10[%mul3A_2, %dma_wait3A_519] : memref<10112x16xf32, #tpu.memory_space<hbm>> -> memref<632x16xf32, #tpu.memory_space<hbm>>
      %dma_wait3A_521 = tpu.memref_slice %arg18[%dma_wait3A_514] : memref<4x!tpu.dma_semaphore, #tpu.memory_space<semaphore_mem>> -> memref<1x!tpu.dma_semaphore, #tpu.memory_space<semaphore_mem>>
      %dma_wait3A_522 = tpu.memref_squeeze %dma_wait3A_521 : memref<1x!tpu.dma_semaphore, #tpu.memory_space<semaphore_mem>> -> memref<!tpu.dma_semaphore, #tpu.memory_space<semaphore_mem>>
      %dma_wait3A_523 = arith.constant 0 : i32
      %dma_wait3A_524 = tpu.memref_slice %arg10[%mul3A_2, %dma_wait3A_523] : memref<10112x16xf32, #tpu.memory_space<hbm>> -> memref<632x16xf32, #tpu.memory_space<hbm>>
      %dma_wait3A_525 = arith.constant 0 : i32
      %dma_wait3A_526 = arith.constant 0 : i32
      %dma_wait3A_527 = tpu.memref_slice %arg13[%dma_wait3A_513, %dma_wait3A_525, %dma_wait3A_526] : memref<4x1024x16xf32, #tpu.memory_space<vmem>> -> memref<1x632x16xf32, #tpu.memory_space<vmem>>
      %dma_wait3A_528 = tpu.memref_squeeze %dma_wait3A_527 : memref<1x632x16xf32, #tpu.memory_space<vmem>> -> memref<632x16xf32, #tpu.memory_space<vmem>>
      tpu.wait_dma2 semaphore(%dma_wait3A_522 : memref<!tpu.dma_semaphore, #tpu.memory_space<semaphore_mem>>) src(%dma_wait3A_528 : memref<632x16xf32, #tpu.memory_space<vmem>>) dst(%dma_wait3A_524 : memref<632x16xf32, #tpu.memory_space<hbm>>)
    } else {
    }
    %dma_wait3A_229 = arith.constant 0 : i32
    %dma_wait3A_230 = arith.constant 0 : i32
    %dma_wait3A_231 = arith.constant 0 : i32
    %dma_wait3A_232 = arith.constant 0 : i32
    %dma_wait3A_233 = tpu.memref_slice %arg13[%dma_wait3A_229, %dma_wait3A_231, %dma_wait3A_232] : memref<4x1024x16xf32, #tpu.memory_space<vmem>> -> memref<1x632x16xf32, #tpu.memory_space<vmem>>
    %dma_wait3A_234 = tpu.memref_squeeze %dma_wait3A_233 : memref<1x632x16xf32, #tpu.memory_space<vmem>> -> memref<632x16xf32, #tpu.memory_space<vmem>>
    %dma_wait3A_235 = arith.constant 0 : i32
    %dma_wait3A_236 = tpu.memref_slice %arg16[%mul3A_2, %dma_wait3A_235] : memref<10112x16xf32, #tpu.memory_space<vmem_shared>> -> memref<632x16xf32, #tpu.memory_space<vmem_shared>>
    %dma_wait3A_237 = tpu.memref_slice %arg18[%dma_wait3A_230] : memref<4x!tpu.dma_semaphore, #tpu.memory_space<semaphore_mem>> -> memref<1x!tpu.dma_semaphore, #tpu.memory_space<semaphore_mem>>
    %dma_wait3A_238 = tpu.memref_squeeze %dma_wait3A_237 : memref<1x!tpu.dma_semaphore, #tpu.memory_space<semaphore_mem>> -> memref<!tpu.dma_semaphore, #tpu.memory_space<semaphore_mem>>
    %dma_wait3A_239 = arith.constant 0 : i32
    %dma_wait3A_240 = tpu.memref_slice %arg16[%mul3A_2, %dma_wait3A_239] : memref<10112x16xf32, #tpu.memory_space<vmem_shared>> -> memref<632x16xf32, #tpu.memory_space<vmem_shared>>
    %dma_wait3A_241 = arith.constant 0 : i32
    %dma_wait3A_242 = arith.constant 0 : i32
    %dma_wait3A_243 = tpu.memref_slice %arg13[%dma_wait3A_229, %dma_wait3A_241, %dma_wait3A_242] : memref<4x1024x16xf32, #tpu.memory_space<vmem>> -> memref<1x632x16xf32, #tpu.memory_space<vmem>>
    %dma_wait3A_244 = tpu.memref_squeeze %dma_wait3A_243 : memref<1x632x16xf32, #tpu.memory_space<vmem>> -> memref<632x16xf32, #tpu.memory_space<vmem>>
    tpu.wait_dma2 semaphore(%dma_wait3A_238 : memref<!tpu.dma_semaphore, #tpu.memory_space<semaphore_mem>>) src(%dma_wait3A_244 : memref<632x16xf32, #tpu.memory_space<vmem>>) dst(%dma_wait3A_240 : memref<632x16xf32, #tpu.memory_space<vmem_shared>>)
    %barrier3A = arith.constant 0 : index
    tpu.barrier barrier_id(%barrier3A)
    %dma_start3A_245 = arith.constant 0 : i32
    %dma_start3A_246 = arith.constant 0 : i32
    %dma_start3A_247 = arith.constant 0 : i32
    %dma_start3A_248 = arith.constant 0 : i32
    %dma_start3A_249 = arith.constant 0 : i32
    %dma_start3A_250 = tpu.memref_slice %arg13[%dma_start3A_246, %dma_start3A_248, %dma_start3A_249] : memref<4x1024x16xf32, #tpu.memory_space<vmem>> -> memref<1x1024x16xf32, #tpu.memory_space<vmem>>
    %dma_start3A_251 = tpu.memref_squeeze %dma_start3A_250 : memref<1x1024x16xf32, #tpu.memory_space<vmem>> -> memref<1024x16xf32, #tpu.memory_space<vmem>>
    %dma_start3A_252 = arith.constant 0 : i32
    %dma_start3A_253 = tpu.memref_slice %arg11[%dma_start3A_245, %dma_start3A_252] : memref<10x1024xi32, #tpu.memory_space<vmem>> -> memref<1x1024xi32, #tpu.memory_space<vmem>>
    %dma_start3A_254 = tpu.memref_squeeze %dma_start3A_253 : memref<1x1024xi32, #tpu.memory_space<vmem>> -> memref<1024xi32, #tpu.memory_space<vmem>>
    %dma_start3A_255 = arith.constant 0 : i32
    %dma_start3A_256 = arith.constant 0 : i32
    %dma_start3A_257 = tpu.memref_slice %arg16[%dma_start3A_255, %dma_start3A_256] : memref<10112x16xf32, #tpu.memory_space<vmem_shared>> -> memref<10112x16xf32, #tpu.memory_space<vmem_shared>>
    %dma_start3A_258 = tpu.memref_slice %arg17[%dma_start3A_247] : memref<4x!tpu.dma_semaphore, #tpu.memory_space<semaphore_mem>> -> memref<1x!tpu.dma_semaphore, #tpu.memory_space<semaphore_mem>>
    %dma_start3A_259 = tpu.memref_squeeze %dma_start3A_258 : memref<1x!tpu.dma_semaphore, #tpu.memory_space<semaphore_mem>> -> memref<!tpu.dma_semaphore, #tpu.memory_space<semaphore_mem>>
    tpu.enqueue_indirect_dma source(%dma_start3A_257 : memref<10112x16xf32, #tpu.memory_space<vmem_shared>>) target(%dma_start3A_251 : memref<1024x16xf32, #tpu.memory_space<vmem>>) offsets(%dma_start3A_254 : memref<1024xi32, #tpu.memory_space<vmem>>) semaphore(%dma_start3A_259 : memref<!tpu.dma_semaphore, #tpu.memory_space<semaphore_mem>>)
    %dma_start3A_260 = arith.constant 1 : i32
    %dma_start3A_261 = arith.constant 1 : i32
    %dma_start3A_262 = arith.constant 1 : i32
    %dma_start3A_263 = arith.constant 0 : i32
    %dma_start3A_264 = arith.constant 0 : i32
    %dma_start3A_265 = tpu.memref_slice %arg13[%dma_start3A_261, %dma_start3A_263, %dma_start3A_264] : memref<4x1024x16xf32, #tpu.memory_space<vmem>> -> memref<1x1024x16xf32, #tpu.memory_space<vmem>>
    %dma_start3A_266 = tpu.memref_squeeze %dma_start3A_265 : memref<1x1024x16xf32, #tpu.memory_space<vmem>> -> memref<1024x16xf32, #tpu.memory_space<vmem>>
    %dma_start3A_267 = arith.constant 0 : i32
    %dma_start3A_268 = tpu.memref_slice %arg11[%dma_start3A_260, %dma_start3A_267] : memref<10x1024xi32, #tpu.memory_space<vmem>> -> memref<1x1024xi32, #tpu.memory_space<vmem>>
    %dma_start3A_269 = tpu.memref_squeeze %dma_start3A_268 : memref<1x1024xi32, #tpu.memory_space<vmem>> -> memref<1024xi32, #tpu.memory_space<vmem>>
    %dma_start3A_270 = arith.constant 0 : i32
    %dma_start3A_271 = arith.constant 0 : i32
    %dma_start3A_272 = tpu.memref_slice %arg16[%dma_start3A_270, %dma_start3A_271] : memref<10112x16xf32, #tpu.memory_space<vmem_shared>> -> memref<10112x16xf32, #tpu.memory_space<vmem_shared>>
    %dma_start3A_273 = tpu.memref_slice %arg17[%dma_start3A_262] : memref<4x!tpu.dma_semaphore, #tpu.memory_space<semaphore_mem>> -> memref<1x!tpu.dma_semaphore, #tpu.memory_space<semaphore_mem>>
    %dma_start3A_274 = tpu.memref_squeeze %dma_start3A_273 : memref<1x!tpu.dma_semaphore, #tpu.memory_space<semaphore_mem>> -> memref<!tpu.dma_semaphore, #tpu.memory_space<semaphore_mem>>
    tpu.enqueue_indirect_dma source(%dma_start3A_272 : memref<10112x16xf32, #tpu.memory_space<vmem_shared>>) target(%dma_start3A_266 : memref<1024x16xf32, #tpu.memory_space<vmem>>) offsets(%dma_start3A_269 : memref<1024xi32, #tpu.memory_space<vmem>>) semaphore(%dma_start3A_274 : memref<!tpu.dma_semaphore, #tpu.memory_space<semaphore_mem>>)
    %dma_start3A_275 = arith.constant 2 : i32
    %dma_start3A_276 = arith.constant 2 : i32
    %dma_start3A_277 = arith.constant 2 : i32
    %dma_start3A_278 = arith.constant 0 : i32
    %dma_start3A_279 = arith.constant 0 : i32
    %dma_start3A_280 = tpu.memref_slice %arg13[%dma_start3A_276, %dma_start3A_278, %dma_start3A_279] : memref<4x1024x16xf32, #tpu.memory_space<vmem>> -> memref<1x1024x16xf32, #tpu.memory_space<vmem>>
    %dma_start3A_281 = tpu.memref_squeeze %dma_start3A_280 : memref<1x1024x16xf32, #tpu.memory_space<vmem>> -> memref<1024x16xf32, #tpu.memory_space<vmem>>
    %dma_start3A_282 = arith.constant 0 : i32
    %dma_start3A_283 = tpu.memref_slice %arg11[%dma_start3A_275, %dma_start3A_282] : memref<10x1024xi32, #tpu.memory_space<vmem>> -> memref<1x1024xi32, #tpu.memory_space<vmem>>
    %dma_start3A_284 = tpu.memref_squeeze %dma_start3A_283 : memref<1x1024xi32, #tpu.memory_space<vmem>> -> memref<1024xi32, #tpu.memory_space<vmem>>
    %dma_start3A_285 = arith.constant 0 : i32
    %dma_start3A_286 = arith.constant 0 : i32
    %dma_start3A_287 = tpu.memref_slice %arg16[%dma_start3A_285, %dma_start3A_286] : memref<10112x16xf32, #tpu.memory_space<vmem_shared>> -> memref<10112x16xf32, #tpu.memory_space<vmem_shared>>
    %dma_start3A_288 = tpu.memref_slice %arg17[%dma_start3A_277] : memref<4x!tpu.dma_semaphore, #tpu.memory_space<semaphore_mem>> -> memref<1x!tpu.dma_semaphore, #tpu.memory_space<semaphore_mem>>
    %dma_start3A_289 = tpu.memref_squeeze %dma_start3A_288 : memref<1x!tpu.dma_semaphore, #tpu.memory_space<semaphore_mem>> -> memref<!tpu.dma_semaphore, #tpu.memory_space<semaphore_mem>>
    tpu.enqueue_indirect_dma source(%dma_start3A_287 : memref<10112x16xf32, #tpu.memory_space<vmem_shared>>) target(%dma_start3A_281 : memref<1024x16xf32, #tpu.memory_space<vmem>>) offsets(%dma_start3A_284 : memref<1024xi32, #tpu.memory_space<vmem>>) semaphore(%dma_start3A_289 : memref<!tpu.dma_semaphore, #tpu.memory_space<semaphore_mem>>)
    %dma_wait3A_290 = arith.constant 0 : i32
    %dma_wait3A_291 = arith.constant 0 : i32
    %dma_wait3A_292 = arith.constant 0 : i32
    %dma_wait3A_293 = arith.constant 0 : i32
    %dma_wait3A_294 = arith.constant 0 : i32
    %dma_wait3A_295 = tpu.memref_slice %arg13[%dma_wait3A_291, %dma_wait3A_293, %dma_wait3A_294] : memref<4x1024x16xf32, #tpu.memory_space<vmem>> -> memref<1x1024x16xf32, #tpu.memory_space<vmem>>
    %dma_wait3A_296 = tpu.memref_squeeze %dma_wait3A_295 : memref<1x1024x16xf32, #tpu.memory_space<vmem>> -> memref<1024x16xf32, #tpu.memory_space<vmem>>
    %dma_wait3A_297 = arith.constant 0 : i32
    %dma_wait3A_298 = tpu.memref_slice %arg11[%dma_wait3A_290, %dma_wait3A_297] : memref<10x1024xi32, #tpu.memory_space<vmem>> -> memref<1x1024xi32, #tpu.memory_space<vmem>>
    %dma_wait3A_299 = tpu.memref_squeeze %dma_wait3A_298 : memref<1x1024xi32, #tpu.memory_space<vmem>> -> memref<1024xi32, #tpu.memory_space<vmem>>
    %dma_wait3A_300 = arith.constant 0 : i32
    %dma_wait3A_301 = arith.constant 0 : i32
    %dma_wait3A_302 = tpu.memref_slice %arg16[%dma_wait3A_300, %dma_wait3A_301] : memref<10112x16xf32, #tpu.memory_space<vmem_shared>> -> memref<10112x16xf32, #tpu.memory_space<vmem_shared>>
    %dma_wait3A_303 = tpu.memref_slice %arg17[%dma_wait3A_292] : memref<4x!tpu.dma_semaphore, #tpu.memory_space<semaphore_mem>> -> memref<1x!tpu.dma_semaphore, #tpu.memory_space<semaphore_mem>>
    %dma_wait3A_304 = tpu.memref_squeeze %dma_wait3A_303 : memref<1x!tpu.dma_semaphore, #tpu.memory_space<semaphore_mem>> -> memref<!tpu.dma_semaphore, #tpu.memory_space<semaphore_mem>>
    tpu.wait_indirect_dma semaphore(%dma_wait3A_304 : memref<!tpu.dma_semaphore, #tpu.memory_space<semaphore_mem>>) src(%dma_wait3A_302 : memref<10112x16xf32, #tpu.memory_space<vmem_shared>>) dst(%dma_wait3A_296 : memref<1024x16xf32, #tpu.memory_space<vmem>>)
    %dma_start3A_305 = arith.constant 0 : i32
    %dma_start3A_306 = arith.constant 0 : i32
    %dma_start3A_307 = arith.constant 0 : i32
    %dma_start3A_308 = arith.constant 0 : i32
    %dma_start3A_309 = arith.constant 0 : i32
    %dma_start3A_310 = tpu.memref_slice %arg13[%dma_start3A_305, %dma_start3A_308, %dma_start3A_309] : memref<4x1024x16xf32, #tpu.memory_space<vmem>> -> memref<1x1024x16xf32, #tpu.memory_space<vmem>>
    %dma_start3A_311 = tpu.memref_squeeze %dma_start3A_310 : memref<1x1024x16xf32, #tpu.memory_space<vmem>> -> memref<1024x16xf32, #tpu.memory_space<vmem>>
    %dma_start3A_312 = arith.constant 0 : i32
    %dma_start3A_313 = tpu.memref_slice %arg12[%dma_start3A_306, %dma_start3A_312] : memref<10x1024xi32, #tpu.memory_space<vmem>> -> memref<1x1024xi32, #tpu.memory_space<vmem>>
    %dma_start3A_314 = tpu.memref_squeeze %dma_start3A_313 : memref<1x1024xi32, #tpu.memory_space<vmem>> -> memref<1024xi32, #tpu.memory_space<vmem>>
    %dma_start3A_315 = arith.constant 0 : i32
    %dma_start3A_316 = arith.constant 0 : i32
    %dma_start3A_317 = tpu.memref_slice %arg15[%dma_start3A_315, %dma_start3A_316] : memref<10112x16xf32, #tpu.memory_space<vmem_shared>> -> memref<10112x16xf32, #tpu.memory_space<vmem_shared>>
    %dma_start3A_318 = tpu.memref_slice %arg18[%dma_start3A_307] : memref<4x!tpu.dma_semaphore, #tpu.memory_space<semaphore_mem>> -> memref<1x!tpu.dma_semaphore, #tpu.memory_space<semaphore_mem>>
    %dma_start3A_319 = tpu.memref_squeeze %dma_start3A_318 : memref<1x!tpu.dma_semaphore, #tpu.memory_space<semaphore_mem>> -> memref<!tpu.dma_semaphore, #tpu.memory_space<semaphore_mem>>
    tpu.enqueue_indirect_dma source(%dma_start3A_311 : memref<1024x16xf32, #tpu.memory_space<vmem>>) target(%dma_start3A_317 : memref<10112x16xf32, #tpu.memory_space<vmem_shared>>) offsets(%dma_start3A_314 : memref<1024xi32, #tpu.memory_space<vmem>>) semaphore(%dma_start3A_319 : memref<!tpu.dma_semaphore, #tpu.memory_space<semaphore_mem>>) {add = true}
    %dma_start3A_320 = arith.constant 3 : i32
    %dma_start3A_321 = arith.constant 3 : i32
    %dma_start3A_322 = arith.constant 3 : i32
    %dma_start3A_323 = arith.constant 0 : i32
    %dma_start3A_324 = arith.constant 0 : i32
    %dma_start3A_325 = tpu.memref_slice %arg13[%dma_start3A_321, %dma_start3A_323, %dma_start3A_324] : memref<4x1024x16xf32, #tpu.memory_space<vmem>> -> memref<1x1024x16xf32, #tpu.memory_space<vmem>>
    %dma_start3A_326 = tpu.memref_squeeze %dma_start3A_325 : memref<1x1024x16xf32, #tpu.memory_space<vmem>> -> memref<1024x16xf32, #tpu.memory_space<vmem>>
    %dma_start3A_327 = arith.constant 0 : i32
    %dma_start3A_328 = tpu.memref_slice %arg11[%dma_start3A_320, %dma_start3A_327] : memref<10x1024xi32, #tpu.memory_space<vmem>> -> memref<1x1024xi32, #tpu.memory_space<vmem>>
    %dma_start3A_329 = tpu.memref_squeeze %dma_start3A_328 : memref<1x1024xi32, #tpu.memory_space<vmem>> -> memref<1024xi32, #tpu.memory_space<vmem>>
    %dma_start3A_330 = arith.constant 0 : i32
    %dma_start3A_331 = arith.constant 0 : i32
    %dma_start3A_332 = tpu.memref_slice %arg16[%dma_start3A_330, %dma_start3A_331] : memref<10112x16xf32, #tpu.memory_space<vmem_shared>> -> memref<10112x16xf32, #tpu.memory_space<vmem_shared>>
    %dma_start3A_333 = tpu.memref_slice %arg17[%dma_start3A_322] : memref<4x!tpu.dma_semaphore, #tpu.memory_space<semaphore_mem>> -> memref<1x!tpu.dma_semaphore, #tpu.memory_space<semaphore_mem>>
    %dma_start3A_334 = tpu.memref_squeeze %dma_start3A_333 : memref<1x!tpu.dma_semaphore, #tpu.memory_space<semaphore_mem>> -> memref<!tpu.dma_semaphore, #tpu.memory_space<semaphore_mem>>
    tpu.enqueue_indirect_dma source(%dma_start3A_332 : memref<10112x16xf32, #tpu.memory_space<vmem_shared>>) target(%dma_start3A_326 : memref<1024x16xf32, #tpu.memory_space<vmem>>) offsets(%dma_start3A_329 : memref<1024xi32, #tpu.memory_space<vmem>>) semaphore(%dma_start3A_334 : memref<!tpu.dma_semaphore, #tpu.memory_space<semaphore_mem>>)
    %dma_wait3A_335 = arith.constant 1 : i32
    %dma_wait3A_336 = arith.constant 1 : i32
    %dma_wait3A_337 = arith.constant 1 : i32
    %dma_wait3A_338 = arith.constant 0 : i32
    %dma_wait3A_339 = arith.constant 0 : i32
    %dma_wait3A_340 = tpu.memref_slice %arg13[%dma_wait3A_336, %dma_wait3A_338, %dma_wait3A_339] : memref<4x1024x16xf32, #tpu.memory_space<vmem>> -> memref<1x1024x16xf32, #tpu.memory_space<vmem>>
    %dma_wait3A_341 = tpu.memref_squeeze %dma_wait3A_340 : memref<1x1024x16xf32, #tpu.memory_space<vmem>> -> memref<1024x16xf32, #tpu.memory_space<vmem>>
    %dma_wait3A_342 = arith.constant 0 : i32
    %dma_wait3A_343 = tpu.memref_slice %arg11[%dma_wait3A_335, %dma_wait3A_342] : memref<10x1024xi32, #tpu.memory_space<vmem>> -> memref<1x1024xi32, #tpu.memory_space<vmem>>
    %dma_wait3A_344 = tpu.memref_squeeze %dma_wait3A_343 : memref<1x1024xi32, #tpu.memory_space<vmem>> -> memref<1024xi32, #tpu.memory_space<vmem>>
    %dma_wait3A_345 = arith.constant 0 : i32
    %dma_wait3A_346 = arith.constant 0 : i32
    %dma_wait3A_347 = tpu.memref_slice %arg16[%dma_wait3A_345, %dma_wait3A_346] : memref<10112x16xf32, #tpu.memory_space<vmem_shared>> -> memref<10112x16xf32, #tpu.memory_space<vmem_shared>>
    %dma_wait3A_348 = tpu.memref_slice %arg17[%dma_wait3A_337] : memref<4x!tpu.dma_semaphore, #tpu.memory_space<semaphore_mem>> -> memref<1x!tpu.dma_semaphore, #tpu.memory_space<semaphore_mem>>
    %dma_wait3A_349 = tpu.memref_squeeze %dma_wait3A_348 : memref<1x!tpu.dma_semaphore, #tpu.memory_space<semaphore_mem>> -> memref<!tpu.dma_semaphore, #tpu.memory_space<semaphore_mem>>
    tpu.wait_indirect_dma semaphore(%dma_wait3A_349 : memref<!tpu.dma_semaphore, #tpu.memory_space<semaphore_mem>>) src(%dma_wait3A_347 : memref<10112x16xf32, #tpu.memory_space<vmem_shared>>) dst(%dma_wait3A_341 : memref<1024x16xf32, #tpu.memory_space<vmem>>)
    %dma_start3A_350 = arith.constant 1 : i32
    %dma_start3A_351 = arith.constant 1 : i32
    %dma_start3A_352 = arith.constant 1 : i32
    %dma_start3A_353 = arith.constant 0 : i32
    %dma_start3A_354 = arith.constant 0 : i32
    %dma_start3A_355 = tpu.memref_slice %arg13[%dma_start3A_350, %dma_start3A_353, %dma_start3A_354] : memref<4x1024x16xf32, #tpu.memory_space<vmem>> -> memref<1x1024x16xf32, #tpu.memory_space<vmem>>
    %dma_start3A_356 = tpu.memref_squeeze %dma_start3A_355 : memref<1x1024x16xf32, #tpu.memory_space<vmem>> -> memref<1024x16xf32, #tpu.memory_space<vmem>>
    %dma_start3A_357 = arith.constant 0 : i32
    %dma_start3A_358 = tpu.memref_slice %arg12[%dma_start3A_351, %dma_start3A_357] : memref<10x1024xi32, #tpu.memory_space<vmem>> -> memref<1x1024xi32, #tpu.memory_space<vmem>>
    %dma_start3A_359 = tpu.memref_squeeze %dma_start3A_358 : memref<1x1024xi32, #tpu.memory_space<vmem>> -> memref<1024xi32, #tpu.memory_space<vmem>>
    %dma_start3A_360 = arith.constant 0 : i32
    %dma_start3A_361 = arith.constant 0 : i32
    %dma_start3A_362 = tpu.memref_slice %arg15[%dma_start3A_360, %dma_start3A_361] : memref<10112x16xf32, #tpu.memory_space<vmem_shared>> -> memref<10112x16xf32, #tpu.memory_space<vmem_shared>>
    %dma_start3A_363 = tpu.memref_slice %arg18[%dma_start3A_352] : memref<4x!tpu.dma_semaphore, #tpu.memory_space<semaphore_mem>> -> memref<1x!tpu.dma_semaphore, #tpu.memory_space<semaphore_mem>>
    %dma_start3A_364 = tpu.memref_squeeze %dma_start3A_363 : memref<1x!tpu.dma_semaphore, #tpu.memory_space<semaphore_mem>> -> memref<!tpu.dma_semaphore, #tpu.memory_space<semaphore_mem>>
    tpu.enqueue_indirect_dma source(%dma_start3A_356 : memref<1024x16xf32, #tpu.memory_space<vmem>>) target(%dma_start3A_362 : memref<10112x16xf32, #tpu.memory_space<vmem_shared>>) offsets(%dma_start3A_359 : memref<1024xi32, #tpu.memory_space<vmem>>) semaphore(%dma_start3A_364 : memref<!tpu.dma_semaphore, #tpu.memory_space<semaphore_mem>>) {add = true}
    %scan3A_365 = arith.constant 0 : i32
    %scan3A_366 = arith.constant 4 : i32
    %scan3A_367 = arith.constant 6 : i32
    %scan3A_368 = arith.addi %scan3A_366, %scan3A_367 : i32
    %scan3A_369 = arith.constant 1 : i32
    %scan3A_370 = scf.for %scan3A_497 = %scan3A_366 to %scan3A_368 step %scan3A_369 iter_args(%scan3A_498 = %scan3A_365) -> (i32)  : i32 {
      %sub3A = arith.constant 4 : i32
      %sub3A_499 = arith.subi %scan3A_497, %sub3A : i32
      %rem3A = arith.constant 4 : i32
      %rem3A_500 = arith.remsi %sub3A_499, %rem3A : i32
      %dma_wait3A_501 = arith.constant 0 : i32
      %dma_wait3A_502 = arith.constant 0 : i32
      %dma_wait3A_503 = arith.constant 0 : i32
      %dma_wait3A_504 = arith.constant 0 : i32
      %dma_wait3A_505 = tpu.memref_slice %arg13[%dma_wait3A_501, %dma_wait3A_503, %dma_wait3A_504] : memref<4x1024x16xf32, #tpu.memory_space<vmem>> -> memref<1x1024x16xf32, #tpu.memory_space<vmem>>
      %dma_wait3A_506 = tpu.memref_squeeze %dma_wait3A_505 : memref<1x1024x16xf32, #tpu.memory_space<vmem>> -> memref<1024x16xf32, #tpu.memory_space<vmem>>
      %dma_wait3A_507 = arith.constant 0 : i32
      %dma_wait3A_508 = tpu.memref_slice %arg12[%dma_wait3A_502, %dma_wait3A_507] : memref<10x1024xi32, #tpu.memory_space<vmem>> -> memref<1x1024xi32, #tpu.memory_space<vmem>>
      %dma_wait3A_509 = tpu.memref_squeeze %dma_wait3A_508 : memref<1x1024xi32, #tpu.memory_space<vmem>> -> memref<1024xi32, #tpu.memory_space<vmem>>
      %dma_wait3A_510 = arith.constant 0 : i32
      %dma_wait3A_511 = arith.constant 0 : i32
      %dma_wait3A_512 = tpu.memref_slice %arg15[%dma_wait3A_510, %dma_wait3A_511] : memref<10112x16xf32, #tpu.memory_space<vmem_shared>> -> memref<10112x16xf32, #tpu.memory_space<vmem_shared>>
      %dma_wait3A_513 = tpu.memref_slice %arg18[%rem3A_500] : memref<4x!tpu.dma_semaphore, #tpu.memory_space<semaphore_mem>> -> memref<1x!tpu.dma_semaphore, #tpu.memory_space<semaphore_mem>>
      %dma_wait3A_514 = tpu.memref_squeeze %dma_wait3A_513 : memref<1x!tpu.dma_semaphore, #tpu.memory_space<semaphore_mem>> -> memref<!tpu.dma_semaphore, #tpu.memory_space<semaphore_mem>>
      tpu.wait_indirect_dma semaphore(%dma_wait3A_514 : memref<!tpu.dma_semaphore, #tpu.memory_space<semaphore_mem>>) src(%dma_wait3A_506 : memref<1024x16xf32, #tpu.memory_space<vmem>>) dst(%dma_wait3A_512 : memref<10112x16xf32, #tpu.memory_space<vmem_shared>>)
      %rem3A_515 = arith.constant 4 : i32
      %rem3A_516 = arith.remsi %scan3A_497, %rem3A_515 : i32
      %dma_start3A_517 = arith.constant 0 : i32
      %dma_start3A_518 = arith.constant 0 : i32
      %dma_start3A_519 = tpu.memref_slice %arg13[%rem3A_516, %dma_start3A_517, %dma_start3A_518] : memref<4x1024x16xf32, #tpu.memory_space<vmem>> -> memref<1x1024x16xf32, #tpu.memory_space<vmem>>
      %dma_start3A_520 = tpu.memref_squeeze %dma_start3A_519 : memref<1x1024x16xf32, #tpu.memory_space<vmem>> -> memref<1024x16xf32, #tpu.memory_space<vmem>>
      %dma_start3A_521 = arith.constant 0 : i32
      %dma_start3A_522 = tpu.memref_slice %arg11[%scan3A_497, %dma_start3A_521] : memref<10x1024xi32, #tpu.memory_space<vmem>> -> memref<1x1024xi32, #tpu.memory_space<vmem>>
      %dma_start3A_523 = tpu.memref_squeeze %dma_start3A_522 : memref<1x1024xi32, #tpu.memory_space<vmem>> -> memref<1024xi32, #tpu.memory_space<vmem>>
      %dma_start3A_524 = arith.constant 0 : i32
      %dma_start3A_525 = arith.constant 0 : i32
      %dma_start3A_526 = tpu.memref_slice %arg16[%dma_start3A_524, %dma_start3A_525] : memref<10112x16xf32, #tpu.memory_space<vmem_shared>> -> memref<10112x16xf32, #tpu.memory_space<vmem_shared>>
      %dma_start3A_527 = tpu.memref_slice %arg17[%rem3A_516] : memref<4x!tpu.dma_semaphore, #tpu.memory_space<semaphore_mem>> -> memref<1x!tpu.dma_semaphore, #tpu.memory_space<semaphore_mem>>
      %dma_start3A_528 = tpu.memref_squeeze %dma_start3A_527 : memref<1x!tpu.dma_semaphore, #tpu.memory_space<semaphore_mem>> -> memref<!tpu.dma_semaphore, #tpu.memory_space<semaphore_mem>>
      tpu.enqueue_indirect_dma source(%dma_start3A_526 : memref<10112x16xf32, #tpu.memory_space<vmem_shared>>) target(%dma_start3A_520 : memref<1024x16xf32, #tpu.memory_space<vmem>>) offsets(%dma_start3A_523 : memref<1024xi32, #tpu.memory_space<vmem>>) semaphore(%dma_start3A_528 : memref<!tpu.dma_semaphore, #tpu.memory_space<semaphore_mem>>)
      %sub3A_529 = arith.constant 2 : i32
      %sub3A_530 = arith.subi %scan3A_497, %sub3A_529 : i32
      %rem3A_531 = arith.constant 4 : i32
      %rem3A_532 = arith.remsi %sub3A_530, %rem3A_531 : i32
      %dma_wait3A_533 = arith.constant 0 : i32
      %dma_wait3A_534 = arith.constant 0 : i32
      %dma_wait3A_535 = tpu.memref_slice %arg13[%rem3A_532, %dma_wait3A_533, %dma_wait3A_534] : memref<4x1024x16xf32, #tpu.memory_space<vmem>> -> memref<1x1024x16xf32, #tpu.memory_space<vmem>>
      %dma_wait3A_536 = tpu.memref_squeeze %dma_wait3A_535 : memref<1x1024x16xf32, #tpu.memory_space<vmem>> -> memref<1024x16xf32, #tpu.memory_space<vmem>>
      %dma_wait3A_537 = arith.constant 0 : i32
      %dma_wait3A_538 = tpu.memref_slice %arg11[%sub3A_530, %dma_wait3A_537] : memref<10x1024xi32, #tpu.memory_space<vmem>> -> memref<1x1024xi32, #tpu.memory_space<vmem>>
      %dma_wait3A_539 = tpu.memref_squeeze %dma_wait3A_538 : memref<1x1024xi32, #tpu.memory_space<vmem>> -> memref<1024xi32, #tpu.memory_space<vmem>>
      %dma_wait3A_540 = arith.constant 0 : i32
      %dma_wait3A_541 = arith.constant 0 : i32
      %dma_wait3A_542 = tpu.memref_slice %arg16[%dma_wait3A_540, %dma_wait3A_541] : memref<10112x16xf32, #tpu.memory_space<vmem_shared>> -> memref<10112x16xf32, #tpu.memory_space<vmem_shared>>
      %dma_wait3A_543 = tpu.memref_slice %arg17[%rem3A_532] : memref<4x!tpu.dma_semaphore, #tpu.memory_space<semaphore_mem>> -> memref<1x!tpu.dma_semaphore, #tpu.memory_space<semaphore_mem>>
      %dma_wait3A_544 = tpu.memref_squeeze %dma_wait3A_543 : memref<1x!tpu.dma_semaphore, #tpu.memory_space<semaphore_mem>> -> memref<!tpu.dma_semaphore, #tpu.memory_space<semaphore_mem>>
      tpu.wait_indirect_dma semaphore(%dma_wait3A_544 : memref<!tpu.dma_semaphore, #tpu.memory_space<semaphore_mem>>) src(%dma_wait3A_542 : memref<10112x16xf32, #tpu.memory_space<vmem_shared>>) dst(%dma_wait3A_536 : memref<1024x16xf32, #tpu.memory_space<vmem>>)
      %dma_start3A_545 = arith.constant 0 : i32
      %dma_start3A_546 = arith.constant 0 : i32
      %dma_start3A_547 = tpu.memref_slice %arg13[%rem3A_532, %dma_start3A_545, %dma_start3A_546] : memref<4x1024x16xf32, #tpu.memory_space<vmem>> -> memref<1x1024x16xf32, #tpu.memory_space<vmem>>
      %dma_start3A_548 = tpu.memref_squeeze %dma_start3A_547 : memref<1x1024x16xf32, #tpu.memory_space<vmem>> -> memref<1024x16xf32, #tpu.memory_space<vmem>>
      %dma_start3A_549 = arith.constant 0 : i32
      %dma_start3A_550 = tpu.memref_slice %arg12[%sub3A_530, %dma_start3A_549] : memref<10x1024xi32, #tpu.memory_space<vmem>> -> memref<1x1024xi32, #tpu.memory_space<vmem>>
      %dma_start3A_551 = tpu.memref_squeeze %dma_start3A_550 : memref<1x1024xi32, #tpu.memory_space<vmem>> -> memref<1024xi32, #tpu.memory_space<vmem>>
      %dma_start3A_552 = arith.constant 0 : i32
      %dma_start3A_553 = arith.constant 0 : i32
      %dma_start3A_554 = tpu.memref_slice %arg15[%dma_start3A_552, %dma_start3A_553] : memref<10112x16xf32, #tpu.memory_space<vmem_shared>> -> memref<10112x16xf32, #tpu.memory_space<vmem_shared>>
      %dma_start3A_555 = tpu.memref_slice %arg18[%rem3A_532] : memref<4x!tpu.dma_semaphore, #tpu.memory_space<semaphore_mem>> -> memref<1x!tpu.dma_semaphore, #tpu.memory_space<semaphore_mem>>
      %dma_start3A_556 = tpu.memref_squeeze %dma_start3A_555 : memref<1x!tpu.dma_semaphore, #tpu.memory_space<semaphore_mem>> -> memref<!tpu.dma_semaphore, #tpu.memory_space<semaphore_mem>>
      tpu.enqueue_indirect_dma source(%dma_start3A_548 : memref<1024x16xf32, #tpu.memory_space<vmem>>) target(%dma_start3A_554 : memref<10112x16xf32, #tpu.memory_space<vmem_shared>>) offsets(%dma_start3A_551 : memref<1024xi32, #tpu.memory_space<vmem>>) semaphore(%dma_start3A_556 : memref<!tpu.dma_semaphore, #tpu.memory_space<semaphore_mem>>) {add = true}
      %scan3A_557 = arith.constant 0 : i32
      scf.yield %scan3A_557 : i32
    }
    %scan3A_371 = arith.constant 6 : i32
    %dma_wait3A_372 = arith.constant 8 : i32
    %dma_wait3A_373 = arith.constant 0 : i32
    %dma_wait3A_374 = arith.constant 0 : i32
    %dma_wait3A_375 = arith.constant 0 : i32
    %dma_wait3A_376 = arith.constant 0 : i32
    %dma_wait3A_377 = tpu.memref_slice %arg13[%dma_wait3A_373, %dma_wait3A_375, %dma_wait3A_376] : memref<4x1024x16xf32, #tpu.memory_space<vmem>> -> memref<1x1024x16xf32, #tpu.memory_space<vmem>>
    %dma_wait3A_378 = tpu.memref_squeeze %dma_wait3A_377 : memref<1x1024x16xf32, #tpu.memory_space<vmem>> -> memref<1024x16xf32, #tpu.memory_space<vmem>>
    %dma_wait3A_379 = arith.constant 0 : i32
    %dma_wait3A_380 = tpu.memref_slice %arg11[%dma_wait3A_372, %dma_wait3A_379] : memref<10x1024xi32, #tpu.memory_space<vmem>> -> memref<1x1024xi32, #tpu.memory_space<vmem>>
    %dma_wait3A_381 = tpu.memref_squeeze %dma_wait3A_380 : memref<1x1024xi32, #tpu.memory_space<vmem>> -> memref<1024xi32, #tpu.memory_space<vmem>>
    %dma_wait3A_382 = arith.constant 0 : i32
    %dma_wait3A_383 = arith.constant 0 : i32
    %dma_wait3A_384 = tpu.memref_slice %arg16[%dma_wait3A_382, %dma_wait3A_383] : memref<10112x16xf32, #tpu.memory_space<vmem_shared>> -> memref<10112x16xf32, #tpu.memory_space<vmem_shared>>
    %dma_wait3A_385 = tpu.memref_slice %arg17[%dma_wait3A_374] : memref<4x!tpu.dma_semaphore, #tpu.memory_space<semaphore_mem>> -> memref<1x!tpu.dma_semaphore, #tpu.memory_space<semaphore_mem>>
    %dma_wait3A_386 = tpu.memref_squeeze %dma_wait3A_385 : memref<1x!tpu.dma_semaphore, #tpu.memory_space<semaphore_mem>> -> memref<!tpu.dma_semaphore, #tpu.memory_space<semaphore_mem>>
    tpu.wait_indirect_dma semaphore(%dma_wait3A_386 : memref<!tpu.dma_semaphore, #tpu.memory_space<semaphore_mem>>) src(%dma_wait3A_384 : memref<10112x16xf32, #tpu.memory_space<vmem_shared>>) dst(%dma_wait3A_378 : memref<1024x16xf32, #tpu.memory_space<vmem>>)
    %dma_start3A_387 = arith.constant 0 : i32
    %dma_start3A_388 = arith.constant 8 : i32
    %dma_start3A_389 = arith.constant 0 : i32
    %dma_start3A_390 = arith.constant 0 : i32
    %dma_start3A_391 = arith.constant 0 : i32
    %dma_start3A_392 = tpu.memref_slice %arg13[%dma_start3A_387, %dma_start3A_390, %dma_start3A_391] : memref<4x1024x16xf32, #tpu.memory_space<vmem>> -> memref<1x1024x16xf32, #tpu.memory_space<vmem>>
    %dma_start3A_393 = tpu.memref_squeeze %dma_start3A_392 : memref<1x1024x16xf32, #tpu.memory_space<vmem>> -> memref<1024x16xf32, #tpu.memory_space<vmem>>
    %dma_start3A_394 = arith.constant 0 : i32
    %dma_start3A_395 = tpu.memref_slice %arg12[%dma_start3A_388, %dma_start3A_394] : memref<10x1024xi32, #tpu.memory_space<vmem>> -> memref<1x1024xi32, #tpu.memory_space<vmem>>
    %dma_start3A_396 = tpu.memref_squeeze %dma_start3A_395 : memref<1x1024xi32, #tpu.memory_space<vmem>> -> memref<1024xi32, #tpu.memory_space<vmem>>
    %dma_start3A_397 = arith.constant 0 : i32
    %dma_start3A_398 = arith.constant 0 : i32
    %dma_start3A_399 = tpu.memref_slice %arg15[%dma_start3A_397, %dma_start3A_398] : memref<10112x16xf32, #tpu.memory_space<vmem_shared>> -> memref<10112x16xf32, #tpu.memory_space<vmem_shared>>
    %dma_start3A_400 = tpu.memref_slice %arg18[%dma_start3A_389] : memref<4x!tpu.dma_semaphore, #tpu.memory_space<semaphore_mem>> -> memref<1x!tpu.dma_semaphore, #tpu.memory_space<semaphore_mem>>
    %dma_start3A_401 = tpu.memref_squeeze %dma_start3A_400 : memref<1x!tpu.dma_semaphore, #tpu.memory_space<semaphore_mem>> -> memref<!tpu.dma_semaphore, #tpu.memory_space<semaphore_mem>>
    tpu.enqueue_indirect_dma source(%dma_start3A_393 : memref<1024x16xf32, #tpu.memory_space<vmem>>) target(%dma_start3A_399 : memref<10112x16xf32, #tpu.memory_space<vmem_shared>>) offsets(%dma_start3A_396 : memref<1024xi32, #tpu.memory_space<vmem>>) semaphore(%dma_start3A_401 : memref<!tpu.dma_semaphore, #tpu.memory_space<semaphore_mem>>) {add = true}
    %dma_wait3A_402 = arith.constant 9 : i32
    %dma_wait3A_403 = arith.constant 1 : i32
    %dma_wait3A_404 = arith.constant 1 : i32
    %dma_wait3A_405 = arith.constant 0 : i32
    %dma_wait3A_406 = arith.constant 0 : i32
    %dma_wait3A_407 = tpu.memref_slice %arg13[%dma_wait3A_403, %dma_wait3A_405, %dma_wait3A_406] : memref<4x1024x16xf32, #tpu.memory_space<vmem>> -> memref<1x1024x16xf32, #tpu.memory_space<vmem>>
    %dma_wait3A_408 = tpu.memref_squeeze %dma_wait3A_407 : memref<1x1024x16xf32, #tpu.memory_space<vmem>> -> memref<1024x16xf32, #tpu.memory_space<vmem>>
    %dma_wait3A_409 = arith.constant 0 : i32
    %dma_wait3A_410 = tpu.memref_slice %arg11[%dma_wait3A_402, %dma_wait3A_409] : memref<10x1024xi32, #tpu.memory_space<vmem>> -> memref<1x1024xi32, #tpu.memory_space<vmem>>
    %dma_wait3A_411 = tpu.memref_squeeze %dma_wait3A_410 : memref<1x1024xi32, #tpu.memory_space<vmem>> -> memref<1024xi32, #tpu.memory_space<vmem>>
    %dma_wait3A_412 = arith.constant 0 : i32
    %dma_wait3A_413 = arith.constant 0 : i32
    %dma_wait3A_414 = tpu.memref_slice %arg16[%dma_wait3A_412, %dma_wait3A_413] : memref<10112x16xf32, #tpu.memory_space<vmem_shared>> -> memref<10112x16xf32, #tpu.memory_space<vmem_shared>>
    %dma_wait3A_415 = tpu.memref_slice %arg17[%dma_wait3A_404] : memref<4x!tpu.dma_semaphore, #tpu.memory_space<semaphore_mem>> -> memref<1x!tpu.dma_semaphore, #tpu.memory_space<semaphore_mem>>
    %dma_wait3A_416 = tpu.memref_squeeze %dma_wait3A_415 : memref<1x!tpu.dma_semaphore, #tpu.memory_space<semaphore_mem>> -> memref<!tpu.dma_semaphore, #tpu.memory_space<semaphore_mem>>
    tpu.wait_indirect_dma semaphore(%dma_wait3A_416 : memref<!tpu.dma_semaphore, #tpu.memory_space<semaphore_mem>>) src(%dma_wait3A_414 : memref<10112x16xf32, #tpu.memory_space<vmem_shared>>) dst(%dma_wait3A_408 : memref<1024x16xf32, #tpu.memory_space<vmem>>)
    %dma_start3A_417 = arith.constant 1 : i32
    %dma_start3A_418 = arith.constant 9 : i32
    %dma_start3A_419 = arith.constant 1 : i32
    %dma_start3A_420 = arith.constant 0 : i32
    %dma_start3A_421 = arith.constant 0 : i32
    %dma_start3A_422 = tpu.memref_slice %arg13[%dma_start3A_417, %dma_start3A_420, %dma_start3A_421] : memref<4x1024x16xf32, #tpu.memory_space<vmem>> -> memref<1x1024x16xf32, #tpu.memory_space<vmem>>
    %dma_start3A_423 = tpu.memref_squeeze %dma_start3A_422 : memref<1x1024x16xf32, #tpu.memory_space<vmem>> -> memref<1024x16xf32, #tpu.memory_space<vmem>>
    %dma_start3A_424 = arith.constant 0 : i32
    %dma_start3A_425 = tpu.memref_slice %arg12[%dma_start3A_418, %dma_start3A_424] : memref<10x1024xi32, #tpu.memory_space<vmem>> -> memref<1x1024xi32, #tpu.memory_space<vmem>>
    %dma_start3A_426 = tpu.memref_squeeze %dma_start3A_425 : memref<1x1024xi32, #tpu.memory_space<vmem>> -> memref<1024xi32, #tpu.memory_space<vmem>>
    %dma_start3A_427 = arith.constant 0 : i32
    %dma_start3A_428 = arith.constant 0 : i32
    %dma_start3A_429 = tpu.memref_slice %arg15[%dma_start3A_427, %dma_start3A_428] : memref<10112x16xf32, #tpu.memory_space<vmem_shared>> -> memref<10112x16xf32, #tpu.memory_space<vmem_shared>>
    %dma_start3A_430 = tpu.memref_slice %arg18[%dma_start3A_419] : memref<4x!tpu.dma_semaphore, #tpu.memory_space<semaphore_mem>> -> memref<1x!tpu.dma_semaphore, #tpu.memory_space<semaphore_mem>>
    %dma_start3A_431 = tpu.memref_squeeze %dma_start3A_430 : memref<1x!tpu.dma_semaphore, #tpu.memory_space<semaphore_mem>> -> memref<!tpu.dma_semaphore, #tpu.memory_space<semaphore_mem>>
    tpu.enqueue_indirect_dma source(%dma_start3A_423 : memref<1024x16xf32, #tpu.memory_space<vmem>>) target(%dma_start3A_429 : memref<10112x16xf32, #tpu.memory_space<vmem_shared>>) offsets(%dma_start3A_426 : memref<1024xi32, #tpu.memory_space<vmem>>) semaphore(%dma_start3A_431 : memref<!tpu.dma_semaphore, #tpu.memory_space<semaphore_mem>>) {add = true}
    %dma_wait3A_432 = arith.constant 0 : i32
    %dma_wait3A_433 = arith.constant 0 : i32
    %dma_wait3A_434 = arith.constant 2 : i32
    %dma_wait3A_435 = arith.constant 0 : i32
    %dma_wait3A_436 = arith.constant 0 : i32
    %dma_wait3A_437 = tpu.memref_slice %arg13[%dma_wait3A_432, %dma_wait3A_435, %dma_wait3A_436] : memref<4x1024x16xf32, #tpu.memory_space<vmem>> -> memref<1x1024x16xf32, #tpu.memory_space<vmem>>
    %dma_wait3A_438 = tpu.memref_squeeze %dma_wait3A_437 : memref<1x1024x16xf32, #tpu.memory_space<vmem>> -> memref<1024x16xf32, #tpu.memory_space<vmem>>
    %dma_wait3A_439 = arith.constant 0 : i32
    %dma_wait3A_440 = tpu.memref_slice %arg12[%dma_wait3A_433, %dma_wait3A_439] : memref<10x1024xi32, #tpu.memory_space<vmem>> -> memref<1x1024xi32, #tpu.memory_space<vmem>>
    %dma_wait3A_441 = tpu.memref_squeeze %dma_wait3A_440 : memref<1x1024xi32, #tpu.memory_space<vmem>> -> memref<1024xi32, #tpu.memory_space<vmem>>
    %dma_wait3A_442 = arith.constant 0 : i32
    %dma_wait3A_443 = arith.constant 0 : i32
    %dma_wait3A_444 = tpu.memref_slice %arg15[%dma_wait3A_442, %dma_wait3A_443] : memref<10112x16xf32, #tpu.memory_space<vmem_shared>> -> memref<10112x16xf32, #tpu.memory_space<vmem_shared>>
    %dma_wait3A_445 = tpu.memref_slice %arg18[%dma_wait3A_434] : memref<4x!tpu.dma_semaphore, #tpu.memory_space<semaphore_mem>> -> memref<1x!tpu.dma_semaphore, #tpu.memory_space<semaphore_mem>>
    %dma_wait3A_446 = tpu.memref_squeeze %dma_wait3A_445 : memref<1x!tpu.dma_semaphore, #tpu.memory_space<semaphore_mem>> -> memref<!tpu.dma_semaphore, #tpu.memory_space<semaphore_mem>>
    tpu.wait_indirect_dma semaphore(%dma_wait3A_446 : memref<!tpu.dma_semaphore, #tpu.memory_space<semaphore_mem>>) src(%dma_wait3A_438 : memref<1024x16xf32, #tpu.memory_space<vmem>>) dst(%dma_wait3A_444 : memref<10112x16xf32, #tpu.memory_space<vmem_shared>>)
    %dma_wait3A_447 = arith.constant 0 : i32
    %dma_wait3A_448 = arith.constant 0 : i32
    %dma_wait3A_449 = arith.constant 3 : i32
    %dma_wait3A_450 = arith.constant 0 : i32
    %dma_wait3A_451 = arith.constant 0 : i32
    %dma_wait3A_452 = tpu.memref_slice %arg13[%dma_wait3A_447, %dma_wait3A_450, %dma_wait3A_451] : memref<4x1024x16xf32, #tpu.memory_space<vmem>> -> memref<1x1024x16xf32, #tpu.memory_space<vmem>>
    %dma_wait3A_453 = tpu.memref_squeeze %dma_wait3A_452 : memref<1x1024x16xf32, #tpu.memory_space<vmem>> -> memref<1024x16xf32, #tpu.memory_space<vmem>>
    %dma_wait3A_454 = arith.constant 0 : i32
    %dma_wait3A_455 = tpu.memref_slice %arg12[%dma_wait3A_448, %dma_wait3A_454] : memref<10x1024xi32, #tpu.memory_space<vmem>> -> memref<1x1024xi32, #tpu.memory_space<vmem>>
    %dma_wait3A_456 = tpu.memref_squeeze %dma_wait3A_455 : memref<1x1024xi32, #tpu.memory_space<vmem>> -> memref<1024xi32, #tpu.memory_space<vmem>>
    %dma_wait3A_457 = arith.constant 0 : i32
    %dma_wait3A_458 = arith.constant 0 : i32
    %dma_wait3A_459 = tpu.memref_slice %arg15[%dma_wait3A_457, %dma_wait3A_458] : memref<10112x16xf32, #tpu.memory_space<vmem_shared>> -> memref<10112x16xf32, #tpu.memory_space<vmem_shared>>
    %dma_wait3A_460 = tpu.memref_slice %arg18[%dma_wait3A_449] : memref<4x!tpu.dma_semaphore, #tpu.memory_space<semaphore_mem>> -> memref<1x!tpu.dma_semaphore, #tpu.memory_space<semaphore_mem>>
    %dma_wait3A_461 = tpu.memref_squeeze %dma_wait3A_460 : memref<1x!tpu.dma_semaphore, #tpu.memory_space<semaphore_mem>> -> memref<!tpu.dma_semaphore, #tpu.memory_space<semaphore_mem>>
    tpu.wait_indirect_dma semaphore(%dma_wait3A_461 : memref<!tpu.dma_semaphore, #tpu.memory_space<semaphore_mem>>) src(%dma_wait3A_453 : memref<1024x16xf32, #tpu.memory_space<vmem>>) dst(%dma_wait3A_459 : memref<10112x16xf32, #tpu.memory_space<vmem_shared>>)
    %dma_wait3A_462 = arith.constant 0 : i32
    %dma_wait3A_463 = arith.constant 0 : i32
    %dma_wait3A_464 = arith.constant 0 : i32
    %dma_wait3A_465 = arith.constant 0 : i32
    %dma_wait3A_466 = arith.constant 0 : i32
    %dma_wait3A_467 = tpu.memref_slice %arg13[%dma_wait3A_462, %dma_wait3A_465, %dma_wait3A_466] : memref<4x1024x16xf32, #tpu.memory_space<vmem>> -> memref<1x1024x16xf32, #tpu.memory_space<vmem>>
    %dma_wait3A_468 = tpu.memref_squeeze %dma_wait3A_467 : memref<1x1024x16xf32, #tpu.memory_space<vmem>> -> memref<1024x16xf32, #tpu.memory_space<vmem>>
    %dma_wait3A_469 = arith.constant 0 : i32
    %dma_wait3A_470 = tpu.memref_slice %arg12[%dma_wait3A_463, %dma_wait3A_469] : memref<10x1024xi32, #tpu.memory_space<vmem>> -> memref<1x1024xi32, #tpu.memory_space<vmem>>
    %dma_wait3A_471 = tpu.memref_squeeze %dma_wait3A_470 : memref<1x1024xi32, #tpu.memory_space<vmem>> -> memref<1024xi32, #tpu.memory_space<vmem>>
    %dma_wait3A_472 = arith.constant 0 : i32
    %dma_wait3A_473 = arith.constant 0 : i32
    %dma_wait3A_474 = tpu.memref_slice %arg15[%dma_wait3A_472, %dma_wait3A_473] : memref<10112x16xf32, #tpu.memory_space<vmem_shared>> -> memref<10112x16xf32, #tpu.memory_space<vmem_shared>>
    %dma_wait3A_475 = tpu.memref_slice %arg18[%dma_wait3A_464] : memref<4x!tpu.dma_semaphore, #tpu.memory_space<semaphore_mem>> -> memref<1x!tpu.dma_semaphore, #tpu.memory_space<semaphore_mem>>
    %dma_wait3A_476 = tpu.memref_squeeze %dma_wait3A_475 : memref<1x!tpu.dma_semaphore, #tpu.memory_space<semaphore_mem>> -> memref<!tpu.dma_semaphore, #tpu.memory_space<semaphore_mem>>
    tpu.wait_indirect_dma semaphore(%dma_wait3A_476 : memref<!tpu.dma_semaphore, #tpu.memory_space<semaphore_mem>>) src(%dma_wait3A_468 : memref<1024x16xf32, #tpu.memory_space<vmem>>) dst(%dma_wait3A_474 : memref<10112x16xf32, #tpu.memory_space<vmem_shared>>)
    %dma_wait3A_477 = arith.constant 0 : i32
    %dma_wait3A_478 = arith.constant 0 : i32
    %dma_wait3A_479 = arith.constant 1 : i32
    %dma_wait3A_480 = arith.constant 0 : i32
    %dma_wait3A_481 = arith.constant 0 : i32
    %dma_wait3A_482 = tpu.memref_slice %arg13[%dma_wait3A_477, %dma_wait3A_480, %dma_wait3A_481] : memref<4x1024x16xf32, #tpu.memory_space<vmem>> -> memref<1x1024x16xf32, #tpu.memory_space<vmem>>
    %dma_wait3A_483 = tpu.memref_squeeze %dma_wait3A_482 : memref<1x1024x16xf32, #tpu.memory_space<vmem>> -> memref<1024x16xf32, #tpu.memory_space<vmem>>
    %dma_wait3A_484 = arith.constant 0 : i32
    %dma_wait3A_485 = tpu.memref_slice %arg12[%dma_wait3A_478, %dma_wait3A_484] : memref<10x1024xi32, #tpu.memory_space<vmem>> -> memref<1x1024xi32, #tpu.memory_space<vmem>>
    %dma_wait3A_486 = tpu.memref_squeeze %dma_wait3A_485 : memref<1x1024xi32, #tpu.memory_space<vmem>> -> memref<1024xi32, #tpu.memory_space<vmem>>
    %dma_wait3A_487 = arith.constant 0 : i32
    %dma_wait3A_488 = arith.constant 0 : i32
    %dma_wait3A_489 = tpu.memref_slice %arg15[%dma_wait3A_487, %dma_wait3A_488] : memref<10112x16xf32, #tpu.memory_space<vmem_shared>> -> memref<10112x16xf32, #tpu.memory_space<vmem_shared>>
    %dma_wait3A_490 = tpu.memref_slice %arg18[%dma_wait3A_479] : memref<4x!tpu.dma_semaphore, #tpu.memory_space<semaphore_mem>> -> memref<1x!tpu.dma_semaphore, #tpu.memory_space<semaphore_mem>>
    %dma_wait3A_491 = tpu.memref_squeeze %dma_wait3A_490 : memref<1x!tpu.dma_semaphore, #tpu.memory_space<semaphore_mem>> -> memref<!tpu.dma_semaphore, #tpu.memory_space<semaphore_mem>>
    tpu.wait_indirect_dma semaphore(%dma_wait3A_491 : memref<!tpu.dma_semaphore, #tpu.memory_space<semaphore_mem>>) src(%dma_wait3A_483 : memref<1024x16xf32, #tpu.memory_space<vmem>>) dst(%dma_wait3A_489 : memref<10112x16xf32, #tpu.memory_space<vmem_shared>>)
    %barrier3A_492 = arith.constant 0 : index
    tpu.barrier barrier_id(%barrier3A_492)
    %mul3A_493 = arith.constant 632 : i32
    %mul3A_494 = arith.muli %arg1, %mul3A_493 : i32
    %mul3A_495 = arith.constant 632 : i32
    %mul3A_496 = arith.muli %arg1, %mul3A_495 : i32
    "tpu.region"() ({
      %run_scoped3A = tpu.sem_alloc : memref<!tpu.dma_semaphore, #tpu.memory_space<semaphore_mem>>
      %dma_start3A_497 = arith.constant 0 : i32
      %dma_start3A_498 = tpu.memref_slice %arg9[%arg0, %mul3A_496, %dma_start3A_497] : memref<2x10112x16xf32, #tpu.memory_space<hbm>> -> memref<1x632x16xf32, #tpu.memory_space<hbm>>
      %dma_start3A_499 = tpu.memref_squeeze %dma_start3A_498 : memref<1x632x16xf32, #tpu.memory_space<hbm>> -> memref<632x16xf32, #tpu.memory_space<hbm>>
      %dma_start3A_500 = arith.constant 0 : i32
      %dma_start3A_501 = tpu.memref_slice %arg15[%mul3A_494, %dma_start3A_500] : memref<10112x16xf32, #tpu.memory_space<vmem_shared>> -> memref<632x16xf32, #tpu.memory_space<vmem_shared>>
      tpu.enqueue_dma source(%dma_start3A_501 : memref<632x16xf32, #tpu.memory_space<vmem_shared>>) target(%dma_start3A_499 : memref<632x16xf32, #tpu.memory_space<hbm>>) target_semaphore(%run_scoped3A : memref<!tpu.dma_semaphore, #tpu.memory_space<semaphore_mem>>)
      %dma_wait3A_502 = arith.constant 0 : i32
      %dma_wait3A_503 = tpu.memref_slice %arg9[%arg0, %mul3A_496, %dma_wait3A_502] : memref<2x10112x16xf32, #tpu.memory_space<hbm>> -> memref<1x632x16xf32, #tpu.memory_space<hbm>>
      %dma_wait3A_504 = tpu.memref_squeeze %dma_wait3A_503 : memref<1x632x16xf32, #tpu.memory_space<hbm>> -> memref<632x16xf32, #tpu.memory_space<hbm>>
      %dma_wait3A_505 = arith.constant 0 : i32
      %dma_wait3A_506 = tpu.memref_slice %arg15[%mul3A_494, %dma_wait3A_505] : memref<10112x16xf32, #tpu.memory_space<vmem_shared>> -> memref<632x16xf32, #tpu.memory_space<vmem_shared>>
      tpu.wait_dma2 semaphore(%run_scoped3A : memref<!tpu.dma_semaphore, #tpu.memory_space<semaphore_mem>>) src(%dma_wait3A_506 : memref<632x16xf32, #tpu.memory_space<vmem_shared>>) dst(%dma_wait3A_504 : memref<632x16xf32, #tpu.memory_space<hbm>>)
      tpu.yield
    }) : () -> ()
    return
  }
}

#map = affine_map<(d0, d1) -> (0, 0, 0)>
#map1 = affine_map<(d0, d1) -> (0, 0)>
module attributes {stable_mosaic.version = 14 : i64} {
  func.func @k(%arg0: i32, %arg1: i32, %arg2: memref<32x10x1024xi32, #tpu.memory_space<hbm>>, %arg3: memref<32x10x1024xi32, #tpu.memory_space<hbm>>, %arg4: memref<10112x16xf32, #tpu.memory_space<hbm>>, %arg5: memref<2x10112x16xf32, #tpu.memory_space<hbm>>, %arg6: memref<10112x16xf32, #tpu.memory_space<hbm>>, %arg7: memref<2x10112x16xf32, #tpu.memory_space<hbm>>, %arg8: memref<10112x16xf32, #tpu.memory_space<hbm>>, %arg9: memref<10112x16xf32, #tpu.memory_space<hbm>>, %arg10: memref<10x1024xi32, #tpu.memory_space<vmem>>, %arg11: memref<10x1024xi32, #tpu.memory_space<vmem>>, %arg12: memref<4x1024x16xf32, #tpu.memory_space<vmem>>, %arg13: memref<16xf32, #tpu.memory_space<vmem>>, %arg14: memref<10112x16xf32, #tpu.memory_space<vmem_shared>>, %arg15: memref<10112x16xf32, #tpu.memory_space<vmem_shared>>, %arg16: memref<4x!tpu.dma_semaphore, #tpu.memory_space<semaphore_mem>>, %arg17: memref<4x!tpu.dma_semaphore, #tpu.memory_space<semaphore_mem>>) attributes {dimension_semantics = [#tpu.dimension_semantics<core_parallel>, #tpu.dimension_semantics<subcore_parallel>], iteration_bounds = array<i64: 2, 16>, scalar_prefetch = 0 : i64, scratch_operands = 8 : i64, tpu.core_type = #tpu.core_type<sc_vector_subcore>, window_params = [{transform_indices = #map}, {transform_indices = #map}, {transform_indices = #map1}, {transform_indices = #map}, {transform_indices = #map1}, {transform_indices = #map}, {transform_indices = #map1}, {transform_indices = #map1}]} {
    %mul3A = arith.constant 2 : i32
    %mul3A_0 = arith.muli %arg1, %mul3A : i32
    %add3A = arith.addi %mul3A_0, %arg0 : i32
    %mul3A_1 = arith.constant 632 : i32
    %mul3A_2 = arith.muli %arg1, %mul3A_1 : i32
    %dma_start3A = arith.constant 0 : i32
    %dma_start3A_3 = tpu.memref_slice %arg16[%dma_start3A] : memref<4x!tpu.dma_semaphore, #tpu.memory_space<semaphore_mem>> -> memref<1x!tpu.dma_semaphore, #tpu.memory_space<semaphore_mem>>
    %dma_start3A_4 = tpu.memref_squeeze %dma_start3A_3 : memref<1x!tpu.dma_semaphore, #tpu.memory_space<semaphore_mem>> -> memref<!tpu.dma_semaphore, #tpu.memory_space<semaphore_mem>>
    %dma_start3A_5 = arith.constant 0 : i32
    %dma_start3A_6 = tpu.memref_slice %arg14[%mul3A_2, %dma_start3A_5] : memref<10112x16xf32, #tpu.memory_space<vmem_shared>> -> memref<632x16xf32, #tpu.memory_space<vmem_shared>>
    %dma_start3A_7 = arith.constant 0 : i32
    %dma_start3A_8 = tpu.memref_slice %arg6[%mul3A_2, %dma_start3A_7] : memref<10112x16xf32, #tpu.memory_space<hbm>> -> memref<632x16xf32, #tpu.memory_space<hbm>>
    tpu.enqueue_dma source(%dma_start3A_8 : memref<632x16xf32, #tpu.memory_space<hbm>>) target(%dma_start3A_6 : memref<632x16xf32, #tpu.memory_space<vmem_shared>>) target_semaphore(%dma_start3A_4 : memref<!tpu.dma_semaphore, #tpu.memory_space<semaphore_mem>>)
    %dma_start3A_9 = arith.constant 1 : i32
    %dma_start3A_10 = arith.constant 0 : i32
    %dma_start3A_11 = arith.constant 0 : i32
    %dma_start3A_12 = tpu.memref_slice %arg2[%add3A, %dma_start3A_10, %dma_start3A_11] : memref<32x10x1024xi32, #tpu.memory_space<hbm>> -> memref<1x10x1024xi32, #tpu.memory_space<hbm>>
    %dma_start3A_13 = tpu.memref_squeeze %dma_start3A_12 : memref<1x10x1024xi32, #tpu.memory_space<hbm>> -> memref<10x1024xi32, #tpu.memory_space<hbm>>
    %dma_start3A_14 = tpu.memref_slice %arg16[%dma_start3A_9] : memref<4x!tpu.dma_semaphore, #tpu.memory_space<semaphore_mem>> -> memref<1x!tpu.dma_semaphore, #tpu.memory_space<semaphore_mem>>
    %dma_start3A_15 = tpu.memref_squeeze %dma_start3A_14 : memref<1x!tpu.dma_semaphore, #tpu.memory_space<semaphore_mem>> -> memref<!tpu.dma_semaphore, #tpu.memory_space<semaphore_mem>>
    %dma_start3A_16 = arith.constant 0 : i32
    %dma_start3A_17 = arith.constant 0 : i32
    %dma_start3A_18 = tpu.memref_slice %arg2[%add3A, %dma_start3A_16, %dma_start3A_17] : memref<32x10x1024xi32, #tpu.memory_space<hbm>> -> memref<1x10x1024xi32, #tpu.memory_space<hbm>>
    %dma_start3A_19 = tpu.memref_squeeze %dma_start3A_18 : memref<1x10x1024xi32, #tpu.memory_space<hbm>> -> memref<10x1024xi32, #tpu.memory_space<hbm>>
    tpu.enqueue_dma source(%dma_start3A_19 : memref<10x1024xi32, #tpu.memory_space<hbm>>) target(%arg10 : memref<10x1024xi32, #tpu.memory_space<vmem>>) target_semaphore(%dma_start3A_15 : memref<!tpu.dma_semaphore, #tpu.memory_space<semaphore_mem>>)
    %dma_start3A_20 = arith.constant 2 : i32
    %dma_start3A_21 = arith.constant 0 : i32
    %dma_start3A_22 = arith.constant 0 : i32
    %dma_start3A_23 = tpu.memref_slice %arg3[%add3A, %dma_start3A_21, %dma_start3A_22] : memref<32x10x1024xi32, #tpu.memory_space<hbm>> -> memref<1x10x1024xi32, #tpu.memory_space<hbm>>
    %dma_start3A_24 = tpu.memref_squeeze %dma_start3A_23 : memref<1x10x1024xi32, #tpu.memory_space<hbm>> -> memref<10x1024xi32, #tpu.memory_space<hbm>>
    %dma_start3A_25 = tpu.memref_slice %arg16[%dma_start3A_20] : memref<4x!tpu.dma_semaphore, #tpu.memory_space<semaphore_mem>> -> memref<1x!tpu.dma_semaphore, #tpu.memory_space<semaphore_mem>>
    %dma_start3A_26 = tpu.memref_squeeze %dma_start3A_25 : memref<1x!tpu.dma_semaphore, #tpu.memory_space<semaphore_mem>> -> memref<!tpu.dma_semaphore, #tpu.memory_space<semaphore_mem>>
    %dma_start3A_27 = arith.constant 0 : i32
    %dma_start3A_28 = arith.constant 0 : i32
    %dma_start3A_29 = tpu.memref_slice %arg3[%add3A, %dma_start3A_27, %dma_start3A_28] : memref<32x10x1024xi32, #tpu.memory_space<hbm>> -> memref<1x10x1024xi32, #tpu.memory_space<hbm>>
    %dma_start3A_30 = tpu.memref_squeeze %dma_start3A_29 : memref<1x10x1024xi32, #tpu.memory_space<hbm>> -> memref<10x1024xi32, #tpu.memory_space<hbm>>
    tpu.enqueue_dma source(%dma_start3A_30 : memref<10x1024xi32, #tpu.memory_space<hbm>>) target(%arg11 : memref<10x1024xi32, #tpu.memory_space<vmem>>) target_semaphore(%dma_start3A_26 : memref<!tpu.dma_semaphore, #tpu.memory_space<semaphore_mem>>)
    %dma_start3A_31 = arith.constant 0 : i32
    %dma_start3A_32 = arith.constant 3 : i32
    %dma_start3A_33 = arith.constant 0 : i32
    %dma_start3A_34 = arith.constant 0 : i32
    %dma_start3A_35 = tpu.memref_slice %arg12[%dma_start3A_31, %dma_start3A_33, %dma_start3A_34] : memref<4x1024x16xf32, #tpu.memory_space<vmem>> -> memref<1x632x16xf32, #tpu.memory_space<vmem>>
    %dma_start3A_36 = tpu.memref_squeeze %dma_start3A_35 : memref<1x632x16xf32, #tpu.memory_space<vmem>> -> memref<632x16xf32, #tpu.memory_space<vmem>>
    %dma_start3A_37 = arith.constant 0 : i32
    %dma_start3A_38 = tpu.memref_slice %arg4[%mul3A_2, %dma_start3A_37] : memref<10112x16xf32, #tpu.memory_space<hbm>> -> memref<632x16xf32, #tpu.memory_space<hbm>>
    %dma_start3A_39 = tpu.memref_slice %arg16[%dma_start3A_32] : memref<4x!tpu.dma_semaphore, #tpu.memory_space<semaphore_mem>> -> memref<1x!tpu.dma_semaphore, #tpu.memory_space<semaphore_mem>>
    %dma_start3A_40 = tpu.memref_squeeze %dma_start3A_39 : memref<1x!tpu.dma_semaphore, #tpu.memory_space<semaphore_mem>> -> memref<!tpu.dma_semaphore, #tpu.memory_space<semaphore_mem>>
    %dma_start3A_41 = arith.constant 0 : i32
    %dma_start3A_42 = arith.constant 0 : i32
    %dma_start3A_43 = tpu.memref_slice %arg12[%dma_start3A_31, %dma_start3A_41, %dma_start3A_42] : memref<4x1024x16xf32, #tpu.memory_space<vmem>> -> memref<1x632x16xf32, #tpu.memory_space<vmem>>
    %dma_start3A_44 = tpu.memref_squeeze %dma_start3A_43 : memref<1x632x16xf32, #tpu.memory_space<vmem>> -> memref<632x16xf32, #tpu.memory_space<vmem>>
    %dma_start3A_45 = arith.constant 0 : i32
    %dma_start3A_46 = tpu.memref_slice %arg4[%mul3A_2, %dma_start3A_45] : memref<10112x16xf32, #tpu.memory_space<hbm>> -> memref<632x16xf32, #tpu.memory_space<hbm>>
    tpu.enqueue_dma source(%dma_start3A_46 : memref<632x16xf32, #tpu.memory_space<hbm>>) target(%dma_start3A_44 : memref<632x16xf32, #tpu.memory_space<vmem>>) target_semaphore(%dma_start3A_40 : memref<!tpu.dma_semaphore, #tpu.memory_space<semaphore_mem>>)
    %dma_start3A_47 = arith.constant 0 : i32
    %dma_start3A_48 = arith.constant 1 : i32
    %dma_start3A_49 = arith.constant 0 : i32
    %dma_start3A_50 = arith.constant 0 : i32
    %dma_start3A_51 = arith.constant 0 : i32
    %dma_start3A_52 = tpu.memref_slice %arg12[%dma_start3A_48, %dma_start3A_50, %dma_start3A_51] : memref<4x1024x16xf32, #tpu.memory_space<vmem>> -> memref<1x632x16xf32, #tpu.memory_space<vmem>>
    %dma_start3A_53 = tpu.memref_squeeze %dma_start3A_52 : memref<1x632x16xf32, #tpu.memory_space<vmem>> -> memref<632x16xf32, #tpu.memory_space<vmem>>
    %dma_start3A_54 = arith.constant 0 : i32
    %dma_start3A_55 = tpu.memref_slice %arg5[%dma_start3A_47, %mul3A_2, %dma_start3A_54] : memref<2x10112x16xf32, #tpu.memory_space<hbm>> -> memref<1x632x16xf32, #tpu.memory_space<hbm>>
    %dma_start3A_56 = tpu.memref_squeeze %dma_start3A_55 : memref<1x632x16xf32, #tpu.memory_space<hbm>> -> memref<632x16xf32, #tpu.memory_space<hbm>>
    %dma_start3A_57 = tpu.memref_slice %arg16[%dma_start3A_49] : memref<4x!tpu.dma_semaphore, #tpu.memory_space<semaphore_mem>> -> memref<1x!tpu.dma_semaphore, #tpu.memory_space<semaphore_mem>>
    %dma_start3A_58 = tpu.memref_squeeze %dma_start3A_57 : memref<1x!tpu.dma_semaphore, #tpu.memory_space<semaphore_mem>> -> memref<!tpu.dma_semaphore, #tpu.memory_space<semaphore_mem>>
    %dma_start3A_59 = arith.constant 0 : i32
    %dma_start3A_60 = arith.constant 0 : i32
    %dma_start3A_61 = tpu.memref_slice %arg12[%dma_start3A_48, %dma_start3A_59, %dma_start3A_60] : memref<4x1024x16xf32, #tpu.memory_space<vmem>> -> memref<1x632x16xf32, #tpu.memory_space<vmem>>
    %dma_start3A_62 = tpu.memref_squeeze %dma_start3A_61 : memref<1x632x16xf32, #tpu.memory_space<vmem>> -> memref<632x16xf32, #tpu.memory_space<vmem>>
    %dma_start3A_63 = arith.constant 0 : i32
    %dma_start3A_64 = tpu.memref_slice %arg5[%dma_start3A_47, %mul3A_2, %dma_start3A_63] : memref<2x10112x16xf32, #tpu.memory_space<hbm>> -> memref<1x632x16xf32, #tpu.memory_space<hbm>>
    %dma_start3A_65 = tpu.memref_squeeze %dma_start3A_64 : memref<1x632x16xf32, #tpu.memory_space<hbm>> -> memref<632x16xf32, #tpu.memory_space<hbm>>
    tpu.enqueue_dma source(%dma_start3A_65 : memref<632x16xf32, #tpu.memory_space<hbm>>) target(%dma_start3A_62 : memref<632x16xf32, #tpu.memory_space<vmem>>) target_semaphore(%dma_start3A_58 : memref<!tpu.dma_semaphore, #tpu.memory_space<semaphore_mem>>)
    %dma_start3A_66 = arith.constant 1 : i32
    %dma_start3A_67 = arith.constant 2 : i32
    %dma_start3A_68 = arith.constant 1 : i32
    %dma_start3A_69 = arith.constant 0 : i32
    %dma_start3A_70 = arith.constant 0 : i32
    %dma_start3A_71 = tpu.memref_slice %arg12[%dma_start3A_67, %dma_start3A_69, %dma_start3A_70] : memref<4x1024x16xf32, #tpu.memory_space<vmem>> -> memref<1x632x16xf32, #tpu.memory_space<vmem>>
    %dma_start3A_72 = tpu.memref_squeeze %dma_start3A_71 : memref<1x632x16xf32, #tpu.memory_space<vmem>> -> memref<632x16xf32, #tpu.memory_space<vmem>>
    %dma_start3A_73 = arith.constant 0 : i32
    %dma_start3A_74 = tpu.memref_slice %arg5[%dma_start3A_66, %mul3A_2, %dma_start3A_73] : memref<2x10112x16xf32, #tpu.memory_space<hbm>> -> memref<1x632x16xf32, #tpu.memory_space<hbm>>
    %dma_start3A_75 = tpu.memref_squeeze %dma_start3A_74 : memref<1x632x16xf32, #tpu.memory_space<hbm>> -> memref<632x16xf32, #tpu.memory_space<hbm>>
    %dma_start3A_76 = tpu.memref_slice %arg16[%dma_start3A_68] : memref<4x!tpu.dma_semaphore, #tpu.memory_space<semaphore_mem>> -> memref<1x!tpu.dma_semaphore, #tpu.memory_space<semaphore_mem>>
    %dma_start3A_77 = tpu.memref_squeeze %dma_start3A_76 : memref<1x!tpu.dma_semaphore, #tpu.memory_space<semaphore_mem>> -> memref<!tpu.dma_semaphore, #tpu.memory_space<semaphore_mem>>
    %dma_start3A_78 = arith.constant 0 : i32
    %dma_start3A_79 = arith.constant 0 : i32
    %dma_start3A_80 = tpu.memref_slice %arg12[%dma_start3A_67, %dma_start3A_78, %dma_start3A_79] : memref<4x1024x16xf32, #tpu.memory_space<vmem>> -> memref<1x632x16xf32, #tpu.memory_space<vmem>>
    %dma_start3A_81 = tpu.memref_squeeze %dma_start3A_80 : memref<1x632x16xf32, #tpu.memory_space<vmem>> -> memref<632x16xf32, #tpu.memory_space<vmem>>
    %dma_start3A_82 = arith.constant 0 : i32
    %dma_start3A_83 = tpu.memref_slice %arg5[%dma_start3A_66, %mul3A_2, %dma_start3A_82] : memref<2x10112x16xf32, #tpu.memory_space<hbm>> -> memref<1x632x16xf32, #tpu.memory_space<hbm>>
    %dma_start3A_84 = tpu.memref_squeeze %dma_start3A_83 : memref<1x632x16xf32, #tpu.memory_space<hbm>> -> memref<632x16xf32, #tpu.memory_space<hbm>>
    tpu.enqueue_dma source(%dma_start3A_84 : memref<632x16xf32, #tpu.memory_space<hbm>>) target(%dma_start3A_81 : memref<632x16xf32, #tpu.memory_space<vmem>>) target_semaphore(%dma_start3A_77 : memref<!tpu.dma_semaphore, #tpu.memory_space<semaphore_mem>>)
    %dma_wait3A = arith.constant 0 : i32
    %dma_wait3A_85 = tpu.memref_slice %arg16[%dma_wait3A] : memref<4x!tpu.dma_semaphore, #tpu.memory_space<semaphore_mem>> -> memref<1x!tpu.dma_semaphore, #tpu.memory_space<semaphore_mem>>
    %dma_wait3A_86 = tpu.memref_squeeze %dma_wait3A_85 : memref<1x!tpu.dma_semaphore, #tpu.memory_space<semaphore_mem>> -> memref<!tpu.dma_semaphore, #tpu.memory_space<semaphore_mem>>
    %dma_wait3A_87 = arith.constant 0 : i32
    %dma_wait3A_88 = tpu.memref_slice %arg14[%mul3A_2, %dma_wait3A_87] : memref<10112x16xf32, #tpu.memory_space<vmem_shared>> -> memref<632x16xf32, #tpu.memory_space<vmem_shared>>
    %dma_wait3A_89 = arith.constant 0 : i32
    %dma_wait3A_90 = tpu.memref_slice %arg6[%mul3A_2, %dma_wait3A_89] : memref<10112x16xf32, #tpu.memory_space<hbm>> -> memref<632x16xf32, #tpu.memory_space<hbm>>
    tpu.wait_dma2 semaphore(%dma_wait3A_86 : memref<!tpu.dma_semaphore, #tpu.memory_space<semaphore_mem>>) src(%dma_wait3A_90 : memref<632x16xf32, #tpu.memory_space<hbm>>) dst(%dma_wait3A_88 : memref<632x16xf32, #tpu.memory_space<vmem_shared>>)
    %dma_wait3A_91 = arith.constant 1 : i32
    %dma_wait3A_92 = arith.constant 0 : i32
    %dma_wait3A_93 = arith.constant 0 : i32
    %dma_wait3A_94 = tpu.memref_slice %arg2[%add3A, %dma_wait3A_92, %dma_wait3A_93] : memref<32x10x1024xi32, #tpu.memory_space<hbm>> -> memref<1x10x1024xi32, #tpu.memory_space<hbm>>
    %dma_wait3A_95 = tpu.memref_squeeze %dma_wait3A_94 : memref<1x10x1024xi32, #tpu.memory_space<hbm>> -> memref<10x1024xi32, #tpu.memory_space<hbm>>
    %dma_wait3A_96 = tpu.memref_slice %arg16[%dma_wait3A_91] : memref<4x!tpu.dma_semaphore, #tpu.memory_space<semaphore_mem>> -> memref<1x!tpu.dma_semaphore, #tpu.memory_space<semaphore_mem>>
    %dma_wait3A_97 = tpu.memref_squeeze %dma_wait3A_96 : memref<1x!tpu.dma_semaphore, #tpu.memory_space<semaphore_mem>> -> memref<!tpu.dma_semaphore, #tpu.memory_space<semaphore_mem>>
    %dma_wait3A_98 = arith.constant 0 : i32
    %dma_wait3A_99 = arith.constant 0 : i32
    %dma_wait3A_100 = tpu.memref_slice %arg2[%add3A, %dma_wait3A_98, %dma_wait3A_99] : memref<32x10x1024xi32, #tpu.memory_space<hbm>> -> memref<1x10x1024xi32, #tpu.memory_space<hbm>>
    %dma_wait3A_101 = tpu.memref_squeeze %dma_wait3A_100 : memref<1x10x1024xi32, #tpu.memory_space<hbm>> -> memref<10x1024xi32, #tpu.memory_space<hbm>>
    tpu.wait_dma2 semaphore(%dma_wait3A_97 : memref<!tpu.dma_semaphore, #tpu.memory_space<semaphore_mem>>) src(%dma_wait3A_101 : memref<10x1024xi32, #tpu.memory_space<hbm>>) dst(%arg10 : memref<10x1024xi32, #tpu.memory_space<vmem>>)
    %dma_wait3A_102 = arith.constant 2 : i32
    %dma_wait3A_103 = arith.constant 0 : i32
    %dma_wait3A_104 = arith.constant 0 : i32
    %dma_wait3A_105 = tpu.memref_slice %arg3[%add3A, %dma_wait3A_103, %dma_wait3A_104] : memref<32x10x1024xi32, #tpu.memory_space<hbm>> -> memref<1x10x1024xi32, #tpu.memory_space<hbm>>
    %dma_wait3A_106 = tpu.memref_squeeze %dma_wait3A_105 : memref<1x10x1024xi32, #tpu.memory_space<hbm>> -> memref<10x1024xi32, #tpu.memory_space<hbm>>
    %dma_wait3A_107 = tpu.memref_slice %arg16[%dma_wait3A_102] : memref<4x!tpu.dma_semaphore, #tpu.memory_space<semaphore_mem>> -> memref<1x!tpu.dma_semaphore, #tpu.memory_space<semaphore_mem>>
    %dma_wait3A_108 = tpu.memref_squeeze %dma_wait3A_107 : memref<1x!tpu.dma_semaphore, #tpu.memory_space<semaphore_mem>> -> memref<!tpu.dma_semaphore, #tpu.memory_space<semaphore_mem>>
    %dma_wait3A_109 = arith.constant 0 : i32
    %dma_wait3A_110 = arith.constant 0 : i32
    %dma_wait3A_111 = tpu.memref_slice %arg3[%add3A, %dma_wait3A_109, %dma_wait3A_110] : memref<32x10x1024xi32, #tpu.memory_space<hbm>> -> memref<1x10x1024xi32, #tpu.memory_space<hbm>>
    %dma_wait3A_112 = tpu.memref_squeeze %dma_wait3A_111 : memref<1x10x1024xi32, #tpu.memory_space<hbm>> -> memref<10x1024xi32, #tpu.memory_space<hbm>>
    tpu.wait_dma2 semaphore(%dma_wait3A_108 : memref<!tpu.dma_semaphore, #tpu.memory_space<semaphore_mem>>) src(%dma_wait3A_112 : memref<10x1024xi32, #tpu.memory_space<hbm>>) dst(%arg11 : memref<10x1024xi32, #tpu.memory_space<vmem>>)
    %dma_wait3A_113 = arith.constant 0 : i32
    %dma_wait3A_114 = arith.constant 3 : i32
    %dma_wait3A_115 = arith.constant 0 : i32
    %dma_wait3A_116 = arith.constant 0 : i32
    %dma_wait3A_117 = tpu.memref_slice %arg12[%dma_wait3A_113, %dma_wait3A_115, %dma_wait3A_116] : memref<4x1024x16xf32, #tpu.memory_space<vmem>> -> memref<1x632x16xf32, #tpu.memory_space<vmem>>
    %dma_wait3A_118 = tpu.memref_squeeze %dma_wait3A_117 : memref<1x632x16xf32, #tpu.memory_space<vmem>> -> memref<632x16xf32, #tpu.memory_space<vmem>>
    %dma_wait3A_119 = arith.constant 0 : i32
    %dma_wait3A_120 = tpu.memref_slice %arg4[%mul3A_2, %dma_wait3A_119] : memref<10112x16xf32, #tpu.memory_space<hbm>> -> memref<632x16xf32, #tpu.memory_space<hbm>>
    %dma_wait3A_121 = tpu.memref_slice %arg16[%dma_wait3A_114] : memref<4x!tpu.dma_semaphore, #tpu.memory_space<semaphore_mem>> -> memref<1x!tpu.dma_semaphore, #tpu.memory_space<semaphore_mem>>
    %dma_wait3A_122 = tpu.memref_squeeze %dma_wait3A_121 : memref<1x!tpu.dma_semaphore, #tpu.memory_space<semaphore_mem>> -> memref<!tpu.dma_semaphore, #tpu.memory_space<semaphore_mem>>
    %dma_wait3A_123 = arith.constant 0 : i32
    %dma_wait3A_124 = arith.constant 0 : i32
    %dma_wait3A_125 = tpu.memref_slice %arg12[%dma_wait3A_113, %dma_wait3A_123, %dma_wait3A_124] : memref<4x1024x16xf32, #tpu.memory_space<vmem>> -> memref<1x632x16xf32, #tpu.memory_space<vmem>>
    %dma_wait3A_126 = tpu.memref_squeeze %dma_wait3A_125 : memref<1x632x16xf32, #tpu.memory_space<vmem>> -> memref<632x16xf32, #tpu.memory_space<vmem>>
    %dma_wait3A_127 = arith.constant 0 : i32
    %dma_wait3A_128 = tpu.memref_slice %arg4[%mul3A_2, %dma_wait3A_127] : memref<10112x16xf32, #tpu.memory_space<hbm>> -> memref<632x16xf32, #tpu.memory_space<hbm>>
    tpu.wait_dma2 semaphore(%dma_wait3A_122 : memref<!tpu.dma_semaphore, #tpu.memory_space<semaphore_mem>>) src(%dma_wait3A_128 : memref<632x16xf32, #tpu.memory_space<hbm>>) dst(%dma_wait3A_126 : memref<632x16xf32, #tpu.memory_space<vmem>>)
    %dma_wait3A_129 = arith.constant 0 : i32
    %dma_wait3A_130 = arith.constant 1 : i32
    %dma_wait3A_131 = arith.constant 0 : i32
    %dma_wait3A_132 = arith.constant 0 : i32
    %dma_wait3A_133 = arith.constant 0 : i32
    %dma_wait3A_134 = tpu.memref_slice %arg12[%dma_wait3A_130, %dma_wait3A_132, %dma_wait3A_133] : memref<4x1024x16xf32, #tpu.memory_space<vmem>> -> memref<1x632x16xf32, #tpu.memory_space<vmem>>
    %dma_wait3A_135 = tpu.memref_squeeze %dma_wait3A_134 : memref<1x632x16xf32, #tpu.memory_space<vmem>> -> memref<632x16xf32, #tpu.memory_space<vmem>>
    %dma_wait3A_136 = arith.constant 0 : i32
    %dma_wait3A_137 = tpu.memref_slice %arg5[%dma_wait3A_129, %mul3A_2, %dma_wait3A_136] : memref<2x10112x16xf32, #tpu.memory_space<hbm>> -> memref<1x632x16xf32, #tpu.memory_space<hbm>>
    %dma_wait3A_138 = tpu.memref_squeeze %dma_wait3A_137 : memref<1x632x16xf32, #tpu.memory_space<hbm>> -> memref<632x16xf32, #tpu.memory_space<hbm>>
    %dma_wait3A_139 = tpu.memref_slice %arg16[%dma_wait3A_131] : memref<4x!tpu.dma_semaphore, #tpu.memory_space<semaphore_mem>> -> memref<1x!tpu.dma_semaphore, #tpu.memory_space<semaphore_mem>>
    %dma_wait3A_140 = tpu.memref_squeeze %dma_wait3A_139 : memref<1x!tpu.dma_semaphore, #tpu.memory_space<semaphore_mem>> -> memref<!tpu.dma_semaphore, #tpu.memory_space<semaphore_mem>>
    %dma_wait3A_141 = arith.constant 0 : i32
    %dma_wait3A_142 = arith.constant 0 : i32
    %dma_wait3A_143 = tpu.memref_slice %arg12[%dma_wait3A_130, %dma_wait3A_141, %dma_wait3A_142] : memref<4x1024x16xf32, #tpu.memory_space<vmem>> -> memref<1x632x16xf32, #tpu.memory_space<vmem>>
    %dma_wait3A_144 = tpu.memref_squeeze %dma_wait3A_143 : memref<1x632x16xf32, #tpu.memory_space<vmem>> -> memref<632x16xf32, #tpu.memory_space<vmem>>
    %dma_wait3A_145 = arith.constant 0 : i32
    %dma_wait3A_146 = tpu.memref_slice %arg5[%dma_wait3A_129, %mul3A_2, %dma_wait3A_145] : memref<2x10112x16xf32, #tpu.memory_space<hbm>> -> memref<1x632x16xf32, #tpu.memory_space<hbm>>
    %dma_wait3A_147 = tpu.memref_squeeze %dma_wait3A_146 : memref<1x632x16xf32, #tpu.memory_space<hbm>> -> memref<632x16xf32, #tpu.memory_space<hbm>>
    tpu.wait_dma2 semaphore(%dma_wait3A_140 : memref<!tpu.dma_semaphore, #tpu.memory_space<semaphore_mem>>) src(%dma_wait3A_147 : memref<632x16xf32, #tpu.memory_space<hbm>>) dst(%dma_wait3A_144 : memref<632x16xf32, #tpu.memory_space<vmem>>)
    %dma_wait3A_148 = arith.constant 1 : i32
    %dma_wait3A_149 = arith.constant 2 : i32
    %dma_wait3A_150 = arith.constant 1 : i32
    %dma_wait3A_151 = arith.constant 0 : i32
    %dma_wait3A_152 = arith.constant 0 : i32
    %dma_wait3A_153 = tpu.memref_slice %arg12[%dma_wait3A_149, %dma_wait3A_151, %dma_wait3A_152] : memref<4x1024x16xf32, #tpu.memory_space<vmem>> -> memref<1x632x16xf32, #tpu.memory_space<vmem>>
    %dma_wait3A_154 = tpu.memref_squeeze %dma_wait3A_153 : memref<1x632x16xf32, #tpu.memory_space<vmem>> -> memref<632x16xf32, #tpu.memory_space<vmem>>
    %dma_wait3A_155 = arith.constant 0 : i32
    %dma_wait3A_156 = tpu.memref_slice %arg5[%dma_wait3A_148, %mul3A_2, %dma_wait3A_155] : memref<2x10112x16xf32, #tpu.memory_space<hbm>> -> memref<1x632x16xf32, #tpu.memory_space<hbm>>
    %dma_wait3A_157 = tpu.memref_squeeze %dma_wait3A_156 : memref<1x632x16xf32, #tpu.memory_space<hbm>> -> memref<632x16xf32, #tpu.memory_space<hbm>>
    %dma_wait3A_158 = tpu.memref_slice %arg16[%dma_wait3A_150] : memref<4x!tpu.dma_semaphore, #tpu.memory_space<semaphore_mem>> -> memref<1x!tpu.dma_semaphore, #tpu.memory_space<semaphore_mem>>
    %dma_wait3A_159 = tpu.memref_squeeze %dma_wait3A_158 : memref<1x!tpu.dma_semaphore, #tpu.memory_space<semaphore_mem>> -> memref<!tpu.dma_semaphore, #tpu.memory_space<semaphore_mem>>
    %dma_wait3A_160 = arith.constant 0 : i32
    %dma_wait3A_161 = arith.constant 0 : i32
    %dma_wait3A_162 = tpu.memref_slice %arg12[%dma_wait3A_149, %dma_wait3A_160, %dma_wait3A_161] : memref<4x1024x16xf32, #tpu.memory_space<vmem>> -> memref<1x632x16xf32, #tpu.memory_space<vmem>>
    %dma_wait3A_163 = tpu.memref_squeeze %dma_wait3A_162 : memref<1x632x16xf32, #tpu.memory_space<vmem>> -> memref<632x16xf32, #tpu.memory_space<vmem>>
    %dma_wait3A_164 = arith.constant 0 : i32
    %dma_wait3A_165 = tpu.memref_slice %arg5[%dma_wait3A_148, %mul3A_2, %dma_wait3A_164] : memref<2x10112x16xf32, #tpu.memory_space<hbm>> -> memref<1x632x16xf32, #tpu.memory_space<hbm>>
    %dma_wait3A_166 = tpu.memref_squeeze %dma_wait3A_165 : memref<1x632x16xf32, #tpu.memory_space<hbm>> -> memref<632x16xf32, #tpu.memory_space<hbm>>
    tpu.wait_dma2 semaphore(%dma_wait3A_159 : memref<!tpu.dma_semaphore, #tpu.memory_space<semaphore_mem>>) src(%dma_wait3A_166 : memref<632x16xf32, #tpu.memory_space<hbm>>) dst(%dma_wait3A_163 : memref<632x16xf32, #tpu.memory_space<vmem>>)
    %scan3A = arith.constant 0 : i32
    %scan3A_167 = arith.constant 0 : i32
    %scan3A_168 = arith.constant 632 : i32
    %scan3A_169 = arith.addi %scan3A_167, %scan3A_168 : i32
    %scan3A_170 = arith.constant 8 : i32
    %scan3A_171 = scf.for %scan3A_459 = %scan3A_167 to %scan3A_169 step %scan3A_170 iter_args(%scan3A_460 = %scan3A) -> (i32)  : i32 {
      %get3A = arith.constant 1 : i32
      %get3A_461 = arith.index_cast %get3A : i32 to index
      %get3A_462 = arith.index_cast %scan3A_459 : i32 to index
      %get3A_463 = arith.constant 0 : index
      %get3A_464 = tpu.vector_load %arg12[%get3A_461, %get3A_462, %get3A_463] {strides = array<i32>} : memref<4x1024x16xf32, #tpu.memory_space<vmem>>, vector<1x1x16xf32>,
      %get3A_465 = vector.shape_cast %get3A_464 : vector<1x1x16xf32> to vector<16xf32>
      %get3A_466 = arith.constant 2 : i32
      %get3A_467 = arith.index_cast %get3A_466 : i32 to index
      %get3A_468 = arith.index_cast %scan3A_459 : i32 to index
      %get3A_469 = arith.constant 0 : index
      %get3A_470 = tpu.vector_load %arg12[%get3A_467, %get3A_468, %get3A_469] {strides = array<i32>} : memref<4x1024x16xf32, #tpu.memory_space<vmem>>, vector<1x1x16xf32>,
      %get3A_471 = vector.shape_cast %get3A_470 : vector<1x1x16xf32> to vector<16xf32>
      %add3A_472 = arith.addf %get3A_465, %get3A_471 : vector<16xf32>
      %add3A_473 = arith.constant 1.000000e+00 : f32
      %add3A_474 = vector.broadcast %add3A_473 : f32 to vector<16xf32>
      %add3A_475 = arith.addf %add3A_472, %add3A_474 : vector<16xf32>
      %bitcast_convert_type3A = tpu.bitcast %add3A_475 : vector<16xf32> -> vector<16xi32>
      %shift_right_logical3A = arith.constant 1 : i32
      %shift_right_logical3A_476 = vector.broadcast %shift_right_logical3A : i32 to vector<16xi32>
      %shift_right_logical3A_477 = arith.shrui %bitcast_convert_type3A, %shift_right_logical3A_476 : vector<16xi32>
      %sub3A = arith.constant 1597463007 : i32
      %sub3A_478 = vector.broadcast %sub3A : i32 to vector<16xi32>
      %sub3A_479 = arith.subi %sub3A_478, %shift_right_logical3A_477 : vector<16xi32>
      %bitcast_convert_type3A_480 = tpu.bitcast %sub3A_479 : vector<16xi32> -> vector<16xf32>
      %mul3A_481 = arith.constant 5.000000e-01 : f32
      %mul3A_482 = vector.broadcast %mul3A_481 : f32 to vector<16xf32>
      %mul3A_483 = arith.mulf %mul3A_482, %add3A_475 : vector<16xf32>
      %mul3A_484 = arith.mulf %mul3A_483, %bitcast_convert_type3A_480 : vector<16xf32>
      %mul3A_485 = arith.mulf %mul3A_484, %bitcast_convert_type3A_480 : vector<16xf32>
      %sub3A_486 = arith.constant 1.500000e+00 : f32
      %sub3A_487 = vector.broadcast %sub3A_486 : f32 to vector<16xf32>
      %sub3A_488 = arith.subf %sub3A_487, %mul3A_485 : vector<16xf32>
      %mul3A_489 = arith.mulf %bitcast_convert_type3A_480, %sub3A_488 : vector<16xf32>
      %mul3A_490 = arith.constant 5.000000e-01 : f32
      %mul3A_491 = vector.broadcast %mul3A_490 : f32 to vector<16xf32>
      %mul3A_492 = arith.mulf %mul3A_491, %add3A_475 : vector<16xf32>
      %mul3A_493 = arith.mulf %mul3A_492, %mul3A_489 : vector<16xf32>
      %mul3A_494 = arith.mulf %mul3A_493, %mul3A_489 : vector<16xf32>
      %sub3A_495 = arith.constant 1.500000e+00 : f32
      %sub3A_496 = vector.broadcast %sub3A_495 : f32 to vector<16xf32>
      %sub3A_497 = arith.subf %sub3A_496, %mul3A_494 : vector<16xf32>
      %mul3A_498 = arith.mulf %mul3A_489, %sub3A_497 : vector<16xf32>
      %mul3A_499 = arith.constant 5.000000e-01 : f32
      %mul3A_500 = vector.broadcast %mul3A_499 : f32 to vector<16xf32>
      %mul3A_501 = arith.mulf %mul3A_500, %add3A_475 : vector<16xf32>
      %mul3A_502 = arith.mulf %mul3A_501, %mul3A_498 : vector<16xf32>
      %mul3A_503 = arith.mulf %mul3A_502, %mul3A_498 : vector<16xf32>
      %sub3A_504 = arith.constant 1.500000e+00 : f32
      %sub3A_505 = vector.broadcast %sub3A_504 : f32 to vector<16xf32>
      %sub3A_506 = arith.subf %sub3A_505, %mul3A_503 : vector<16xf32>
      %mul3A_507 = arith.mulf %mul3A_498, %sub3A_506 : vector<16xf32>
      %get3A_508 = arith.constant 0 : i32
      %get3A_509 = arith.index_cast %get3A_508 : i32 to index
      %get3A_510 = arith.index_cast %scan3A_459 : i32 to index
      %get3A_511 = arith.constant 0 : index
      %get3A_512 = tpu.vector_load %arg12[%get3A_509, %get3A_510, %get3A_511] {strides = array<i32>} : memref<4x1024x16xf32, #tpu.memory_space<vmem>>, vector<1x1x16xf32>,
      %get3A_513 = vector.shape_cast %get3A_512 : vector<1x1x16xf32> to vector<16xf32>
      %mul3A_514 = arith.mulf %mul3A_507, %get3A_513 : vector<16xf32>
      %swap3A = arith.constant 0 : i32
      %swap3A_515 = arith.index_cast %swap3A : i32 to index
      %swap3A_516 = arith.index_cast %scan3A_459 : i32 to index
      %swap3A_517 = arith.constant 0 : index
      %swap3A_518 = tpu.vector_load %arg12[%swap3A_515, %swap3A_516, %swap3A_517] {strides = array<i32>} : memref<4x1024x16xf32, #tpu.memory_space<vmem>>, vector<1x1x16xf32>,
      %swap3A_519 = vector.shape_cast %swap3A_518 : vector<1x1x16xf32> to vector<16xf32>
      %swap3A_520 = vector.shape_cast %mul3A_514 : vector<16xf32> to vector<1x1x16xf32>
      tpu.vector_store %arg12[%swap3A_515, %swap3A_516, %swap3A_517], %swap3A_520 {strides = array<i32>} : memref<4x1024x16xf32, #tpu.memory_space<vmem>>, vector<1x1x16xf32>,
      %swap3A_521 = arith.constant 1 : i32
      %swap3A_522 = arith.index_cast %swap3A_521 : i32 to index
      %swap3A_523 = arith.index_cast %scan3A_459 : i32 to index
      %swap3A_524 = arith.constant 0 : index
      %swap3A_525 = tpu.vector_load %arg12[%swap3A_522, %swap3A_523, %swap3A_524] {strides = array<i32>} : memref<4x1024x16xf32, #tpu.memory_space<vmem>>, vector<1x1x16xf32>,
      %swap3A_526 = vector.shape_cast %swap3A_525 : vector<1x1x16xf32> to vector<16xf32>
      %swap3A_527 = vector.shape_cast %mul3A_507 : vector<16xf32> to vector<1x1x16xf32>
      tpu.vector_store %arg12[%swap3A_522, %swap3A_523, %swap3A_524], %swap3A_527 {strides = array<i32>} : memref<4x1024x16xf32, #tpu.memory_space<vmem>>, vector<1x1x16xf32>,
      %scan3A_528 = arith.constant 0 : i32
      %scan3A_529 = arith.constant 1 : i32
      %scan3A_530 = arith.addi %scan3A_459, %scan3A_529 : i32
      %get3A_531 = arith.constant 1 : i32
      %get3A_532 = arith.index_cast %get3A_531 : i32 to index
      %get3A_533 = arith.index_cast %scan3A_530 : i32 to index
      %get3A_534 = arith.constant 0 : index
      %get3A_535 = tpu.vector_load %arg12[%get3A_532, %get3A_533, %get3A_534] {strides = array<i32>} : memref<4x1024x16xf32, #tpu.memory_space<vmem>>, vector<1x1x16xf32>,
      %get3A_536 = vector.shape_cast %get3A_535 : vector<1x1x16xf32> to vector<16xf32>
      %get3A_537 = arith.constant 2 : i32
      %get3A_538 = arith.index_cast %get3A_537 : i32 to index
      %get3A_539 = arith.index_cast %scan3A_530 : i32 to index
      %get3A_540 = arith.constant 0 : index
      %get3A_541 = tpu.vector_load %arg12[%get3A_538, %get3A_539, %get3A_540] {strides = array<i32>} : memref<4x1024x16xf32, #tpu.memory_space<vmem>>, vector<1x1x16xf32>,
      %get3A_542 = vector.shape_cast %get3A_541 : vector<1x1x16xf32> to vector<16xf32>
      %add3A_543 = arith.addf %get3A_536, %get3A_542 : vector<16xf32>
      %add3A_544 = arith.constant 1.000000e+00 : f32
      %add3A_545 = vector.broadcast %add3A_544 : f32 to vector<16xf32>
      %add3A_546 = arith.addf %add3A_543, %add3A_545 : vector<16xf32>
      %bitcast_convert_type3A_547 = tpu.bitcast %add3A_546 : vector<16xf32> -> vector<16xi32>
      %shift_right_logical3A_548 = arith.constant 1 : i32
      %shift_right_logical3A_549 = vector.broadcast %shift_right_logical3A_548 : i32 to vector<16xi32>
      %shift_right_logical3A_550 = arith.shrui %bitcast_convert_type3A_547, %shift_right_logical3A_549 : vector<16xi32>
      %sub3A_551 = arith.constant 1597463007 : i32
      %sub3A_552 = vector.broadcast %sub3A_551 : i32 to vector<16xi32>
      %sub3A_553 = arith.subi %sub3A_552, %shift_right_logical3A_550 : vector<16xi32>
      %bitcast_convert_type3A_554 = tpu.bitcast %sub3A_553 : vector<16xi32> -> vector<16xf32>
      %mul3A_555 = arith.constant 5.000000e-01 : f32
      %mul3A_556 = vector.broadcast %mul3A_555 : f32 to vector<16xf32>
      %mul3A_557 = arith.mulf %mul3A_556, %add3A_546 : vector<16xf32>
      %mul3A_558 = arith.mulf %mul3A_557, %bitcast_convert_type3A_554 : vector<16xf32>
      %mul3A_559 = arith.mulf %mul3A_558, %bitcast_convert_type3A_554 : vector<16xf32>
      %sub3A_560 = arith.constant 1.500000e+00 : f32
      %sub3A_561 = vector.broadcast %sub3A_560 : f32 to vector<16xf32>
      %sub3A_562 = arith.subf %sub3A_561, %mul3A_559 : vector<16xf32>
      %mul3A_563 = arith.mulf %bitcast_convert_type3A_554, %sub3A_562 : vector<16xf32>
      %mul3A_564 = arith.constant 5.000000e-01 : f32
      %mul3A_565 = vector.broadcast %mul3A_564 : f32 to vector<16xf32>
      %mul3A_566 = arith.mulf %mul3A_565, %add3A_546 : vector<16xf32>
      %mul3A_567 = arith.mulf %mul3A_566, %mul3A_563 : vector<16xf32>
      %mul3A_568 = arith.mulf %mul3A_567, %mul3A_563 : vector<16xf32>
      %sub3A_569 = arith.constant 1.500000e+00 : f32
      %sub3A_570 = vector.broadcast %sub3A_569 : f32 to vector<16xf32>
      %sub3A_571 = arith.subf %sub3A_570, %mul3A_568 : vector<16xf32>
      %mul3A_572 = arith.mulf %mul3A_563, %sub3A_571 : vector<16xf32>
      %mul3A_573 = arith.constant 5.000000e-01 : f32
      %mul3A_574 = vector.broadcast %mul3A_573 : f32 to vector<16xf32>
      %mul3A_575 = arith.mulf %mul3A_574, %add3A_546 : vector<16xf32>
      %mul3A_576 = arith.mulf %mul3A_575, %mul3A_572 : vector<16xf32>
      %mul3A_577 = arith.mulf %mul3A_576, %mul3A_572 : vector<16xf32>
      %sub3A_578 = arith.constant 1.500000e+00 : f32
      %sub3A_579 = vector.broadcast %sub3A_578 : f32 to vector<16xf32>
      %sub3A_580 = arith.subf %sub3A_579, %mul3A_577 : vector<16xf32>
      %mul3A_581 = arith.mulf %mul3A_572, %sub3A_580 : vector<16xf32>
      %get3A_582 = arith.constant 0 : i32
      %get3A_583 = arith.index_cast %get3A_582 : i32 to index
      %get3A_584 = arith.index_cast %scan3A_530 : i32 to index
      %get3A_585 = arith.constant 0 : index
      %get3A_586 = tpu.vector_load %arg12[%get3A_583, %get3A_584, %get3A_585] {strides = array<i32>} : memref<4x1024x16xf32, #tpu.memory_space<vmem>>, vector<1x1x16xf32>,
      %get3A_587 = vector.shape_cast %get3A_586 : vector<1x1x16xf32> to vector<16xf32>
      %mul3A_588 = arith.mulf %mul3A_581, %get3A_587 : vector<16xf32>
      %swap3A_589 = arith.constant 0 : i32
      %swap3A_590 = arith.index_cast %swap3A_589 : i32 to index
      %swap3A_591 = arith.index_cast %scan3A_530 : i32 to index
      %swap3A_592 = arith.constant 0 : index
      %swap3A_593 = tpu.vector_load %arg12[%swap3A_590, %swap3A_591, %swap3A_592] {strides = array<i32>} : memref<4x1024x16xf32, #tpu.memory_space<vmem>>, vector<1x1x16xf32>,
      %swap3A_594 = vector.shape_cast %swap3A_593 : vector<1x1x16xf32> to vector<16xf32>
      %swap3A_595 = vector.shape_cast %mul3A_588 : vector<16xf32> to vector<1x1x16xf32>
      tpu.vector_store %arg12[%swap3A_590, %swap3A_591, %swap3A_592], %swap3A_595 {strides = array<i32>} : memref<4x1024x16xf32, #tpu.memory_space<vmem>>, vector<1x1x16xf32>,
      %swap3A_596 = arith.constant 1 : i32
      %swap3A_597 = arith.index_cast %swap3A_596 : i32 to index
      %swap3A_598 = arith.index_cast %scan3A_530 : i32 to index
      %swap3A_599 = arith.constant 0 : index
      %swap3A_600 = tpu.vector_load %arg12[%swap3A_597, %swap3A_598, %swap3A_599] {strides = array<i32>} : memref<4x1024x16xf32, #tpu.memory_space<vmem>>, vector<1x1x16xf32>,
      %swap3A_601 = vector.shape_cast %swap3A_600 : vector<1x1x16xf32> to vector<16xf32>
      %swap3A_602 = vector.shape_cast %mul3A_581 : vector<16xf32> to vector<1x1x16xf32>
      tpu.vector_store %arg12[%swap3A_597, %swap3A_598, %swap3A_599], %swap3A_602 {strides = array<i32>} : memref<4x1024x16xf32, #tpu.memory_space<vmem>>, vector<1x1x16xf32>,
      %scan3A_603 = arith.constant 0 : i32
      %scan3A_604 = arith.constant 2 : i32
      %scan3A_605 = arith.addi %scan3A_459, %scan3A_604 : i32
      %get3A_606 = arith.constant 1 : i32
      %get3A_607 = arith.index_cast %get3A_606 : i32 to index
      %get3A_608 = arith.index_cast %scan3A_605 : i32 to index
      %get3A_609 = arith.constant 0 : index
      %get3A_610 = tpu.vector_load %arg12[%get3A_607, %get3A_608, %get3A_609] {strides = array<i32>} : memref<4x1024x16xf32, #tpu.memory_space<vmem>>, vector<1x1x16xf32>,
      %get3A_611 = vector.shape_cast %get3A_610 : vector<1x1x16xf32> to vector<16xf32>
      %get3A_612 = arith.constant 2 : i32
      %get3A_613 = arith.index_cast %get3A_612 : i32 to index
      %get3A_614 = arith.index_cast %scan3A_605 : i32 to index
      %get3A_615 = arith.constant 0 : index
      %get3A_616 = tpu.vector_load %arg12[%get3A_613, %get3A_614, %get3A_615] {strides = array<i32>} : memref<4x1024x16xf32, #tpu.memory_space<vmem>>, vector<1x1x16xf32>,
      %get3A_617 = vector.shape_cast %get3A_616 : vector<1x1x16xf32> to vector<16xf32>
      %add3A_618 = arith.addf %get3A_611, %get3A_617 : vector<16xf32>
      %add3A_619 = arith.constant 1.000000e+00 : f32
      %add3A_620 = vector.broadcast %add3A_619 : f32 to vector<16xf32>
      %add3A_621 = arith.addf %add3A_618, %add3A_620 : vector<16xf32>
      %bitcast_convert_type3A_622 = tpu.bitcast %add3A_621 : vector<16xf32> -> vector<16xi32>
      %shift_right_logical3A_623 = arith.constant 1 : i32
      %shift_right_logical3A_624 = vector.broadcast %shift_right_logical3A_623 : i32 to vector<16xi32>
      %shift_right_logical3A_625 = arith.shrui %bitcast_convert_type3A_622, %shift_right_logical3A_624 : vector<16xi32>
      %sub3A_626 = arith.constant 1597463007 : i32
      %sub3A_627 = vector.broadcast %sub3A_626 : i32 to vector<16xi32>
      %sub3A_628 = arith.subi %sub3A_627, %shift_right_logical3A_625 : vector<16xi32>
      %bitcast_convert_type3A_629 = tpu.bitcast %sub3A_628 : vector<16xi32> -> vector<16xf32>
      %mul3A_630 = arith.constant 5.000000e-01 : f32
      %mul3A_631 = vector.broadcast %mul3A_630 : f32 to vector<16xf32>
      %mul3A_632 = arith.mulf %mul3A_631, %add3A_621 : vector<16xf32>
      %mul3A_633 = arith.mulf %mul3A_632, %bitcast_convert_type3A_629 : vector<16xf32>
      %mul3A_634 = arith.mulf %mul3A_633, %bitcast_convert_type3A_629 : vector<16xf32>
      %sub3A_635 = arith.constant 1.500000e+00 : f32
      %sub3A_636 = vector.broadcast %sub3A_635 : f32 to vector<16xf32>
      %sub3A_637 = arith.subf %sub3A_636, %mul3A_634 : vector<16xf32>
      %mul3A_638 = arith.mulf %bitcast_convert_type3A_629, %sub3A_637 : vector<16xf32>
      %mul3A_639 = arith.constant 5.000000e-01 : f32
      %mul3A_640 = vector.broadcast %mul3A_639 : f32 to vector<16xf32>
      %mul3A_641 = arith.mulf %mul3A_640, %add3A_621 : vector<16xf32>
      %mul3A_642 = arith.mulf %mul3A_641, %mul3A_638 : vector<16xf32>
      %mul3A_643 = arith.mulf %mul3A_642, %mul3A_638 : vector<16xf32>
      %sub3A_644 = arith.constant 1.500000e+00 : f32
      %sub3A_645 = vector.broadcast %sub3A_644 : f32 to vector<16xf32>
      %sub3A_646 = arith.subf %sub3A_645, %mul3A_643 : vector<16xf32>
      %mul3A_647 = arith.mulf %mul3A_638, %sub3A_646 : vector<16xf32>
      %mul3A_648 = arith.constant 5.000000e-01 : f32
      %mul3A_649 = vector.broadcast %mul3A_648 : f32 to vector<16xf32>
      %mul3A_650 = arith.mulf %mul3A_649, %add3A_621 : vector<16xf32>
      %mul3A_651 = arith.mulf %mul3A_650, %mul3A_647 : vector<16xf32>
      %mul3A_652 = arith.mulf %mul3A_651, %mul3A_647 : vector<16xf32>
      %sub3A_653 = arith.constant 1.500000e+00 : f32
      %sub3A_654 = vector.broadcast %sub3A_653 : f32 to vector<16xf32>
      %sub3A_655 = arith.subf %sub3A_654, %mul3A_652 : vector<16xf32>
      %mul3A_656 = arith.mulf %mul3A_647, %sub3A_655 : vector<16xf32>
      %get3A_657 = arith.constant 0 : i32
      %get3A_658 = arith.index_cast %get3A_657 : i32 to index
      %get3A_659 = arith.index_cast %scan3A_605 : i32 to index
      %get3A_660 = arith.constant 0 : index
      %get3A_661 = tpu.vector_load %arg12[%get3A_658, %get3A_659, %get3A_660] {strides = array<i32>} : memref<4x1024x16xf32, #tpu.memory_space<vmem>>, vector<1x1x16xf32>,
      %get3A_662 = vector.shape_cast %get3A_661 : vector<1x1x16xf32> to vector<16xf32>
      %mul3A_663 = arith.mulf %mul3A_656, %get3A_662 : vector<16xf32>
      %swap3A_664 = arith.constant 0 : i32
      %swap3A_665 = arith.index_cast %swap3A_664 : i32 to index
      %swap3A_666 = arith.index_cast %scan3A_605 : i32 to index
      %swap3A_667 = arith.constant 0 : index
      %swap3A_668 = tpu.vector_load %arg12[%swap3A_665, %swap3A_666, %swap3A_667] {strides = array<i32>} : memref<4x1024x16xf32, #tpu.memory_space<vmem>>, vector<1x1x16xf32>,
      %swap3A_669 = vector.shape_cast %swap3A_668 : vector<1x1x16xf32> to vector<16xf32>
      %swap3A_670 = vector.shape_cast %mul3A_663 : vector<16xf32> to vector<1x1x16xf32>
      tpu.vector_store %arg12[%swap3A_665, %swap3A_666, %swap3A_667], %swap3A_670 {strides = array<i32>} : memref<4x1024x16xf32, #tpu.memory_space<vmem>>, vector<1x1x16xf32>,
      %swap3A_671 = arith.constant 1 : i32
      %swap3A_672 = arith.index_cast %swap3A_671 : i32 to index
      %swap3A_673 = arith.index_cast %scan3A_605 : i32 to index
      %swap3A_674 = arith.constant 0 : index
      %swap3A_675 = tpu.vector_load %arg12[%swap3A_672, %swap3A_673, %swap3A_674] {strides = array<i32>} : memref<4x1024x16xf32, #tpu.memory_space<vmem>>, vector<1x1x16xf32>,
      %swap3A_676 = vector.shape_cast %swap3A_675 : vector<1x1x16xf32> to vector<16xf32>
      %swap3A_677 = vector.shape_cast %mul3A_656 : vector<16xf32> to vector<1x1x16xf32>
      tpu.vector_store %arg12[%swap3A_672, %swap3A_673, %swap3A_674], %swap3A_677 {strides = array<i32>} : memref<4x1024x16xf32, #tpu.memory_space<vmem>>, vector<1x1x16xf32>,
      %scan3A_678 = arith.constant 0 : i32
      %scan3A_679 = arith.constant 3 : i32
      %scan3A_680 = arith.addi %scan3A_459, %scan3A_679 : i32
      %get3A_681 = arith.constant 1 : i32
      %get3A_682 = arith.index_cast %get3A_681 : i32 to index
      %get3A_683 = arith.index_cast %scan3A_680 : i32 to index
      %get3A_684 = arith.constant 0 : index
      %get3A_685 = tpu.vector_load %arg12[%get3A_682, %get3A_683, %get3A_684] {strides = array<i32>} : memref<4x1024x16xf32, #tpu.memory_space<vmem>>, vector<1x1x16xf32>,
      %get3A_686 = vector.shape_cast %get3A_685 : vector<1x1x16xf32> to vector<16xf32>
      %get3A_687 = arith.constant 2 : i32
      %get3A_688 = arith.index_cast %get3A_687 : i32 to index
      %get3A_689 = arith.index_cast %scan3A_680 : i32 to index
      %get3A_690 = arith.constant 0 : index
      %get3A_691 = tpu.vector_load %arg12[%get3A_688, %get3A_689, %get3A_690] {strides = array<i32>} : memref<4x1024x16xf32, #tpu.memory_space<vmem>>, vector<1x1x16xf32>,
      %get3A_692 = vector.shape_cast %get3A_691 : vector<1x1x16xf32> to vector<16xf32>
      %add3A_693 = arith.addf %get3A_686, %get3A_692 : vector<16xf32>
      %add3A_694 = arith.constant 1.000000e+00 : f32
      %add3A_695 = vector.broadcast %add3A_694 : f32 to vector<16xf32>
      %add3A_696 = arith.addf %add3A_693, %add3A_695 : vector<16xf32>
      %bitcast_convert_type3A_697 = tpu.bitcast %add3A_696 : vector<16xf32> -> vector<16xi32>
      %shift_right_logical3A_698 = arith.constant 1 : i32
      %shift_right_logical3A_699 = vector.broadcast %shift_right_logical3A_698 : i32 to vector<16xi32>
      %shift_right_logical3A_700 = arith.shrui %bitcast_convert_type3A_697, %shift_right_logical3A_699 : vector<16xi32>
      %sub3A_701 = arith.constant 1597463007 : i32
      %sub3A_702 = vector.broadcast %sub3A_701 : i32 to vector<16xi32>
      %sub3A_703 = arith.subi %sub3A_702, %shift_right_logical3A_700 : vector<16xi32>
      %bitcast_convert_type3A_704 = tpu.bitcast %sub3A_703 : vector<16xi32> -> vector<16xf32>
      %mul3A_705 = arith.constant 5.000000e-01 : f32
      %mul3A_706 = vector.broadcast %mul3A_705 : f32 to vector<16xf32>
      %mul3A_707 = arith.mulf %mul3A_706, %add3A_696 : vector<16xf32>
      %mul3A_708 = arith.mulf %mul3A_707, %bitcast_convert_type3A_704 : vector<16xf32>
      %mul3A_709 = arith.mulf %mul3A_708, %bitcast_convert_type3A_704 : vector<16xf32>
      %sub3A_710 = arith.constant 1.500000e+00 : f32
      %sub3A_711 = vector.broadcast %sub3A_710 : f32 to vector<16xf32>
      %sub3A_712 = arith.subf %sub3A_711, %mul3A_709 : vector<16xf32>
      %mul3A_713 = arith.mulf %bitcast_convert_type3A_704, %sub3A_712 : vector<16xf32>
      %mul3A_714 = arith.constant 5.000000e-01 : f32
      %mul3A_715 = vector.broadcast %mul3A_714 : f32 to vector<16xf32>
      %mul3A_716 = arith.mulf %mul3A_715, %add3A_696 : vector<16xf32>
      %mul3A_717 = arith.mulf %mul3A_716, %mul3A_713 : vector<16xf32>
      %mul3A_718 = arith.mulf %mul3A_717, %mul3A_713 : vector<16xf32>
      %sub3A_719 = arith.constant 1.500000e+00 : f32
      %sub3A_720 = vector.broadcast %sub3A_719 : f32 to vector<16xf32>
      %sub3A_721 = arith.subf %sub3A_720, %mul3A_718 : vector<16xf32>
      %mul3A_722 = arith.mulf %mul3A_713, %sub3A_721 : vector<16xf32>
      %mul3A_723 = arith.constant 5.000000e-01 : f32
      %mul3A_724 = vector.broadcast %mul3A_723 : f32 to vector<16xf32>
      %mul3A_725 = arith.mulf %mul3A_724, %add3A_696 : vector<16xf32>
      %mul3A_726 = arith.mulf %mul3A_725, %mul3A_722 : vector<16xf32>
      %mul3A_727 = arith.mulf %mul3A_726, %mul3A_722 : vector<16xf32>
      %sub3A_728 = arith.constant 1.500000e+00 : f32
      %sub3A_729 = vector.broadcast %sub3A_728 : f32 to vector<16xf32>
      %sub3A_730 = arith.subf %sub3A_729, %mul3A_727 : vector<16xf32>
      %mul3A_731 = arith.mulf %mul3A_722, %sub3A_730 : vector<16xf32>
      %get3A_732 = arith.constant 0 : i32
      %get3A_733 = arith.index_cast %get3A_732 : i32 to index
      %get3A_734 = arith.index_cast %scan3A_680 : i32 to index
      %get3A_735 = arith.constant 0 : index
      %get3A_736 = tpu.vector_load %arg12[%get3A_733, %get3A_734, %get3A_735] {strides = array<i32>} : memref<4x1024x16xf32, #tpu.memory_space<vmem>>, vector<1x1x16xf32>,
      %get3A_737 = vector.shape_cast %get3A_736 : vector<1x1x16xf32> to vector<16xf32>
      %mul3A_738 = arith.mulf %mul3A_731, %get3A_737 : vector<16xf32>
      %swap3A_739 = arith.constant 0 : i32
      %swap3A_740 = arith.index_cast %swap3A_739 : i32 to index
      %swap3A_741 = arith.index_cast %scan3A_680 : i32 to index
      %swap3A_742 = arith.constant 0 : index
      %swap3A_743 = tpu.vector_load %arg12[%swap3A_740, %swap3A_741, %swap3A_742] {strides = array<i32>} : memref<4x1024x16xf32, #tpu.memory_space<vmem>>, vector<1x1x16xf32>,
      %swap3A_744 = vector.shape_cast %swap3A_743 : vector<1x1x16xf32> to vector<16xf32>
      %swap3A_745 = vector.shape_cast %mul3A_738 : vector<16xf32> to vector<1x1x16xf32>
      tpu.vector_store %arg12[%swap3A_740, %swap3A_741, %swap3A_742], %swap3A_745 {strides = array<i32>} : memref<4x1024x16xf32, #tpu.memory_space<vmem>>, vector<1x1x16xf32>,
      %swap3A_746 = arith.constant 1 : i32
      %swap3A_747 = arith.index_cast %swap3A_746 : i32 to index
      %swap3A_748 = arith.index_cast %scan3A_680 : i32 to index
      %swap3A_749 = arith.constant 0 : index
      %swap3A_750 = tpu.vector_load %arg12[%swap3A_747, %swap3A_748, %swap3A_749] {strides = array<i32>} : memref<4x1024x16xf32, #tpu.memory_space<vmem>>, vector<1x1x16xf32>,
      %swap3A_751 = vector.shape_cast %swap3A_750 : vector<1x1x16xf32> to vector<16xf32>
      %swap3A_752 = vector.shape_cast %mul3A_731 : vector<16xf32> to vector<1x1x16xf32>
      tpu.vector_store %arg12[%swap3A_747, %swap3A_748, %swap3A_749], %swap3A_752 {strides = array<i32>} : memref<4x1024x16xf32, #tpu.memory_space<vmem>>, vector<1x1x16xf32>,
      %scan3A_753 = arith.constant 0 : i32
      %scan3A_754 = arith.constant 4 : i32
      %scan3A_755 = arith.addi %scan3A_459, %scan3A_754 : i32
      %get3A_756 = arith.constant 1 : i32
      %get3A_757 = arith.index_cast %get3A_756 : i32 to index
      %get3A_758 = arith.index_cast %scan3A_755 : i32 to index
      %get3A_759 = arith.constant 0 : index
      %get3A_760 = tpu.vector_load %arg12[%get3A_757, %get3A_758, %get3A_759] {strides = array<i32>} : memref<4x1024x16xf32, #tpu.memory_space<vmem>>, vector<1x1x16xf32>,
      %get3A_761 = vector.shape_cast %get3A_760 : vector<1x1x16xf32> to vector<16xf32>
      %get3A_762 = arith.constant 2 : i32
      %get3A_763 = arith.index_cast %get3A_762 : i32 to index
      %get3A_764 = arith.index_cast %scan3A_755 : i32 to index
      %get3A_765 = arith.constant 0 : index
      %get3A_766 = tpu.vector_load %arg12[%get3A_763, %get3A_764, %get3A_765] {strides = array<i32>} : memref<4x1024x16xf32, #tpu.memory_space<vmem>>, vector<1x1x16xf32>,
      %get3A_767 = vector.shape_cast %get3A_766 : vector<1x1x16xf32> to vector<16xf32>
      %add3A_768 = arith.addf %get3A_761, %get3A_767 : vector<16xf32>
      %add3A_769 = arith.constant 1.000000e+00 : f32
      %add3A_770 = vector.broadcast %add3A_769 : f32 to vector<16xf32>
      %add3A_771 = arith.addf %add3A_768, %add3A_770 : vector<16xf32>
      %bitcast_convert_type3A_772 = tpu.bitcast %add3A_771 : vector<16xf32> -> vector<16xi32>
      %shift_right_logical3A_773 = arith.constant 1 : i32
      %shift_right_logical3A_774 = vector.broadcast %shift_right_logical3A_773 : i32 to vector<16xi32>
      %shift_right_logical3A_775 = arith.shrui %bitcast_convert_type3A_772, %shift_right_logical3A_774 : vector<16xi32>
      %sub3A_776 = arith.constant 1597463007 : i32
      %sub3A_777 = vector.broadcast %sub3A_776 : i32 to vector<16xi32>
      %sub3A_778 = arith.subi %sub3A_777, %shift_right_logical3A_775 : vector<16xi32>
      %bitcast_convert_type3A_779 = tpu.bitcast %sub3A_778 : vector<16xi32> -> vector<16xf32>
      %mul3A_780 = arith.constant 5.000000e-01 : f32
      %mul3A_781 = vector.broadcast %mul3A_780 : f32 to vector<16xf32>
      %mul3A_782 = arith.mulf %mul3A_781, %add3A_771 : vector<16xf32>
      %mul3A_783 = arith.mulf %mul3A_782, %bitcast_convert_type3A_779 : vector<16xf32>
      %mul3A_784 = arith.mulf %mul3A_783, %bitcast_convert_type3A_779 : vector<16xf32>
      %sub3A_785 = arith.constant 1.500000e+00 : f32
      %sub3A_786 = vector.broadcast %sub3A_785 : f32 to vector<16xf32>
      %sub3A_787 = arith.subf %sub3A_786, %mul3A_784 : vector<16xf32>
      %mul3A_788 = arith.mulf %bitcast_convert_type3A_779, %sub3A_787 : vector<16xf32>
      %mul3A_789 = arith.constant 5.000000e-01 : f32
      %mul3A_790 = vector.broadcast %mul3A_789 : f32 to vector<16xf32>
      %mul3A_791 = arith.mulf %mul3A_790, %add3A_771 : vector<16xf32>
      %mul3A_792 = arith.mulf %mul3A_791, %mul3A_788 : vector<16xf32>
      %mul3A_793 = arith.mulf %mul3A_792, %mul3A_788 : vector<16xf32>
      %sub3A_794 = arith.constant 1.500000e+00 : f32
      %sub3A_795 = vector.broadcast %sub3A_794 : f32 to vector<16xf32>
      %sub3A_796 = arith.subf %sub3A_795, %mul3A_793 : vector<16xf32>
      %mul3A_797 = arith.mulf %mul3A_788, %sub3A_796 : vector<16xf32>
      %mul3A_798 = arith.constant 5.000000e-01 : f32
      %mul3A_799 = vector.broadcast %mul3A_798 : f32 to vector<16xf32>
      %mul3A_800 = arith.mulf %mul3A_799, %add3A_771 : vector<16xf32>
      %mul3A_801 = arith.mulf %mul3A_800, %mul3A_797 : vector<16xf32>
      %mul3A_802 = arith.mulf %mul3A_801, %mul3A_797 : vector<16xf32>
      %sub3A_803 = arith.constant 1.500000e+00 : f32
      %sub3A_804 = vector.broadcast %sub3A_803 : f32 to vector<16xf32>
      %sub3A_805 = arith.subf %sub3A_804, %mul3A_802 : vector<16xf32>
      %mul3A_806 = arith.mulf %mul3A_797, %sub3A_805 : vector<16xf32>
      %get3A_807 = arith.constant 0 : i32
      %get3A_808 = arith.index_cast %get3A_807 : i32 to index
      %get3A_809 = arith.index_cast %scan3A_755 : i32 to index
      %get3A_810 = arith.constant 0 : index
      %get3A_811 = tpu.vector_load %arg12[%get3A_808, %get3A_809, %get3A_810] {strides = array<i32>} : memref<4x1024x16xf32, #tpu.memory_space<vmem>>, vector<1x1x16xf32>,
      %get3A_812 = vector.shape_cast %get3A_811 : vector<1x1x16xf32> to vector<16xf32>
      %mul3A_813 = arith.mulf %mul3A_806, %get3A_812 : vector<16xf32>
      %swap3A_814 = arith.constant 0 : i32
      %swap3A_815 = arith.index_cast %swap3A_814 : i32 to index
      %swap3A_816 = arith.index_cast %scan3A_755 : i32 to index
      %swap3A_817 = arith.constant 0 : index
      %swap3A_818 = tpu.vector_load %arg12[%swap3A_815, %swap3A_816, %swap3A_817] {strides = array<i32>} : memref<4x1024x16xf32, #tpu.memory_space<vmem>>, vector<1x1x16xf32>,
      %swap3A_819 = vector.shape_cast %swap3A_818 : vector<1x1x16xf32> to vector<16xf32>
      %swap3A_820 = vector.shape_cast %mul3A_813 : vector<16xf32> to vector<1x1x16xf32>
      tpu.vector_store %arg12[%swap3A_815, %swap3A_816, %swap3A_817], %swap3A_820 {strides = array<i32>} : memref<4x1024x16xf32, #tpu.memory_space<vmem>>, vector<1x1x16xf32>,
      %swap3A_821 = arith.constant 1 : i32
      %swap3A_822 = arith.index_cast %swap3A_821 : i32 to index
      %swap3A_823 = arith.index_cast %scan3A_755 : i32 to index
      %swap3A_824 = arith.constant 0 : index
      %swap3A_825 = tpu.vector_load %arg12[%swap3A_822, %swap3A_823, %swap3A_824] {strides = array<i32>} : memref<4x1024x16xf32, #tpu.memory_space<vmem>>, vector<1x1x16xf32>,
      %swap3A_826 = vector.shape_cast %swap3A_825 : vector<1x1x16xf32> to vector<16xf32>
      %swap3A_827 = vector.shape_cast %mul3A_806 : vector<16xf32> to vector<1x1x16xf32>
      tpu.vector_store %arg12[%swap3A_822, %swap3A_823, %swap3A_824], %swap3A_827 {strides = array<i32>} : memref<4x1024x16xf32, #tpu.memory_space<vmem>>, vector<1x1x16xf32>,
      %scan3A_828 = arith.constant 0 : i32
      %scan3A_829 = arith.constant 5 : i32
      %scan3A_830 = arith.addi %scan3A_459, %scan3A_829 : i32
      %get3A_831 = arith.constant 1 : i32
      %get3A_832 = arith.index_cast %get3A_831 : i32 to index
      %get3A_833 = arith.index_cast %scan3A_830 : i32 to index
      %get3A_834 = arith.constant 0 : index
      %get3A_835 = tpu.vector_load %arg12[%get3A_832, %get3A_833, %get3A_834] {strides = array<i32>} : memref<4x1024x16xf32, #tpu.memory_space<vmem>>, vector<1x1x16xf32>,
      %get3A_836 = vector.shape_cast %get3A_835 : vector<1x1x16xf32> to vector<16xf32>
      %get3A_837 = arith.constant 2 : i32
      %get3A_838 = arith.index_cast %get3A_837 : i32 to index
      %get3A_839 = arith.index_cast %scan3A_830 : i32 to index
      %get3A_840 = arith.constant 0 : index
      %get3A_841 = tpu.vector_load %arg12[%get3A_838, %get3A_839, %get3A_840] {strides = array<i32>} : memref<4x1024x16xf32, #tpu.memory_space<vmem>>, vector<1x1x16xf32>,
      %get3A_842 = vector.shape_cast %get3A_841 : vector<1x1x16xf32> to vector<16xf32>
      %add3A_843 = arith.addf %get3A_836, %get3A_842 : vector<16xf32>
      %add3A_844 = arith.constant 1.000000e+00 : f32
      %add3A_845 = vector.broadcast %add3A_844 : f32 to vector<16xf32>
      %add3A_846 = arith.addf %add3A_843, %add3A_845 : vector<16xf32>
      %bitcast_convert_type3A_847 = tpu.bitcast %add3A_846 : vector<16xf32> -> vector<16xi32>
      %shift_right_logical3A_848 = arith.constant 1 : i32
      %shift_right_logical3A_849 = vector.broadcast %shift_right_logical3A_848 : i32 to vector<16xi32>
      %shift_right_logical3A_850 = arith.shrui %bitcast_convert_type3A_847, %shift_right_logical3A_849 : vector<16xi32>
      %sub3A_851 = arith.constant 1597463007 : i32
      %sub3A_852 = vector.broadcast %sub3A_851 : i32 to vector<16xi32>
      %sub3A_853 = arith.subi %sub3A_852, %shift_right_logical3A_850 : vector<16xi32>
      %bitcast_convert_type3A_854 = tpu.bitcast %sub3A_853 : vector<16xi32> -> vector<16xf32>
      %mul3A_855 = arith.constant 5.000000e-01 : f32
      %mul3A_856 = vector.broadcast %mul3A_855 : f32 to vector<16xf32>
      %mul3A_857 = arith.mulf %mul3A_856, %add3A_846 : vector<16xf32>
      %mul3A_858 = arith.mulf %mul3A_857, %bitcast_convert_type3A_854 : vector<16xf32>
      %mul3A_859 = arith.mulf %mul3A_858, %bitcast_convert_type3A_854 : vector<16xf32>
      %sub3A_860 = arith.constant 1.500000e+00 : f32
      %sub3A_861 = vector.broadcast %sub3A_860 : f32 to vector<16xf32>
      %sub3A_862 = arith.subf %sub3A_861, %mul3A_859 : vector<16xf32>
      %mul3A_863 = arith.mulf %bitcast_convert_type3A_854, %sub3A_862 : vector<16xf32>
      %mul3A_864 = arith.constant 5.000000e-01 : f32
      %mul3A_865 = vector.broadcast %mul3A_864 : f32 to vector<16xf32>
      %mul3A_866 = arith.mulf %mul3A_865, %add3A_846 : vector<16xf32>
      %mul3A_867 = arith.mulf %mul3A_866, %mul3A_863 : vector<16xf32>
      %mul3A_868 = arith.mulf %mul3A_867, %mul3A_863 : vector<16xf32>
      %sub3A_869 = arith.constant 1.500000e+00 : f32
      %sub3A_870 = vector.broadcast %sub3A_869 : f32 to vector<16xf32>
      %sub3A_871 = arith.subf %sub3A_870, %mul3A_868 : vector<16xf32>
      %mul3A_872 = arith.mulf %mul3A_863, %sub3A_871 : vector<16xf32>
      %mul3A_873 = arith.constant 5.000000e-01 : f32
      %mul3A_874 = vector.broadcast %mul3A_873 : f32 to vector<16xf32>
      %mul3A_875 = arith.mulf %mul3A_874, %add3A_846 : vector<16xf32>
      %mul3A_876 = arith.mulf %mul3A_875, %mul3A_872 : vector<16xf32>
      %mul3A_877 = arith.mulf %mul3A_876, %mul3A_872 : vector<16xf32>
      %sub3A_878 = arith.constant 1.500000e+00 : f32
      %sub3A_879 = vector.broadcast %sub3A_878 : f32 to vector<16xf32>
      %sub3A_880 = arith.subf %sub3A_879, %mul3A_877 : vector<16xf32>
      %mul3A_881 = arith.mulf %mul3A_872, %sub3A_880 : vector<16xf32>
      %get3A_882 = arith.constant 0 : i32
      %get3A_883 = arith.index_cast %get3A_882 : i32 to index
      %get3A_884 = arith.index_cast %scan3A_830 : i32 to index
      %get3A_885 = arith.constant 0 : index
      %get3A_886 = tpu.vector_load %arg12[%get3A_883, %get3A_884, %get3A_885] {strides = array<i32>} : memref<4x1024x16xf32, #tpu.memory_space<vmem>>, vector<1x1x16xf32>,
      %get3A_887 = vector.shape_cast %get3A_886 : vector<1x1x16xf32> to vector<16xf32>
      %mul3A_888 = arith.mulf %mul3A_881, %get3A_887 : vector<16xf32>
      %swap3A_889 = arith.constant 0 : i32
      %swap3A_890 = arith.index_cast %swap3A_889 : i32 to index
      %swap3A_891 = arith.index_cast %scan3A_830 : i32 to index
      %swap3A_892 = arith.constant 0 : index
      %swap3A_893 = tpu.vector_load %arg12[%swap3A_890, %swap3A_891, %swap3A_892] {strides = array<i32>} : memref<4x1024x16xf32, #tpu.memory_space<vmem>>, vector<1x1x16xf32>,
      %swap3A_894 = vector.shape_cast %swap3A_893 : vector<1x1x16xf32> to vector<16xf32>
      %swap3A_895 = vector.shape_cast %mul3A_888 : vector<16xf32> to vector<1x1x16xf32>
      tpu.vector_store %arg12[%swap3A_890, %swap3A_891, %swap3A_892], %swap3A_895 {strides = array<i32>} : memref<4x1024x16xf32, #tpu.memory_space<vmem>>, vector<1x1x16xf32>,
      %swap3A_896 = arith.constant 1 : i32
      %swap3A_897 = arith.index_cast %swap3A_896 : i32 to index
      %swap3A_898 = arith.index_cast %scan3A_830 : i32 to index
      %swap3A_899 = arith.constant 0 : index
      %swap3A_900 = tpu.vector_load %arg12[%swap3A_897, %swap3A_898, %swap3A_899] {strides = array<i32>} : memref<4x1024x16xf32, #tpu.memory_space<vmem>>, vector<1x1x16xf32>,
      %swap3A_901 = vector.shape_cast %swap3A_900 : vector<1x1x16xf32> to vector<16xf32>
      %swap3A_902 = vector.shape_cast %mul3A_881 : vector<16xf32> to vector<1x1x16xf32>
      tpu.vector_store %arg12[%swap3A_897, %swap3A_898, %swap3A_899], %swap3A_902 {strides = array<i32>} : memref<4x1024x16xf32, #tpu.memory_space<vmem>>, vector<1x1x16xf32>,
      %scan3A_903 = arith.constant 0 : i32
      %scan3A_904 = arith.constant 6 : i32
      %scan3A_905 = arith.addi %scan3A_459, %scan3A_904 : i32
      %get3A_906 = arith.constant 1 : i32
      %get3A_907 = arith.index_cast %get3A_906 : i32 to index
      %get3A_908 = arith.index_cast %scan3A_905 : i32 to index
      %get3A_909 = arith.constant 0 : index
      %get3A_910 = tpu.vector_load %arg12[%get3A_907, %get3A_908, %get3A_909] {strides = array<i32>} : memref<4x1024x16xf32, #tpu.memory_space<vmem>>, vector<1x1x16xf32>,
      %get3A_911 = vector.shape_cast %get3A_910 : vector<1x1x16xf32> to vector<16xf32>
      %get3A_912 = arith.constant 2 : i32
      %get3A_913 = arith.index_cast %get3A_912 : i32 to index
      %get3A_914 = arith.index_cast %scan3A_905 : i32 to index
      %get3A_915 = arith.constant 0 : index
      %get3A_916 = tpu.vector_load %arg12[%get3A_913, %get3A_914, %get3A_915] {strides = array<i32>} : memref<4x1024x16xf32, #tpu.memory_space<vmem>>, vector<1x1x16xf32>,
      %get3A_917 = vector.shape_cast %get3A_916 : vector<1x1x16xf32> to vector<16xf32>
      %add3A_918 = arith.addf %get3A_911, %get3A_917 : vector<16xf32>
      %add3A_919 = arith.constant 1.000000e+00 : f32
      %add3A_920 = vector.broadcast %add3A_919 : f32 to vector<16xf32>
      %add3A_921 = arith.addf %add3A_918, %add3A_920 : vector<16xf32>
      %bitcast_convert_type3A_922 = tpu.bitcast %add3A_921 : vector<16xf32> -> vector<16xi32>
      %shift_right_logical3A_923 = arith.constant 1 : i32
      %shift_right_logical3A_924 = vector.broadcast %shift_right_logical3A_923 : i32 to vector<16xi32>
      %shift_right_logical3A_925 = arith.shrui %bitcast_convert_type3A_922, %shift_right_logical3A_924 : vector<16xi32>
      %sub3A_926 = arith.constant 1597463007 : i32
      %sub3A_927 = vector.broadcast %sub3A_926 : i32 to vector<16xi32>
      %sub3A_928 = arith.subi %sub3A_927, %shift_right_logical3A_925 : vector<16xi32>
      %bitcast_convert_type3A_929 = tpu.bitcast %sub3A_928 : vector<16xi32> -> vector<16xf32>
      %mul3A_930 = arith.constant 5.000000e-01 : f32
      %mul3A_931 = vector.broadcast %mul3A_930 : f32 to vector<16xf32>
      %mul3A_932 = arith.mulf %mul3A_931, %add3A_921 : vector<16xf32>
      %mul3A_933 = arith.mulf %mul3A_932, %bitcast_convert_type3A_929 : vector<16xf32>
      %mul3A_934 = arith.mulf %mul3A_933, %bitcast_convert_type3A_929 : vector<16xf32>
      %sub3A_935 = arith.constant 1.500000e+00 : f32
      %sub3A_936 = vector.broadcast %sub3A_935 : f32 to vector<16xf32>
      %sub3A_937 = arith.subf %sub3A_936, %mul3A_934 : vector<16xf32>
      %mul3A_938 = arith.mulf %bitcast_convert_type3A_929, %sub3A_937 : vector<16xf32>
      %mul3A_939 = arith.constant 5.000000e-01 : f32
      %mul3A_940 = vector.broadcast %mul3A_939 : f32 to vector<16xf32>
      %mul3A_941 = arith.mulf %mul3A_940, %add3A_921 : vector<16xf32>
      %mul3A_942 = arith.mulf %mul3A_941, %mul3A_938 : vector<16xf32>
      %mul3A_943 = arith.mulf %mul3A_942, %mul3A_938 : vector<16xf32>
      %sub3A_944 = arith.constant 1.500000e+00 : f32
      %sub3A_945 = vector.broadcast %sub3A_944 : f32 to vector<16xf32>
      %sub3A_946 = arith.subf %sub3A_945, %mul3A_943 : vector<16xf32>
      %mul3A_947 = arith.mulf %mul3A_938, %sub3A_946 : vector<16xf32>
      %mul3A_948 = arith.constant 5.000000e-01 : f32
      %mul3A_949 = vector.broadcast %mul3A_948 : f32 to vector<16xf32>
      %mul3A_950 = arith.mulf %mul3A_949, %add3A_921 : vector<16xf32>
      %mul3A_951 = arith.mulf %mul3A_950, %mul3A_947 : vector<16xf32>
      %mul3A_952 = arith.mulf %mul3A_951, %mul3A_947 : vector<16xf32>
      %sub3A_953 = arith.constant 1.500000e+00 : f32
      %sub3A_954 = vector.broadcast %sub3A_953 : f32 to vector<16xf32>
      %sub3A_955 = arith.subf %sub3A_954, %mul3A_952 : vector<16xf32>
      %mul3A_956 = arith.mulf %mul3A_947, %sub3A_955 : vector<16xf32>
      %get3A_957 = arith.constant 0 : i32
      %get3A_958 = arith.index_cast %get3A_957 : i32 to index
      %get3A_959 = arith.index_cast %scan3A_905 : i32 to index
      %get3A_960 = arith.constant 0 : index
      %get3A_961 = tpu.vector_load %arg12[%get3A_958, %get3A_959, %get3A_960] {strides = array<i32>} : memref<4x1024x16xf32, #tpu.memory_space<vmem>>, vector<1x1x16xf32>,
      %get3A_962 = vector.shape_cast %get3A_961 : vector<1x1x16xf32> to vector<16xf32>
      %mul3A_963 = arith.mulf %mul3A_956, %get3A_962 : vector<16xf32>
      %swap3A_964 = arith.constant 0 : i32
      %swap3A_965 = arith.index_cast %swap3A_964 : i32 to index
      %swap3A_966 = arith.index_cast %scan3A_905 : i32 to index
      %swap3A_967 = arith.constant 0 : index
      %swap3A_968 = tpu.vector_load %arg12[%swap3A_965, %swap3A_966, %swap3A_967] {strides = array<i32>} : memref<4x1024x16xf32, #tpu.memory_space<vmem>>, vector<1x1x16xf32>,
      %swap3A_969 = vector.shape_cast %swap3A_968 : vector<1x1x16xf32> to vector<16xf32>
      %swap3A_970 = vector.shape_cast %mul3A_963 : vector<16xf32> to vector<1x1x16xf32>
      tpu.vector_store %arg12[%swap3A_965, %swap3A_966, %swap3A_967], %swap3A_970 {strides = array<i32>} : memref<4x1024x16xf32, #tpu.memory_space<vmem>>, vector<1x1x16xf32>,
      %swap3A_971 = arith.constant 1 : i32
      %swap3A_972 = arith.index_cast %swap3A_971 : i32 to index
      %swap3A_973 = arith.index_cast %scan3A_905 : i32 to index
      %swap3A_974 = arith.constant 0 : index
      %swap3A_975 = tpu.vector_load %arg12[%swap3A_972, %swap3A_973, %swap3A_974] {strides = array<i32>} : memref<4x1024x16xf32, #tpu.memory_space<vmem>>, vector<1x1x16xf32>,
      %swap3A_976 = vector.shape_cast %swap3A_975 : vector<1x1x16xf32> to vector<16xf32>
      %swap3A_977 = vector.shape_cast %mul3A_956 : vector<16xf32> to vector<1x1x16xf32>
      tpu.vector_store %arg12[%swap3A_972, %swap3A_973, %swap3A_974], %swap3A_977 {strides = array<i32>} : memref<4x1024x16xf32, #tpu.memory_space<vmem>>, vector<1x1x16xf32>,
      %scan3A_978 = arith.constant 0 : i32
      %scan3A_979 = arith.constant 7 : i32
      %scan3A_980 = arith.addi %scan3A_459, %scan3A_979 : i32
      %get3A_981 = arith.constant 1 : i32
      %get3A_982 = arith.index_cast %get3A_981 : i32 to index
      %get3A_983 = arith.index_cast %scan3A_980 : i32 to index
      %get3A_984 = arith.constant 0 : index
      %get3A_985 = tpu.vector_load %arg12[%get3A_982, %get3A_983, %get3A_984] {strides = array<i32>} : memref<4x1024x16xf32, #tpu.memory_space<vmem>>, vector<1x1x16xf32>,
      %get3A_986 = vector.shape_cast %get3A_985 : vector<1x1x16xf32> to vector<16xf32>
      %get3A_987 = arith.constant 2 : i32
      %get3A_988 = arith.index_cast %get3A_987 : i32 to index
      %get3A_989 = arith.index_cast %scan3A_980 : i32 to index
      %get3A_990 = arith.constant 0 : index
      %get3A_991 = tpu.vector_load %arg12[%get3A_988, %get3A_989, %get3A_990] {strides = array<i32>} : memref<4x1024x16xf32, #tpu.memory_space<vmem>>, vector<1x1x16xf32>,
      %get3A_992 = vector.shape_cast %get3A_991 : vector<1x1x16xf32> to vector<16xf32>
      %add3A_993 = arith.addf %get3A_986, %get3A_992 : vector<16xf32>
      %add3A_994 = arith.constant 1.000000e+00 : f32
      %add3A_995 = vector.broadcast %add3A_994 : f32 to vector<16xf32>
      %add3A_996 = arith.addf %add3A_993, %add3A_995 : vector<16xf32>
      %bitcast_convert_type3A_997 = tpu.bitcast %add3A_996 : vector<16xf32> -> vector<16xi32>
      %shift_right_logical3A_998 = arith.constant 1 : i32
      %shift_right_logical3A_999 = vector.broadcast %shift_right_logical3A_998 : i32 to vector<16xi32>
      %shift_right_logical3A_1000 = arith.shrui %bitcast_convert_type3A_997, %shift_right_logical3A_999 : vector<16xi32>
      %sub3A_1001 = arith.constant 1597463007 : i32
      %sub3A_1002 = vector.broadcast %sub3A_1001 : i32 to vector<16xi32>
      %sub3A_1003 = arith.subi %sub3A_1002, %shift_right_logical3A_1000 : vector<16xi32>
      %bitcast_convert_type3A_1004 = tpu.bitcast %sub3A_1003 : vector<16xi32> -> vector<16xf32>
      %mul3A_1005 = arith.constant 5.000000e-01 : f32
      %mul3A_1006 = vector.broadcast %mul3A_1005 : f32 to vector<16xf32>
      %mul3A_1007 = arith.mulf %mul3A_1006, %add3A_996 : vector<16xf32>
      %mul3A_1008 = arith.mulf %mul3A_1007, %bitcast_convert_type3A_1004 : vector<16xf32>
      %mul3A_1009 = arith.mulf %mul3A_1008, %bitcast_convert_type3A_1004 : vector<16xf32>
      %sub3A_1010 = arith.constant 1.500000e+00 : f32
      %sub3A_1011 = vector.broadcast %sub3A_1010 : f32 to vector<16xf32>
      %sub3A_1012 = arith.subf %sub3A_1011, %mul3A_1009 : vector<16xf32>
      %mul3A_1013 = arith.mulf %bitcast_convert_type3A_1004, %sub3A_1012 : vector<16xf32>
      %mul3A_1014 = arith.constant 5.000000e-01 : f32
      %mul3A_1015 = vector.broadcast %mul3A_1014 : f32 to vector<16xf32>
      %mul3A_1016 = arith.mulf %mul3A_1015, %add3A_996 : vector<16xf32>
      %mul3A_1017 = arith.mulf %mul3A_1016, %mul3A_1013 : vector<16xf32>
      %mul3A_1018 = arith.mulf %mul3A_1017, %mul3A_1013 : vector<16xf32>
      %sub3A_1019 = arith.constant 1.500000e+00 : f32
      %sub3A_1020 = vector.broadcast %sub3A_1019 : f32 to vector<16xf32>
      %sub3A_1021 = arith.subf %sub3A_1020, %mul3A_1018 : vector<16xf32>
      %mul3A_1022 = arith.mulf %mul3A_1013, %sub3A_1021 : vector<16xf32>
      %mul3A_1023 = arith.constant 5.000000e-01 : f32
      %mul3A_1024 = vector.broadcast %mul3A_1023 : f32 to vector<16xf32>
      %mul3A_1025 = arith.mulf %mul3A_1024, %add3A_996 : vector<16xf32>
      %mul3A_1026 = arith.mulf %mul3A_1025, %mul3A_1022 : vector<16xf32>
      %mul3A_1027 = arith.mulf %mul3A_1026, %mul3A_1022 : vector<16xf32>
      %sub3A_1028 = arith.constant 1.500000e+00 : f32
      %sub3A_1029 = vector.broadcast %sub3A_1028 : f32 to vector<16xf32>
      %sub3A_1030 = arith.subf %sub3A_1029, %mul3A_1027 : vector<16xf32>
      %mul3A_1031 = arith.mulf %mul3A_1022, %sub3A_1030 : vector<16xf32>
      %get3A_1032 = arith.constant 0 : i32
      %get3A_1033 = arith.index_cast %get3A_1032 : i32 to index
      %get3A_1034 = arith.index_cast %scan3A_980 : i32 to index
      %get3A_1035 = arith.constant 0 : index
      %get3A_1036 = tpu.vector_load %arg12[%get3A_1033, %get3A_1034, %get3A_1035] {strides = array<i32>} : memref<4x1024x16xf32, #tpu.memory_space<vmem>>, vector<1x1x16xf32>,
      %get3A_1037 = vector.shape_cast %get3A_1036 : vector<1x1x16xf32> to vector<16xf32>
      %mul3A_1038 = arith.mulf %mul3A_1031, %get3A_1037 : vector<16xf32>
      %swap3A_1039 = arith.constant 0 : i32
      %swap3A_1040 = arith.index_cast %swap3A_1039 : i32 to index
      %swap3A_1041 = arith.index_cast %scan3A_980 : i32 to index
      %swap3A_1042 = arith.constant 0 : index
      %swap3A_1043 = tpu.vector_load %arg12[%swap3A_1040, %swap3A_1041, %swap3A_1042] {strides = array<i32>} : memref<4x1024x16xf32, #tpu.memory_space<vmem>>, vector<1x1x16xf32>,
      %swap3A_1044 = vector.shape_cast %swap3A_1043 : vector<1x1x16xf32> to vector<16xf32>
      %swap3A_1045 = vector.shape_cast %mul3A_1038 : vector<16xf32> to vector<1x1x16xf32>
      tpu.vector_store %arg12[%swap3A_1040, %swap3A_1041, %swap3A_1042], %swap3A_1045 {strides = array<i32>} : memref<4x1024x16xf32, #tpu.memory_space<vmem>>, vector<1x1x16xf32>,
      %swap3A_1046 = arith.constant 1 : i32
      %swap3A_1047 = arith.index_cast %swap3A_1046 : i32 to index
      %swap3A_1048 = arith.index_cast %scan3A_980 : i32 to index
      %swap3A_1049 = arith.constant 0 : index
      %swap3A_1050 = tpu.vector_load %arg12[%swap3A_1047, %swap3A_1048, %swap3A_1049] {strides = array<i32>} : memref<4x1024x16xf32, #tpu.memory_space<vmem>>, vector<1x1x16xf32>,
      %swap3A_1051 = vector.shape_cast %swap3A_1050 : vector<1x1x16xf32> to vector<16xf32>
      %swap3A_1052 = vector.shape_cast %mul3A_1031 : vector<16xf32> to vector<1x1x16xf32>
      tpu.vector_store %arg12[%swap3A_1047, %swap3A_1048, %swap3A_1049], %swap3A_1052 {strides = array<i32>} : memref<4x1024x16xf32, #tpu.memory_space<vmem>>, vector<1x1x16xf32>,
      %scan3A_1053 = arith.constant 0 : i32
      scf.yield %scan3A_1053 : i32
    }
    %scan3A_172 = arith.constant 632 : i32
    %dma_start3A_173 = arith.constant 0 : i32
    %dma_start3A_174 = arith.constant 0 : i32
    %dma_start3A_175 = arith.constant 0 : i32
    %dma_start3A_176 = arith.constant 0 : i32
    %dma_start3A_177 = tpu.memref_slice %arg12[%dma_start3A_173, %dma_start3A_175, %dma_start3A_176] : memref<4x1024x16xf32, #tpu.memory_space<vmem>> -> memref<1x632x16xf32, #tpu.memory_space<vmem>>
    %dma_start3A_178 = tpu.memref_squeeze %dma_start3A_177 : memref<1x632x16xf32, #tpu.memory_space<vmem>> -> memref<632x16xf32, #tpu.memory_space<vmem>>
    %dma_start3A_179 = arith.constant 0 : i32
    %dma_start3A_180 = tpu.memref_slice %arg15[%mul3A_2, %dma_start3A_179] : memref<10112x16xf32, #tpu.memory_space<vmem_shared>> -> memref<632x16xf32, #tpu.memory_space<vmem_shared>>
    %dma_start3A_181 = tpu.memref_slice %arg17[%dma_start3A_174] : memref<4x!tpu.dma_semaphore, #tpu.memory_space<semaphore_mem>> -> memref<1x!tpu.dma_semaphore, #tpu.memory_space<semaphore_mem>>
    %dma_start3A_182 = tpu.memref_squeeze %dma_start3A_181 : memref<1x!tpu.dma_semaphore, #tpu.memory_space<semaphore_mem>> -> memref<!tpu.dma_semaphore, #tpu.memory_space<semaphore_mem>>
    %dma_start3A_183 = arith.constant 0 : i32
    %dma_start3A_184 = tpu.memref_slice %arg15[%mul3A_2, %dma_start3A_183] : memref<10112x16xf32, #tpu.memory_space<vmem_shared>> -> memref<632x16xf32, #tpu.memory_space<vmem_shared>>
    %dma_start3A_185 = arith.constant 0 : i32
    %dma_start3A_186 = arith.constant 0 : i32
    %dma_start3A_187 = tpu.memref_slice %arg12[%dma_start3A_173, %dma_start3A_185, %dma_start3A_186] : memref<4x1024x16xf32, #tpu.memory_space<vmem>> -> memref<1x632x16xf32, #tpu.memory_space<vmem>>
    %dma_start3A_188 = tpu.memref_squeeze %dma_start3A_187 : memref<1x632x16xf32, #tpu.memory_space<vmem>> -> memref<632x16xf32, #tpu.memory_space<vmem>>
    tpu.enqueue_dma source(%dma_start3A_188 : memref<632x16xf32, #tpu.memory_space<vmem>>) target(%dma_start3A_184 : memref<632x16xf32, #tpu.memory_space<vmem_shared>>) target_semaphore(%dma_start3A_182 : memref<!tpu.dma_semaphore, #tpu.memory_space<semaphore_mem>>)
    %eq3A = arith.constant 0 : i32
    %eq3A_189 = arith.cmpi eq, %arg0, %eq3A : i32
    %convert_element_type3A = arith.extui %eq3A_189 : i1 to i32
    %cond3A = arith.constant 0 : i32
    %cond3A_190 = arith.cmpi ne, %convert_element_type3A, %cond3A : i32
    scf.if %cond3A_190 {
      %dma_start3A_459 = arith.constant 0 : i32
      %dma_start3A_460 = arith.constant 1 : i32
      %dma_start3A_461 = arith.constant 0 : i32
      %dma_start3A_462 = arith.constant 0 : i32
      %dma_start3A_463 = tpu.memref_slice %arg12[%dma_start3A_459, %dma_start3A_461, %dma_start3A_462] : memref<4x1024x16xf32, #tpu.memory_space<vmem>> -> memref<1x632x16xf32, #tpu.memory_space<vmem>>
      %dma_start3A_464 = tpu.memref_squeeze %dma_start3A_463 : memref<1x632x16xf32, #tpu.memory_space<vmem>> -> memref<632x16xf32, #tpu.memory_space<vmem>>
      %dma_start3A_465 = arith.constant 0 : i32
      %dma_start3A_466 = tpu.memref_slice %arg8[%mul3A_2, %dma_start3A_465] : memref<10112x16xf32, #tpu.memory_space<hbm>> -> memref<632x16xf32, #tpu.memory_space<hbm>>
      %dma_start3A_467 = tpu.memref_slice %arg17[%dma_start3A_460] : memref<4x!tpu.dma_semaphore, #tpu.memory_space<semaphore_mem>> -> memref<1x!tpu.dma_semaphore, #tpu.memory_space<semaphore_mem>>
      %dma_start3A_468 = tpu.memref_squeeze %dma_start3A_467 : memref<1x!tpu.dma_semaphore, #tpu.memory_space<semaphore_mem>> -> memref<!tpu.dma_semaphore, #tpu.memory_space<semaphore_mem>>
      %dma_start3A_469 = arith.constant 0 : i32
      %dma_start3A_470 = tpu.memref_slice %arg8[%mul3A_2, %dma_start3A_469] : memref<10112x16xf32, #tpu.memory_space<hbm>> -> memref<632x16xf32, #tpu.memory_space<hbm>>
      %dma_start3A_471 = arith.constant 0 : i32
      %dma_start3A_472 = arith.constant 0 : i32
      %dma_start3A_473 = tpu.memref_slice %arg12[%dma_start3A_459, %dma_start3A_471, %dma_start3A_472] : memref<4x1024x16xf32, #tpu.memory_space<vmem>> -> memref<1x632x16xf32, #tpu.memory_space<vmem>>
      %dma_start3A_474 = tpu.memref_squeeze %dma_start3A_473 : memref<1x632x16xf32, #tpu.memory_space<vmem>> -> memref<632x16xf32, #tpu.memory_space<vmem>>
      tpu.enqueue_dma source(%dma_start3A_474 : memref<632x16xf32, #tpu.memory_space<vmem>>) target(%dma_start3A_470 : memref<632x16xf32, #tpu.memory_space<hbm>>) target_semaphore(%dma_start3A_468 : memref<!tpu.dma_semaphore, #tpu.memory_space<semaphore_mem>>)
      %dma_start3A_475 = arith.constant 1 : i32
      %dma_start3A_476 = arith.constant 2 : i32
      %dma_start3A_477 = arith.constant 0 : i32
      %dma_start3A_478 = arith.constant 0 : i32
      %dma_start3A_479 = tpu.memref_slice %arg12[%dma_start3A_475, %dma_start3A_477, %dma_start3A_478] : memref<4x1024x16xf32, #tpu.memory_space<vmem>> -> memref<1x632x16xf32, #tpu.memory_space<vmem>>
      %dma_start3A_480 = tpu.memref_squeeze %dma_start3A_479 : memref<1x632x16xf32, #tpu.memory_space<vmem>> -> memref<632x16xf32, #tpu.memory_space<vmem>>
      %dma_start3A_481 = arith.constant 0 : i32
      %dma_start3A_482 = tpu.memref_slice %arg9[%mul3A_2, %dma_start3A_481] : memref<10112x16xf32, #tpu.memory_space<hbm>> -> memref<632x16xf32, #tpu.memory_space<hbm>>
      %dma_start3A_483 = tpu.memref_slice %arg17[%dma_start3A_476] : memref<4x!tpu.dma_semaphore, #tpu.memory_space<semaphore_mem>> -> memref<1x!tpu.dma_semaphore, #tpu.memory_space<semaphore_mem>>
      %dma_start3A_484 = tpu.memref_squeeze %dma_start3A_483 : memref<1x!tpu.dma_semaphore, #tpu.memory_space<semaphore_mem>> -> memref<!tpu.dma_semaphore, #tpu.memory_space<semaphore_mem>>
      %dma_start3A_485 = arith.constant 0 : i32
      %dma_start3A_486 = tpu.memref_slice %arg9[%mul3A_2, %dma_start3A_485] : memref<10112x16xf32, #tpu.memory_space<hbm>> -> memref<632x16xf32, #tpu.memory_space<hbm>>
      %dma_start3A_487 = arith.constant 0 : i32
      %dma_start3A_488 = arith.constant 0 : i32
      %dma_start3A_489 = tpu.memref_slice %arg12[%dma_start3A_475, %dma_start3A_487, %dma_start3A_488] : memref<4x1024x16xf32, #tpu.memory_space<vmem>> -> memref<1x632x16xf32, #tpu.memory_space<vmem>>
      %dma_start3A_490 = tpu.memref_squeeze %dma_start3A_489 : memref<1x632x16xf32, #tpu.memory_space<vmem>> -> memref<632x16xf32, #tpu.memory_space<vmem>>
      tpu.enqueue_dma source(%dma_start3A_490 : memref<632x16xf32, #tpu.memory_space<vmem>>) target(%dma_start3A_486 : memref<632x16xf32, #tpu.memory_space<hbm>>) target_semaphore(%dma_start3A_484 : memref<!tpu.dma_semaphore, #tpu.memory_space<semaphore_mem>>)
      %dma_wait3A_491 = arith.constant 0 : i32
      %dma_wait3A_492 = arith.constant 1 : i32
      %dma_wait3A_493 = arith.constant 0 : i32
      %dma_wait3A_494 = arith.constant 0 : i32
      %dma_wait3A_495 = tpu.memref_slice %arg12[%dma_wait3A_491, %dma_wait3A_493, %dma_wait3A_494] : memref<4x1024x16xf32, #tpu.memory_space<vmem>> -> memref<1x632x16xf32, #tpu.memory_space<vmem>>
      %dma_wait3A_496 = tpu.memref_squeeze %dma_wait3A_495 : memref<1x632x16xf32, #tpu.memory_space<vmem>> -> memref<632x16xf32, #tpu.memory_space<vmem>>
      %dma_wait3A_497 = arith.constant 0 : i32
      %dma_wait3A_498 = tpu.memref_slice %arg8[%mul3A_2, %dma_wait3A_497] : memref<10112x16xf32, #tpu.memory_space<hbm>> -> memref<632x16xf32, #tpu.memory_space<hbm>>
      %dma_wait3A_499 = tpu.memref_slice %arg17[%dma_wait3A_492] : memref<4x!tpu.dma_semaphore, #tpu.memory_space<semaphore_mem>> -> memref<1x!tpu.dma_semaphore, #tpu.memory_space<semaphore_mem>>
      %dma_wait3A_500 = tpu.memref_squeeze %dma_wait3A_499 : memref<1x!tpu.dma_semaphore, #tpu.memory_space<semaphore_mem>> -> memref<!tpu.dma_semaphore, #tpu.memory_space<semaphore_mem>>
      %dma_wait3A_501 = arith.constant 0 : i32
      %dma_wait3A_502 = tpu.memref_slice %arg8[%mul3A_2, %dma_wait3A_501] : memref<10112x16xf32, #tpu.memory_space<hbm>> -> memref<632x16xf32, #tpu.memory_space<hbm>>
      %dma_wait3A_503 = arith.constant 0 : i32
      %dma_wait3A_504 = arith.constant 0 : i32
      %dma_wait3A_505 = tpu.memref_slice %arg12[%dma_wait3A_491, %dma_wait3A_503, %dma_wait3A_504] : memref<4x1024x16xf32, #tpu.memory_space<vmem>> -> memref<1x632x16xf32, #tpu.memory_space<vmem>>
      %dma_wait3A_506 = tpu.memref_squeeze %dma_wait3A_505 : memref<1x632x16xf32, #tpu.memory_space<vmem>> -> memref<632x16xf32, #tpu.memory_space<vmem>>
      tpu.wait_dma2 semaphore(%dma_wait3A_500 : memref<!tpu.dma_semaphore, #tpu.memory_space<semaphore_mem>>) src(%dma_wait3A_506 : memref<632x16xf32, #tpu.memory_space<vmem>>) dst(%dma_wait3A_502 : memref<632x16xf32, #tpu.memory_space<hbm>>)
      %dma_wait3A_507 = arith.constant 1 : i32
      %dma_wait3A_508 = arith.constant 2 : i32
      %dma_wait3A_509 = arith.constant 0 : i32
      %dma_wait3A_510 = arith.constant 0 : i32
      %dma_wait3A_511 = tpu.memref_slice %arg12[%dma_wait3A_507, %dma_wait3A_509, %dma_wait3A_510] : memref<4x1024x16xf32, #tpu.memory_space<vmem>> -> memref<1x632x16xf32, #tpu.memory_space<vmem>>
      %dma_wait3A_512 = tpu.memref_squeeze %dma_wait3A_511 : memref<1x632x16xf32, #tpu.memory_space<vmem>> -> memref<632x16xf32, #tpu.memory_space<vmem>>
      %dma_wait3A_513 = arith.constant 0 : i32
      %dma_wait3A_514 = tpu.memref_slice %arg9[%mul3A_2, %dma_wait3A_513] : memref<10112x16xf32, #tpu.memory_space<hbm>> -> memref<632x16xf32, #tpu.memory_space<hbm>>
      %dma_wait3A_515 = tpu.memref_slice %arg17[%dma_wait3A_508] : memref<4x!tpu.dma_semaphore, #tpu.memory_space<semaphore_mem>> -> memref<1x!tpu.dma_semaphore, #tpu.memory_space<semaphore_mem>>
      %dma_wait3A_516 = tpu.memref_squeeze %dma_wait3A_515 : memref<1x!tpu.dma_semaphore, #tpu.memory_space<semaphore_mem>> -> memref<!tpu.dma_semaphore, #tpu.memory_space<semaphore_mem>>
      %dma_wait3A_517 = arith.constant 0 : i32
      %dma_wait3A_518 = tpu.memref_slice %arg9[%mul3A_2, %dma_wait3A_517] : memref<10112x16xf32, #tpu.memory_space<hbm>> -> memref<632x16xf32, #tpu.memory_space<hbm>>
      %dma_wait3A_519 = arith.constant 0 : i32
      %dma_wait3A_520 = arith.constant 0 : i32
      %dma_wait3A_521 = tpu.memref_slice %arg12[%dma_wait3A_507, %dma_wait3A_519, %dma_wait3A_520] : memref<4x1024x16xf32, #tpu.memory_space<vmem>> -> memref<1x632x16xf32, #tpu.memory_space<vmem>>
      %dma_wait3A_522 = tpu.memref_squeeze %dma_wait3A_521 : memref<1x632x16xf32, #tpu.memory_space<vmem>> -> memref<632x16xf32, #tpu.memory_space<vmem>>
      tpu.wait_dma2 semaphore(%dma_wait3A_516 : memref<!tpu.dma_semaphore, #tpu.memory_space<semaphore_mem>>) src(%dma_wait3A_522 : memref<632x16xf32, #tpu.memory_space<vmem>>) dst(%dma_wait3A_518 : memref<632x16xf32, #tpu.memory_space<hbm>>)
    } else {
    }
    %dma_wait3A_191 = arith.constant 0 : i32
    %dma_wait3A_192 = arith.constant 0 : i32
    %dma_wait3A_193 = arith.constant 0 : i32
    %dma_wait3A_194 = arith.constant 0 : i32
    %dma_wait3A_195 = tpu.memref_slice %arg12[%dma_wait3A_191, %dma_wait3A_193, %dma_wait3A_194] : memref<4x1024x16xf32, #tpu.memory_space<vmem>> -> memref<1x632x16xf32, #tpu.memory_space<vmem>>
    %dma_wait3A_196 = tpu.memref_squeeze %dma_wait3A_195 : memref<1x632x16xf32, #tpu.memory_space<vmem>> -> memref<632x16xf32, #tpu.memory_space<vmem>>
    %dma_wait3A_197 = arith.constant 0 : i32
    %dma_wait3A_198 = tpu.memref_slice %arg15[%mul3A_2, %dma_wait3A_197] : memref<10112x16xf32, #tpu.memory_space<vmem_shared>> -> memref<632x16xf32, #tpu.memory_space<vmem_shared>>
    %dma_wait3A_199 = tpu.memref_slice %arg17[%dma_wait3A_192] : memref<4x!tpu.dma_semaphore, #tpu.memory_space<semaphore_mem>> -> memref<1x!tpu.dma_semaphore, #tpu.memory_space<semaphore_mem>>
    %dma_wait3A_200 = tpu.memref_squeeze %dma_wait3A_199 : memref<1x!tpu.dma_semaphore, #tpu.memory_space<semaphore_mem>> -> memref<!tpu.dma_semaphore, #tpu.memory_space<semaphore_mem>>
    %dma_wait3A_201 = arith.constant 0 : i32
    %dma_wait3A_202 = tpu.memref_slice %arg15[%mul3A_2, %dma_wait3A_201] : memref<10112x16xf32, #tpu.memory_space<vmem_shared>> -> memref<632x16xf32, #tpu.memory_space<vmem_shared>>
    %dma_wait3A_203 = arith.constant 0 : i32
    %dma_wait3A_204 = arith.constant 0 : i32
    %dma_wait3A_205 = tpu.memref_slice %arg12[%dma_wait3A_191, %dma_wait3A_203, %dma_wait3A_204] : memref<4x1024x16xf32, #tpu.memory_space<vmem>> -> memref<1x632x16xf32, #tpu.memory_space<vmem>>
    %dma_wait3A_206 = tpu.memref_squeeze %dma_wait3A_205 : memref<1x632x16xf32, #tpu.memory_space<vmem>> -> memref<632x16xf32, #tpu.memory_space<vmem>>
    tpu.wait_dma2 semaphore(%dma_wait3A_200 : memref<!tpu.dma_semaphore, #tpu.memory_space<semaphore_mem>>) src(%dma_wait3A_206 : memref<632x16xf32, #tpu.memory_space<vmem>>) dst(%dma_wait3A_202 : memref<632x16xf32, #tpu.memory_space<vmem_shared>>)
    %barrier3A = arith.constant 0 : index
    tpu.barrier barrier_id(%barrier3A)
    %dma_start3A_207 = arith.constant 0 : i32
    %dma_start3A_208 = arith.constant 0 : i32
    %dma_start3A_209 = arith.constant 0 : i32
    %dma_start3A_210 = arith.constant 0 : i32
    %dma_start3A_211 = arith.constant 0 : i32
    %dma_start3A_212 = tpu.memref_slice %arg12[%dma_start3A_208, %dma_start3A_210, %dma_start3A_211] : memref<4x1024x16xf32, #tpu.memory_space<vmem>> -> memref<1x1024x16xf32, #tpu.memory_space<vmem>>
    %dma_start3A_213 = tpu.memref_squeeze %dma_start3A_212 : memref<1x1024x16xf32, #tpu.memory_space<vmem>> -> memref<1024x16xf32, #tpu.memory_space<vmem>>
    %dma_start3A_214 = arith.constant 0 : i32
    %dma_start3A_215 = tpu.memref_slice %arg10[%dma_start3A_207, %dma_start3A_214] : memref<10x1024xi32, #tpu.memory_space<vmem>> -> memref<1x1024xi32, #tpu.memory_space<vmem>>
    %dma_start3A_216 = tpu.memref_squeeze %dma_start3A_215 : memref<1x1024xi32, #tpu.memory_space<vmem>> -> memref<1024xi32, #tpu.memory_space<vmem>>
    %dma_start3A_217 = arith.constant 0 : i32
    %dma_start3A_218 = arith.constant 0 : i32
    %dma_start3A_219 = tpu.memref_slice %arg15[%dma_start3A_217, %dma_start3A_218] : memref<10112x16xf32, #tpu.memory_space<vmem_shared>> -> memref<10112x16xf32, #tpu.memory_space<vmem_shared>>
    %dma_start3A_220 = tpu.memref_slice %arg16[%dma_start3A_209] : memref<4x!tpu.dma_semaphore, #tpu.memory_space<semaphore_mem>> -> memref<1x!tpu.dma_semaphore, #tpu.memory_space<semaphore_mem>>
    %dma_start3A_221 = tpu.memref_squeeze %dma_start3A_220 : memref<1x!tpu.dma_semaphore, #tpu.memory_space<semaphore_mem>> -> memref<!tpu.dma_semaphore, #tpu.memory_space<semaphore_mem>>
    tpu.enqueue_indirect_dma source(%dma_start3A_219 : memref<10112x16xf32, #tpu.memory_space<vmem_shared>>) target(%dma_start3A_213 : memref<1024x16xf32, #tpu.memory_space<vmem>>) offsets(%dma_start3A_216 : memref<1024xi32, #tpu.memory_space<vmem>>) semaphore(%dma_start3A_221 : memref<!tpu.dma_semaphore, #tpu.memory_space<semaphore_mem>>)
    %dma_start3A_222 = arith.constant 1 : i32
    %dma_start3A_223 = arith.constant 1 : i32
    %dma_start3A_224 = arith.constant 1 : i32
    %dma_start3A_225 = arith.constant 0 : i32
    %dma_start3A_226 = arith.constant 0 : i32
    %dma_start3A_227 = tpu.memref_slice %arg12[%dma_start3A_223, %dma_start3A_225, %dma_start3A_226] : memref<4x1024x16xf32, #tpu.memory_space<vmem>> -> memref<1x1024x16xf32, #tpu.memory_space<vmem>>
    %dma_start3A_228 = tpu.memref_squeeze %dma_start3A_227 : memref<1x1024x16xf32, #tpu.memory_space<vmem>> -> memref<1024x16xf32, #tpu.memory_space<vmem>>
    %dma_start3A_229 = arith.constant 0 : i32
    %dma_start3A_230 = tpu.memref_slice %arg10[%dma_start3A_222, %dma_start3A_229] : memref<10x1024xi32, #tpu.memory_space<vmem>> -> memref<1x1024xi32, #tpu.memory_space<vmem>>
    %dma_start3A_231 = tpu.memref_squeeze %dma_start3A_230 : memref<1x1024xi32, #tpu.memory_space<vmem>> -> memref<1024xi32, #tpu.memory_space<vmem>>
    %dma_start3A_232 = arith.constant 0 : i32
    %dma_start3A_233 = arith.constant 0 : i32
    %dma_start3A_234 = tpu.memref_slice %arg15[%dma_start3A_232, %dma_start3A_233] : memref<10112x16xf32, #tpu.memory_space<vmem_shared>> -> memref<10112x16xf32, #tpu.memory_space<vmem_shared>>
    %dma_start3A_235 = tpu.memref_slice %arg16[%dma_start3A_224] : memref<4x!tpu.dma_semaphore, #tpu.memory_space<semaphore_mem>> -> memref<1x!tpu.dma_semaphore, #tpu.memory_space<semaphore_mem>>
    %dma_start3A_236 = tpu.memref_squeeze %dma_start3A_235 : memref<1x!tpu.dma_semaphore, #tpu.memory_space<semaphore_mem>> -> memref<!tpu.dma_semaphore, #tpu.memory_space<semaphore_mem>>
    tpu.enqueue_indirect_dma source(%dma_start3A_234 : memref<10112x16xf32, #tpu.memory_space<vmem_shared>>) target(%dma_start3A_228 : memref<1024x16xf32, #tpu.memory_space<vmem>>) offsets(%dma_start3A_231 : memref<1024xi32, #tpu.memory_space<vmem>>) semaphore(%dma_start3A_236 : memref<!tpu.dma_semaphore, #tpu.memory_space<semaphore_mem>>)
    %dma_start3A_237 = arith.constant 2 : i32
    %dma_start3A_238 = arith.constant 2 : i32
    %dma_start3A_239 = arith.constant 2 : i32
    %dma_start3A_240 = arith.constant 0 : i32
    %dma_start3A_241 = arith.constant 0 : i32
    %dma_start3A_242 = tpu.memref_slice %arg12[%dma_start3A_238, %dma_start3A_240, %dma_start3A_241] : memref<4x1024x16xf32, #tpu.memory_space<vmem>> -> memref<1x1024x16xf32, #tpu.memory_space<vmem>>
    %dma_start3A_243 = tpu.memref_squeeze %dma_start3A_242 : memref<1x1024x16xf32, #tpu.memory_space<vmem>> -> memref<1024x16xf32, #tpu.memory_space<vmem>>
    %dma_start3A_244 = arith.constant 0 : i32
    %dma_start3A_245 = tpu.memref_slice %arg10[%dma_start3A_237, %dma_start3A_244] : memref<10x1024xi32, #tpu.memory_space<vmem>> -> memref<1x1024xi32, #tpu.memory_space<vmem>>
    %dma_start3A_246 = tpu.memref_squeeze %dma_start3A_245 : memref<1x1024xi32, #tpu.memory_space<vmem>> -> memref<1024xi32, #tpu.memory_space<vmem>>
    %dma_start3A_247 = arith.constant 0 : i32
    %dma_start3A_248 = arith.constant 0 : i32
    %dma_start3A_249 = tpu.memref_slice %arg15[%dma_start3A_247, %dma_start3A_248] : memref<10112x16xf32, #tpu.memory_space<vmem_shared>> -> memref<10112x16xf32, #tpu.memory_space<vmem_shared>>
    %dma_start3A_250 = tpu.memref_slice %arg16[%dma_start3A_239] : memref<4x!tpu.dma_semaphore, #tpu.memory_space<semaphore_mem>> -> memref<1x!tpu.dma_semaphore, #tpu.memory_space<semaphore_mem>>
    %dma_start3A_251 = tpu.memref_squeeze %dma_start3A_250 : memref<1x!tpu.dma_semaphore, #tpu.memory_space<semaphore_mem>> -> memref<!tpu.dma_semaphore, #tpu.memory_space<semaphore_mem>>
    tpu.enqueue_indirect_dma source(%dma_start3A_249 : memref<10112x16xf32, #tpu.memory_space<vmem_shared>>) target(%dma_start3A_243 : memref<1024x16xf32, #tpu.memory_space<vmem>>) offsets(%dma_start3A_246 : memref<1024xi32, #tpu.memory_space<vmem>>) semaphore(%dma_start3A_251 : memref<!tpu.dma_semaphore, #tpu.memory_space<semaphore_mem>>)
    %dma_wait3A_252 = arith.constant 0 : i32
    %dma_wait3A_253 = arith.constant 0 : i32
    %dma_wait3A_254 = arith.constant 0 : i32
    %dma_wait3A_255 = arith.constant 0 : i32
    %dma_wait3A_256 = arith.constant 0 : i32
    %dma_wait3A_257 = tpu.memref_slice %arg12[%dma_wait3A_253, %dma_wait3A_255, %dma_wait3A_256] : memref<4x1024x16xf32, #tpu.memory_space<vmem>> -> memref<1x1024x16xf32, #tpu.memory_space<vmem>>
    %dma_wait3A_258 = tpu.memref_squeeze %dma_wait3A_257 : memref<1x1024x16xf32, #tpu.memory_space<vmem>> -> memref<1024x16xf32, #tpu.memory_space<vmem>>
    %dma_wait3A_259 = arith.constant 0 : i32
    %dma_wait3A_260 = tpu.memref_slice %arg10[%dma_wait3A_252, %dma_wait3A_259] : memref<10x1024xi32, #tpu.memory_space<vmem>> -> memref<1x1024xi32, #tpu.memory_space<vmem>>
    %dma_wait3A_261 = tpu.memref_squeeze %dma_wait3A_260 : memref<1x1024xi32, #tpu.memory_space<vmem>> -> memref<1024xi32, #tpu.memory_space<vmem>>
    %dma_wait3A_262 = arith.constant 0 : i32
    %dma_wait3A_263 = arith.constant 0 : i32
    %dma_wait3A_264 = tpu.memref_slice %arg15[%dma_wait3A_262, %dma_wait3A_263] : memref<10112x16xf32, #tpu.memory_space<vmem_shared>> -> memref<10112x16xf32, #tpu.memory_space<vmem_shared>>
    %dma_wait3A_265 = tpu.memref_slice %arg16[%dma_wait3A_254] : memref<4x!tpu.dma_semaphore, #tpu.memory_space<semaphore_mem>> -> memref<1x!tpu.dma_semaphore, #tpu.memory_space<semaphore_mem>>
    %dma_wait3A_266 = tpu.memref_squeeze %dma_wait3A_265 : memref<1x!tpu.dma_semaphore, #tpu.memory_space<semaphore_mem>> -> memref<!tpu.dma_semaphore, #tpu.memory_space<semaphore_mem>>
    tpu.wait_indirect_dma semaphore(%dma_wait3A_266 : memref<!tpu.dma_semaphore, #tpu.memory_space<semaphore_mem>>) src(%dma_wait3A_264 : memref<10112x16xf32, #tpu.memory_space<vmem_shared>>) dst(%dma_wait3A_258 : memref<1024x16xf32, #tpu.memory_space<vmem>>)
    %dma_start3A_267 = arith.constant 0 : i32
    %dma_start3A_268 = arith.constant 0 : i32
    %dma_start3A_269 = arith.constant 0 : i32
    %dma_start3A_270 = arith.constant 0 : i32
    %dma_start3A_271 = arith.constant 0 : i32
    %dma_start3A_272 = tpu.memref_slice %arg12[%dma_start3A_267, %dma_start3A_270, %dma_start3A_271] : memref<4x1024x16xf32, #tpu.memory_space<vmem>> -> memref<1x1024x16xf32, #tpu.memory_space<vmem>>
    %dma_start3A_273 = tpu.memref_squeeze %dma_start3A_272 : memref<1x1024x16xf32, #tpu.memory_space<vmem>> -> memref<1024x16xf32, #tpu.memory_space<vmem>>
    %dma_start3A_274 = arith.constant 0 : i32
    %dma_start3A_275 = tpu.memref_slice %arg11[%dma_start3A_268, %dma_start3A_274] : memref<10x1024xi32, #tpu.memory_space<vmem>> -> memref<1x1024xi32, #tpu.memory_space<vmem>>
    %dma_start3A_276 = tpu.memref_squeeze %dma_start3A_275 : memref<1x1024xi32, #tpu.memory_space<vmem>> -> memref<1024xi32, #tpu.memory_space<vmem>>
    %dma_start3A_277 = arith.constant 0 : i32
    %dma_start3A_278 = arith.constant 0 : i32
    %dma_start3A_279 = tpu.memref_slice %arg14[%dma_start3A_277, %dma_start3A_278] : memref<10112x16xf32, #tpu.memory_space<vmem_shared>> -> memref<10112x16xf32, #tpu.memory_space<vmem_shared>>
    %dma_start3A_280 = tpu.memref_slice %arg17[%dma_start3A_269] : memref<4x!tpu.dma_semaphore, #tpu.memory_space<semaphore_mem>> -> memref<1x!tpu.dma_semaphore, #tpu.memory_space<semaphore_mem>>
    %dma_start3A_281 = tpu.memref_squeeze %dma_start3A_280 : memref<1x!tpu.dma_semaphore, #tpu.memory_space<semaphore_mem>> -> memref<!tpu.dma_semaphore, #tpu.memory_space<semaphore_mem>>
    tpu.enqueue_indirect_dma source(%dma_start3A_273 : memref<1024x16xf32, #tpu.memory_space<vmem>>) target(%dma_start3A_279 : memref<10112x16xf32, #tpu.memory_space<vmem_shared>>) offsets(%dma_start3A_276 : memref<1024xi32, #tpu.memory_space<vmem>>) semaphore(%dma_start3A_281 : memref<!tpu.dma_semaphore, #tpu.memory_space<semaphore_mem>>) {add = true}
    %dma_start3A_282 = arith.constant 3 : i32
    %dma_start3A_283 = arith.constant 3 : i32
    %dma_start3A_284 = arith.constant 3 : i32
    %dma_start3A_285 = arith.constant 0 : i32
    %dma_start3A_286 = arith.constant 0 : i32
    %dma_start3A_287 = tpu.memref_slice %arg12[%dma_start3A_283, %dma_start3A_285, %dma_start3A_286] : memref<4x1024x16xf32, #tpu.memory_space<vmem>> -> memref<1x1024x16xf32, #tpu.memory_space<vmem>>
    %dma_start3A_288 = tpu.memref_squeeze %dma_start3A_287 : memref<1x1024x16xf32, #tpu.memory_space<vmem>> -> memref<1024x16xf32, #tpu.memory_space<vmem>>
    %dma_start3A_289 = arith.constant 0 : i32
    %dma_start3A_290 = tpu.memref_slice %arg10[%dma_start3A_282, %dma_start3A_289] : memref<10x1024xi32, #tpu.memory_space<vmem>> -> memref<1x1024xi32, #tpu.memory_space<vmem>>
    %dma_start3A_291 = tpu.memref_squeeze %dma_start3A_290 : memref<1x1024xi32, #tpu.memory_space<vmem>> -> memref<1024xi32, #tpu.memory_space<vmem>>
    %dma_start3A_292 = arith.constant 0 : i32
    %dma_start3A_293 = arith.constant 0 : i32
    %dma_start3A_294 = tpu.memref_slice %arg15[%dma_start3A_292, %dma_start3A_293] : memref<10112x16xf32, #tpu.memory_space<vmem_shared>> -> memref<10112x16xf32, #tpu.memory_space<vmem_shared>>
    %dma_start3A_295 = tpu.memref_slice %arg16[%dma_start3A_284] : memref<4x!tpu.dma_semaphore, #tpu.memory_space<semaphore_mem>> -> memref<1x!tpu.dma_semaphore, #tpu.memory_space<semaphore_mem>>
    %dma_start3A_296 = tpu.memref_squeeze %dma_start3A_295 : memref<1x!tpu.dma_semaphore, #tpu.memory_space<semaphore_mem>> -> memref<!tpu.dma_semaphore, #tpu.memory_space<semaphore_mem>>
    tpu.enqueue_indirect_dma source(%dma_start3A_294 : memref<10112x16xf32, #tpu.memory_space<vmem_shared>>) target(%dma_start3A_288 : memref<1024x16xf32, #tpu.memory_space<vmem>>) offsets(%dma_start3A_291 : memref<1024xi32, #tpu.memory_space<vmem>>) semaphore(%dma_start3A_296 : memref<!tpu.dma_semaphore, #tpu.memory_space<semaphore_mem>>)
    %dma_wait3A_297 = arith.constant 1 : i32
    %dma_wait3A_298 = arith.constant 1 : i32
    %dma_wait3A_299 = arith.constant 1 : i32
    %dma_wait3A_300 = arith.constant 0 : i32
    %dma_wait3A_301 = arith.constant 0 : i32
    %dma_wait3A_302 = tpu.memref_slice %arg12[%dma_wait3A_298, %dma_wait3A_300, %dma_wait3A_301] : memref<4x1024x16xf32, #tpu.memory_space<vmem>> -> memref<1x1024x16xf32, #tpu.memory_space<vmem>>
    %dma_wait3A_303 = tpu.memref_squeeze %dma_wait3A_302 : memref<1x1024x16xf32, #tpu.memory_space<vmem>> -> memref<1024x16xf32, #tpu.memory_space<vmem>>
    %dma_wait3A_304 = arith.constant 0 : i32
    %dma_wait3A_305 = tpu.memref_slice %arg10[%dma_wait3A_297, %dma_wait3A_304] : memref<10x1024xi32, #tpu.memory_space<vmem>> -> memref<1x1024xi32, #tpu.memory_space<vmem>>
    %dma_wait3A_306 = tpu.memref_squeeze %dma_wait3A_305 : memref<1x1024xi32, #tpu.memory_space<vmem>> -> memref<1024xi32, #tpu.memory_space<vmem>>
    %dma_wait3A_307 = arith.constant 0 : i32
    %dma_wait3A_308 = arith.constant 0 : i32
    %dma_wait3A_309 = tpu.memref_slice %arg15[%dma_wait3A_307, %dma_wait3A_308] : memref<10112x16xf32, #tpu.memory_space<vmem_shared>> -> memref<10112x16xf32, #tpu.memory_space<vmem_shared>>
    %dma_wait3A_310 = tpu.memref_slice %arg16[%dma_wait3A_299] : memref<4x!tpu.dma_semaphore, #tpu.memory_space<semaphore_mem>> -> memref<1x!tpu.dma_semaphore, #tpu.memory_space<semaphore_mem>>
    %dma_wait3A_311 = tpu.memref_squeeze %dma_wait3A_310 : memref<1x!tpu.dma_semaphore, #tpu.memory_space<semaphore_mem>> -> memref<!tpu.dma_semaphore, #tpu.memory_space<semaphore_mem>>
    tpu.wait_indirect_dma semaphore(%dma_wait3A_311 : memref<!tpu.dma_semaphore, #tpu.memory_space<semaphore_mem>>) src(%dma_wait3A_309 : memref<10112x16xf32, #tpu.memory_space<vmem_shared>>) dst(%dma_wait3A_303 : memref<1024x16xf32, #tpu.memory_space<vmem>>)
    %dma_start3A_312 = arith.constant 1 : i32
    %dma_start3A_313 = arith.constant 1 : i32
    %dma_start3A_314 = arith.constant 1 : i32
    %dma_start3A_315 = arith.constant 0 : i32
    %dma_start3A_316 = arith.constant 0 : i32
    %dma_start3A_317 = tpu.memref_slice %arg12[%dma_start3A_312, %dma_start3A_315, %dma_start3A_316] : memref<4x1024x16xf32, #tpu.memory_space<vmem>> -> memref<1x1024x16xf32, #tpu.memory_space<vmem>>
    %dma_start3A_318 = tpu.memref_squeeze %dma_start3A_317 : memref<1x1024x16xf32, #tpu.memory_space<vmem>> -> memref<1024x16xf32, #tpu.memory_space<vmem>>
    %dma_start3A_319 = arith.constant 0 : i32
    %dma_start3A_320 = tpu.memref_slice %arg11[%dma_start3A_313, %dma_start3A_319] : memref<10x1024xi32, #tpu.memory_space<vmem>> -> memref<1x1024xi32, #tpu.memory_space<vmem>>
    %dma_start3A_321 = tpu.memref_squeeze %dma_start3A_320 : memref<1x1024xi32, #tpu.memory_space<vmem>> -> memref<1024xi32, #tpu.memory_space<vmem>>
    %dma_start3A_322 = arith.constant 0 : i32
    %dma_start3A_323 = arith.constant 0 : i32
    %dma_start3A_324 = tpu.memref_slice %arg14[%dma_start3A_322, %dma_start3A_323] : memref<10112x16xf32, #tpu.memory_space<vmem_shared>> -> memref<10112x16xf32, #tpu.memory_space<vmem_shared>>
    %dma_start3A_325 = tpu.memref_slice %arg17[%dma_start3A_314] : memref<4x!tpu.dma_semaphore, #tpu.memory_space<semaphore_mem>> -> memref<1x!tpu.dma_semaphore, #tpu.memory_space<semaphore_mem>>
    %dma_start3A_326 = tpu.memref_squeeze %dma_start3A_325 : memref<1x!tpu.dma_semaphore, #tpu.memory_space<semaphore_mem>> -> memref<!tpu.dma_semaphore, #tpu.memory_space<semaphore_mem>>
    tpu.enqueue_indirect_dma source(%dma_start3A_318 : memref<1024x16xf32, #tpu.memory_space<vmem>>) target(%dma_start3A_324 : memref<10112x16xf32, #tpu.memory_space<vmem_shared>>) offsets(%dma_start3A_321 : memref<1024xi32, #tpu.memory_space<vmem>>) semaphore(%dma_start3A_326 : memref<!tpu.dma_semaphore, #tpu.memory_space<semaphore_mem>>) {add = true}
    %scan3A_327 = arith.constant 0 : i32
    %scan3A_328 = arith.constant 4 : i32
    %scan3A_329 = arith.constant 6 : i32
    %scan3A_330 = arith.addi %scan3A_328, %scan3A_329 : i32
    %scan3A_331 = arith.constant 1 : i32
    %scan3A_332 = scf.for %scan3A_459 = %scan3A_328 to %scan3A_330 step %scan3A_331 iter_args(%scan3A_460 = %scan3A_327) -> (i32)  : i32 {
      %sub3A = arith.constant 4 : i32
      %sub3A_461 = arith.subi %scan3A_459, %sub3A : i32
      %rem3A = arith.constant 4 : i32
      %rem3A_462 = arith.remsi %sub3A_461, %rem3A : i32
      %dma_wait3A_463 = arith.constant 0 : i32
      %dma_wait3A_464 = arith.constant 0 : i32
      %dma_wait3A_465 = arith.constant 0 : i32
      %dma_wait3A_466 = arith.constant 0 : i32
      %dma_wait3A_467 = tpu.memref_slice %arg12[%dma_wait3A_463, %dma_wait3A_465, %dma_wait3A_466] : memref<4x1024x16xf32, #tpu.memory_space<vmem>> -> memref<1x1024x16xf32, #tpu.memory_space<vmem>>
      %dma_wait3A_468 = tpu.memref_squeeze %dma_wait3A_467 : memref<1x1024x16xf32, #tpu.memory_space<vmem>> -> memref<1024x16xf32, #tpu.memory_space<vmem>>
      %dma_wait3A_469 = arith.constant 0 : i32
      %dma_wait3A_470 = tpu.memref_slice %arg11[%dma_wait3A_464, %dma_wait3A_469] : memref<10x1024xi32, #tpu.memory_space<vmem>> -> memref<1x1024xi32, #tpu.memory_space<vmem>>
      %dma_wait3A_471 = tpu.memref_squeeze %dma_wait3A_470 : memref<1x1024xi32, #tpu.memory_space<vmem>> -> memref<1024xi32, #tpu.memory_space<vmem>>
      %dma_wait3A_472 = arith.constant 0 : i32
      %dma_wait3A_473 = arith.constant 0 : i32
      %dma_wait3A_474 = tpu.memref_slice %arg14[%dma_wait3A_472, %dma_wait3A_473] : memref<10112x16xf32, #tpu.memory_space<vmem_shared>> -> memref<10112x16xf32, #tpu.memory_space<vmem_shared>>
      %dma_wait3A_475 = tpu.memref_slice %arg17[%rem3A_462] : memref<4x!tpu.dma_semaphore, #tpu.memory_space<semaphore_mem>> -> memref<1x!tpu.dma_semaphore, #tpu.memory_space<semaphore_mem>>
      %dma_wait3A_476 = tpu.memref_squeeze %dma_wait3A_475 : memref<1x!tpu.dma_semaphore, #tpu.memory_space<semaphore_mem>> -> memref<!tpu.dma_semaphore, #tpu.memory_space<semaphore_mem>>
      tpu.wait_indirect_dma semaphore(%dma_wait3A_476 : memref<!tpu.dma_semaphore, #tpu.memory_space<semaphore_mem>>) src(%dma_wait3A_468 : memref<1024x16xf32, #tpu.memory_space<vmem>>) dst(%dma_wait3A_474 : memref<10112x16xf32, #tpu.memory_space<vmem_shared>>)
      %rem3A_477 = arith.constant 4 : i32
      %rem3A_478 = arith.remsi %scan3A_459, %rem3A_477 : i32
      %dma_start3A_479 = arith.constant 0 : i32
      %dma_start3A_480 = arith.constant 0 : i32
      %dma_start3A_481 = tpu.memref_slice %arg12[%rem3A_478, %dma_start3A_479, %dma_start3A_480] : memref<4x1024x16xf32, #tpu.memory_space<vmem>> -> memref<1x1024x16xf32, #tpu.memory_space<vmem>>
      %dma_start3A_482 = tpu.memref_squeeze %dma_start3A_481 : memref<1x1024x16xf32, #tpu.memory_space<vmem>> -> memref<1024x16xf32, #tpu.memory_space<vmem>>
      %dma_start3A_483 = arith.constant 0 : i32
      %dma_start3A_484 = tpu.memref_slice %arg10[%scan3A_459, %dma_start3A_483] : memref<10x1024xi32, #tpu.memory_space<vmem>> -> memref<1x1024xi32, #tpu.memory_space<vmem>>
      %dma_start3A_485 = tpu.memref_squeeze %dma_start3A_484 : memref<1x1024xi32, #tpu.memory_space<vmem>> -> memref<1024xi32, #tpu.memory_space<vmem>>
      %dma_start3A_486 = arith.constant 0 : i32
      %dma_start3A_487 = arith.constant 0 : i32
      %dma_start3A_488 = tpu.memref_slice %arg15[%dma_start3A_486, %dma_start3A_487] : memref<10112x16xf32, #tpu.memory_space<vmem_shared>> -> memref<10112x16xf32, #tpu.memory_space<vmem_shared>>
      %dma_start3A_489 = tpu.memref_slice %arg16[%rem3A_478] : memref<4x!tpu.dma_semaphore, #tpu.memory_space<semaphore_mem>> -> memref<1x!tpu.dma_semaphore, #tpu.memory_space<semaphore_mem>>
      %dma_start3A_490 = tpu.memref_squeeze %dma_start3A_489 : memref<1x!tpu.dma_semaphore, #tpu.memory_space<semaphore_mem>> -> memref<!tpu.dma_semaphore, #tpu.memory_space<semaphore_mem>>
      tpu.enqueue_indirect_dma source(%dma_start3A_488 : memref<10112x16xf32, #tpu.memory_space<vmem_shared>>) target(%dma_start3A_482 : memref<1024x16xf32, #tpu.memory_space<vmem>>) offsets(%dma_start3A_485 : memref<1024xi32, #tpu.memory_space<vmem>>) semaphore(%dma_start3A_490 : memref<!tpu.dma_semaphore, #tpu.memory_space<semaphore_mem>>)
      %sub3A_491 = arith.constant 2 : i32
      %sub3A_492 = arith.subi %scan3A_459, %sub3A_491 : i32
      %rem3A_493 = arith.constant 4 : i32
      %rem3A_494 = arith.remsi %sub3A_492, %rem3A_493 : i32
      %dma_wait3A_495 = arith.constant 0 : i32
      %dma_wait3A_496 = arith.constant 0 : i32
      %dma_wait3A_497 = tpu.memref_slice %arg12[%rem3A_494, %dma_wait3A_495, %dma_wait3A_496] : memref<4x1024x16xf32, #tpu.memory_space<vmem>> -> memref<1x1024x16xf32, #tpu.memory_space<vmem>>
      %dma_wait3A_498 = tpu.memref_squeeze %dma_wait3A_497 : memref<1x1024x16xf32, #tpu.memory_space<vmem>> -> memref<1024x16xf32, #tpu.memory_space<vmem>>
      %dma_wait3A_499 = arith.constant 0 : i32
      %dma_wait3A_500 = tpu.memref_slice %arg10[%sub3A_492, %dma_wait3A_499] : memref<10x1024xi32, #tpu.memory_space<vmem>> -> memref<1x1024xi32, #tpu.memory_space<vmem>>
      %dma_wait3A_501 = tpu.memref_squeeze %dma_wait3A_500 : memref<1x1024xi32, #tpu.memory_space<vmem>> -> memref<1024xi32, #tpu.memory_space<vmem>>
      %dma_wait3A_502 = arith.constant 0 : i32
      %dma_wait3A_503 = arith.constant 0 : i32
      %dma_wait3A_504 = tpu.memref_slice %arg15[%dma_wait3A_502, %dma_wait3A_503] : memref<10112x16xf32, #tpu.memory_space<vmem_shared>> -> memref<10112x16xf32, #tpu.memory_space<vmem_shared>>
      %dma_wait3A_505 = tpu.memref_slice %arg16[%rem3A_494] : memref<4x!tpu.dma_semaphore, #tpu.memory_space<semaphore_mem>> -> memref<1x!tpu.dma_semaphore, #tpu.memory_space<semaphore_mem>>
      %dma_wait3A_506 = tpu.memref_squeeze %dma_wait3A_505 : memref<1x!tpu.dma_semaphore, #tpu.memory_space<semaphore_mem>> -> memref<!tpu.dma_semaphore, #tpu.memory_space<semaphore_mem>>
      tpu.wait_indirect_dma semaphore(%dma_wait3A_506 : memref<!tpu.dma_semaphore, #tpu.memory_space<semaphore_mem>>) src(%dma_wait3A_504 : memref<10112x16xf32, #tpu.memory_space<vmem_shared>>) dst(%dma_wait3A_498 : memref<1024x16xf32, #tpu.memory_space<vmem>>)
      %dma_start3A_507 = arith.constant 0 : i32
      %dma_start3A_508 = arith.constant 0 : i32
      %dma_start3A_509 = tpu.memref_slice %arg12[%rem3A_494, %dma_start3A_507, %dma_start3A_508] : memref<4x1024x16xf32, #tpu.memory_space<vmem>> -> memref<1x1024x16xf32, #tpu.memory_space<vmem>>
      %dma_start3A_510 = tpu.memref_squeeze %dma_start3A_509 : memref<1x1024x16xf32, #tpu.memory_space<vmem>> -> memref<1024x16xf32, #tpu.memory_space<vmem>>
      %dma_start3A_511 = arith.constant 0 : i32
      %dma_start3A_512 = tpu.memref_slice %arg11[%sub3A_492, %dma_start3A_511] : memref<10x1024xi32, #tpu.memory_space<vmem>> -> memref<1x1024xi32, #tpu.memory_space<vmem>>
      %dma_start3A_513 = tpu.memref_squeeze %dma_start3A_512 : memref<1x1024xi32, #tpu.memory_space<vmem>> -> memref<1024xi32, #tpu.memory_space<vmem>>
      %dma_start3A_514 = arith.constant 0 : i32
      %dma_start3A_515 = arith.constant 0 : i32
      %dma_start3A_516 = tpu.memref_slice %arg14[%dma_start3A_514, %dma_start3A_515] : memref<10112x16xf32, #tpu.memory_space<vmem_shared>> -> memref<10112x16xf32, #tpu.memory_space<vmem_shared>>
      %dma_start3A_517 = tpu.memref_slice %arg17[%rem3A_494] : memref<4x!tpu.dma_semaphore, #tpu.memory_space<semaphore_mem>> -> memref<1x!tpu.dma_semaphore, #tpu.memory_space<semaphore_mem>>
      %dma_start3A_518 = tpu.memref_squeeze %dma_start3A_517 : memref<1x!tpu.dma_semaphore, #tpu.memory_space<semaphore_mem>> -> memref<!tpu.dma_semaphore, #tpu.memory_space<semaphore_mem>>
      tpu.enqueue_indirect_dma source(%dma_start3A_510 : memref<1024x16xf32, #tpu.memory_space<vmem>>) target(%dma_start3A_516 : memref<10112x16xf32, #tpu.memory_space<vmem_shared>>) offsets(%dma_start3A_513 : memref<1024xi32, #tpu.memory_space<vmem>>) semaphore(%dma_start3A_518 : memref<!tpu.dma_semaphore, #tpu.memory_space<semaphore_mem>>) {add = true}
      %scan3A_519 = arith.constant 0 : i32
      scf.yield %scan3A_519 : i32
    }
    %scan3A_333 = arith.constant 6 : i32
    %dma_wait3A_334 = arith.constant 8 : i32
    %dma_wait3A_335 = arith.constant 0 : i32
    %dma_wait3A_336 = arith.constant 0 : i32
    %dma_wait3A_337 = arith.constant 0 : i32
    %dma_wait3A_338 = arith.constant 0 : i32
    %dma_wait3A_339 = tpu.memref_slice %arg12[%dma_wait3A_335, %dma_wait3A_337, %dma_wait3A_338] : memref<4x1024x16xf32, #tpu.memory_space<vmem>> -> memref<1x1024x16xf32, #tpu.memory_space<vmem>>
    %dma_wait3A_340 = tpu.memref_squeeze %dma_wait3A_339 : memref<1x1024x16xf32, #tpu.memory_space<vmem>> -> memref<1024x16xf32, #tpu.memory_space<vmem>>
    %dma_wait3A_341 = arith.constant 0 : i32
    %dma_wait3A_342 = tpu.memref_slice %arg10[%dma_wait3A_334, %dma_wait3A_341] : memref<10x1024xi32, #tpu.memory_space<vmem>> -> memref<1x1024xi32, #tpu.memory_space<vmem>>
    %dma_wait3A_343 = tpu.memref_squeeze %dma_wait3A_342 : memref<1x1024xi32, #tpu.memory_space<vmem>> -> memref<1024xi32, #tpu.memory_space<vmem>>
    %dma_wait3A_344 = arith.constant 0 : i32
    %dma_wait3A_345 = arith.constant 0 : i32
    %dma_wait3A_346 = tpu.memref_slice %arg15[%dma_wait3A_344, %dma_wait3A_345] : memref<10112x16xf32, #tpu.memory_space<vmem_shared>> -> memref<10112x16xf32, #tpu.memory_space<vmem_shared>>
    %dma_wait3A_347 = tpu.memref_slice %arg16[%dma_wait3A_336] : memref<4x!tpu.dma_semaphore, #tpu.memory_space<semaphore_mem>> -> memref<1x!tpu.dma_semaphore, #tpu.memory_space<semaphore_mem>>
    %dma_wait3A_348 = tpu.memref_squeeze %dma_wait3A_347 : memref<1x!tpu.dma_semaphore, #tpu.memory_space<semaphore_mem>> -> memref<!tpu.dma_semaphore, #tpu.memory_space<semaphore_mem>>
    tpu.wait_indirect_dma semaphore(%dma_wait3A_348 : memref<!tpu.dma_semaphore, #tpu.memory_space<semaphore_mem>>) src(%dma_wait3A_346 : memref<10112x16xf32, #tpu.memory_space<vmem_shared>>) dst(%dma_wait3A_340 : memref<1024x16xf32, #tpu.memory_space<vmem>>)
    %dma_start3A_349 = arith.constant 0 : i32
    %dma_start3A_350 = arith.constant 8 : i32
    %dma_start3A_351 = arith.constant 0 : i32
    %dma_start3A_352 = arith.constant 0 : i32
    %dma_start3A_353 = arith.constant 0 : i32
    %dma_start3A_354 = tpu.memref_slice %arg12[%dma_start3A_349, %dma_start3A_352, %dma_start3A_353] : memref<4x1024x16xf32, #tpu.memory_space<vmem>> -> memref<1x1024x16xf32, #tpu.memory_space<vmem>>
    %dma_start3A_355 = tpu.memref_squeeze %dma_start3A_354 : memref<1x1024x16xf32, #tpu.memory_space<vmem>> -> memref<1024x16xf32, #tpu.memory_space<vmem>>
    %dma_start3A_356 = arith.constant 0 : i32
    %dma_start3A_357 = tpu.memref_slice %arg11[%dma_start3A_350, %dma_start3A_356] : memref<10x1024xi32, #tpu.memory_space<vmem>> -> memref<1x1024xi32, #tpu.memory_space<vmem>>
    %dma_start3A_358 = tpu.memref_squeeze %dma_start3A_357 : memref<1x1024xi32, #tpu.memory_space<vmem>> -> memref<1024xi32, #tpu.memory_space<vmem>>
    %dma_start3A_359 = arith.constant 0 : i32
    %dma_start3A_360 = arith.constant 0 : i32
    %dma_start3A_361 = tpu.memref_slice %arg14[%dma_start3A_359, %dma_start3A_360] : memref<10112x16xf32, #tpu.memory_space<vmem_shared>> -> memref<10112x16xf32, #tpu.memory_space<vmem_shared>>
    %dma_start3A_362 = tpu.memref_slice %arg17[%dma_start3A_351] : memref<4x!tpu.dma_semaphore, #tpu.memory_space<semaphore_mem>> -> memref<1x!tpu.dma_semaphore, #tpu.memory_space<semaphore_mem>>
    %dma_start3A_363 = tpu.memref_squeeze %dma_start3A_362 : memref<1x!tpu.dma_semaphore, #tpu.memory_space<semaphore_mem>> -> memref<!tpu.dma_semaphore, #tpu.memory_space<semaphore_mem>>
    tpu.enqueue_indirect_dma source(%dma_start3A_355 : memref<1024x16xf32, #tpu.memory_space<vmem>>) target(%dma_start3A_361 : memref<10112x16xf32, #tpu.memory_space<vmem_shared>>) offsets(%dma_start3A_358 : memref<1024xi32, #tpu.memory_space<vmem>>) semaphore(%dma_start3A_363 : memref<!tpu.dma_semaphore, #tpu.memory_space<semaphore_mem>>) {add = true}
    %dma_wait3A_364 = arith.constant 9 : i32
    %dma_wait3A_365 = arith.constant 1 : i32
    %dma_wait3A_366 = arith.constant 1 : i32
    %dma_wait3A_367 = arith.constant 0 : i32
    %dma_wait3A_368 = arith.constant 0 : i32
    %dma_wait3A_369 = tpu.memref_slice %arg12[%dma_wait3A_365, %dma_wait3A_367, %dma_wait3A_368] : memref<4x1024x16xf32, #tpu.memory_space<vmem>> -> memref<1x1024x16xf32, #tpu.memory_space<vmem>>
    %dma_wait3A_370 = tpu.memref_squeeze %dma_wait3A_369 : memref<1x1024x16xf32, #tpu.memory_space<vmem>> -> memref<1024x16xf32, #tpu.memory_space<vmem>>
    %dma_wait3A_371 = arith.constant 0 : i32
    %dma_wait3A_372 = tpu.memref_slice %arg10[%dma_wait3A_364, %dma_wait3A_371] : memref<10x1024xi32, #tpu.memory_space<vmem>> -> memref<1x1024xi32, #tpu.memory_space<vmem>>
    %dma_wait3A_373 = tpu.memref_squeeze %dma_wait3A_372 : memref<1x1024xi32, #tpu.memory_space<vmem>> -> memref<1024xi32, #tpu.memory_space<vmem>>
    %dma_wait3A_374 = arith.constant 0 : i32
    %dma_wait3A_375 = arith.constant 0 : i32
    %dma_wait3A_376 = tpu.memref_slice %arg15[%dma_wait3A_374, %dma_wait3A_375] : memref<10112x16xf32, #tpu.memory_space<vmem_shared>> -> memref<10112x16xf32, #tpu.memory_space<vmem_shared>>
    %dma_wait3A_377 = tpu.memref_slice %arg16[%dma_wait3A_366] : memref<4x!tpu.dma_semaphore, #tpu.memory_space<semaphore_mem>> -> memref<1x!tpu.dma_semaphore, #tpu.memory_space<semaphore_mem>>
    %dma_wait3A_378 = tpu.memref_squeeze %dma_wait3A_377 : memref<1x!tpu.dma_semaphore, #tpu.memory_space<semaphore_mem>> -> memref<!tpu.dma_semaphore, #tpu.memory_space<semaphore_mem>>
    tpu.wait_indirect_dma semaphore(%dma_wait3A_378 : memref<!tpu.dma_semaphore, #tpu.memory_space<semaphore_mem>>) src(%dma_wait3A_376 : memref<10112x16xf32, #tpu.memory_space<vmem_shared>>) dst(%dma_wait3A_370 : memref<1024x16xf32, #tpu.memory_space<vmem>>)
    %dma_start3A_379 = arith.constant 1 : i32
    %dma_start3A_380 = arith.constant 9 : i32
    %dma_start3A_381 = arith.constant 1 : i32
    %dma_start3A_382 = arith.constant 0 : i32
    %dma_start3A_383 = arith.constant 0 : i32
    %dma_start3A_384 = tpu.memref_slice %arg12[%dma_start3A_379, %dma_start3A_382, %dma_start3A_383] : memref<4x1024x16xf32, #tpu.memory_space<vmem>> -> memref<1x1024x16xf32, #tpu.memory_space<vmem>>
    %dma_start3A_385 = tpu.memref_squeeze %dma_start3A_384 : memref<1x1024x16xf32, #tpu.memory_space<vmem>> -> memref<1024x16xf32, #tpu.memory_space<vmem>>
    %dma_start3A_386 = arith.constant 0 : i32
    %dma_start3A_387 = tpu.memref_slice %arg11[%dma_start3A_380, %dma_start3A_386] : memref<10x1024xi32, #tpu.memory_space<vmem>> -> memref<1x1024xi32, #tpu.memory_space<vmem>>
    %dma_start3A_388 = tpu.memref_squeeze %dma_start3A_387 : memref<1x1024xi32, #tpu.memory_space<vmem>> -> memref<1024xi32, #tpu.memory_space<vmem>>
    %dma_start3A_389 = arith.constant 0 : i32
    %dma_start3A_390 = arith.constant 0 : i32
    %dma_start3A_391 = tpu.memref_slice %arg14[%dma_start3A_389, %dma_start3A_390] : memref<10112x16xf32, #tpu.memory_space<vmem_shared>> -> memref<10112x16xf32, #tpu.memory_space<vmem_shared>>
    %dma_start3A_392 = tpu.memref_slice %arg17[%dma_start3A_381] : memref<4x!tpu.dma_semaphore, #tpu.memory_space<semaphore_mem>> -> memref<1x!tpu.dma_semaphore, #tpu.memory_space<semaphore_mem>>
    %dma_start3A_393 = tpu.memref_squeeze %dma_start3A_392 : memref<1x!tpu.dma_semaphore, #tpu.memory_space<semaphore_mem>> -> memref<!tpu.dma_semaphore, #tpu.memory_space<semaphore_mem>>
    tpu.enqueue_indirect_dma source(%dma_start3A_385 : memref<1024x16xf32, #tpu.memory_space<vmem>>) target(%dma_start3A_391 : memref<10112x16xf32, #tpu.memory_space<vmem_shared>>) offsets(%dma_start3A_388 : memref<1024xi32, #tpu.memory_space<vmem>>) semaphore(%dma_start3A_393 : memref<!tpu.dma_semaphore, #tpu.memory_space<semaphore_mem>>) {add = true}
    %dma_wait3A_394 = arith.constant 0 : i32
    %dma_wait3A_395 = arith.constant 0 : i32
    %dma_wait3A_396 = arith.constant 2 : i32
    %dma_wait3A_397 = arith.constant 0 : i32
    %dma_wait3A_398 = arith.constant 0 : i32
    %dma_wait3A_399 = tpu.memref_slice %arg12[%dma_wait3A_394, %dma_wait3A_397, %dma_wait3A_398] : memref<4x1024x16xf32, #tpu.memory_space<vmem>> -> memref<1x1024x16xf32, #tpu.memory_space<vmem>>
    %dma_wait3A_400 = tpu.memref_squeeze %dma_wait3A_399 : memref<1x1024x16xf32, #tpu.memory_space<vmem>> -> memref<1024x16xf32, #tpu.memory_space<vmem>>
    %dma_wait3A_401 = arith.constant 0 : i32
    %dma_wait3A_402 = tpu.memref_slice %arg11[%dma_wait3A_395, %dma_wait3A_401] : memref<10x1024xi32, #tpu.memory_space<vmem>> -> memref<1x1024xi32, #tpu.memory_space<vmem>>
    %dma_wait3A_403 = tpu.memref_squeeze %dma_wait3A_402 : memref<1x1024xi32, #tpu.memory_space<vmem>> -> memref<1024xi32, #tpu.memory_space<vmem>>
    %dma_wait3A_404 = arith.constant 0 : i32
    %dma_wait3A_405 = arith.constant 0 : i32
    %dma_wait3A_406 = tpu.memref_slice %arg14[%dma_wait3A_404, %dma_wait3A_405] : memref<10112x16xf32, #tpu.memory_space<vmem_shared>> -> memref<10112x16xf32, #tpu.memory_space<vmem_shared>>
    %dma_wait3A_407 = tpu.memref_slice %arg17[%dma_wait3A_396] : memref<4x!tpu.dma_semaphore, #tpu.memory_space<semaphore_mem>> -> memref<1x!tpu.dma_semaphore, #tpu.memory_space<semaphore_mem>>
    %dma_wait3A_408 = tpu.memref_squeeze %dma_wait3A_407 : memref<1x!tpu.dma_semaphore, #tpu.memory_space<semaphore_mem>> -> memref<!tpu.dma_semaphore, #tpu.memory_space<semaphore_mem>>
    tpu.wait_indirect_dma semaphore(%dma_wait3A_408 : memref<!tpu.dma_semaphore, #tpu.memory_space<semaphore_mem>>) src(%dma_wait3A_400 : memref<1024x16xf32, #tpu.memory_space<vmem>>) dst(%dma_wait3A_406 : memref<10112x16xf32, #tpu.memory_space<vmem_shared>>)
    %dma_wait3A_409 = arith.constant 0 : i32
    %dma_wait3A_410 = arith.constant 0 : i32
    %dma_wait3A_411 = arith.constant 3 : i32
    %dma_wait3A_412 = arith.constant 0 : i32
    %dma_wait3A_413 = arith.constant 0 : i32
    %dma_wait3A_414 = tpu.memref_slice %arg12[%dma_wait3A_409, %dma_wait3A_412, %dma_wait3A_413] : memref<4x1024x16xf32, #tpu.memory_space<vmem>> -> memref<1x1024x16xf32, #tpu.memory_space<vmem>>
    %dma_wait3A_415 = tpu.memref_squeeze %dma_wait3A_414 : memref<1x1024x16xf32, #tpu.memory_space<vmem>> -> memref<1024x16xf32, #tpu.memory_space<vmem>>
    %dma_wait3A_416 = arith.constant 0 : i32
    %dma_wait3A_417 = tpu.memref_slice %arg11[%dma_wait3A_410, %dma_wait3A_416] : memref<10x1024xi32, #tpu.memory_space<vmem>> -> memref<1x1024xi32, #tpu.memory_space<vmem>>
    %dma_wait3A_418 = tpu.memref_squeeze %dma_wait3A_417 : memref<1x1024xi32, #tpu.memory_space<vmem>> -> memref<1024xi32, #tpu.memory_space<vmem>>
    %dma_wait3A_419 = arith.constant 0 : i32
    %dma_wait3A_420 = arith.constant 0 : i32
    %dma_wait3A_421 = tpu.memref_slice %arg14[%dma_wait3A_419, %dma_wait3A_420] : memref<10112x16xf32, #tpu.memory_space<vmem_shared>> -> memref<10112x16xf32, #tpu.memory_space<vmem_shared>>
    %dma_wait3A_422 = tpu.memref_slice %arg17[%dma_wait3A_411] : memref<4x!tpu.dma_semaphore, #tpu.memory_space<semaphore_mem>> -> memref<1x!tpu.dma_semaphore, #tpu.memory_space<semaphore_mem>>
    %dma_wait3A_423 = tpu.memref_squeeze %dma_wait3A_422 : memref<1x!tpu.dma_semaphore, #tpu.memory_space<semaphore_mem>> -> memref<!tpu.dma_semaphore, #tpu.memory_space<semaphore_mem>>
    tpu.wait_indirect_dma semaphore(%dma_wait3A_423 : memref<!tpu.dma_semaphore, #tpu.memory_space<semaphore_mem>>) src(%dma_wait3A_415 : memref<1024x16xf32, #tpu.memory_space<vmem>>) dst(%dma_wait3A_421 : memref<10112x16xf32, #tpu.memory_space<vmem_shared>>)
    %dma_wait3A_424 = arith.constant 0 : i32
    %dma_wait3A_425 = arith.constant 0 : i32
    %dma_wait3A_426 = arith.constant 0 : i32
    %dma_wait3A_427 = arith.constant 0 : i32
    %dma_wait3A_428 = arith.constant 0 : i32
    %dma_wait3A_429 = tpu.memref_slice %arg12[%dma_wait3A_424, %dma_wait3A_427, %dma_wait3A_428] : memref<4x1024x16xf32, #tpu.memory_space<vmem>> -> memref<1x1024x16xf32, #tpu.memory_space<vmem>>
    %dma_wait3A_430 = tpu.memref_squeeze %dma_wait3A_429 : memref<1x1024x16xf32, #tpu.memory_space<vmem>> -> memref<1024x16xf32, #tpu.memory_space<vmem>>
    %dma_wait3A_431 = arith.constant 0 : i32
    %dma_wait3A_432 = tpu.memref_slice %arg11[%dma_wait3A_425, %dma_wait3A_431] : memref<10x1024xi32, #tpu.memory_space<vmem>> -> memref<1x1024xi32, #tpu.memory_space<vmem>>
    %dma_wait3A_433 = tpu.memref_squeeze %dma_wait3A_432 : memref<1x1024xi32, #tpu.memory_space<vmem>> -> memref<1024xi32, #tpu.memory_space<vmem>>
    %dma_wait3A_434 = arith.constant 0 : i32
    %dma_wait3A_435 = arith.constant 0 : i32
    %dma_wait3A_436 = tpu.memref_slice %arg14[%dma_wait3A_434, %dma_wait3A_435] : memref<10112x16xf32, #tpu.memory_space<vmem_shared>> -> memref<10112x16xf32, #tpu.memory_space<vmem_shared>>
    %dma_wait3A_437 = tpu.memref_slice %arg17[%dma_wait3A_426] : memref<4x!tpu.dma_semaphore, #tpu.memory_space<semaphore_mem>> -> memref<1x!tpu.dma_semaphore, #tpu.memory_space<semaphore_mem>>
    %dma_wait3A_438 = tpu.memref_squeeze %dma_wait3A_437 : memref<1x!tpu.dma_semaphore, #tpu.memory_space<semaphore_mem>> -> memref<!tpu.dma_semaphore, #tpu.memory_space<semaphore_mem>>
    tpu.wait_indirect_dma semaphore(%dma_wait3A_438 : memref<!tpu.dma_semaphore, #tpu.memory_space<semaphore_mem>>) src(%dma_wait3A_430 : memref<1024x16xf32, #tpu.memory_space<vmem>>) dst(%dma_wait3A_436 : memref<10112x16xf32, #tpu.memory_space<vmem_shared>>)
    %dma_wait3A_439 = arith.constant 0 : i32
    %dma_wait3A_440 = arith.constant 0 : i32
    %dma_wait3A_441 = arith.constant 1 : i32
    %dma_wait3A_442 = arith.constant 0 : i32
    %dma_wait3A_443 = arith.constant 0 : i32
    %dma_wait3A_444 = tpu.memref_slice %arg12[%dma_wait3A_439, %dma_wait3A_442, %dma_wait3A_443] : memref<4x1024x16xf32, #tpu.memory_space<vmem>> -> memref<1x1024x16xf32, #tpu.memory_space<vmem>>
    %dma_wait3A_445 = tpu.memref_squeeze %dma_wait3A_444 : memref<1x1024x16xf32, #tpu.memory_space<vmem>> -> memref<1024x16xf32, #tpu.memory_space<vmem>>
    %dma_wait3A_446 = arith.constant 0 : i32
    %dma_wait3A_447 = tpu.memref_slice %arg11[%dma_wait3A_440, %dma_wait3A_446] : memref<10x1024xi32, #tpu.memory_space<vmem>> -> memref<1x1024xi32, #tpu.memory_space<vmem>>
    %dma_wait3A_448 = tpu.memref_squeeze %dma_wait3A_447 : memref<1x1024xi32, #tpu.memory_space<vmem>> -> memref<1024xi32, #tpu.memory_space<vmem>>
    %dma_wait3A_449 = arith.constant 0 : i32
    %dma_wait3A_450 = arith.constant 0 : i32
    %dma_wait3A_451 = tpu.memref_slice %arg14[%dma_wait3A_449, %dma_wait3A_450] : memref<10112x16xf32, #tpu.memory_space<vmem_shared>> -> memref<10112x16xf32, #tpu.memory_space<vmem_shared>>
    %dma_wait3A_452 = tpu.memref_slice %arg17[%dma_wait3A_441] : memref<4x!tpu.dma_semaphore, #tpu.memory_space<semaphore_mem>> -> memref<1x!tpu.dma_semaphore, #tpu.memory_space<semaphore_mem>>
    %dma_wait3A_453 = tpu.memref_squeeze %dma_wait3A_452 : memref<1x!tpu.dma_semaphore, #tpu.memory_space<semaphore_mem>> -> memref<!tpu.dma_semaphore, #tpu.memory_space<semaphore_mem>>
    tpu.wait_indirect_dma semaphore(%dma_wait3A_453 : memref<!tpu.dma_semaphore, #tpu.memory_space<semaphore_mem>>) src(%dma_wait3A_445 : memref<1024x16xf32, #tpu.memory_space<vmem>>) dst(%dma_wait3A_451 : memref<10112x16xf32, #tpu.memory_space<vmem_shared>>)
    %barrier3A_454 = arith.constant 0 : index
    tpu.barrier barrier_id(%barrier3A_454)
    %mul3A_455 = arith.constant 632 : i32
    %mul3A_456 = arith.muli %arg1, %mul3A_455 : i32
    %mul3A_457 = arith.constant 632 : i32
    %mul3A_458 = arith.muli %arg1, %mul3A_457 : i32
    "tpu.region"() ({
      %run_scoped3A = tpu.sem_alloc : memref<!tpu.dma_semaphore, #tpu.memory_space<semaphore_mem>>
      %dma_start3A_459 = arith.constant 0 : i32
      %dma_start3A_460 = tpu.memref_slice %arg7[%arg0, %mul3A_458, %dma_start3A_459] : memref<2x10112x16xf32, #tpu.memory_space<hbm>> -> memref<1x632x16xf32, #tpu.memory_space<hbm>>
      %dma_start3A_461 = tpu.memref_squeeze %dma_start3A_460 : memref<1x632x16xf32, #tpu.memory_space<hbm>> -> memref<632x16xf32, #tpu.memory_space<hbm>>
      %dma_start3A_462 = arith.constant 0 : i32
      %dma_start3A_463 = tpu.memref_slice %arg14[%mul3A_456, %dma_start3A_462] : memref<10112x16xf32, #tpu.memory_space<vmem_shared>> -> memref<632x16xf32, #tpu.memory_space<vmem_shared>>
      tpu.enqueue_dma source(%dma_start3A_463 : memref<632x16xf32, #tpu.memory_space<vmem_shared>>) target(%dma_start3A_461 : memref<632x16xf32, #tpu.memory_space<hbm>>) target_semaphore(%run_scoped3A : memref<!tpu.dma_semaphore, #tpu.memory_space<semaphore_mem>>)
      %dma_wait3A_464 = arith.constant 0 : i32
      %dma_wait3A_465 = tpu.memref_slice %arg7[%arg0, %mul3A_458, %dma_wait3A_464] : memref<2x10112x16xf32, #tpu.memory_space<hbm>> -> memref<1x632x16xf32, #tpu.memory_space<hbm>>
      %dma_wait3A_466 = tpu.memref_squeeze %dma_wait3A_465 : memref<1x632x16xf32, #tpu.memory_space<hbm>> -> memref<632x16xf32, #tpu.memory_space<hbm>>
      %dma_wait3A_467 = arith.constant 0 : i32
      %dma_wait3A_468 = tpu.memref_slice %arg14[%mul3A_456, %dma_wait3A_467] : memref<10112x16xf32, #tpu.memory_space<vmem_shared>> -> memref<632x16xf32, #tpu.memory_space<vmem_shared>>
      tpu.wait_dma2 semaphore(%run_scoped3A : memref<!tpu.dma_semaphore, #tpu.memory_space<semaphore_mem>>) src(%dma_wait3A_468 : memref<632x16xf32, #tpu.memory_space<vmem_shared>>) dst(%dma_wait3A_466 : memref<632x16xf32, #tpu.memory_space<hbm>>)
      tpu.yield
    }) : () -> ()
    return
  }
}

module attributes {stable_mosaic.version = 14 : i64} {
  func.func @_matmul1_body(%arg0: memref<10112x128xf32, #tpu.memory_space<vmem>>, %arg1: memref<128x16xf32, #tpu.memory_space<vmem>>, %arg2: memref<10112x16xf32, #tpu.memory_space<vmem>>) attributes {dimension_semantics = [], scalar_prefetch = 0 : i64, scratch_operands = 0 : i64, tpu.core_type = #tpu.core_type<tc>} {
    %get3A = arith.constant 0 : index
    %get3A_0 = arith.constant 0 : index
    %get3A_1 = vector.load %arg0[%get3A, %get3A_0] : memref<10112x128xf32, #tpu.memory_space<vmem>>, vector<10112x128xf32>
    %get3A_2 = arith.constant 0 : index
    %get3A_3 = arith.constant 0 : index
    %get3A_4 = vector.load %arg1[%get3A_2, %get3A_3] : memref<128x16xf32, #tpu.memory_space<vmem>>, vector<128x16xf32>
    %dot_general3A = arith.constant dense<0.000000e+00> : vector<10112x16xf32>
    %dot_general3A_5 = tpu.matmul %get3A_1, %get3A_4, %dot_general3A {dimension_numbers = #tpu.dot_dimension_numbers<[1], [0], [0], [1], [0, 0, 1, 1], [], []>, transpose_lhs_hint = false} : vector<10112x128xf32>, vector<128x16xf32>, vector<10112x16xf32> -> vector<10112x16xf32>
    %swap3A = arith.constant 0 : index
    %swap3A_6 = arith.constant 0 : index
    %swap3A_7 = vector.load %arg2[%swap3A, %swap3A_6] : memref<10112x16xf32, #tpu.memory_space<vmem>>, vector<10112x16xf32>
    tpu.vector_store %arg2[%swap3A, %swap3A_6], %dot_general3A_5 {strides = array<i32>} : memref<10112x16xf32, #tpu.memory_space<vmem>>, vector<10112x16xf32>,
    return
  }
}

module attributes {stable_mosaic.version = 14 : i64} {
  func.func @_dense3_body(%arg0: memref<2x10112x16xf32, #tpu.memory_space<vmem>>, %arg1: memref<10112x16xf32, #tpu.memory_space<vmem>>, %arg2: memref<10112x16xf32, #tpu.memory_space<vmem>>, %arg3: memref<16x64xf32, #tpu.memory_space<vmem>>, %arg4: memref<64xf32, #tpu.memory_space<vmem>>, %arg5: memref<10112x64xf32, #tpu.memory_space<vmem>>) attributes {dimension_semantics = [], scalar_prefetch = 0 : i64, scratch_operands = 0 : i64, tpu.core_type = #tpu.core_type<tc>} {
    %get3A = arith.constant 0 : index
    %get3A_0 = arith.constant 0 : index
    %get3A_1 = vector.load %arg2[%get3A, %get3A_0] : memref<10112x16xf32, #tpu.memory_space<vmem>>, vector<10112x16xf32>
    %get3A_2 = arith.constant 0 : index
    %get3A_3 = arith.constant 0 : index
    %get3A_4 = arith.constant 0 : index
    %get3A_5 = vector.load %arg0[%get3A_2, %get3A_3, %get3A_4] : memref<2x10112x16xf32, #tpu.memory_space<vmem>>, vector<1x10112x16xf32>
    %get3A_6 = vector.shape_cast %get3A_5 : vector<1x10112x16xf32> to vector<10112x16xf32>
    %get3A_7 = arith.constant 1 : index
    %get3A_8 = arith.constant 0 : index
    %get3A_9 = arith.constant 0 : index
    %get3A_10 = vector.load %arg0[%get3A_7, %get3A_8, %get3A_9] : memref<2x10112x16xf32, #tpu.memory_space<vmem>>, vector<1x10112x16xf32>
    %get3A_11 = vector.shape_cast %get3A_10 : vector<1x10112x16xf32> to vector<10112x16xf32>
    %add3A = arith.addf %get3A_6, %get3A_11 : vector<10112x16xf32>
    %get3A_12 = arith.constant 0 : index
    %get3A_13 = arith.constant 0 : index
    %get3A_14 = vector.load %arg1[%get3A_12, %get3A_13] : memref<10112x16xf32, #tpu.memory_space<vmem>>, vector<10112x16xf32>
    %add3A_15 = arith.addf %add3A, %get3A_14 : vector<10112x16xf32>
    %mul3A = arith.mulf %get3A_1, %add3A_15 : vector<10112x16xf32>
    %get3A_16 = arith.constant 0 : index
    %get3A_17 = arith.constant 0 : index
    %get3A_18 = vector.load %arg3[%get3A_16, %get3A_17] : memref<16x64xf32, #tpu.memory_space<vmem>>, vector<16x64xf32>
    %dot_general3A = arith.constant dense<0.000000e+00> : vector<10112x64xf32>
    %dot_general3A_19 = tpu.matmul %mul3A, %get3A_18, %dot_general3A {dimension_numbers = #tpu.dot_dimension_numbers<[1], [0], [0], [1], [0, 0, 1, 1], [], []>, transpose_lhs_hint = false} : vector<10112x16xf32>, vector<16x64xf32>, vector<10112x64xf32> -> vector<10112x64xf32>
    %get3A_20 = arith.constant 0 : index
    %get3A_21 = vector.load %arg4[%get3A_20] : memref<64xf32, #tpu.memory_space<vmem>>, vector<64xf32>
    %broadcast_in_dim3A = vector.shape_cast %get3A_21 : vector<64xf32> to vector<1x64xf32>
    %add3A_22 = vector.broadcast %broadcast_in_dim3A : vector<1x64xf32> to vector<10112x64xf32>
    %add3A_23 = arith.addf %dot_general3A_19, %add3A_22 : vector<10112x64xf32>
    %reduce_max3A = arith.constant dense<0xFF800000> : vector<10112xf32>
    %reduce_max3A_24 = vector.multi_reduction <maximumf>, %add3A_23, %reduce_max3A [1] : vector<10112x64xf32> to vector<10112xf32>
    %broadcast_in_dim3A_25 = vector.shape_cast %reduce_max3A_24 : vector<10112xf32> to vector<10112x1xf32>
    %sub3A = vector.broadcast %broadcast_in_dim3A_25 : vector<10112x1xf32> to vector<10112x64xf32>
    %sub3A_26 = arith.subf %add3A_23, %sub3A : vector<10112x64xf32>
    %exp3A = math.exp %sub3A_26 : vector<10112x64xf32>
    %reduce_sum3A = arith.constant dense<0.000000e+00> : vector<10112xf32>
    %reduce_sum3A_27 = vector.multi_reduction <add>, %exp3A, %reduce_sum3A [1] : vector<10112x64xf32> to vector<10112xf32>
    %broadcast_in_dim3A_28 = vector.shape_cast %reduce_sum3A_27 : vector<10112xf32> to vector<10112x1xf32>
    %log3A = math.log %broadcast_in_dim3A_28 : vector<10112x1xf32>
    %sub3A_29 = vector.broadcast %log3A : vector<10112x1xf32> to vector<10112x64xf32>
    %sub3A_30 = arith.subf %sub3A_26, %sub3A_29 : vector<10112x64xf32>
    %swap3A = arith.constant 0 : index
    %swap3A_31 = arith.constant 0 : index
    %swap3A_32 = vector.load %arg5[%swap3A, %swap3A_31] : memref<10112x64xf32, #tpu.memory_space<vmem>>, vector<10112x64xf32>
    tpu.vector_store %arg5[%swap3A, %swap3A_31], %sub3A_30 {strides = array<i32>} : memref<10112x64xf32, #tpu.memory_space<vmem>>, vector<10112x64xf32>,
    return
  }
}

</mosaic_0001>

<sc_bundles>
// kernel: kernel.10.cloned.1.call-start
scs
__scs_entry_jumppad:
0x0: {  	(pc) =	sbr.rel $0x88, $3  }
0x1: {  	(tag) =	ssettag $0x0;
	lr =	simm.s32 $0x1  }
0x2: {  	[smem:$0x3F9B] =	sst lr;
	_ =	strace $0xD0000000  }
0x3: {  	_ = 	snop  }
0x4: {  	_ = 	snop  }
0x5: {  	_ = 	snop  }
0x6: {  	_ = 	snop  }
0x7: {  	_ = 	snop  }
__scs_overlays_trampoline_lowered:
0x8: {  	[smem:$0x3FAA] =	sst s0  }
0x9: {  	[smem:$0x3FAB] =	sst s1  }
0xa: {  	[smem:$0x3FAC] =	sst s2  }
0xb: {  	[smem:$0x3FAD] =	sst s3  }
0xc: {  	[smem:$0x3FAE] =	sst s4  }
0xd: {  	[smem:$0x3FAF] =	sst s5  }
0xe: {  	[smem:$0x3FB0] =	sst s6  }
0xf: {  	[smem:$0x3FB1] =	sst s7  }
0x10: {  	[smem:$0x3FB2] =	sst s8  }
0x11: {  	[smem:$0x3FB3] =	sst s9;
	s0 =	simm.s32 @!p0 $0x0  }
0x12: {  	s1 =	sld [smem:$0x3F99];
	s0 =	simm.s32 @p0 $0x1  }
0x13: {  	[smem:$0x3FB4] =	sst s0;
	s0 =	simm.s32 @!p1 $0x0  }
0x14: {  	s2 =	sld [smem:$0x3F98];
	s0 =	simm.s32 @p1 $0x1  }
0x15: {  	[smem:$0x3FB5] =	sst s0;
	s0 =	simm.s32 @!p2 $0x0  }
0x16: {  	s3 =	sld [smem:$0x3FDB];
	s0 =	simm.s32 @p2 $0x1  }
0x17: {  	s4 =	simm.s32 $0x1BF5;
	[smem:$0x3FB7] =	sst s0  }
0x18: {  	s0 =	sld [smem:$0x3F9A];
	_ =	swait.ge [sflag:s4], $0x0  }
0x19: {  	s7 =	sld [smem:$0x3F9B]  }
0x1a: {  	s8 =	sadd.s32 $0xFFFFE003, lr  }
0x1b: {  	s9 =	sadd.s32 $0xFFFFFEF7, lr;
	s5 =	simm.s32 $0xFFFFFFFF;
	p2 =	slt.u32 s8, $0xFFFFF086  }
0x1c: {  	p1 =	slt.u32 s9, $0xF7A;
	s5 =	simm.s32 @!p2 $0x0  }
0x1d: {  	s5 =	simm.s32 @p1 $0x1;
	p0 =	seq.s32 s7, s2  }
0x1e: {  	s7 =	smul.u32 @!p0 $0xF7A, s2;
	p2 =	seq.s32 @!p0 s5, $0x0  }
0x1f: {  	s9 =	smul.u32 $0xF7A, s1;
	s8 =	simm.s32 @!p0 $0x1BF5;
	p2 =	por !p2, p0  }
0x20: {  	[sflag:s8] =	ssyncset.s32 @!p0 $0xFFFFF086;
	s6 =	sadd.s32 @!p0 s3, s7;
	s7 =	simm.s32 @!p0 $0x108  }
0x21: {  	s3 =	sadd.s32 s3, s9;
	s6 =	sadd.s32 @!p0 $0x88, s6;
	s7 =	simm.s32 @p2 $0x1082  }
0x22: {  	[simem:s7], [sflag:s8] =	dma.local @!p0 [hbm:s6], $0xF7A  }
0x23: {  	s9 =	sor.u32 $0xD0000000, s2;
	s6 =	simm.s32 $0x108;
	_ =	swait.ge @!p0 [sflag:s8], $0x0  }
0x24: {  	s3 =	sadd.s32 $0x88, s3;
	s6 =	simm.s32 @!p1 $0x1082;
	[sflag:s4] =	ssyncset.s32 $0xFFFFF086  }
0x25: {  	[simem:s6], [sflag:s4] =	dma.local [hbm:s3], $0xF7A  }
0x26: {  	[smem:$0x3F9B] =	sst s1;
	(tag) =	ssettag s2;
	_ =	strace s9  }
0x27: {  	s1 =	sld [smem:$0x3FAB]  }
0x28: {  	s2 =	sld [smem:$0x3FAC]  }
0x29: {  	s4 =	sld [smem:$0x3FAE]  }
0x2a: {  	p0 =	seq.s32 s5, $0x0;
	s5 =	sld [smem:$0x3FAF]  }
0x2b: {  	s6 =	sld [smem:$0x3FB0]  }
0x2c: {  	s7 =	sld [smem:$0x3FB1]  }
0x2d: {  	s3 =	simm.s32 $0x108;
	s8 =	sld [smem:$0x3FB2]  }
0x2e: {  	s3 =	simm.s32 @!p0 $0x1082;
	s9 =	sld [smem:$0x3FB3]  }
0x2f: {  	lr =	sadd.s32 s0, s3;
	s0 =	sld [smem:$0x3FAA]  }
0x30: {  	s3 =	sld [smem:$0x3FAD]  }
0x31: {  	[smem:$0x3FB6] =	sst s10  }
0x32: {  	s10 =	sld [smem:$0x3FB4];
	_ =	sdelay $0x3  }
0x33: {  	p0 =	seq.s32 s10, $0x1;
	s10 =	sld [smem:$0x3FB6];
	_ =	sdelay $0x3  }
0x34: {  	[smem:$0x3FB6] =	sst s10  }
0x35: {  	s10 =	sld [smem:$0x3FB5];
	_ =	sdelay $0x3  }
0x36: {  	p1 =	seq.s32 s10, $0x1;
	s10 =	sld [smem:$0x3FB6];
	_ =	sdelay $0x3  }
0x37: {  	[smem:$0x3FB6] =	sst s10  }
0x38: {  	s10 =	sld [smem:$0x3FB7]  }
0x39: {  	_ = 	snop;
	(pc) =	sbr.ind lr, $3  }
0x3a: {  	_ = 	snop  }
0x3b: {  	_ = 	snop  }
0x3c: {  	p2 =	seq.s32 s10, $0x1;
	s10 =	sld [smem:$0x3FB6]  }
0x3d: {  	_ =	shalt  }
0x3e: {  	_ =	shalt  }
0x3f: {  	_ =	shalt  }
0x40: {  	_ =	shalt  }
0x41: {  	_ =	shalt  }
0x42: {  	_ =	shalt  }
0x43: {  	_ =	shalt  }
0x44: {  	_ =	shalt  }
0x45: {  	_ =	shalt  }
0x46: {  	_ =	shalt  }
0x47: {  	_ =	shalt  }
0x48: {  	_ =	shalt  }
0x49: {  	_ =	shalt  }
0x4a: {  	_ =	shalt  }
0x4b: {  	_ =	shalt  }
0x4c: {  	_ =	shalt  }
0x4d: {  	_ =	shalt  }
0x4e: {  	_ =	shalt  }
0x4f: {  	_ =	shalt  }
0x50: {  	_ =	shalt  }
0x51: {  	_ =	shalt  }
0x52: {  	_ =	shalt  }
0x53: {  	_ =	shalt  }
0x54: {  	_ =	shalt  }
0x55: {  	_ =	shalt  }
0x56: {  	_ =	shalt  }
0x57: {  	_ =	shalt  }
0x58: {  	_ =	shalt  }
0x59: {  	_ =	shalt  }
0x5a: {  	_ =	shalt  }
0x5b: {  	_ =	shalt  }
0x5c: {  	_ =	shalt  }
0x5d: {  	_ =	shalt  }
0x5e: {  	_ =	shalt  }
0x5f: {  	_ =	shalt  }
0x60: {  	_ =	shalt  }
0x61: {  	_ =	shalt  }
0x62: {  	_ =	shalt  }
0x63: {  	_ =	shalt  }
0x64: {  	_ =	shalt  }
0x65: {  	_ =	shalt  }
0x66: {  	_ =	shalt  }
0x67: {  	_ =	shalt  }
0x68: {  	_ =	shalt  }
0x69: {  	_ =	shalt  }
0x6a: {  	_ =	shalt  }
0x6b: {  	_ =	shalt  }
0x6c: {  	_ =	shalt  }
0x6d: {  	_ =	shalt  }
0x6e: {  	_ =	shalt  }
0x6f: {  	_ =	shalt  }
0x70: {  	_ =	shalt  }
0x71: {  	_ =	shalt  }
0x72: {  	_ =	shalt  }
0x73: {  	_ =	shalt  }
0x74: {  	_ =	shalt  }
0x75: {  	_ =	shalt  }
0x76: {  	_ =	shalt  }
0x77: {  	_ =	shalt  }
0x78: {  	_ =	shalt  }
0x79: {  	_ =	shalt  }
0x7a: {  	_ =	shalt  }
0x7b: {  	_ =	shalt  }
0x7c: {  	_ =	shalt  }
0x7d: {  	_ =	shalt  }
0x7e: {  	_ =	shalt  }
0x7f: {  	_ =	shalt  }
0x80: {  	_ =	shalt  }
0x81: {  	_ =	shalt  }
0x82: {  	_ =	shalt  }
0x83: {  	_ =	shalt  }
0x84: {  	_ =	shalt  }
0x85: {  	_ =	shalt  }
0x86: {  	_ =	shalt  }
0x87: {  	_ =	shalt  }
.Lfunc_end0:
.L_simem_size_0:
called_computation.1_lowered:
.L_overlay_start_0:
0x88: {  	s2 =	sld [smem:$0x3FD9]  }
0x89: {  	s3 =	sld [smem:$0x3FFE];
	_ =	sdelay $0x1  }
0x8a: {  	s1 =	srdreg.scid  }
0x8b: {  	s0 =	sand.u32 $0x1, s1  }
0x8c: {  	s17 =	sshll.u32 s0, $0xA;
	s2 =	sadd.s32 s3, s2  }
0x8d: {  	s2 =	sadd.s32 s2, s17  }
0x8e: {  	[smem:$0x3FC2] =	sst s2  }
0x8f: {  	_ = 	snop  }
0x90: {  	s2 =	sld [smem:$0x3FD0];
	(tm) =	ssettm $0x1  }
0x91: {  	s18 =	sld [smem:$0x3FFB];
	_ =	sdelay $0x3  }
0x92: {  	_ =	strace s18  }
0x93: {  	s3 =	sld [smem:$0x3FFC];
	_ =	sdelay $0x3  }
0x94: {  	_ =	strace s3  }
0x95: {  	s3 =	sld [smem:$0x3FFD];
	_ =	sdelay $0x3  }
0x96: {  	_ =	strace s3  }
0x97: {  	_ =	strace $0x8FFFFFFF  }
0x98: {  	s19 =	sld [smem:$0x3FDB];
	_ =	sdelay $0x1  }
0x99: {  	s4 =	simm.s32 $_scs_section_size  }
0x9a: {  	s5 =	simm.s32 $_size__tile_overlayer_lowered;
	s6 =	simm.s32 $_tile_overlayer_lowered  }
0x9b: {  	s22 =	simm.s32 $0x1BFF;
	s21 =	sshll.u32 s6, $0x1;
	s3 =	sadd.s32 s4, s19  }
0x9c: {  	s7 =	simm.s32 $0x0;
	s20 =	sshll.u32 s5, $0x1;
	s5 =	sadd.s32 s21, s3  }
0x9d: {  	[timem:s7], [sflag:s22] =	dma.local [hbm:s5], s20  }
0x9e: {  	_ =	swait.ge [sflag:s22], s20  }
0x9f: {  	s4 =	ssub.s32 $0x0, s20;
	[sflag:s22] =	ssyncset.done $0x0  }
0xa0: {  	[sflag:s22] =	ssyncadd.s32 s4;
	_ =	sdelay $0x1  }
0xa1: {  	s23 =	simm.s32 $0x1B8B  }
0xa2: {  	_ =	swait.ge [sflag:s23], $0x1  }
0xa3: {  	[sflag:s23] =	ssyncset.done $0x0  }
0xa4: {  	s25 =	simm.s32 $0x1B8E;
	s24 =	sld [smem:$0x3FFE];
	[sflag:s23] =	ssyncadd.s32 $0xFFFFFFFF  }
0xa5: {  	s26 =	simm.s32 $execute0_lowered;
	[smem:$0x3FD2] =	sst s25  }
0xa6: {  	s5 =	sshll.u32 s26, $0x1;
	_ =	strace $0x80000049;
	[dreg:$0x1] =	wrdreg $0xFFFFFFFF  }
0xa7: {  	s28 =	simm.s32 $_size_execute0_lowered;
	s3 =	sadd.s32 s3, s5;
	[dreg:$0x0] =	wrdreg $0x0  }
0xa8: {  	s5 =	sshll.u32 s28, $0x1;
	[dreg:$0x2] =	wrdreg s3  }
0xa9: {  	[dreg:$0x3] =	wrdreg s5  }
0xaa: {  	[dreg:$0x4] =	wrdreg $0xC0  }
0xab: {  	_ =	task [dreg:s7], $0x5FFFF  }
0xac: {  	[dreg:$0x1] =	wrdreg $0xFFFFFFFF  }
0xad: {  	[dreg:$0x0] =	wrdreg $0x60  }
0xae: {  	[dreg:$0x2] =	wrdreg s2  }
0xaf: {  	[dreg:$0x3] =	wrdreg s24  }
0xb0: {  	[dreg:$0x4] =	wrdreg $0x150000  }
0xb1: {  	[dreg:$0x5] =	wrdreg $0x177800  }
0xb2: {  	[dreg:$0x6] =	wrdreg $0x9  }
0xb3: {  	_ =	task.clear_ibuf [dreg:s7], $0x7FFFF;
	_ =	strace $0x90000049  }
0xb4: {  	s29 =	simm.s32 $0x9;
	_ =	strace $0x8000004B  }
0xb5: {  	_ =	swait.ge [sflag:s29], $0x1  }
0xb6: {  	[sflag:s29] =	ssyncadd.s32 $0xFFFFFFFF  }
0xb7: {  	_ =	strace $0x9000004B  }
0xb8: {  	_ =	sfence  }
0xb9: {  	s30 =	sld [smem:$0x0];
	_ =	sdelay $0x2  }
0xba: {  	s31 =	sshll.u32 s1, $0xD;
	s1 =	sshrl.u32 s1, $0x2  }
0xbb: {  	s3 =	sand.u32 $0x4000, s31;
	s1 =	sadd.s32 s1, s30  }
0xbc: {  	s0 =	sor.u32 s3, s0;
	s1 =	sshll.u32 s1, $0x11  }
0xbd: {  	s0 =	sor.u32 s1, s0  }
0xbe: {  	s0 =	sadd.s32 $0x8F2B, s0  }
0xbf: {  	[sflag:s0] =	ssyncadd.remote.s32 $0x1  }
0xc0: {  	_ =	sfence.sel $0xFFFF  }
0xc1: {  	[dreg:$0x0] =	wrdreg $0xFFFFFFFF;
	(pc) =	sbr.abs _section_cstart, $3  }
0xc2: {  	[dreg:$0x1] =	wrdreg $0xFFFFFFFF  }
0xc3: {  	_ =	task.clear_ibuf [dreg:s7], $0x2FFFF;
	_ =	strace $0x9FFFFFFF  }
0xc4: {  	(tm) =	ssettm $0x7FFFFFFF  }
0xc5: {  	_ =	shalt  }
tec
execute0_lowered:
.L_overlay_start_1:
0x0: {  	(tag) =	ssettag $0x1  }
0x1: {  	s0 =	rddreg [dreg:$0x0]  }
0x2: {  	s1 =	rddreg [dreg:$0x1]  }
0x3: {  	s2 =	rddreg [dreg:$0x2]  }
0x4: {  	s3 =	rddreg [dreg:$0x3]  }
0x5: {  	s4 =	srdreg.scid;
	s12 =	stileid.u32  }
0x6: {  	s19 =	simm.s32 $0x2800;
	s20 =	simm.s32 $0x9000;
	s28 =	simm.s32 $0x5  }
0x7: {  	s29 =	simm.s32 $0x400;
	s30 =	simm.s32 $0x7;
	s31 =	simm.s32 $0x8  }
0x8: {  	s6 =	sand.u32 $0x1, s4;
	s5 =	sshll.u32 s12, $0x1;
	s7 =	smul.u32 $0x2780, s12  }
0x9: {  	s4 =	simm.s32 $0x0;
	s5 =	sor.u32 s6, s5;
	s8 =	smul.u32 $0x27800, s6  }
0xa: {  	[smem:$0x7FF] =	sst s4;
	s10 =	ssub.s32 $0x2, s6;
	p0 =	sne.s32 s6, $0x0  }
0xb: {  	s6 =	simm.s32 $0x9;
	s9 =	smul.u32 $0x500, s5;
	_ =	strace $0x8000004A  }
0xc: {  	s23 =	sshrl.u32 s7, $0x3;
	s11 =	sshrl.u32 s10, $0x1;
	s18 =	sadd.s32 s7, s2  }
0xd: {  	s13 =	sadd.s32 s7, s3;
	s21 =	sadd.s32 s7, s8;
	s17 =	ssub.s32 s10, s11  }
0xe: {  	s18 =	sshrl.u32 s18, $0x3;
	s7 =	simm.s32 $0x0;
	s22 =	sadd.s32 s9, s1  }
0xf: {  	s5 =	sshrl.u32 s21, $0x3;
	s0 =	sadd.s32 s0, s9;
	s17 =	smax.u32 s17, $0x1  }
0x10: {  	s21 =	simm.s32 $0xD000;
	s16 =	sadd.s32 s5, s1;
	s1 =	sadd.s32 s23, s1  }
0x11: {  	s5 =	sshll.u32 s12, $0x6;
	[dreg:$0x7] =	wrdreg s0;
	s26 =	sadd.s32 $0x1E00, s22  }
0x12: {  	s22 =	simm.s32 $0x1;
	s23 =	simm.s32 $0x2;
	s0 =	simm.s32 $0x11000  }
0x13: {  	s24 =	sadd.s32 $0xBE00, s1;
	s25 =	sor.u32 $0x1C01, s5;
	[dreg:$0x8] =	wrdreg s26  }
0x14: {  	s10 =	sadd.s32 $0x1FC00, s1;
	s11 =	sadd.s32 $0x15E00, s1;
	s12 =	sadd.s32 $0x1AD00, s1  }
0x15: {  	s14 =	sadd.s32 $0x10E00, s1;
	s15 =	sadd.s32 $0x2EA00, s1;
	s16 =	sadd.s32 $0x24C00, s16  }
0x16: {  	s26 =	simm.s32 $0x5000;
	s1 =	simm.s32 $0x6;
	[dreg:$0x5] =	wrdreg s24  }
0x17: {  	[dreg:$0x6] =	wrdreg s25;
	s24 =	simm.s32 $0x3;
	s25 =	simm.s32 $0x4  }
.LBB2_1:
0x18: {  	s8 =	rddreg [dreg:$0x5]  }
0x19: {  	s9 =	rddreg [dreg:$0x6]  }
0x1a: {  	[spmem:s18], [sflag:s9] =	dma.local [hbm:s8], $0x4F0  }
0x1b: {  	s8 =	rddreg [dreg:$0x7]  }
0x1c: {  	[tilespmem:s4], [sflag:$0x2] =	stream.linear.gather [hbm4b:s8+s4], $0x2800, $0x38;
	[tilespmem:$0x19F00] =	vst v63  }
0x1d: {  	s9 =	rddreg [dreg:$0x8]  }
0x1e: {  	[tilespmem:s19], [sflag:$0x3] =	stream.linear.gather [hbm4b:s9+s4], $0x2800, $0x38;
	[tilespmem:$0x19F00] =	vst v63  }
0x1f: {  	_ = 	snop  }
0x20: {  	[tilespmem:s26], [sflag:$0x4] =	stream.linear.gather [hbm4b:s10+s4], $0x2780, $0x38;
	[tilespmem:$0x19F00] =	vst v63  }
0x21: {  	_ = 	snop  }
0x22: {  	[tilespmem:s20], [sflag:$0x1] =	stream.linear.gather [hbm4b:s11+s4], $0x2780, $0x38;
	[tilespmem:$0x19F00] =	vst v63  }
0x23: {  	_ = 	snop  }
0x24: {  	[tilespmem:s21], [sflag:$0x2] =	stream.linear.gather [hbm4b:s12+s4], $0x2780, $0x38;
	[tilespmem:$0x19F00] =	vst v63  }
0x25: {  	_ =	swait.ge [sflag:s22], $0x4F0  }
0x26: {  	[sflag:s22] =	ssyncset.done $0x0  }
0x27: {  	[sflag:s22] =	ssyncadd.s32 $0xFFFFFB10  }
0x28: {  	_ =	swait.ge [sflag:s23], $0x2800  }
0x29: {  	[sflag:s23] =	ssyncset.done $0x0  }
0x2a: {  	[sflag:s23] =	ssyncadd.s32 $0xFFFFD800  }
0x2b: {  	_ =	swait.ge [sflag:s24], $0x2800  }
0x2c: {  	[sflag:s24] =	ssyncset.done $0x0  }
0x2d: {  	[sflag:s24] =	ssyncadd.s32 $0xFFFFD800  }
0x2e: {  	_ =	swait.ge [sflag:s25], $0x2780  }
0x2f: {  	[sflag:s25] =	ssyncset.done $0x0  }
0x30: {  	[sflag:s25] =	ssyncadd.s32 $0xFFFFD880  }
0x31: {  	_ =	swait.ge [sflag:s22], $0x2780  }
0x32: {  	[sflag:s22] =	ssyncset.done $0x0  }
0x33: {  	[sflag:s22] =	ssyncadd.s32 $0xFFFFD880  }
0x34: {  	_ =	swait.ge [sflag:s23], $0x2780  }
0x35: {  	[sflag:s23] =	ssyncset.done $0x0  }
0x36: {  	[sflag:s23] =	ssyncadd.s32 $0xFFFFD880  }
0x37: {  	v0 =	vld [tilespmem:s26+$0x4000]  }
0x38: {  	v1 =	vld [tilespmem:s26+$0x8000]  }
0x39: {  	v2 =	vld [tilespmem:s26+$0x4070]  }
0x3a: {  	v3 =	vld [tilespmem:s26+$0x8070]  }
0x3b: {  	v4 =	vld [tilespmem:s26+$0x8040]  }
0x3c: {  	v5 =	vld [tilespmem:s26+$0x4040]  }
0x3d: {  	v7 =	vld [tilespmem:s26+$0x4050];
	v0 =	vadd.f32 v1, v0  }
0x3e: {  	v1 =	vld [tilespmem:s26+$0x8050]  }
0x3f: {  	v0 =	vadd.f32 $1.000000000e+00, v0  }
0x40: {  	v6 =	vld [tilespmem:s26+$0x8010]  }
0x41: {  	v10 =	vld [tilespmem:s26+$0x4020];
	v8 =	vshrl.u32 v0, $0x1  }
0x42: {  	v9 =	vmul.f32 $5.000000000e-01, v0;
	v0 =	vadd.f32 v3, v2;
	v2 =	vld [tilespmem:s26+$0x4010];
	v3 =	vadd.f32 v4, v5  }
0x43: {  	v12 =	vld [tilespmem:s26+$0x8030];
	v4 =	vsub.s32 $0x5F3759DF, v8;
	v1 =	vadd.f32 v1, v7  }
0x44: {  	v7 =	vld [tilespmem:s26+$0x4030];
	v5 =	vmul.f32 v4, v9;
	v0 =	vadd.f32 $1.000000000e+00, v0;
	v3 =	vadd.f32 $1.000000000e+00, v3  }
0x45: {  	v8 =	vld [tilespmem:s26+$0x8020];
	v1 =	vadd.f32 $1.000000000e+00, v1  }
0x46: {  	v5 =	vmul.f32 v4, v5;
	v11 =	vshrl.u32 v0, $0x1;
	v13 =	vshrl.u32 v3, $0x1  }
0x47: {  	v16 =	vmul.f32 $5.000000000e-01, v3;
	v2 =	vadd.f32 v6, v2;
	v6 =	vmul.f32 $5.000000000e-01, v0  }
0x48: {  	v13 =	vsub.s32 $0x5F3759DF, v13;
	v3 =	vsub.s32 $0x5F3759DF, v11;
	v0 =	vsub.f32 $1.500000000e+00, v5  }
0x49: {  	v17 =	vshrl.u32 v1, $0x1;
	v7 =	vadd.f32 v12, v7;
	v2 =	vadd.f32 $1.000000000e+00, v2  }
0x4a: {  	v14 =	vld [tilespmem:s26+$0x8060];
	v5 =	vmul.f32 v3, v6;
	v11 =	vmul.f32 v4, v0;
	v4 =	vadd.f32 v8, v10  }
0x4b: {  	v17 =	vsub.s32 $0x5F3759DF, v17;
	v8 =	vld [tilespmem:s26+$0x4060];
	v10 =	vmul.f32 v13, v16;
	v0 =	vmul.f32 $5.000000000e-01, v2  }
0x4c: {  	v5 =	vmul.f32 v3, v5;
	v15 =	vmul.f32 v11, v9;
	v12 =	vadd.f32 $1.000000000e+00, v4  }
0x4d: {  	v7 =	vadd.f32 $1.000000000e+00, v7;
	v4 =	vmul.f32 $5.000000000e-01, v1;
	v10 =	vmul.f32 v13, v10  }
0x4e: {  	v18 =	vsub.f32 $1.500000000e+00, v5;
	v5 =	vmul.f32 v15, v11;
	v15 =	vshrl.u32 v12, $0x1  }
0x4f: {  	v1 =	vmul.f32 $5.000000000e-01, v12;
	v19 =	vmul.f32 v17, v4;
	v10 =	vsub.f32 $1.500000000e+00, v10  }
0x50: {  	v8 =	vadd.f32 v14, v8;
	v14 =	vmul.f32 v3, v18;
	v12 =	vsub.f32 $1.500000000e+00, v5  }
0x51: {  	v5 =	vsub.s32 $0x5F3759DF, v15;
	v3 =	vmul.f32 v17, v19;
	v10 =	vmul.f32 v13, v10  }
0x52: {  	v8 =	vadd.f32 $1.000000000e+00, v8;
	v15 =	vmul.f32 v14, v6;
	v11 =	vmul.f32 v12, v11  }
0x53: {  	v12 =	vshrl.u32 v2, $0x1;
	v2 =	vmul.f32 $5.000000000e-01, v7;
	v18 =	vsub.f32 $1.500000000e+00, v3  }
0x54: {  	v7 =	vshrl.u32 v7, $0x1;
	v20 =	vmul.f32 v10, v16;
	v3 =	vmul.f32 $5.000000000e-01, v8  }
0x55: {  	v12 =	vsub.s32 $0x5F3759DF, v12;
	v13 =	vmul.f32 v15, v14;
	v9 =	vmul.f32 v11, v9  }
0x56: {  	v15 =	vmul.f32 v5, v1;
	v7 =	vsub.s32 $0x5F3759DF, v7;
	v17 =	vmul.f32 v17, v18  }
0x57: {  	v19 =	vmul.f32 v12, v0;
	v13 =	vsub.f32 $1.500000000e+00, v13;
	v9 =	vmul.f32 v9, v11  }
0x58: {  	v18 =	vmul.f32 v7, v2;
	v22 =	vmul.f32 v17, v4  }
0x59: {  	v19 =	vmul.f32 v12, v19;
	v23 =	vmul.f32 v13, v14;
	v9 =	vsub.f32 $1.500000000e+00, v9  }
0x5a: {  	v13 =	vmul.f32 v20, v10;
	v14 =	vmul.f32 v22, v17  }
0x5b: {  	v8 =	vshrl.u32 v8, $0x1;
	v6 =	vmul.f32 v23, v6;
	v9 =	vmul.f32 v9, v11  }
0x5c: {  	v21 =	vld [tilespmem:s26+$0x0];
	v11 =	vmul.f32 v7, v18;
	v18 =	vsub.s32 $0x5F3759DF, v8;
	v8 =	vsub.f32 $1.500000000e+00, v19  }
0x5d: {  	v19 =	vmul.f32 v18, v3;
	v6 =	vmul.f32 v6, v23  }
0x5e: {  	v8 =	vmul.f32 v12, v8;
	v12 =	vsub.f32 $1.500000000e+00, v13;
	v13 =	vsub.f32 $1.500000000e+00, v14  }
0x5f: {  	v15 =	vmul.f32 v5, v15;
	v11 =	vsub.f32 $1.500000000e+00, v11;
	v19 =	vmul.f32 v18, v19  }
0x60: {  	v10 =	vmul.f32 v12, v10;
	v12 =	vsub.f32 $1.500000000e+00, v6;
	v6 =	vmul.f32 v13, v17;
	v13 =	vld [tilespmem:s26+$0x70]  }
0x61: {  	v63 =	vmul.f32 v9, v21;
	v14 =	vmul.f32 v8, v0;
	v17 =	vsub.f32 $1.500000000e+00, v19  }
0x62: {  	v15 =	vsub.f32 $1.500000000e+00, v15;
	[tilespmem:s26+$0x4000] =	vst v9;
	v7 =	vmul.f32 v7, v11;
	v12 =	vmul.f32 v12, v23  }
0x63: {  	s8 =	simm.s32 $0x5000;
	s9 =	simm.s32 $0x0;
	s19 =	simm.s32 $0x5080;
	[tilespmem:s26+$0x0] =	vst v63;
	v11 =	vld [tilespmem:s26+$0x40];
	v16 =	vmul.f32 v10, v16;
	v9 =	vmul.f32 v18, v17  }
.LBB2_2:
0x64: {  	v17 =	vld [tilespmem:s19+$0x4000];
	s9 =	sadd.s32 $0x8, s9;
	v14 =	vmul.f32 v14, v8;
	v5 =	vmul.f32 v5, v15  }
0x65: {  	v15 =	vld [tilespmem:s19+$0x8020];
	p1 =	slt.u32 s9, $0x270;
	v16 =	vmul.f32 v16, v10;
	v13 =	vmul.f32 v12, v13;
	[tilespmem:s8+$0x4070] =	vst v12  }
0x66: {  	v19 =	vmul.f32 v7, v2;
	v12 =	vld [tilespmem:s19+$0x4070];
	v14 =	vsub.f32 $1.500000000e+00, v14;
	v18 =	vmul.f32 v5, v1  }
0x67: {  	v4 =	vmul.f32 v6, v4;
	v21 =	vmul.f32 v9, v3;
	v20 =	vld [tilespmem:s19+$0x8050];
	v16 =	vsub.f32 $1.500000000e+00, v16  }
0x68: {  	v22 =	vld [tilespmem:s19+$0x8030];
	v8 =	vmul.f32 v14, v8;
	v14 =	vmul.f32 v18, v5;
	[tilespmem:s8+$0x70] =	vst v13  }
0x69: {  	v13 =	vld [tilespmem:s19+$0x8000];
	v10 =	vmul.f32 v16, v10;
	v16 =	vmul.f32 v21, v9  }
0x6a: {  	v19 =	vmul.f32 v19, v7;
	v18 =	vld [tilespmem:s19+$0x8070];
	v0 =	vmul.f32 v8, v0;
	v14 =	vsub.f32 $1.500000000e+00, v14  }
0x6b: {  	v4 =	vmul.f32 v4, v6;
	v21 =	vld [tilespmem:s19+$0x8040];
	v11 =	vmul.f32 v10, v11;
	[tilespmem:s8+$0x4040] =	vst v10;
	v10 =	vsub.f32 $1.500000000e+00, v16  }
0x6c: {  	v16 =	vld [tilespmem:s19+$0x4040];
	v0 =	vmul.f32 v0, v8;
	v5 =	vmul.f32 v14, v5;
	v14 =	vsub.f32 $1.500000000e+00, v19  }
0x6d: {  	v4 =	vsub.f32 $1.500000000e+00, v4;
	[tilespmem:s8+$0x40] =	vst v11;
	v9 =	vmul.f32 v10, v9  }
0x6e: {  	v10 =	vadd.f32 v13, v17;
	v1 =	vmul.f32 v5, v1;
	v11 =	vld [tilespmem:s8+$0x20];
	v7 =	vmul.f32 v14, v7  }
0x6f: {  	v4 =	vmul.f32 v4, v6;
	v0 =	vsub.f32 $1.500000000e+00, v0;
	v13 =	vld [tilespmem:s8+$0x10];
	v3 =	vmul.f32 v9, v3  }
0x70: {  	v6 =	vadd.f32 $1.000000000e+00, v10;
	v1 =	vmul.f32 v1, v5;
	v2 =	vmul.f32 v7, v2;
	v10 =	vld [tilespmem:s8+$0x50]  }
0x71: {  	v0 =	vmul.f32 v0, v8;
	v14 =	vadd.f32 v21, v16;
	[tilespmem:s8+$0x4050] =	vst v4;
	v3 =	vmul.f32 v3, v9;
	v8 =	vld [tilespmem:s8+$0x60]  }
0x72: {  	v16 =	vshrl.u32 v6, $0x1;
	v6 =	vmul.f32 $5.000000000e-01, v6;
	v17 =	vld [tilespmem:s19+$0x8010];
	v1 =	vsub.f32 $1.500000000e+00, v1  }
0x73: {  	v12 =	vadd.f32 v18, v12;
	v2 =	vmul.f32 v2, v7;
	v16 =	vsub.s32 $0x5F3759DF, v16;
	v19 =	vld [tilespmem:s19+$0x4050];
	[tilespmem:s8+$0x4010] =	vst v0  }
0x74: {  	v3 =	vsub.f32 $1.500000000e+00, v3;
	v18 =	vmul.f32 v16, v6;
	v21 =	vld [tilespmem:s19+$0x4010];
	v1 =	vmul.f32 v1, v5  }
0x75: {  	v5 =	vadd.f32 $1.000000000e+00, v12;
	v0 =	vmul.f32 v0, v13;
	v2 =	vsub.f32 $1.500000000e+00, v2;
	v12 =	vld [tilespmem:s8+$0x30]  }
0x76: {  	v13 =	vadd.f32 $1.000000000e+00, v14;
	v11 =	vmul.f32 v1, v11;
	[tilespmem:s8+$0x4020] =	vst v1;
	v1 =	vmul.f32 v3, v9  }
0x77: {  	v3 =	vmul.f32 v16, v18;
	v14 =	vshrl.u32 v5, $0x1;
	v9 =	vld [tilespmem:s19+$0x4020];
	[tilespmem:s8+$0x10] =	vst v0;
	v0 =	vmul.f32 v2, v7  }
0x78: {  	v4 =	vmul.f32 v4, v10;
	v2 =	vshrl.u32 v13, $0x1;
	[tilespmem:s8+$0x20] =	vst v11;
	v7 =	vmul.f32 v1, v8  }
0x79: {  	v10 =	vadd.f32 v20, v19;
	v11 =	vmul.f32 $5.000000000e-01, v5;
	v8 =	vadd.f32 v17, v21;
	[tilespmem:s8+$0x4030] =	vst v0  }
0x7a: {  	v18 =	vmul.f32 $5.000000000e-01, v13;
	v17 =	vsub.s32 $0x5F3759DF, v2;
	v5 =	vld [tilespmem:s19+$0x4030];
	v0 =	vmul.f32 v0, v12;
	[tilespmem:s8+$0x4060] =	vst v1  }
0x7b: {  	v1 =	vsub.f32 $1.500000000e+00, v3;
	v3 =	vsub.s32 $0x5F3759DF, v14;
	v2 =	vadd.f32 $1.000000000e+00, v8;
	[tilespmem:s8+$0x60] =	vst v7  }
0x7c: {  	v7 =	vadd.f32 $1.000000000e+00, v10;
	v8 =	vmul.f32 v3, v11;
	[tilespmem:s8+$0x30] =	vst v0  }
0x7d: {  	v10 =	vmul.f32 v16, v1;
	v1 =	vadd.f32 v15, v9;
	v0 =	vmul.f32 $5.000000000e-01, v2;
	v9 =	vld [tilespmem:s19+$0x4060];
	[tilespmem:s8+$0x50] =	vst v4;
	s8 =	smov.u32 s19  }
0x7e: {  	v12 =	vmul.f32 v17, v18;
	v4 =	vmul.f32 v3, v8;
	v13 =	vld [tilespmem:s19+$0x8060]  }
0x7f: {  	v14 =	vshrl.u32 v7, $0x1;
	v8 =	vmul.f32 v10, v6;
	v5 =	vadd.f32 v22, v5  }
0x80: {  	v1 =	vadd.f32 $1.000000000e+00, v1;
	v14 =	vsub.s32 $0x5F3759DF, v14;
	v15 =	vsub.f32 $1.500000000e+00, v4  }
0x81: {  	v4 =	vmul.f32 $5.000000000e-01, v7;
	v8 =	vmul.f32 v8, v10;
	v16 =	vadd.f32 $1.000000000e+00, v5  }
0x82: {  	v7 =	vmul.f32 v17, v12;
	v5 =	vshrl.u32 v1, $0x1;
	v1 =	vmul.f32 $5.000000000e-01, v1  }
0x83: {  	v12 =	vmul.f32 v14, v4;
	v8 =	vsub.f32 $1.500000000e+00, v8;
	v9 =	vadd.f32 v13, v9  }
0x84: {  	v7 =	vsub.f32 $1.500000000e+00, v7;
	v5 =	vsub.s32 $0x5F3759DF, v5;
	v13 =	vmul.f32 v3, v15  }
0x85: {  	v3 =	vmul.f32 v14, v12;
	v8 =	vmul.f32 v8, v10;
	v9 =	vadd.f32 $1.000000000e+00, v9  }
0x86: {  	v10 =	vshrl.u32 v2, $0x1;
	v2 =	vmul.f32 $5.000000000e-01, v16;
	v12 =	vmul.f32 v13, v11  }
0x87: {  	v10 =	vsub.s32 $0x5F3759DF, v10;
	v15 =	vsub.f32 $1.500000000e+00, v3;
	v6 =	vmul.f32 v8, v6  }
0x88: {  	v19 =	vmul.f32 v10, v0;
	v20 =	vshrl.u32 v9, $0x1;
	v3 =	vmul.f32 $5.000000000e-01, v9  }
0x89: {  	v7 =	vmul.f32 v17, v7;
	v9 =	vshrl.u32 v16, $0x1;
	v12 =	vmul.f32 v12, v13  }
0x8a: {  	v16 =	vmul.f32 v5, v1;
	v6 =	vmul.f32 v6, v8;
	v9 =	vsub.s32 $0x5F3759DF, v9  }
0x8b: {  	v15 =	vmul.f32 v14, v15;
	v17 =	vmul.f32 v10, v19;
	v12 =	vsub.f32 $1.500000000e+00, v12  }
0x8c: {  	v19 =	vmul.f32 v7, v18;
	v14 =	vmul.f32 v9, v2;
	v6 =	vsub.f32 $1.500000000e+00, v6  }
0x8d: {  	v22 =	vmul.f32 v15, v4;
	v12 =	vmul.f32 v12, v13;
	v21 =	vld [tilespmem:s19+$0x0]  }
0x8e: {  	v20 =	vsub.s32 $0x5F3759DF, v20;
	v6 =	vmul.f32 v6, v8;
	v8 =	vmul.f32 v9, v14  }
0x8f: {  	v13 =	vsub.f32 $1.500000000e+00, v17;
	v14 =	vmul.f32 v19, v7;
	v11 =	vmul.f32 v12, v11  }
0x90: {  	v19 =	vmul.f32 v22, v15;
	v22 =	vmul.f32 v20, v3;
	v17 =	vsub.f32 $1.500000000e+00, v8;
	[tilespmem:s19+$0x4000] =	vst v6  }
0x91: {  	v8 =	vmul.f32 v10, v13;
	v10 =	vsub.f32 $1.500000000e+00, v14;
	v11 =	vmul.f32 v11, v12  }
.Ltmp0:
0x92: {  	v19 =	vsub.f32 $1.500000000e+00, v19;
	v6 =	vmul.f32 v6, v21;
	v21 =	vmul.f32 v20, v22;
	(pc) =	sbr.rel @p1 .LBB2_2-.Ltmp0, $4  }
0x93: {  	v16 =	vmul.f32 v5, v16;
	v10 =	vmul.f32 v10, v7;
	v11 =	vsub.f32 $1.500000000e+00, v11;
	v13 =	vld [tilespmem:s19+$0x70]  }
0x94: {  	v14 =	vmul.f32 v8, v0;
	[tilespmem:s19+$0x0] =	vst v6;
	v6 =	vmul.f32 v19, v15;
	v19 =	vsub.f32 $1.500000000e+00, v21  }
0x95: {  	v7 =	vmul.f32 v9, v17;
	v12 =	vmul.f32 v11, v12;
	v15 =	vsub.f32 $1.500000000e+00, v16  }
0x96: {  	v16 =	vmul.f32 v10, v18;
	s19 =	sadd.s32 $0x80, s19;
	v11 =	vld [tilespmem:s8+$0x40];
	v9 =	vmul.f32 v20, v19  }
0x97: {  	v14 =	vmul.f32 v14, v8;
	v5 =	vmul.f32 v5, v15  }
0x98: {  	v44 =	vmul.f32 v7, v2;
	v4 =	vmul.f32 v6, v4  }
0x99: {  	v40 =	vmul.f32 v16, v10;
	v13 =	vmul.f32 v12, v13  }
0x9a: {  	v17 =	vmul.f32 v9, v3;
	v14 =	vsub.f32 $1.500000000e+00, v14;
	v41 =	vmul.f32 v5, v1  }
0x9b: {  	v16 =	vmul.f32 v44, v7;
	v4 =	vmul.f32 v4, v6  }
0x9c: {  	v15 =	vsub.f32 $1.500000000e+00, v40;
	v46 =	vmul.f32 v17, v9;
	v42 =	vmul.f32 v14, v8  }
0x9d: {  	v43 =	vmul.f32 v41, v5;
	v48 =	vsub.f32 $1.500000000e+00, v16;
	v4 =	vsub.f32 $1.500000000e+00, v4  }
0x9e: {  	v45 =	vmul.f32 v15, v10;
	v47 =	vsub.f32 $1.500000000e+00, v46;
	v0 =	vmul.f32 v42, v0  }
0x9f: {  	v14 =	vsub.f32 $1.500000000e+00, v43;
	v51 =	vmul.f32 v48, v7;
	v4 =	vmul.f32 v4, v6  }
0xa0: {  	v58 =	vld [tilespmem:s8+$0x50];
	v50 =	vmul.f32 v47, v9;
	v0 =	vmul.f32 v0, v42  }
0xa1: {  	v52 =	vld [tilespmem:s8+$0x10];
	[tilespmem:s8+$0x4070] =	vst v12;
	v5 =	vmul.f32 v14, v5;
	v55 =	vmul.f32 v51, v2  }
0xa2: {  	[tilespmem:s8+$0x70] =	vst v13;
	v11 =	vmul.f32 v45, v11;
	v54 =	vmul.f32 v50, v3;
	v0 =	vsub.f32 $1.500000000e+00, v0  }
0xa3: {  	[tilespmem:s8+$0x4040] =	vst v45;
	v49 =	vmul.f32 v5, v1;
	v2 =	vmul.f32 v55, v51  }
0xa4: {  	[tilespmem:s8+$0x4050] =	vst v4;
	v3 =	vmul.f32 v54, v50;
	v0 =	vmul.f32 v0, v42  }
0xa5: {  	v57 =	vld [tilespmem:s8+$0x30];
	v63 =	vmul.f32 v4, v58;
	[tilespmem:s8+$0x40] =	vst v11;
	v1 =	vmul.f32 v49, v5;
	v2 =	vsub.f32 $1.500000000e+00, v2  }
0xa6: {  	v56 =	vld [tilespmem:s8+$0x60];
	v3 =	vsub.f32 $1.500000000e+00, v3;
	[tilespmem:s8+$0x4010] =	vst v0;
	v0 =	vmul.f32 v0, v52  }
0xa7: {  	v53 =	vld [tilespmem:s8+$0x20];
	[tilespmem:s8+$0x50] =	vst v63;
	v1 =	vsub.f32 $1.500000000e+00, v1;
	v61 =	vmul.f32 v2, v51  }
0xa8: {  	v60 =	vmul.f32 v3, v50;
	[tilespmem:s8+$0x10] =	vst v0  }
0xa9: {  	v1 =	vmul.f32 v1, v5;
	[tilespmem:s8+$0x4030] =	vst v61  }
0xaa: {  	v0 =	vmul.f32 v61, v57;
	[tilespmem:s8+$0x4060] =	vst v60  }
0xab: {  	v62 =	vmul.f32 v60, v56;
	[tilespmem:s8+$0x4020] =	vst v1  }
0xac: {  	v59 =	vmul.f32 v1, v53;
	[tilespmem:s8+$0x30] =	vst v0  }
0xad: {  	[tilespmem:s8+$0x60] =	vst v62  }
0xae: {  	[tilespmem:s8+$0x20] =	vst v59  }
0xaf: {  	[spmem:s13] =	stream.linear.scatter [tilespmem:s26], [sflag:$0x5], $0x2780, $0x38;
	[tilespmem:$0x19F00] =	vst v63  }
0xb0: {  	s9 =	simm.s32 @!p0 $0x5000;
	s8 =	simm.s32 @!p0 $0x0  }
0xb1: {  	[hbm4b:s14+s8] =	stream.linear.scatter @!p0 [tilespmem:s9], [sflag:$0x6], $0x2780, $0x38;
	[tilespmem:$0x19F00] =	vst v63  }
0xb2: {  	s9 =	simm.s32 @!p0 $0x9000  }
0xb3: {  	[hbm4b:s15+s8] =	stream.linear.scatter @!p0 [tilespmem:s9], [sflag:$0x7], $0x2780, $0x38;
	[tilespmem:$0x19F00] =	vst v63  }
0xb4: {  	s8 =	simm.s32 @!p0 $0x6  }
0xb5: {  	_ =	swait.ge @!p0 [sflag:s8], $0x2780  }
0xb6: {  	[sflag:s8] =	ssyncset.done @!p0 $0x0  }
0xb7: {  	[sflag:s8] =	ssyncadd.s32 @!p0 $0xFFFFD880;
	s8 =	simm.s32 @!p0 $0x7  }
0xb8: {  	_ =	swait.ge @!p0 [sflag:s8], $0x2780  }
0xb9: {  	[sflag:s8] =	ssyncset.done @!p0 $0x0  }
0xba: {  	[sflag:s8] =	ssyncadd.s32 @!p0 $0xFFFFD880  }
0xbb: {  	_ =	swait.ge [sflag:s28], $0x2780  }
0xbc: {  	[sflag:s28] =	ssyncset.done $0x0  }
0xbd: {  	[sflag:s28] =	ssyncadd.s32 $0xFFFFD880  }
0xbe: {  	[bflag:$0x0] =	sbarrier.arrive $0xFFFF  }
0xbf: {  	[tilespmem:s26], [sflag:$0x1] =	stream.indirect.gather [spmem:s3], $0x10, s4, s29, $0xb8;
	[tilespmem:$0x19F00] =	vst v63  }
0xc0: {  	_ = 	snop  }
0xc1: {  	[tilespmem:s20], [sflag:$0x2] =	stream.indirect.gather [spmem:s3], $0x10, s29, s29, $0xb8;
	[tilespmem:$0x19F00] =	vst v63  }
0xc2: {  	s19 =	simm.s32 $0x800  }
0xc3: {  	[tilespmem:s21], [sflag:$0x3] =	stream.indirect.gather [spmem:s3], $0x10, s19, s29, $0xb8;
	[tilespmem:$0x19F00] =	vst v63  }
0xc4: {  	_ =	swait.ge [sflag:s22], $0x4000  }
0xc5: {  	[sflag:s22] =	ssyncset.done $0x0  }
0xc6: {  	s19 =	simm.s32 $0x2800;
	[sflag:s22] =	ssyncadd.s32 $0xFFFFC000  }
0xc7: {  	[spmem:s2] =	stream.indirect.scatter.add.f32 [tilespmem:s26], [sflag:$0x5], $0x10, s19, s29, $0xb8;
	[tilespmem:$0x19F00] =	vst v63  }
0xc8: {  	s9 =	simm.s32 $0xC00  }
0xc9: {  	[tilespmem:s0], [sflag:$0x4] =	stream.indirect.gather [spmem:s3], $0x10, s9, s29, $0xb8;
	[tilespmem:$0x19F00] =	vst v63  }
0xca: {  	_ =	swait.ge [sflag:s23], $0x4000  }
0xcb: {  	[sflag:s23] =	ssyncset.done $0x0  }
0xcc: {  	s9 =	simm.s32 $0x2C00;
	[sflag:s23] =	ssyncadd.s32 $0xFFFFC000  }
0xcd: {  	[spmem:s2] =	stream.indirect.scatter.add.f32 [tilespmem:s20], [sflag:$0x6], $0x10, s9, s29, $0xb8;
	[tilespmem:$0x19F00] =	vst v63  }
0xce: {  	_ =	swait.ge [sflag:s28], $0x4000  }
0xcf: {  	[sflag:s28] =	ssyncset.done $0x0  }
0xd0: {  	s9 =	simm.s32 $0x1000;
	[sflag:s28] =	ssyncadd.s32 $0xFFFFC000  }
0xd1: {  	[tilespmem:s26], [sflag:$0x1] =	stream.indirect.gather [spmem:s3], $0x10, s9, s29, $0xb8;
	[tilespmem:$0x19F00] =	vst v63  }
0xd2: {  	_ =	swait.ge [sflag:s24], $0x4000  }
0xd3: {  	[sflag:s24] =	ssyncset.done $0x0  }
0xd4: {  	s9 =	simm.s32 $0x3000;
	[sflag:s24] =	ssyncadd.s32 $0xFFFFC000  }
0xd5: {  	[spmem:s2] =	stream.indirect.scatter.add.f32 [tilespmem:s21], [sflag:$0x7], $0x10, s9, s29, $0xb8;
	[tilespmem:$0x19F00] =	vst v63  }
0xd6: {  	_ =	swait.ge [sflag:s1], $0x4000  }
0xd7: {  	[sflag:s1] =	ssyncset.done $0x0  }
0xd8: {  	s9 =	simm.s32 $0x1400;
	[sflag:s1] =	ssyncadd.s32 $0xFFFFC000  }
0xd9: {  	[tilespmem:s20], [sflag:$0x2] =	stream.indirect.gather [spmem:s3], $0x10, s9, s29, $0xb8;
	[tilespmem:$0x19F00] =	vst v63  }
0xda: {  	_ =	swait.ge [sflag:s25], $0x4000  }
0xdb: {  	[sflag:s25] =	ssyncset.done $0x0  }
0xdc: {  	s9 =	simm.s32 $0x3400;
	[sflag:s25] =	ssyncadd.s32 $0xFFFFC000  }
0xdd: {  	[spmem:s2] =	stream.indirect.scatter.add.f32 [tilespmem:s0], [sflag:$0x8], $0x10, s9, s29, $0xb8;
	[tilespmem:$0x19F00] =	vst v63  }
0xde: {  	_ =	swait.ge [sflag:s30], $0x4000  }
0xdf: {  	[sflag:s30] =	ssyncset.done $0x0  }
0xe0: {  	s9 =	simm.s32 $0x1800;
	[sflag:s30] =	ssyncadd.s32 $0xFFFFC000  }
0xe1: {  	[tilespmem:s21], [sflag:$0x3] =	stream.indirect.gather [spmem:s3], $0x10, s9, s29, $0xb8;
	[tilespmem:$0x19F00] =	vst v63  }
0xe2: {  	_ =	swait.ge [sflag:s22], $0x4000  }
0xe3: {  	[sflag:s22] =	ssyncset.done $0x0  }
0xe4: {  	s9 =	simm.s32 $0x3800;
	[sflag:s22] =	ssyncadd.s32 $0xFFFFC000  }
0xe5: {  	[spmem:s2] =	stream.indirect.scatter.add.f32 [tilespmem:s26], [sflag:$0x5], $0x10, s9, s29, $0xb8;
	[tilespmem:$0x19F00] =	vst v63  }
0xe6: {  	_ =	swait.ge [sflag:s31], $0x4000  }
0xe7: {  	[sflag:s31] =	ssyncset.done $0x0  }
0xe8: {  	s9 =	simm.s32 $0x1C00;
	[sflag:s31] =	ssyncadd.s32 $0xFFFFC000  }
0xe9: {  	[tilespmem:s0], [sflag:$0x4] =	stream.indirect.gather [spmem:s3], $0x10, s9, s29, $0xb8;
	[tilespmem:$0x19F00] =	vst v63  }
0xea: {  	_ =	swait.ge [sflag:s23], $0x4000  }
0xeb: {  	[sflag:s23] =	ssyncset.done $0x0  }
0xec: {  	s9 =	simm.s32 $0x3C00;
	[sflag:s23] =	ssyncadd.s32 $0xFFFFC000  }
0xed: {  	[spmem:s2] =	stream.indirect.scatter.add.f32 [tilespmem:s20], [sflag:$0x6], $0x10, s9, s29, $0xb8;
	[tilespmem:$0x19F00] =	vst v63  }
0xee: {  	_ =	swait.ge [sflag:s28], $0x4000  }
0xef: {  	[sflag:s28] =	ssyncset.done $0x0  }
0xf0: {  	s9 =	simm.s32 $0x2000;
	[sflag:s28] =	ssyncadd.s32 $0xFFFFC000  }
0xf1: {  	[tilespmem:s26], [sflag:$0x1] =	stream.indirect.gather [spmem:s3], $0x10, s9, s29, $0xb8;
	[tilespmem:$0x19F00] =	vst v63  }
0xf2: {  	_ =	swait.ge [sflag:s24], $0x4000  }
0xf3: {  	[sflag:s24] =	ssyncset.done $0x0  }
0xf4: {  	s9 =	simm.s32 $0x4000;
	[sflag:s24] =	ssyncadd.s32 $0xFFFFC000  }
0xf5: {  	[spmem:s2] =	stream.indirect.scatter.add.f32 [tilespmem:s21], [sflag:$0x7], $0x10, s9, s29, $0xb8;
	[tilespmem:$0x19F00] =	vst v63  }
0xf6: {  	_ =	swait.ge [sflag:s1], $0x4000  }
0xf7: {  	[sflag:s1] =	ssyncset.done $0x0  }
0xf8: {  	s9 =	simm.s32 $0x2400;
	[sflag:s1] =	ssyncadd.s32 $0xFFFFC000  }
0xf9: {  	[tilespmem:s20], [sflag:$0x2] =	stream.indirect.gather [spmem:s3], $0x10, s9, s29, $0xb8;
	[tilespmem:$0x19F00] =	vst v63  }
0xfa: {  	_ =	swait.ge [sflag:s25], $0x4000  }
0xfb: {  	[sflag:s25] =	ssyncset.done $0x0  }
0xfc: {  	s9 =	simm.s32 $0x4400;
	[sflag:s25] =	ssyncadd.s32 $0xFFFFC000  }
0xfd: {  	[spmem:s2] =	stream.indirect.scatter.add.f32 [tilespmem:s0], [sflag:$0x8], $0x10, s9, s29, $0xb8;
	[tilespmem:$0x19F00] =	vst v63  }
0xfe: {  	_ =	swait.ge [sflag:s22], $0x4000  }
0xff: {  	[sflag:s22] =	ssyncset.done $0x0  }
0x100: {  	s9 =	simm.s32 $0x4800;
	[sflag:s22] =	ssyncadd.s32 $0xFFFFC000  }
0x101: {  	[spmem:s2] =	stream.indirect.scatter.add.f32 [tilespmem:s26], [sflag:$0x5], $0x10, s9, s29, $0xb8;
	[tilespmem:$0x19F00] =	vst v63  }
0x102: {  	_ =	swait.ge [sflag:s23], $0x4000  }
0x103: {  	[sflag:s23] =	ssyncset.done $0x0  }
0x104: {  	s9 =	simm.s32 $0x4C00;
	[sflag:s23] =	ssyncadd.s32 $0xFFFFC000  }
0x105: {  	[spmem:s2] =	stream.indirect.scatter.add.f32 [tilespmem:s20], [sflag:$0x6], $0x10, s9, s29, $0xb8;
	[tilespmem:$0x19F00] =	vst v63  }
0x106: {  	_ =	swait.ge [sflag:s30], $0x4000  }
0x107: {  	[sflag:s30] =	ssyncset.done $0x0  }
0x108: {  	[sflag:s30] =	ssyncadd.s32 $0xFFFFC000  }
0x109: {  	_ =	swait.ge [sflag:s31], $0x4000  }
0x10a: {  	[sflag:s31] =	ssyncset.done $0x0  }
0x10b: {  	[sflag:s31] =	ssyncadd.s32 $0xFFFFC000  }
0x10c: {  	_ =	swait.ge [sflag:s28], $0x4000  }
0x10d: {  	[sflag:s28] =	ssyncset.done $0x0  }
0x10e: {  	[sflag:s28] =	ssyncadd.s32 $0xFFFFC000  }
0x10f: {  	_ =	swait.ge [sflag:s1], $0x4000  }
0x110: {  	s7 =	sadd.s32 $0x1, s7;
	[sflag:s1] =	ssyncset.done $0x0  }
0x111: {  	p1 =	sne.s32 s7, s17;
	[sflag:s1] =	ssyncadd.s32 $0xFFFFC000  }
.Ltmp1:
0x112: {  	s9 =	sor.u32 $0x1C09, s5;
	[bflag:$0x0] =	sbarrier.arrive $0xFFFF;
	(pc) =	sbr.rel @p1 .LBB2_1-.Ltmp1, $4  }
0x113: {  	[hbm:s16], [sflag:s9] =	dma.local [spmem:s18], $0x4F0  }
0x114: {  	_ =	swait.ge [sflag:s6], $0x4F0  }
0x115: {  	[sflag:s6] =	ssyncset.done $0x0  }
0x116: {  	[sflag:s6] =	ssyncadd.s32 $0xFFFFFB10  }
0x117: {  	_ =	sfence.sel $0x180000  }
0x118: {  	[bflag:$0x0] =	sbarrier.arrive $0xFFFF  }
0x119: {  	_ =	strace $0x9000004A  }
0x11a: {  	s0 =	stileid.u32;
	[bflag:$0x2] =	sbarrier.arrive $0xFFFF  }
0x11b: {  	p0 =	sne.s32 s0, $0x0;
	s0 =	rddreg [dreg:$0x4]  }
0x11c: {  	s0 =	sadd.s32 @!p0 $0x100000, s0  }
0x11d: {  	[sflag:s0] =	ssyncadd.tile.s32 @!p0 $0x1;
	_ =	shalt  }
.Lfunc_end2:
_tile_overlayer_lowered:
.L_overlay_start_2:
0x11e: {  	(tag) =	ssettag $0x2  }
0x11f: {  	s0 =	rddreg [dreg:$0x0];
	s2 =	stileid.u32  }
0x120: {  	s1 =	rddreg [dreg:$0x1];
	p0 =	sne.s32 s2, $0x0  }
0x121: {  	s3 =	rddreg [dreg:$0x2];
	[bflag:$0x3] =	sbarrier.arrive $0xFFFF;
	s2 =	simm.s32 @!p0 $0x1C09  }
0x122: {  	[timem:s3], [sflag:s2] =	dma.local @!p0 [hbm:s0], s1  }
0x123: {  	s0 =	simm.s32 @!p0 $0x9  }
0x124: {  	_ =	swait.ge @!p0 [sflag:s0], s1  }
0x125: {  	s1 =	ssub.s32 @!p0 $0x0, s1;
	[sflag:s0] =	ssyncset.done @!p0 $0x0  }
0x126: {  	[sflag:s0] =	ssyncadd.s32 @!p0 s1  }
0x127: {  	[bflag:$0x3] =	sbarrier.arrive $0xFFFF  }
0x128: {  	_ =	shalt  }

// kernel: kernel.13.cloned.1.call-start
scs
__scs_entry_jumppad:
0x0: {  	(pc) =	sbr.rel $0x88, $3  }
0x1: {  	(tag) =	ssettag $0x0;
	lr =	simm.s32 $0x1  }
0x2: {  	[smem:$0x3F9B] =	sst lr;
	_ =	strace $0xD0000000  }
0x3: {  	_ = 	snop  }
0x4: {  	_ = 	snop  }
0x5: {  	_ = 	snop  }
0x6: {  	_ = 	snop  }
0x7: {  	_ = 	snop  }
__scs_overlays_trampoline_lowered:
0x8: {  	[smem:$0x3FAA] =	sst s0  }
0x9: {  	[smem:$0x3FAB] =	sst s1  }
0xa: {  	[smem:$0x3FAC] =	sst s2  }
0xb: {  	[smem:$0x3FAD] =	sst s3  }
0xc: {  	[smem:$0x3FAE] =	sst s4  }
0xd: {  	[smem:$0x3FAF] =	sst s5  }
0xe: {  	[smem:$0x3FB0] =	sst s6  }
0xf: {  	[smem:$0x3FB1] =	sst s7  }
0x10: {  	[smem:$0x3FB2] =	sst s8  }
0x11: {  	[smem:$0x3FB3] =	sst s9;
	s0 =	simm.s32 @!p0 $0x0  }
0x12: {  	s1 =	sld [smem:$0x3F99];
	s0 =	simm.s32 @p0 $0x1  }
0x13: {  	[smem:$0x3FB4] =	sst s0;
	s0 =	simm.s32 @!p1 $0x0  }
0x14: {  	s2 =	sld [smem:$0x3F98];
	s0 =	simm.s32 @p1 $0x1  }
0x15: {  	[smem:$0x3FB5] =	sst s0;
	s0 =	simm.s32 @!p2 $0x0  }
0x16: {  	s3 =	sld [smem:$0x3FDB];
	s0 =	simm.s32 @p2 $0x1  }
0x17: {  	s4 =	simm.s32 $0x1BF5;
	[smem:$0x3FB7] =	sst s0  }
0x18: {  	s0 =	sld [smem:$0x3F9A];
	_ =	swait.ge [sflag:s4], $0x0  }
0x19: {  	s7 =	sld [smem:$0x3F9B]  }
0x1a: {  	s8 =	sadd.s32 $0xFFFFE003, lr  }
0x1b: {  	s9 =	sadd.s32 $0xFFFFFEF7, lr;
	s5 =	simm.s32 $0xFFFFFFFF;
	p2 =	slt.u32 s8, $0xFFFFF086  }
0x1c: {  	p1 =	slt.u32 s9, $0xF7A;
	s5 =	simm.s32 @!p2 $0x0  }
0x1d: {  	s5 =	simm.s32 @p1 $0x1;
	p0 =	seq.s32 s7, s2  }
0x1e: {  	s7 =	smul.u32 @!p0 $0xF7A, s2;
	p2 =	seq.s32 @!p0 s5, $0x0  }
0x1f: {  	s9 =	smul.u32 $0xF7A, s1;
	s8 =	simm.s32 @!p0 $0x1BF5;
	p2 =	por !p2, p0  }
0x20: {  	[sflag:s8] =	ssyncset.s32 @!p0 $0xFFFFF086;
	s6 =	sadd.s32 @!p0 s3, s7;
	s7 =	simm.s32 @!p0 $0x108  }
0x21: {  	s3 =	sadd.s32 s3, s9;
	s6 =	sadd.s32 @!p0 $0x88, s6;
	s7 =	simm.s32 @p2 $0x1082  }
0x22: {  	[simem:s7], [sflag:s8] =	dma.local @!p0 [hbm:s6], $0xF7A  }
0x23: {  	s9 =	sor.u32 $0xD0000000, s2;
	s6 =	simm.s32 $0x108;
	_ =	swait.ge @!p0 [sflag:s8], $0x0  }
0x24: {  	s3 =	sadd.s32 $0x88, s3;
	s6 =	simm.s32 @!p1 $0x1082;
	[sflag:s4] =	ssyncset.s32 $0xFFFFF086  }
0x25: {  	[simem:s6], [sflag:s4] =	dma.local [hbm:s3], $0xF7A  }
0x26: {  	[smem:$0x3F9B] =	sst s1;
	(tag) =	ssettag s2;
	_ =	strace s9  }
0x27: {  	s1 =	sld [smem:$0x3FAB]  }
0x28: {  	s2 =	sld [smem:$0x3FAC]  }
0x29: {  	s4 =	sld [smem:$0x3FAE]  }
0x2a: {  	p0 =	seq.s32 s5, $0x0;
	s5 =	sld [smem:$0x3FAF]  }
0x2b: {  	s6 =	sld [smem:$0x3FB0]  }
0x2c: {  	s7 =	sld [smem:$0x3FB1]  }
0x2d: {  	s3 =	simm.s32 $0x108;
	s8 =	sld [smem:$0x3FB2]  }
0x2e: {  	s3 =	simm.s32 @!p0 $0x1082;
	s9 =	sld [smem:$0x3FB3]  }
0x2f: {  	lr =	sadd.s32 s0, s3;
	s0 =	sld [smem:$0x3FAA]  }
0x30: {  	s3 =	sld [smem:$0x3FAD]  }
0x31: {  	[smem:$0x3FB6] =	sst s10  }
0x32: {  	s10 =	sld [smem:$0x3FB4];
	_ =	sdelay $0x3  }
0x33: {  	p0 =	seq.s32 s10, $0x1;
	s10 =	sld [smem:$0x3FB6];
	_ =	sdelay $0x3  }
0x34: {  	[smem:$0x3FB6] =	sst s10  }
0x35: {  	s10 =	sld [smem:$0x3FB5];
	_ =	sdelay $0x3  }
0x36: {  	p1 =	seq.s32 s10, $0x1;
	s10 =	sld [smem:$0x3FB6];
	_ =	sdelay $0x3  }
0x37: {  	[smem:$0x3FB6] =	sst s10  }
0x38: {  	s10 =	sld [smem:$0x3FB7]  }
0x39: {  	_ = 	snop;
	(pc) =	sbr.ind lr, $3  }
0x3a: {  	_ = 	snop  }
0x3b: {  	_ = 	snop  }
0x3c: {  	p2 =	seq.s32 s10, $0x1;
	s10 =	sld [smem:$0x3FB6]  }
0x3d: {  	_ =	shalt  }
0x3e: {  	_ =	shalt  }
0x3f: {  	_ =	shalt  }
0x40: {  	_ =	shalt  }
0x41: {  	_ =	shalt  }
0x42: {  	_ =	shalt  }
0x43: {  	_ =	shalt  }
0x44: {  	_ =	shalt  }
0x45: {  	_ =	shalt  }
0x46: {  	_ =	shalt  }
0x47: {  	_ =	shalt  }
0x48: {  	_ =	shalt  }
0x49: {  	_ =	shalt  }
0x4a: {  	_ =	shalt  }
0x4b: {  	_ =	shalt  }
0x4c: {  	_ =	shalt  }
0x4d: {  	_ =	shalt  }
0x4e: {  	_ =	shalt  }
0x4f: {  	_ =	shalt  }
0x50: {  	_ =	shalt  }
0x51: {  	_ =	shalt  }
0x52: {  	_ =	shalt  }
0x53: {  	_ =	shalt  }
0x54: {  	_ =	shalt  }
0x55: {  	_ =	shalt  }
0x56: {  	_ =	shalt  }
0x57: {  	_ =	shalt  }
0x58: {  	_ =	shalt  }
0x59: {  	_ =	shalt  }
0x5a: {  	_ =	shalt  }
0x5b: {  	_ =	shalt  }
0x5c: {  	_ =	shalt  }
0x5d: {  	_ =	shalt  }
0x5e: {  	_ =	shalt  }
0x5f: {  	_ =	shalt  }
0x60: {  	_ =	shalt  }
0x61: {  	_ =	shalt  }
0x62: {  	_ =	shalt  }
0x63: {  	_ =	shalt  }
0x64: {  	_ =	shalt  }
0x65: {  	_ =	shalt  }
0x66: {  	_ =	shalt  }
0x67: {  	_ =	shalt  }
0x68: {  	_ =	shalt  }
0x69: {  	_ =	shalt  }
0x6a: {  	_ =	shalt  }
0x6b: {  	_ =	shalt  }
0x6c: {  	_ =	shalt  }
0x6d: {  	_ =	shalt  }
0x6e: {  	_ =	shalt  }
0x6f: {  	_ =	shalt  }
0x70: {  	_ =	shalt  }
0x71: {  	_ =	shalt  }
0x72: {  	_ =	shalt  }
0x73: {  	_ =	shalt  }
0x74: {  	_ =	shalt  }
0x75: {  	_ =	shalt  }
0x76: {  	_ =	shalt  }
0x77: {  	_ =	shalt  }
0x78: {  	_ =	shalt  }
0x79: {  	_ =	shalt  }
0x7a: {  	_ =	shalt  }
0x7b: {  	_ =	shalt  }
0x7c: {  	_ =	shalt  }
0x7d: {  	_ =	shalt  }
0x7e: {  	_ =	shalt  }
0x7f: {  	_ =	shalt  }
0x80: {  	_ =	shalt  }
0x81: {  	_ =	shalt  }
0x82: {  	_ =	shalt  }
0x83: {  	_ =	shalt  }
0x84: {  	_ =	shalt  }
0x85: {  	_ =	shalt  }
0x86: {  	_ =	shalt  }
0x87: {  	_ =	shalt  }
.Lfunc_end0:
.L_simem_size_0:
called_computation.2_lowered:
.L_overlay_start_0:
0x88: {  	s2 =	sld [smem:$0x3FD9]  }
0x89: {  	s3 =	sld [smem:$0x3FFE];
	_ =	sdelay $0x1  }
0x8a: {  	s1 =	srdreg.scid  }
0x8b: {  	s0 =	sand.u32 $0x1, s1  }
0x8c: {  	s17 =	sshll.u32 s0, $0xA;
	s2 =	sadd.s32 s3, s2  }
0x8d: {  	s2 =	sadd.s32 s2, s17  }
0x8e: {  	[smem:$0x3FC2] =	sst s2  }
0x8f: {  	_ = 	snop  }
0x90: {  	s2 =	sld [smem:$0x3FC6]  }
0x91: {  	s18 =	sld [smem:$0x3FD0];
	(tm) =	ssettm $0x1  }
0x92: {  	s4 =	sld [smem:$0x3FFB];
	_ =	sdelay $0x3  }
0x93: {  	_ =	strace s4  }
0x94: {  	s4 =	sld [smem:$0x3FFC];
	_ =	sdelay $0x3  }
0x95: {  	_ =	strace s4  }
0x96: {  	s4 =	sld [smem:$0x3FFD];
	_ =	sdelay $0x3  }
0x97: {  	_ =	strace s4  }
0x98: {  	_ =	strace $0x8FFFFFFF  }
0x99: {  	s19 =	sld [smem:$0x3FDB];
	_ =	sdelay $0x1  }
0x9a: {  	s5 =	simm.s32 $_scs_section_size  }
0x9b: {  	s6 =	simm.s32 $_size__tile_overlayer_lowered;
	s7 =	simm.s32 $_tile_overlayer_lowered  }
0x9c: {  	s22 =	simm.s32 $0x1BFF;
	s21 =	sshll.u32 s7, $0x1;
	s4 =	sadd.s32 s5, s19  }
0x9d: {  	s8 =	simm.s32 $0x0;
	s20 =	sshll.u32 s6, $0x1;
	s6 =	sadd.s32 s21, s4  }
0x9e: {  	[timem:s8], [sflag:s22] =	dma.local [hbm:s6], s20  }
0x9f: {  	_ =	swait.ge [sflag:s22], s20  }
0xa0: {  	s5 =	ssub.s32 $0x0, s20;
	[sflag:s22] =	ssyncset.done $0x0  }
0xa1: {  	[sflag:s22] =	ssyncadd.s32 s5;
	_ =	sdelay $0x1  }
0xa2: {  	s23 =	simm.s32 $0x1B8B  }
0xa3: {  	_ =	swait.ge [sflag:s23], $0x1  }
0xa4: {  	[sflag:s23] =	ssyncset.done $0x0  }
0xa5: {  	s25 =	simm.s32 $0x1B8E;
	s24 =	sld [smem:$0x3FFE];
	[sflag:s23] =	ssyncadd.s32 $0xFFFFFFFF  }
0xa6: {  	s26 =	simm.s32 $execute0_lowered;
	[smem:$0x3FD2] =	sst s25  }
0xa7: {  	s6 =	sshll.u32 s26, $0x1;
	_ =	strace $0x8000004C;
	[dreg:$0x1] =	wrdreg $0xFFFFFFFF  }
0xa8: {  	s28 =	simm.s32 $_size_execute0_lowered;
	s4 =	sadd.s32 s4, s6;
	[dreg:$0x0] =	wrdreg $0x0  }
0xa9: {  	s6 =	sshll.u32 s28, $0x1;
	[dreg:$0x2] =	wrdreg s4  }
0xaa: {  	[dreg:$0x3] =	wrdreg s6  }
0xab: {  	[dreg:$0x4] =	wrdreg $0xC0  }
0xac: {  	_ =	task [dreg:s8], $0x5FFFF  }
0xad: {  	[dreg:$0x1] =	wrdreg $0xFFFFFFFF  }
0xae: {  	[dreg:$0x0] =	wrdreg $0x60  }
0xaf: {  	[dreg:$0x2] =	wrdreg s18  }
0xb0: {  	[dreg:$0x3] =	wrdreg s24  }
0xb1: {  	[dreg:$0x4] =	wrdreg s2  }
0xb2: {  	[dreg:$0x5] =	wrdreg $0x150100  }
0xb3: {  	[dreg:$0x6] =	wrdreg $0x177900  }
0xb4: {  	[dreg:$0x7] =	wrdreg $0x9  }
0xb5: {  	_ =	task.clear_ibuf [dreg:s8], $0x8FFFF;
	_ =	strace $0x9000004C  }
0xb6: {  	s29 =	simm.s32 $0x9;
	_ =	strace $0x8000004E  }
0xb7: {  	_ =	swait.ge [sflag:s29], $0x1  }
0xb8: {  	[sflag:s29] =	ssyncadd.s32 $0xFFFFFFFF  }
0xb9: {  	_ =	strace $0x9000004E  }
0xba: {  	_ =	sfence  }
0xbb: {  	s30 =	sld [smem:$0x0];
	_ =	sdelay $0x2  }
0xbc: {  	s31 =	sshll.u32 s1, $0xD;
	s1 =	sshrl.u32 s1, $0x2  }
0xbd: {  	s3 =	sand.u32 $0x4000, s31;
	s1 =	sadd.s32 s1, s30  }
0xbe: {  	s0 =	sor.u32 s3, s0;
	s1 =	sshll.u32 s1, $0x11  }
0xbf: {  	s0 =	sor.u32 s1, s0  }
0xc0: {  	s0 =	sadd.s32 $0x8F2B, s0  }
0xc1: {  	[sflag:s0] =	ssyncadd.remote.s32 $0x1  }
0xc2: {  	_ =	sfence.sel $0xFFFF  }
0xc3: {  	[dreg:$0x0] =	wrdreg $0xFFFFFFFF;
	(pc) =	sbr.abs _section_cstart, $3  }
0xc4: {  	[dreg:$0x1] =	wrdreg $0xFFFFFFFF  }
0xc5: {  	_ =	task.clear_ibuf [dreg:s8], $0x2FFFF;
	_ =	strace $0x9FFFFFFF  }
0xc6: {  	(tm) =	ssettm $0x7FFFFFFF  }
0xc7: {  	_ =	shalt  }
tec
execute0_lowered:
.L_overlay_start_1:
0x0: {  	(tag) =	ssettag $0x1  }
0x1: {  	s0 =	rddreg [dreg:$0x0];
	s1 =	srdreg.scid  }
0x2: {  	s12 =	stileid.u32;
	s2 =	rddreg [dreg:$0x1]  }
0x3: {  	s5 =	simm.s32 $0x0;
	s28 =	simm.s32 $0x3;
	s29 =	simm.s32 $0x4  }
0x4: {  	s30 =	simm.s32 $0x5;
	s31 =	simm.s32 $0x400;
	s1 =	sand.u32 $0x1, s1  }
0x5: {  	s3 =	sshll.u32 s12, $0x1;
	s8 =	smul.u32 $0x2780, s12;
	[smem:$0x7FF] =	sst s5  }
0x6: {  	s4 =	sor.u32 s1, s3;
	s3 =	rddreg [dreg:$0x3];
	s6 =	smul.u32 $0x27800, s1  }
0x7: {  	s11 =	ssub.s32 $0x2, s1;
	p0 =	sne.s32 s1, $0x0;
	s1 =	simm.s32 $0x7  }
0x8: {  	s7 =	smul.u32 $0x500, s4;
	s4 =	rddreg [dreg:$0x4];
	_ =	strace $0x8000004D  }
0x9: {  	s10 =	sshrl.u32 s8, $0x3;
	s20 =	sshrl.u32 s11, $0x1;
	s22 =	sadd.s32 s8, s3  }
0xa: {  	s6 =	sadd.s32 s8, s6;
	s21 =	ssub.s32 s11, s20;
	s15 =	sadd.s32 s8, s4  }
0xb: {  	s19 =	sshrl.u32 s22, $0x3;
	s20 =	simm.s32 $0x2800;
	s22 =	simm.s32 $0x9000  }
0xc: {  	s8 =	simm.s32 $0x0;
	s9 =	sadd.s32 s7, s2;
	s6 =	sshrl.u32 s6, $0x3  }
0xd: {  	s0 =	sadd.s32 s0, s7;
	s18 =	smax.u32 s21, $0x1;
	s21 =	simm.s32 $0x5000  }
0xe: {  	s7 =	simm.s32 $0x9;
	s17 =	sadd.s32 s6, s2;
	s2 =	sadd.s32 s10, s2  }
0xf: {  	s6 =	sshll.u32 s12, $0x6;
	[dreg:$0x8] =	wrdreg s0;
	s25 =	sadd.s32 $0x1E00, s9  }
0x10: {  	s0 =	simm.s32 $0xD000;
	s23 =	sadd.s32 $0xBE00, s2;
	s24 =	sor.u32 $0x1C01, s6  }
0x11: {  	[dreg:$0x9] =	wrdreg s25;
	s26 =	sadd.s32 $0x10E00, s2;
	s12 =	sadd.s32 $0x2EA00, s2  }
0x12: {  	s13 =	sadd.s32 $0x24C00, s2;
	s14 =	sadd.s32 $0x29B00, s2;
	[dreg:$0x6] =	wrdreg s23  }
0x13: {  	s16 =	sadd.s32 $0x15E00, s2;
	s17 =	sadd.s32 $0x33A00, s17;
	[dreg:$0x7] =	wrdreg s24  }
0x14: {  	s25 =	simm.s32 $0x1;
	s2 =	simm.s32 $0x8;
	[dreg:$0xa] =	wrdreg s26  }
0x15: {  	s23 =	simm.s32 $0x11000;
	s26 =	simm.s32 $0x2;
	s24 =	simm.s32 $0x6  }
.LBB2_1:
0x16: {  	s9 =	rddreg [dreg:$0x6]  }
0x17: {  	s10 =	rddreg [dreg:$0x7]  }
0x18: {  	[spmem:s19], [sflag:s10] =	dma.local [hbm:s9], $0x4F0  }
0x19: {  	s9 =	rddreg [dreg:$0x8]  }
0x1a: {  	[tilespmem:s5], [sflag:$0x2] =	stream.linear.gather [hbm4b:s9+s5], $0x2800, $0x38;
	[tilespmem:$0x19F10] =	vst v63  }
0x1b: {  	s10 =	rddreg [dreg:$0x9]  }
0x1c: {  	[tilespmem:s20], [sflag:$0x3] =	stream.linear.gather [hbm4b:s10+s5], $0x2800, $0x38;
	[tilespmem:$0x19F10] =	vst v63  }
0x1d: {  	s11 =	rddreg [dreg:$0xa]  }
0x1e: {  	[tilespmem:s21], [sflag:$0x4] =	stream.linear.gather [hbm4b:s11+s5], $0x2780, $0x38;
	[tilespmem:$0x19F10] =	vst v63  }
0x1f: {  	_ = 	snop  }
0x20: {  	[tilespmem:s22], [sflag:$0x1] =	stream.linear.gather [hbm4b:s12+s5], $0x2780, $0x38;
	[tilespmem:$0x19F10] =	vst v63  }
0x21: {  	_ = 	snop  }
0x22: {  	[tilespmem:s0], [sflag:$0x2] =	stream.linear.gather [hbm4b:s13+s5], $0x2780, $0x38;
	[tilespmem:$0x19F10] =	vst v63  }
0x23: {  	_ = 	snop  }
0x24: {  	[tilespmem:s23], [sflag:$0x3] =	stream.linear.gather [hbm4b:s14+s5], $0x2780, $0x38;
	[tilespmem:$0x19F10] =	vst v63  }
0x25: {  	s10 =	rddreg [dreg:$0x2];
	s11 =	simm.s32 $0x15000  }
0x26: {  	[tilespmem:s11], [sflag:$0x4] =	stream.linear.gather [hbm4b:s10+s5], $0x10, $0x38;
	[tilespmem:$0x19F10] =	vst v63  }
0x27: {  	_ =	swait.ge [sflag:s25], $0x4F0  }
0x28: {  	[sflag:s25] =	ssyncset.done $0x0  }
0x29: {  	[sflag:s25] =	ssyncadd.s32 $0xFFFFFB10  }
0x2a: {  	_ =	swait.ge [sflag:s26], $0x2800  }
0x2b: {  	[sflag:s26] =	ssyncset.done $0x0  }
0x2c: {  	[sflag:s26] =	ssyncadd.s32 $0xFFFFD800  }
0x2d: {  	_ =	swait.ge [sflag:s28], $0x2800  }
0x2e: {  	[sflag:s28] =	ssyncset.done $0x0  }
0x2f: {  	[sflag:s28] =	ssyncadd.s32 $0xFFFFD800  }
0x30: {  	_ =	swait.ge [sflag:s29], $0x2780  }
0x31: {  	[sflag:s29] =	ssyncset.done $0x0  }
0x32: {  	[sflag:s29] =	ssyncadd.s32 $0xFFFFD880  }
0x33: {  	_ =	swait.ge [sflag:s25], $0x2780  }
0x34: {  	[sflag:s25] =	ssyncset.done $0x0  }
0x35: {  	[sflag:s25] =	ssyncadd.s32 $0xFFFFD880  }
0x36: {  	_ =	swait.ge [sflag:s26], $0x2780  }
0x37: {  	[sflag:s26] =	ssyncset.done $0x0  }
0x38: {  	[sflag:s26] =	ssyncadd.s32 $0xFFFFD880  }
0x39: {  	_ =	swait.ge [sflag:s28], $0x2780  }
0x3a: {  	[sflag:s28] =	ssyncset.done $0x0  }
0x3b: {  	[sflag:s28] =	ssyncadd.s32 $0xFFFFD880  }
0x3c: {  	_ =	swait.ge [sflag:s29], $0x10  }
0x3d: {  	[sflag:s29] =	ssyncset.done $0x0  }
0x3e: {  	[sflag:s29] =	ssyncadd.s32 $0xFFFFFFF0  }
0x3f: {  	v0 =	vld [tilespmem:s0+$0x0]  }
0x40: {  	v1 =	vld [tilespmem:s0+$0x4000];
	_ =	sdelay $0x1  }
0x41: {  	v2 =	vld [tilespmem:s0+$0xFFFF8000];
	_ =	sdelay $0x1  }
0x42: {  	v3 =	vld [tilespmem:s0+$0xFFFFC000]  }
0x43: {  	v0 =	vadd.f32 v1, v0  }
0x44: {  	v1 =	vld [tilespmem:$0x15000]  }
0x45: {  	v0 =	vadd.f32 v2, v0;
	_ =	sdelay $0x1  }
0x46: {  	v0 =	vmul.f32 v0, v3  }
0x47: {  	v2 =	vld [tilespmem:s0+$0x10]  }
0x48: {  	v0 =	vadd.f32 v0, v1;
	v1 =	vld [tilespmem:s0+$0x4010];
	_ =	sdelay $0x1  }
0x49: {  	v4 =	vld [tilespmem:s0+$0xFFFF8010];
	v0 =	vmax.f32 v0, $0.0e+00  }
0x4a: {  	v0 =	vmul.f32 v0, v3  }
0x4b: {  	v3 =	vld [tilespmem:s0+$0xFFFFC010]  }
0x4c: {  	[tilespmem:s0+$0xFFFF8000] =	vst v0;
	v0 =	vadd.f32 v1, v2  }
0x4d: {  	v1 =	vld [tilespmem:$0x15000]  }
0x4e: {  	v0 =	vadd.f32 v4, v0;
	_ =	sdelay $0x1  }
0x4f: {  	v0 =	vmul.f32 v0, v3  }
0x50: {  	v2 =	vld [tilespmem:s0+$0x20]  }
0x51: {  	v0 =	vadd.f32 v0, v1;
	v1 =	vld [tilespmem:s0+$0x4020];
	_ =	sdelay $0x1  }
0x52: {  	v58 =	vld [tilespmem:s0+$0xFFFF8020];
	v0 =	vmax.f32 v0, $0.0e+00  }
0x53: {  	v0 =	vmul.f32 v0, v3  }
0x54: {  	v3 =	vld [tilespmem:s0+$0xFFFFC020]  }
0x55: {  	[tilespmem:s0+$0xFFFF8010] =	vst v0;
	v0 =	vadd.f32 v1, v2  }
0x56: {  	v1 =	vld [tilespmem:$0x15000]  }
0x57: {  	v0 =	vadd.f32 v58, v0;
	_ =	sdelay $0x1  }
0x58: {  	v0 =	vmul.f32 v0, v3  }
0x59: {  	v2 =	vld [tilespmem:s0+$0x30]  }
0x5a: {  	v0 =	vadd.f32 v0, v1;
	v1 =	vld [tilespmem:s0+$0x4030];
	_ =	sdelay $0x1  }
0x5b: {  	v59 =	vld [tilespmem:s0+$0xFFFF8030];
	v0 =	vmax.f32 v0, $0.0e+00  }
0x5c: {  	v0 =	vmul.f32 v0, v3  }
0x5d: {  	v3 =	vld [tilespmem:s0+$0xFFFFC030]  }
0x5e: {  	[tilespmem:s0+$0xFFFF8020] =	vst v0;
	v0 =	vadd.f32 v1, v2  }
0x5f: {  	v1 =	vld [tilespmem:$0x15000]  }
0x60: {  	v0 =	vadd.f32 v59, v0;
	_ =	sdelay $0x1  }
0x61: {  	v0 =	vmul.f32 v0, v3  }
0x62: {  	v2 =	vld [tilespmem:s0+$0x40]  }
0x63: {  	v0 =	vadd.f32 v0, v1;
	v1 =	vld [tilespmem:s0+$0x4040];
	_ =	sdelay $0x1  }
0x64: {  	v60 =	vld [tilespmem:s0+$0xFFFF8040];
	v0 =	vmax.f32 v0, $0.0e+00  }
0x65: {  	v0 =	vmul.f32 v0, v3  }
0x66: {  	v3 =	vld [tilespmem:s0+$0xFFFFC040]  }
0x67: {  	[tilespmem:s0+$0xFFFF8030] =	vst v0;
	v0 =	vadd.f32 v1, v2  }
0x68: {  	v1 =	vld [tilespmem:$0x15000]  }
0x69: {  	v0 =	vadd.f32 v60, v0;
	_ =	sdelay $0x1  }
0x6a: {  	v0 =	vmul.f32 v0, v3  }
0x6b: {  	v2 =	vld [tilespmem:s0+$0x50]  }
0x6c: {  	v0 =	vadd.f32 v0, v1;
	v1 =	vld [tilespmem:s0+$0x4050];
	_ =	sdelay $0x1  }
0x6d: {  	v61 =	vld [tilespmem:s0+$0xFFFF8050];
	v0 =	vmax.f32 v0, $0.0e+00  }
0x6e: {  	v0 =	vmul.f32 v0, v3  }
0x6f: {  	v3 =	vld [tilespmem:s0+$0xFFFFC050]  }
0x70: {  	[tilespmem:s0+$0xFFFF8040] =	vst v0;
	v0 =	vadd.f32 v1, v2  }
0x71: {  	v1 =	vld [tilespmem:$0x15000]  }
0x72: {  	v0 =	vadd.f32 v61, v0;
	_ =	sdelay $0x1  }
0x73: {  	v0 =	vmul.f32 v0, v3  }
0x74: {  	v2 =	vld [tilespmem:s0+$0x60]  }
0x75: {  	v0 =	vadd.f32 v0, v1;
	v1 =	vld [tilespmem:s0+$0x4060];
	_ =	sdelay $0x1  }
0x76: {  	v62 =	vld [tilespmem:s0+$0xFFFF8060];
	v0 =	vmax.f32 v0, $0.0e+00  }
0x77: {  	v0 =	vmul.f32 v0, v3  }
0x78: {  	v3 =	vld [tilespmem:s0+$0xFFFFC060]  }
0x79: {  	[tilespmem:s0+$0xFFFF8050] =	vst v0;
	v0 =	vadd.f32 v1, v2  }
0x7a: {  	v1 =	vld [tilespmem:$0x15000]  }
0x7b: {  	v0 =	vadd.f32 v62, v0;
	_ =	sdelay $0x1  }
0x7c: {  	v0 =	vmul.f32 v0, v3  }
0x7d: {  	v63 =	vld [tilespmem:s0+$0x4070]  }
0x7e: {  	v2 =	vld [tilespmem:s0+$0x70];
	v1 =	vadd.f32 v0, v1;
	_ =	sdelay $0x1  }
0x7f: {  	v5 =	vld [tilespmem:s0+$0xFFFF8070];
	v1 =	vmax.f32 v1, $0.0e+00  }
0x80: {  	v1 =	vmul.f32 v1, v3  }
0x81: {  	v0 =	vld [tilespmem:s0+$0xFFFFC070]  }
0x82: {  	v2 =	vadd.f32 v63, v2;
	[tilespmem:s0+$0xFFFF8060] =	vst v1  }
0x83: {  	v1 =	vld [tilespmem:$0x15000]  }
0x84: {  	v2 =	vadd.f32 v5, v2;
	_ =	sdelay $0x1  }
0x85: {  	s9 =	simm.s32 $0x0;
	s11 =	simm.s32 $0xD080;
	s10 =	simm.s32 $0xD000;
	v2 =	vmul.f32 v2, v0  }
.LBB2_2:
0x86: {  	v3 =	vld [tilespmem:s11+$0x0]  }
0x87: {  	s9 =	sadd.s32 $0x8, s9;
	v4 =	vld [tilespmem:s11+$0x4000];
	v1 =	vadd.f32 v2, v1  }
0x88: {  	p1 =	slt.u32 s9, $0x270  }
0x89: {  	v2 =	vld [tilespmem:s11+$0xFFFF8000];
	v1 =	vmax.f32 v1, $0.0e+00  }
0x8a: {  	v0 =	vmul.f32 v1, v0  }
0x8b: {  	v1 =	vld [tilespmem:s11+$0xFFFFC000]  }
0x8c: {  	v3 =	vadd.f32 v4, v3;
	[tilespmem:s10+$0xFFFF8070] =	vst v0;
	s10 =	smov.u32 s11  }
0x8d: {  	v0 =	vld [tilespmem:$0x15000]  }
0x8e: {  	v2 =	vadd.f32 v2, v3;
	_ =	sdelay $0x1  }
0x8f: {  	v2 =	vmul.f32 v2, v1  }
0x90: {  	v3 =	vld [tilespmem:s11+$0x10]  }
0x91: {  	v0 =	vadd.f32 v2, v0;
	v2 =	vld [tilespmem:s11+$0x4010];
	_ =	sdelay $0x1  }
0x92: {  	v0 =	vmax.f32 v0, $0.0e+00;
	v4 =	vld [tilespmem:s11+$0xFFFF8010]  }
0x93: {  	v0 =	vmul.f32 v0, v1  }
0x94: {  	v1 =	vld [tilespmem:s11+$0xFFFFC010]  }
0x95: {  	[tilespmem:s11+$0xFFFF8000] =	vst v0;
	v0 =	vadd.f32 v2, v3  }
0x96: {  	v2 =	vld [tilespmem:$0x15000]  }
0x97: {  	v0 =	vadd.f32 v4, v0;
	_ =	sdelay $0x1  }
0x98: {  	v0 =	vmul.f32 v0, v1  }
0x99: {  	v3 =	vld [tilespmem:s11+$0x20]  }
0x9a: {  	v0 =	vadd.f32 v0, v2;
	v2 =	vld [tilespmem:s11+$0x4020];
	_ =	sdelay $0x1  }
0x9b: {  	v0 =	vmax.f32 v0, $0.0e+00;
	v4 =	vld [tilespmem:s11+$0xFFFF8020]  }
0x9c: {  	v0 =	vmul.f32 v0, v1  }
0x9d: {  	v1 =	vld [tilespmem:s11+$0xFFFFC020]  }
0x9e: {  	[tilespmem:s11+$0xFFFF8010] =	vst v0;
	v0 =	vadd.f32 v2, v3  }
0x9f: {  	v2 =	vld [tilespmem:$0x15000]  }
0xa0: {  	v0 =	vadd.f32 v4, v0;
	_ =	sdelay $0x1  }
0xa1: {  	v0 =	vmul.f32 v0, v1  }
0xa2: {  	v3 =	vld [tilespmem:s11+$0x30]  }
0xa3: {  	v0 =	vadd.f32 v0, v2;
	v2 =	vld [tilespmem:s11+$0x4030];
	_ =	sdelay $0x1  }
0xa4: {  	v0 =	vmax.f32 v0, $0.0e+00;
	v4 =	vld [tilespmem:s11+$0xFFFF8030]  }
0xa5: {  	v0 =	vmul.f32 v0, v1  }
0xa6: {  	v1 =	vld [tilespmem:s11+$0xFFFFC030]  }
0xa7: {  	[tilespmem:s11+$0xFFFF8020] =	vst v0;
	v0 =	vadd.f32 v2, v3  }
0xa8: {  	v2 =	vld [tilespmem:$0x15000]  }
0xa9: {  	v0 =	vadd.f32 v4, v0;
	_ =	sdelay $0x1  }
0xaa: {  	v0 =	vmul.f32 v0, v1  }
0xab: {  	v3 =	vld [tilespmem:s11+$0x40]  }
0xac: {  	v0 =	vadd.f32 v0, v2;
	v2 =	vld [tilespmem:s11+$0x4040];
	_ =	sdelay $0x1  }
0xad: {  	v0 =	vmax.f32 v0, $0.0e+00;
	v4 =	vld [tilespmem:s11+$0xFFFF8040]  }
0xae: {  	v0 =	vmul.f32 v0, v1  }
0xaf: {  	v1 =	vld [tilespmem:s11+$0xFFFFC040]  }
0xb0: {  	[tilespmem:s11+$0xFFFF8030] =	vst v0;
	v0 =	vadd.f32 v2, v3  }
0xb1: {  	v2 =	vld [tilespmem:$0x15000]  }
0xb2: {  	v0 =	vadd.f32 v4, v0;
	_ =	sdelay $0x1  }
0xb3: {  	v0 =	vmul.f32 v0, v1  }
0xb4: {  	v3 =	vld [tilespmem:s11+$0x50]  }
0xb5: {  	v0 =	vadd.f32 v0, v2;
	v2 =	vld [tilespmem:s11+$0x4050];
	_ =	sdelay $0x1  }
0xb6: {  	v0 =	vmax.f32 v0, $0.0e+00;
	v4 =	vld [tilespmem:s11+$0xFFFF8050]  }
0xb7: {  	v0 =	vmul.f32 v0, v1  }
0xb8: {  	v1 =	vld [tilespmem:s11+$0xFFFFC050]  }
0xb9: {  	[tilespmem:s11+$0xFFFF8040] =	vst v0;
	v0 =	vadd.f32 v2, v3  }
0xba: {  	v2 =	vld [tilespmem:$0x15000]  }
0xbb: {  	v0 =	vadd.f32 v4, v0;
	_ =	sdelay $0x1  }
0xbc: {  	v0 =	vmul.f32 v0, v1  }
0xbd: {  	v3 =	vld [tilespmem:s11+$0x60]  }
0xbe: {  	v0 =	vadd.f32 v0, v2;
	v2 =	vld [tilespmem:s11+$0x4060];
	_ =	sdelay $0x1  }
0xbf: {  	v0 =	vmax.f32 v0, $0.0e+00;
	v4 =	vld [tilespmem:s11+$0xFFFF8060]  }
0xc0: {  	v0 =	vmul.f32 v0, v1  }
0xc1: {  	v1 =	vld [tilespmem:s11+$0xFFFFC060]  }
0xc2: {  	[tilespmem:s11+$0xFFFF8050] =	vst v0;
	v0 =	vadd.f32 v2, v3  }
0xc3: {  	v2 =	vld [tilespmem:$0x15000]  }
0xc4: {  	v0 =	vadd.f32 v4, v0;
	_ =	sdelay $0x1  }
0xc5: {  	v0 =	vmul.f32 v0, v1  }
0xc6: {  	v3 =	vld [tilespmem:s11+$0x70]  }
0xc7: {  	v0 =	vadd.f32 v0, v2;
	v2 =	vld [tilespmem:s11+$0x4070];
	_ =	sdelay $0x1  }
0xc8: {  	v0 =	vmax.f32 v0, $0.0e+00;
	v4 =	vld [tilespmem:s11+$0xFFFF8070]  }
0xc9: {  	v1 =	vmul.f32 v0, v1  }
0xca: {  	v0 =	vld [tilespmem:s11+$0xFFFFC070]  }
.Ltmp0:
0xcb: {  	[tilespmem:s11+$0xFFFF8060] =	vst v1;
	v2 =	vadd.f32 v2, v3;
	(pc) =	sbr.rel @p1 .LBB2_2-.Ltmp0, $3  }
0xcc: {  	v1 =	vld [tilespmem:$0x15000]  }
0xcd: {  	v2 =	vadd.f32 v4, v2;
	_ =	sdelay $0x1  }
0xce: {  	s11 =	sadd.s32 $0x80, s11;
	v2 =	vmul.f32 v2, v0  }
0xcf: {  	_ = 	snop  }
0xd0: {  	v1 =	vadd.f32 v2, v1;
	_ =	sdelay $0x1  }
0xd1: {  	v1 =	vmax.f32 v1, $0.0e+00  }
0xd2: {  	v0 =	vmul.f32 v1, v0;
	_ =	sdelay $0x1  }
0xd3: {  	[tilespmem:s10+$0xFFFF8070] =	vst v0  }
0xd4: {  	[spmem:s15] =	stream.linear.scatter [tilespmem:s21], [sflag:$0x5], $0x2780, $0x38;
	[tilespmem:$0x19F10] =	vst v63  }
0xd5: {  	s9 =	simm.s32 @!p0 $0x0;
	s10 =	simm.s32 @!p0 $0x5000  }
0xd6: {  	[hbm4b:s16+s9] =	stream.linear.scatter @!p0 [tilespmem:s10], [sflag:$0x6], $0x2780, $0x38;
	[tilespmem:$0x19F10] =	vst v63  }
0xd7: {  	s9 =	simm.s32 @!p0 $0x6  }
0xd8: {  	_ =	swait.ge @!p0 [sflag:s9], $0x2780  }
0xd9: {  	[sflag:s9] =	ssyncset.done @!p0 $0x0  }
0xda: {  	[sflag:s9] =	ssyncadd.s32 @!p0 $0xFFFFD880  }
0xdb: {  	_ =	swait.ge [sflag:s30], $0x2780  }
0xdc: {  	[sflag:s30] =	ssyncset.done $0x0  }
0xdd: {  	[sflag:s30] =	ssyncadd.s32 $0xFFFFD880  }
0xde: {  	[bflag:$0x0] =	sbarrier.arrive $0xFFFF  }
0xdf: {  	[tilespmem:s21], [sflag:$0x1] =	stream.indirect.gather [spmem:s4], $0x10, s5, s31, $0xb8;
	[tilespmem:$0x19F10] =	vst v63  }
0xe0: {  	_ = 	snop  }
0xe1: {  	[tilespmem:s22], [sflag:$0x2] =	stream.indirect.gather [spmem:s4], $0x10, s31, s31, $0xb8;
	[tilespmem:$0x19F10] =	vst v63  }
0xe2: {  	s10 =	simm.s32 $0x800  }
0xe3: {  	[tilespmem:s0], [sflag:$0x3] =	stream.indirect.gather [spmem:s4], $0x10, s10, s31, $0xb8;
	[tilespmem:$0x19F10] =	vst v63  }
0xe4: {  	_ =	swait.ge [sflag:s25], $0x4000  }
0xe5: {  	[sflag:s25] =	ssyncset.done $0x0  }
0xe6: {  	[sflag:s25] =	ssyncadd.s32 $0xFFFFC000  }
0xe7: {  	[spmem:s3] =	stream.indirect.scatter.add.f32 [tilespmem:s21], [sflag:$0x5], $0x10, s20, s31, $0xb8;
	[tilespmem:$0x19F10] =	vst v63  }
0xe8: {  	s11 =	simm.s32 $0xC00  }
0xe9: {  	[tilespmem:s23], [sflag:$0x4] =	stream.indirect.gather [spmem:s4], $0x10, s11, s31, $0xb8;
	[tilespmem:$0x19F10] =	vst v63  }
0xea: {  	_ =	swait.ge [sflag:s26], $0x4000  }
0xeb: {  	[sflag:s26] =	ssyncset.done $0x0  }
0xec: {  	s10 =	simm.s32 $0x2C00;
	[sflag:s26] =	ssyncadd.s32 $0xFFFFC000  }
0xed: {  	[spmem:s3] =	stream.indirect.scatter.add.f32 [tilespmem:s22], [sflag:$0x6], $0x10, s10, s31, $0xb8;
	[tilespmem:$0x19F10] =	vst v63  }
0xee: {  	_ =	swait.ge [sflag:s30], $0x4000  }
0xef: {  	[sflag:s30] =	ssyncset.done $0x0  }
0xf0: {  	s11 =	simm.s32 $0x1000;
	[sflag:s30] =	ssyncadd.s32 $0xFFFFC000  }
0xf1: {  	[tilespmem:s21], [sflag:$0x1] =	stream.indirect.gather [spmem:s4], $0x10, s11, s31, $0xb8;
	[tilespmem:$0x19F10] =	vst v63  }
0xf2: {  	_ =	swait.ge [sflag:s28], $0x4000  }
0xf3: {  	[sflag:s28] =	ssyncset.done $0x0  }
0xf4: {  	s10 =	simm.s32 $0x3000;
	[sflag:s28] =	ssyncadd.s32 $0xFFFFC000  }
0xf5: {  	[spmem:s3] =	stream.indirect.scatter.add.f32 [tilespmem:s0], [sflag:$0x7], $0x10, s10, s31, $0xb8;
	[tilespmem:$0x19F10] =	vst v63  }
0xf6: {  	_ =	swait.ge [sflag:s24], $0x4000  }
0xf7: {  	[sflag:s24] =	ssyncset.done $0x0  }
0xf8: {  	s11 =	simm.s32 $0x1400;
	[sflag:s24] =	ssyncadd.s32 $0xFFFFC000  }
0xf9: {  	[tilespmem:s22], [sflag:$0x2] =	stream.indirect.gather [spmem:s4], $0x10, s11, s31, $0xb8;
	[tilespmem:$0x19F10] =	vst v63  }
0xfa: {  	_ =	swait.ge [sflag:s29], $0x4000  }
0xfb: {  	[sflag:s29] =	ssyncset.done $0x0  }
0xfc: {  	s10 =	simm.s32 $0x3400;
	[sflag:s29] =	ssyncadd.s32 $0xFFFFC000  }
0xfd: {  	[spmem:s3] =	stream.indirect.scatter.add.f32 [tilespmem:s23], [sflag:$0x8], $0x10, s10, s31, $0xb8;
	[tilespmem:$0x19F10] =	vst v63  }
0xfe: {  	_ =	swait.ge [sflag:s1], $0x4000  }
0xff: {  	[sflag:s1] =	ssyncset.done $0x0  }
0x100: {  	s11 =	simm.s32 $0x1800;
	[sflag:s1] =	ssyncadd.s32 $0xFFFFC000  }
0x101: {  	[tilespmem:s0], [sflag:$0x3] =	stream.indirect.gather [spmem:s4], $0x10, s11, s31, $0xb8;
	[tilespmem:$0x19F10] =	vst v63  }
0x102: {  	_ =	swait.ge [sflag:s25], $0x4000  }
0x103: {  	[sflag:s25] =	ssyncset.done $0x0  }
0x104: {  	s10 =	simm.s32 $0x3800;
	[sflag:s25] =	ssyncadd.s32 $0xFFFFC000  }
0x105: {  	[spmem:s3] =	stream.indirect.scatter.add.f32 [tilespmem:s21], [sflag:$0x5], $0x10, s10, s31, $0xb8;
	[tilespmem:$0x19F10] =	vst v63  }
0x106: {  	_ =	swait.ge [sflag:s2], $0x4000  }
0x107: {  	[sflag:s2] =	ssyncset.done $0x0  }
0x108: {  	s11 =	simm.s32 $0x1C00;
	[sflag:s2] =	ssyncadd.s32 $0xFFFFC000  }
0x109: {  	[tilespmem:s23], [sflag:$0x4] =	stream.indirect.gather [spmem:s4], $0x10, s11, s31, $0xb8;
	[tilespmem:$0x19F10] =	vst v63  }
0x10a: {  	_ =	swait.ge [sflag:s26], $0x4000  }
0x10b: {  	[sflag:s26] =	ssyncset.done $0x0  }
0x10c: {  	s10 =	simm.s32 $0x3C00;
	[sflag:s26] =	ssyncadd.s32 $0xFFFFC000  }
0x10d: {  	[spmem:s3] =	stream.indirect.scatter.add.f32 [tilespmem:s22], [sflag:$0x6], $0x10, s10, s31, $0xb8;
	[tilespmem:$0x19F10] =	vst v63  }
0x10e: {  	_ =	swait.ge [sflag:s30], $0x4000  }
0x10f: {  	[sflag:s30] =	ssyncset.done $0x0  }
0x110: {  	s11 =	simm.s32 $0x2000;
	[sflag:s30] =	ssyncadd.s32 $0xFFFFC000  }
0x111: {  	[tilespmem:s21], [sflag:$0x1] =	stream.indirect.gather [spmem:s4], $0x10, s11, s31, $0xb8;
	[tilespmem:$0x19F10] =	vst v63  }
0x112: {  	_ =	swait.ge [sflag:s28], $0x4000  }
0x113: {  	[sflag:s28] =	ssyncset.done $0x0  }
0x114: {  	s10 =	simm.s32 $0x4000;
	[sflag:s28] =	ssyncadd.s32 $0xFFFFC000  }
0x115: {  	[spmem:s3] =	stream.indirect.scatter.add.f32 [tilespmem:s0], [sflag:$0x7], $0x10, s10, s31, $0xb8;
	[tilespmem:$0x19F10] =	vst v63  }
0x116: {  	_ =	swait.ge [sflag:s24], $0x4000  }
0x117: {  	[sflag:s24] =	ssyncset.done $0x0  }
0x118: {  	s11 =	simm.s32 $0x2400;
	[sflag:s24] =	ssyncadd.s32 $0xFFFFC000  }
0x119: {  	[tilespmem:s22], [sflag:$0x2] =	stream.indirect.gather [spmem:s4], $0x10, s11, s31, $0xb8;
	[tilespmem:$0x19F10] =	vst v63  }
0x11a: {  	_ =	swait.ge [sflag:s29], $0x4000  }
0x11b: {  	[sflag:s29] =	ssyncset.done $0x0  }
0x11c: {  	s10 =	simm.s32 $0x4400;
	[sflag:s29] =	ssyncadd.s32 $0xFFFFC000  }
0x11d: {  	[spmem:s3] =	stream.indirect.scatter.add.f32 [tilespmem:s23], [sflag:$0x8], $0x10, s10, s31, $0xb8;
	[tilespmem:$0x19F10] =	vst v63  }
0x11e: {  	_ =	swait.ge [sflag:s25], $0x4000  }
0x11f: {  	[sflag:s25] =	ssyncset.done $0x0  }
0x120: {  	s11 =	simm.s32 $0x4800;
	[sflag:s25] =	ssyncadd.s32 $0xFFFFC000  }
0x121: {  	[spmem:s3] =	stream.indirect.scatter.add.f32 [tilespmem:s21], [sflag:$0x5], $0x10, s11, s31, $0xb8;
	[tilespmem:$0x19F10] =	vst v63  }
0x122: {  	_ =	swait.ge [sflag:s26], $0x4000  }
0x123: {  	[sflag:s26] =	ssyncset.done $0x0  }
0x124: {  	s10 =	simm.s32 $0x4C00;
	[sflag:s26] =	ssyncadd.s32 $0xFFFFC000  }
0x125: {  	[spmem:s3] =	stream.indirect.scatter.add.f32 [tilespmem:s22], [sflag:$0x6], $0x10, s10, s31, $0xb8;
	[tilespmem:$0x19F10] =	vst v63  }
0x126: {  	_ =	swait.ge [sflag:s1], $0x4000  }
0x127: {  	[sflag:s1] =	ssyncset.done $0x0  }
0x128: {  	[sflag:s1] =	ssyncadd.s32 $0xFFFFC000  }
0x129: {  	_ =	swait.ge [sflag:s2], $0x4000  }
0x12a: {  	[sflag:s2] =	ssyncset.done $0x0  }
0x12b: {  	[sflag:s2] =	ssyncadd.s32 $0xFFFFC000  }
0x12c: {  	_ =	swait.ge [sflag:s30], $0x4000  }
0x12d: {  	[sflag:s30] =	ssyncset.done $0x0  }
0x12e: {  	[sflag:s30] =	ssyncadd.s32 $0xFFFFC000  }
0x12f: {  	_ =	swait.ge [sflag:s24], $0x4000  }
0x130: {  	s8 =	sadd.s32 $0x1, s8;
	[sflag:s24] =	ssyncset.done $0x0  }
0x131: {  	p1 =	sne.s32 s8, s18;
	[sflag:s24] =	ssyncadd.s32 $0xFFFFC000  }
.Ltmp1:
0x132: {  	s11 =	sor.u32 $0x1C09, s6;
	[bflag:$0x0] =	sbarrier.arrive $0xFFFF;
	(pc) =	sbr.rel @p1 .LBB2_1-.Ltmp1, $4  }
0x133: {  	[hbm:s17], [sflag:s11] =	dma.local [spmem:s19], $0x4F0  }
0x134: {  	_ =	swait.ge [sflag:s7], $0x4F0  }
0x135: {  	[sflag:s7] =	ssyncset.done $0x0  }
0x136: {  	[sflag:s7] =	ssyncadd.s32 $0xFFFFFB10  }
0x137: {  	_ =	sfence.sel $0x180000  }
0x138: {  	[bflag:$0x0] =	sbarrier.arrive $0xFFFF  }
0x139: {  	_ =	strace $0x9000004D  }
0x13a: {  	s0 =	stileid.u32;
	[bflag:$0x2] =	sbarrier.arrive $0xFFFF  }
0x13b: {  	p0 =	sne.s32 s0, $0x0;
	s0 =	rddreg [dreg:$0x5]  }
0x13c: {  	s0 =	sadd.s32 @!p0 $0x100000, s0  }
0x13d: {  	[sflag:s0] =	ssyncadd.tile.s32 @!p0 $0x1;
	_ =	shalt  }
.Lfunc_end2:
_tile_overlayer_lowered:
.L_overlay_start_2:
0x13e: {  	(tag) =	ssettag $0x2  }
0x13f: {  	s0 =	rddreg [dreg:$0x0];
	s2 =	stileid.u32  }
0x140: {  	s1 =	rddreg [dreg:$0x1];
	p0 =	sne.s32 s2, $0x0  }
0x141: {  	s3 =	rddreg [dreg:$0x2];
	[bflag:$0x3] =	sbarrier.arrive $0xFFFF;
	s2 =	simm.s32 @!p0 $0x1C09  }
0x142: {  	[timem:s3], [sflag:s2] =	dma.local @!p0 [hbm:s0], s1  }
0x143: {  	s0 =	simm.s32 @!p0 $0x9  }
0x144: {  	_ =	swait.ge @!p0 [sflag:s0], s1  }
0x145: {  	s1 =	ssub.s32 @!p0 $0x0, s1;
	[sflag:s0] =	ssyncset.done @!p0 $0x0  }
0x146: {  	[sflag:s0] =	ssyncadd.s32 @!p0 s1  }
0x147: {  	[bflag:$0x3] =	sbarrier.arrive $0xFFFF  }
0x148: {  	_ =	shalt  }

// kernel: kernel.7.cloned.1.call-start
scs
__scs_entry_jumppad:
0x0: {  	(pc) =	sbr.rel $0x88, $3  }
0x1: {  	(tag) =	ssettag $0x0;
	lr =	simm.s32 $0x1  }
0x2: {  	[smem:$0x3F9B] =	sst lr;
	_ =	strace $0xD0000000  }
0x3: {  	_ = 	snop  }
0x4: {  	_ = 	snop  }
0x5: {  	_ = 	snop  }
0x6: {  	_ = 	snop  }
0x7: {  	_ = 	snop  }
__scs_overlays_trampoline_lowered:
0x8: {  	[smem:$0x3FAA] =	sst s0  }
0x9: {  	[smem:$0x3FAB] =	sst s1  }
0xa: {  	[smem:$0x3FAC] =	sst s2  }
0xb: {  	[smem:$0x3FAD] =	sst s3  }
0xc: {  	[smem:$0x3FAE] =	sst s4  }
0xd: {  	[smem:$0x3FAF] =	sst s5  }
0xe: {  	[smem:$0x3FB0] =	sst s6  }
0xf: {  	[smem:$0x3FB1] =	sst s7  }
0x10: {  	[smem:$0x3FB2] =	sst s8  }
0x11: {  	[smem:$0x3FB3] =	sst s9;
	s0 =	simm.s32 @!p0 $0x0  }
0x12: {  	s1 =	sld [smem:$0x3F99];
	s0 =	simm.s32 @p0 $0x1  }
0x13: {  	[smem:$0x3FB4] =	sst s0;
	s0 =	simm.s32 @!p1 $0x0  }
0x14: {  	s2 =	sld [smem:$0x3F98];
	s0 =	simm.s32 @p1 $0x1  }
0x15: {  	[smem:$0x3FB5] =	sst s0;
	s0 =	simm.s32 @!p2 $0x0  }
0x16: {  	s3 =	sld [smem:$0x3FDB];
	s0 =	simm.s32 @p2 $0x1  }
0x17: {  	s4 =	simm.s32 $0x1BF5;
	[smem:$0x3FB7] =	sst s0  }
0x18: {  	s0 =	sld [smem:$0x3F9A];
	_ =	swait.ge [sflag:s4], $0x0  }
0x19: {  	s7 =	sld [smem:$0x3F9B]  }
0x1a: {  	s8 =	sadd.s32 $0xFFFFE003, lr  }
0x1b: {  	s9 =	sadd.s32 $0xFFFFFEF7, lr;
	s5 =	simm.s32 $0xFFFFFFFF;
	p2 =	slt.u32 s8, $0xFFFFF086  }
0x1c: {  	p1 =	slt.u32 s9, $0xF7A;
	s5 =	simm.s32 @!p2 $0x0  }
0x1d: {  	s5 =	simm.s32 @p1 $0x1;
	p0 =	seq.s32 s7, s2  }
0x1e: {  	s7 =	smul.u32 @!p0 $0xF7A, s2;
	p2 =	seq.s32 @!p0 s5, $0x0  }
0x1f: {  	s9 =	smul.u32 $0xF7A, s1;
	s8 =	simm.s32 @!p0 $0x1BF5;
	p2 =	por !p2, p0  }
0x20: {  	[sflag:s8] =	ssyncset.s32 @!p0 $0xFFFFF086;
	s6 =	sadd.s32 @!p0 s3, s7;
	s7 =	simm.s32 @!p0 $0x108  }
0x21: {  	s3 =	sadd.s32 s3, s9;
	s6 =	sadd.s32 @!p0 $0x88, s6;
	s7 =	simm.s32 @p2 $0x1082  }
0x22: {  	[simem:s7], [sflag:s8] =	dma.local @!p0 [hbm:s6], $0xF7A  }
0x23: {  	s9 =	sor.u32 $0xD0000000, s2;
	s6 =	simm.s32 $0x108;
	_ =	swait.ge @!p0 [sflag:s8], $0x0  }
0x24: {  	s3 =	sadd.s32 $0x88, s3;
	s6 =	simm.s32 @!p1 $0x1082;
	[sflag:s4] =	ssyncset.s32 $0xFFFFF086  }
0x25: {  	[simem:s6], [sflag:s4] =	dma.local [hbm:s3], $0xF7A  }
0x26: {  	[smem:$0x3F9B] =	sst s1;
	(tag) =	ssettag s2;
	_ =	strace s9  }
0x27: {  	s1 =	sld [smem:$0x3FAB]  }
0x28: {  	s2 =	sld [smem:$0x3FAC]  }
0x29: {  	s4 =	sld [smem:$0x3FAE]  }
0x2a: {  	p0 =	seq.s32 s5, $0x0;
	s5 =	sld [smem:$0x3FAF]  }
0x2b: {  	s6 =	sld [smem:$0x3FB0]  }
0x2c: {  	s7 =	sld [smem:$0x3FB1]  }
0x2d: {  	s3 =	simm.s32 $0x108;
	s8 =	sld [smem:$0x3FB2]  }
0x2e: {  	s3 =	simm.s32 @!p0 $0x1082;
	s9 =	sld [smem:$0x3FB3]  }
0x2f: {  	lr =	sadd.s32 s0, s3;
	s0 =	sld [smem:$0x3FAA]  }
0x30: {  	s3 =	sld [smem:$0x3FAD]  }
0x31: {  	[smem:$0x3FB6] =	sst s10  }
0x32: {  	s10 =	sld [smem:$0x3FB4];
	_ =	sdelay $0x3  }
0x33: {  	p0 =	seq.s32 s10, $0x1;
	s10 =	sld [smem:$0x3FB6];
	_ =	sdelay $0x3  }
0x34: {  	[smem:$0x3FB6] =	sst s10  }
0x35: {  	s10 =	sld [smem:$0x3FB5];
	_ =	sdelay $0x3  }
0x36: {  	p1 =	seq.s32 s10, $0x1;
	s10 =	sld [smem:$0x3FB6];
	_ =	sdelay $0x3  }
0x37: {  	[smem:$0x3FB6] =	sst s10  }
0x38: {  	s10 =	sld [smem:$0x3FB7]  }
0x39: {  	_ = 	snop;
	(pc) =	sbr.ind lr, $3  }
0x3a: {  	_ = 	snop  }
0x3b: {  	_ = 	snop  }
0x3c: {  	p2 =	seq.s32 s10, $0x1;
	s10 =	sld [smem:$0x3FB6]  }
0x3d: {  	_ =	shalt  }
0x3e: {  	_ =	shalt  }
0x3f: {  	_ =	shalt  }
0x40: {  	_ =	shalt  }
0x41: {  	_ =	shalt  }
0x42: {  	_ =	shalt  }
0x43: {  	_ =	shalt  }
0x44: {  	_ =	shalt  }
0x45: {  	_ =	shalt  }
0x46: {  	_ =	shalt  }
0x47: {  	_ =	shalt  }
0x48: {  	_ =	shalt  }
0x49: {  	_ =	shalt  }
0x4a: {  	_ =	shalt  }
0x4b: {  	_ =	shalt  }
0x4c: {  	_ =	shalt  }
0x4d: {  	_ =	shalt  }
0x4e: {  	_ =	shalt  }
0x4f: {  	_ =	shalt  }
0x50: {  	_ =	shalt  }
0x51: {  	_ =	shalt  }
0x52: {  	_ =	shalt  }
0x53: {  	_ =	shalt  }
0x54: {  	_ =	shalt  }
0x55: {  	_ =	shalt  }
0x56: {  	_ =	shalt  }
0x57: {  	_ =	shalt  }
0x58: {  	_ =	shalt  }
0x59: {  	_ =	shalt  }
0x5a: {  	_ =	shalt  }
0x5b: {  	_ =	shalt  }
0x5c: {  	_ =	shalt  }
0x5d: {  	_ =	shalt  }
0x5e: {  	_ =	shalt  }
0x5f: {  	_ =	shalt  }
0x60: {  	_ =	shalt  }
0x61: {  	_ =	shalt  }
0x62: {  	_ =	shalt  }
0x63: {  	_ =	shalt  }
0x64: {  	_ =	shalt  }
0x65: {  	_ =	shalt  }
0x66: {  	_ =	shalt  }
0x67: {  	_ =	shalt  }
0x68: {  	_ =	shalt  }
0x69: {  	_ =	shalt  }
0x6a: {  	_ =	shalt  }
0x6b: {  	_ =	shalt  }
0x6c: {  	_ =	shalt  }
0x6d: {  	_ =	shalt  }
0x6e: {  	_ =	shalt  }
0x6f: {  	_ =	shalt  }
0x70: {  	_ =	shalt  }
0x71: {  	_ =	shalt  }
0x72: {  	_ =	shalt  }
0x73: {  	_ =	shalt  }
0x74: {  	_ =	shalt  }
0x75: {  	_ =	shalt  }
0x76: {  	_ =	shalt  }
0x77: {  	_ =	shalt  }
0x78: {  	_ =	shalt  }
0x79: {  	_ =	shalt  }
0x7a: {  	_ =	shalt  }
0x7b: {  	_ =	shalt  }
0x7c: {  	_ =	shalt  }
0x7d: {  	_ =	shalt  }
0x7e: {  	_ =	shalt  }
0x7f: {  	_ =	shalt  }
0x80: {  	_ =	shalt  }
0x81: {  	_ =	shalt  }
0x82: {  	_ =	shalt  }
0x83: {  	_ =	shalt  }
0x84: {  	_ =	shalt  }
0x85: {  	_ =	shalt  }
0x86: {  	_ =	shalt  }
0x87: {  	_ =	shalt  }
.Lfunc_end0:
.L_simem_size_0:
called_computation_lowered:
.L_overlay_start_0:
0x88: {  	s2 =	sld [smem:$0x3FD9]  }
0x89: {  	s3 =	sld [smem:$0x3FFE];
	_ =	sdelay $0x1  }
0x8a: {  	s1 =	srdreg.scid  }
0x8b: {  	s0 =	sand.u32 $0x1, s1  }
0x8c: {  	s17 =	sshll.u32 s0, $0xA;
	s2 =	sadd.s32 s3, s2  }
0x8d: {  	s2 =	sadd.s32 s2, s17  }
0x8e: {  	[smem:$0x3FC2] =	sst s2  }
0x8f: {  	_ = 	snop  }
0x90: {  	s2 =	sld [smem:$0x3FD0];
	(tm) =	ssettm $0x1  }
0x91: {  	s18 =	sld [smem:$0x3FFB];
	_ =	sdelay $0x3  }
0x92: {  	_ =	strace s18  }
0x93: {  	s3 =	sld [smem:$0x3FFC];
	_ =	sdelay $0x3  }
0x94: {  	_ =	strace s3  }
0x95: {  	s3 =	sld [smem:$0x3FFD];
	_ =	sdelay $0x3  }
0x96: {  	_ =	strace s3  }
0x97: {  	_ =	strace $0x8FFFFFFF  }
0x98: {  	s19 =	sld [smem:$0x3FDB];
	_ =	sdelay $0x1  }
0x99: {  	s4 =	simm.s32 $_scs_section_size  }
0x9a: {  	s5 =	simm.s32 $_size__tile_overlayer_lowered;
	s6 =	simm.s32 $_tile_overlayer_lowered  }
0x9b: {  	s22 =	simm.s32 $0x1BFF;
	s21 =	sshll.u32 s6, $0x1;
	s3 =	sadd.s32 s4, s19  }
0x9c: {  	s7 =	simm.s32 $0x0;
	s20 =	sshll.u32 s5, $0x1;
	s5 =	sadd.s32 s21, s3  }
0x9d: {  	[timem:s7], [sflag:s22] =	dma.local [hbm:s5], s20  }
0x9e: {  	_ =	swait.ge [sflag:s22], s20  }
0x9f: {  	s4 =	ssub.s32 $0x0, s20;
	[sflag:s22] =	ssyncset.done $0x0  }
0xa0: {  	[sflag:s22] =	ssyncadd.s32 s4;
	_ =	sdelay $0x1  }
0xa1: {  	s23 =	simm.s32 $0x1B8B  }
0xa2: {  	_ =	swait.ge [sflag:s23], $0x1  }
0xa3: {  	[sflag:s23] =	ssyncset.done $0x0  }
0xa4: {  	s25 =	simm.s32 $0x1B8E;
	s24 =	sld [smem:$0x3FFE];
	[sflag:s23] =	ssyncadd.s32 $0xFFFFFFFF  }
0xa5: {  	s26 =	simm.s32 $execute0_lowered;
	[smem:$0x3FD2] =	sst s25  }
0xa6: {  	s5 =	sshll.u32 s26, $0x1;
	_ =	strace $0x80000046;
	[dreg:$0x1] =	wrdreg $0xFFFFFFFF  }
0xa7: {  	s28 =	simm.s32 $_size_execute0_lowered;
	s3 =	sadd.s32 s3, s5;
	[dreg:$0x0] =	wrdreg $0x0  }
0xa8: {  	s5 =	sshll.u32 s28, $0x1;
	[dreg:$0x2] =	wrdreg s3  }
0xa9: {  	[dreg:$0x3] =	wrdreg s5  }
0xaa: {  	[dreg:$0x4] =	wrdreg $0xC0  }
0xab: {  	_ =	task [dreg:s7], $0x5FFFF  }
0xac: {  	[dreg:$0x1] =	wrdreg $0xFFFFFFFF  }
0xad: {  	[dreg:$0x0] =	wrdreg $0x60  }
0xae: {  	[dreg:$0x2] =	wrdreg s2  }
0xaf: {  	[dreg:$0x3] =	wrdreg s24  }
0xb0: {  	[dreg:$0x4] =	wrdreg $0x150000  }
0xb1: {  	[dreg:$0x5] =	wrdreg $0x9  }
0xb2: {  	_ =	task.clear_ibuf [dreg:s7], $0x6FFFF;
	_ =	strace $0x90000046  }
0xb3: {  	s29 =	simm.s32 $0x9;
	_ =	strace $0x80000048  }
0xb4: {  	_ =	swait.ge [sflag:s29], $0x1  }
0xb5: {  	[sflag:s29] =	ssyncadd.s32 $0xFFFFFFFF  }
0xb6: {  	_ =	strace $0x90000048  }
0xb7: {  	_ =	sfence  }
0xb8: {  	s30 =	sld [smem:$0x0];
	_ =	sdelay $0x2  }
0xb9: {  	s31 =	sshll.u32 s1, $0xD;
	s1 =	sshrl.u32 s1, $0x2  }
0xba: {  	s3 =	sand.u32 $0x4000, s31;
	s1 =	sadd.s32 s1, s30  }
0xbb: {  	s0 =	sor.u32 s3, s0;
	s1 =	sshll.u32 s1, $0x11  }
0xbc: {  	s0 =	sor.u32 s1, s0  }
0xbd: {  	s0 =	sadd.s32 $0x8F2B, s0  }
0xbe: {  	[sflag:s0] =	ssyncadd.remote.s32 $0x1  }
0xbf: {  	_ =	sfence.sel $0xFFFF  }
0xc0: {  	[dreg:$0x0] =	wrdreg $0xFFFFFFFF;
	(pc) =	sbr.abs _section_cstart, $3  }
0xc1: {  	[dreg:$0x1] =	wrdreg $0xFFFFFFFF  }
0xc2: {  	_ =	task.clear_ibuf [dreg:s7], $0x2FFFF;
	_ =	strace $0x9FFFFFFF  }
0xc3: {  	(tm) =	ssettm $0x7FFFFFFF  }
tec
execute0_lowered:
.L_overlay_start_1:
0x0: {  	(tag) =	ssettag $0x1  }
0x1: {  	s4 =	rddreg [dreg:$0x0]  }
0x2: {  	s0 =	srdreg.scid;
	s3 =	rddreg [dreg:$0x1]  }
0x3: {  	s31 =	stileid.u32;
	s2 =	rddreg [dreg:$0x2]  }
0x4: {  	s13 =	simm.s32 $0x0;
	s16 =	simm.s32 $0x2800;
	s30 =	simm.s32 $0x1  }
0x5: {  	s28 =	simm.s32 $0x2;
	s10 =	simm.s32 $0x400;
	s21 =	simm.s32 $0x2C00  }
0x6: {  	s22 =	simm.s32 $0x3000;
	s23 =	simm.s32 $0x3400;
	s20 =	simm.s32 $0x3800  }
0x7: {  	s19 =	simm.s32 $0x3C00;
	s11 =	simm.s32 $0x7;
	s17 =	simm.s32 $0x4000  }
0x8: {  	p0 =	por $0x0, $0x0;
	s12 =	simm.s32 $0x8;
	s18 =	simm.s32 $0x4400  }
0x9: {  	s15 =	simm.s32 $0x4800;
	s14 =	simm.s32 $0x4C00;
	s0 =	sand.u32 $0x1, s0  }
0xa: {  	s1 =	sshll.u32 s31, $0x1;
	s5 =	smul.u32 $0x2780, s31;
	[smem:$0x7FF] =	sst s13  }
0xb: {  	s8 =	sadd.s32 $0x10E00, s3;
	s1 =	sor.u32 s0, s1;
	s6 =	smul.u32 $0x27800, s0  }
0xc: {  	_ =	strace $0x80000047;
	[dreg:$0x4] =	wrdreg s8;
	s0 =	ssub.s32 $0x2, s0  }
0xd: {  	s1 =	smul.u32 $0x500, s1;
	s9 =	sshrl.u32 s5, $0x3;
	s25 =	sshrl.u32 s0, $0x1  }
0xe: {  	s6 =	sadd.s32 s5, s6;
	s24 =	sadd.s32 s9, s3;
	s0 =	ssub.s32 s0, s25  }
0xf: {  	s5 =	sadd.s32 s5, s2;
	s25 =	simm.s32 $0x3;
	s9 =	simm.s32 $0x9  }
0x10: {  	s7 =	sadd.s32 s1, s3;
	s6 =	sshrl.u32 s6, $0x3;
	s0 =	smax.u32 s0, $0x1  }
0x11: {  	s8 =	sadd.s32 $0xBE00, s24;
	s29 =	sadd.s32 s4, s1;
	p1 =	sne.s32 s0, $0x1  }
.Ltmp0:
0x12: {  	s5 =	sshrl.u32 s5, $0x3;
	s24 =	simm.s32 $0x4;
	(pc) =	sbr.rel @!p1 .LBB2_5-.Ltmp0, $4  }
0x13: {  	s6 =	sadd.s32 s6, s3;
	s3 =	sshll.u32 s31, $0x6;
	[dreg:$0x5] =	wrdreg s8  }
0x14: {  	s8 =	simm.s32 $0x5;
	s1 =	sadd.s32 $0xFFFFFFFF, s0;
	s26 =	sor.u32 $0x1C01, s3  }
0x15: {  	s4 =	sadd.s32 $0x15E00, s6;
	s6 =	simm.s32 $0x6;
	s0 =	rddreg [dreg:$0x5]  }
0x16: {  	[dreg:$0x6] =	wrdreg s26;
	s26 =	sadd.s32 $0x1E00, s7;
	s7 =	simm.s32 $0x5000  }
0x17: {  	s31 =	rddreg [dreg:$0x6]  }
0x18: {  	[spmem:s5], [sflag:s31] =	dma.local [hbm:s0], $0x4F0  }
0x19: {  	[tilespmem:s13], [sflag:$0x2] =	stream.linear.gather [hbm4b:s29+s13], $0x2800, $0x38;
	[tilespmem:$0x17780] =	vst v63  }
0x1a: {  	_ = 	snop  }
0x1b: {  	[tilespmem:s16], [sflag:$0x3] =	stream.linear.gather [hbm4b:s26+s13], $0x2800, $0x38;
	[tilespmem:$0x17780] =	vst v63  }
0x1c: {  	s0 =	rddreg [dreg:$0x4]  }
0x1d: {  	[tilespmem:s7], [sflag:$0x4] =	stream.linear.gather [hbm4b:s0+s13], $0x4000, $0x38;
	[tilespmem:$0x17780] =	vst v63  }
0x1e: {  	_ =	swait.ge [sflag:s30], $0x4F0  }
0x1f: {  	[sflag:s30] =	ssyncset.done $0x0  }
0x20: {  	[sflag:s30] =	ssyncadd.s32 $0xFFFFFB10  }
0x21: {  	_ =	swait.ge [sflag:s28], $0x2800  }
0x22: {  	[sflag:s28] =	ssyncset.done $0x0  }
0x23: {  	[sflag:s28] =	ssyncadd.s32 $0xFFFFD800  }
0x24: {  	_ =	swait.ge [sflag:s25], $0x2800  }
0x25: {  	[sflag:s25] =	ssyncset.done $0x0  }
0x26: {  	[sflag:s25] =	ssyncadd.s32 $0xFFFFD800  }
0x27: {  	_ =	swait.ge [sflag:s24], $0x4000  }
0x28: {  	[sflag:s24] =	ssyncset.done $0x0  }
0x29: {  	[sflag:s24] =	ssyncadd.s32 $0xFFFFC000  }
0x2a: {  	[bflag:$0x0] =	sbarrier.arrive $0xFFFF  }
0x2b: {  	[spmem:s2] =	stream.indirect.scatter.add.f32 [tilespmem:s7], [sflag:$0x5], $0x10, s16, s10, $0xb8;
	[tilespmem:$0x17780] =	vst v63  }
0x2c: {  	_ = 	snop  }
0x2d: {  	[spmem:s2] =	stream.indirect.scatter.add.f32 [tilespmem:s7], [sflag:$0x6], $0x10, s21, s10, $0xb8;
	[tilespmem:$0x17780] =	vst v63  }
0x2e: {  	_ = 	snop  }
0x2f: {  	[spmem:s2] =	stream.indirect.scatter.add.f32 [tilespmem:s7], [sflag:$0x7], $0x10, s22, s10, $0xb8;
	[tilespmem:$0x17780] =	vst v63  }
0x30: {  	_ = 	snop  }
0x31: {  	[spmem:s2] =	stream.indirect.scatter.add.f32 [tilespmem:s7], [sflag:$0x8], $0x10, s23, s10, $0xb8;
	[tilespmem:$0x17780] =	vst v63  }
0x32: {  	_ =	swait.ge [sflag:s8], $0x4000  }
0x33: {  	[sflag:s8] =	ssyncset.done $0x0  }
0x34: {  	[sflag:s8] =	ssyncadd.s32 $0xFFFFC000  }
0x35: {  	[spmem:s2] =	stream.indirect.scatter.add.f32 [tilespmem:s7], [sflag:$0x5], $0x10, s20, s10, $0xb8;
	[tilespmem:$0x17780] =	vst v63  }
0x36: {  	_ =	swait.ge [sflag:s6], $0x4000  }
0x37: {  	[sflag:s6] =	ssyncset.done $0x0  }
0x38: {  	[sflag:s6] =	ssyncadd.s32 $0xFFFFC000  }
0x39: {  	[spmem:s2] =	stream.indirect.scatter.add.f32 [tilespmem:s7], [sflag:$0x6], $0x10, s19, s10, $0xb8;
	[tilespmem:$0x17780] =	vst v63  }
0x3a: {  	_ =	swait.ge [sflag:s11], $0x4000  }
0x3b: {  	[sflag:s11] =	ssyncset.done $0x0  }
0x3c: {  	[sflag:s11] =	ssyncadd.s32 $0xFFFFC000  }
0x3d: {  	[spmem:s2] =	stream.indirect.scatter.add.f32 [tilespmem:s7], [sflag:$0x7], $0x10, s17, s10, $0xb8;
	[tilespmem:$0x17780] =	vst v63  }
0x3e: {  	_ =	swait.ge [sflag:s12], $0x4000  }
0x3f: {  	[sflag:s12] =	ssyncset.done $0x0  }
0x40: {  	[sflag:s12] =	ssyncadd.s32 $0xFFFFC000  }
0x41: {  	[spmem:s2] =	stream.indirect.scatter.add.f32 [tilespmem:s7], [sflag:$0x8], $0x10, s18, s10, $0xb8;
	[tilespmem:$0x17780] =	vst v63  }
0x42: {  	_ =	swait.ge [sflag:s8], $0x4000  }
0x43: {  	[sflag:s8] =	ssyncset.done $0x0  }
0x44: {  	[sflag:s8] =	ssyncadd.s32 $0xFFFFC000  }
0x45: {  	[spmem:s2] =	stream.indirect.scatter.add.f32 [tilespmem:s7], [sflag:$0x5], $0x10, s15, s10, $0xb8;
	[tilespmem:$0x17780] =	vst v63  }
0x46: {  	_ =	swait.ge [sflag:s6], $0x4000  }
0x47: {  	[sflag:s6] =	ssyncset.done $0x0  }
0x48: {  	[sflag:s6] =	ssyncadd.s32 $0xFFFFC000  }
0x49: {  	[spmem:s2] =	stream.indirect.scatter.add.f32 [tilespmem:s7], [sflag:$0x6], $0x10, s14, s10, $0xb8;
	[tilespmem:$0x17780] =	vst v63  }
0x4a: {  	_ =	swait.ge [sflag:s11], $0x4000  }
0x4b: {  	[sflag:s11] =	ssyncset.done $0x0  }
0x4c: {  	[sflag:s11] =	ssyncadd.s32 $0xFFFFC000  }
0x4d: {  	_ =	swait.ge [sflag:s12], $0x4000  }
0x4e: {  	[sflag:s12] =	ssyncset.done $0x0  }
0x4f: {  	[sflag:s12] =	ssyncadd.s32 $0xFFFFC000  }
0x50: {  	_ =	swait.ge [sflag:s8], $0x4000  }
0x51: {  	[sflag:s8] =	ssyncset.done $0x0  }
0x52: {  	[sflag:s8] =	ssyncadd.s32 $0xFFFFC000  }
0x53: {  	_ =	swait.ge [sflag:s6], $0x4000  }
0x54: {  	[sflag:s6] =	ssyncset.done $0x0  }
0x55: {  	p1 =	sne.s32 s1, $0x1;
	[sflag:s6] =	ssyncadd.s32 $0xFFFFC000  }
.Ltmp1:
0x56: {  	[bflag:$0x0] =	sbarrier.arrive $0xFFFF;
	(pc) =	sbr.rel @!p1 .LBB2_2-.Ltmp1, $4  }
0x57: {  	s31 =	sor.u32 $0x1C09, s3;
	[dreg:$0x7] =	wrdreg s3  }
0x58: {  	[hbm:s4], [sflag:s31] =	dma.local [spmem:s5], $0x4F0  }
0x59: {  	s1 =	sadd.s32 $0xFFFFFFFF, s1;
	_ =	swait.ge [sflag:s9], $0x4F0  }
0x5a: {  	p0 =	por $0x1, $0x1;
	s0 =	rddreg [dreg:$0x5];
	[sflag:s9] =	ssyncset.done $0x0  }
.LBB2_3:
0x5b: {  	s3 =	rddreg [dreg:$0x6];
	[sflag:s9] =	ssyncadd.s32 $0xFFFFFB10  }
0x5c: {  	[spmem:s5], [sflag:s3] =	dma.local [hbm:s0], $0x4F0  }
0x5d: {  	[tilespmem:s13], [sflag:$0x2] =	stream.linear.gather [hbm4b:s29+s13], $0x2800, $0x38;
	[tilespmem:$0x17780] =	vst v63  }
0x5e: {  	_ = 	snop  }
0x5f: {  	[tilespmem:s16], [sflag:$0x3] =	stream.linear.gather [hbm4b:s26+s13], $0x2800, $0x38;
	[tilespmem:$0x17780] =	vst v63  }
0x60: {  	s0 =	rddreg [dreg:$0x4]  }
0x61: {  	[tilespmem:s7], [sflag:$0x4] =	stream.linear.gather [hbm4b:s0+s13], $0x4000, $0x38;
	[tilespmem:$0x17780] =	vst v63  }
0x62: {  	_ =	swait.ge [sflag:s30], $0x4F0  }
0x63: {  	[sflag:s30] =	ssyncset.done $0x0  }
0x64: {  	[sflag:s30] =	ssyncadd.s32 $0xFFFFFB10  }
0x65: {  	_ =	swait.ge [sflag:s28], $0x2800  }
0x66: {  	[sflag:s28] =	ssyncset.done $0x0  }
0x67: {  	[sflag:s28] =	ssyncadd.s32 $0xFFFFD800  }
0x68: {  	_ =	swait.ge [sflag:s25], $0x2800  }
0x69: {  	[sflag:s25] =	ssyncset.done $0x0  }
0x6a: {  	[sflag:s25] =	ssyncadd.s32 $0xFFFFD800  }
0x6b: {  	_ =	swait.ge [sflag:s24], $0x4000  }
0x6c: {  	[sflag:s24] =	ssyncset.done $0x0  }
0x6d: {  	[sflag:s24] =	ssyncadd.s32 $0xFFFFC000  }
0x6e: {  	[bflag:$0x0] =	sbarrier.arrive $0xFFFF  }
0x6f: {  	[spmem:s2] =	stream.indirect.scatter.add.f32 [tilespmem:s7], [sflag:$0x5], $0x10, s16, s10, $0xb8;
	[tilespmem:$0x17780] =	vst v63  }
0x70: {  	_ = 	snop  }
0x71: {  	[spmem:s2] =	stream.indirect.scatter.add.f32 [tilespmem:s7], [sflag:$0x6], $0x10, s21, s10, $0xb8;
	[tilespmem:$0x17780] =	vst v63  }
0x72: {  	_ = 	snop  }
0x73: {  	[spmem:s2] =	stream.indirect.scatter.add.f32 [tilespmem:s7], [sflag:$0x7], $0x10, s22, s10, $0xb8;
	[tilespmem:$0x17780] =	vst v63  }
0x74: {  	_ = 	snop  }
0x75: {  	[spmem:s2] =	stream.indirect.scatter.add.f32 [tilespmem:s7], [sflag:$0x8], $0x10, s23, s10, $0xb8;
	[tilespmem:$0x17780] =	vst v63  }
0x76: {  	_ =	swait.ge [sflag:s8], $0x4000  }
0x77: {  	[sflag:s8] =	ssyncset.done $0x0  }
0x78: {  	[sflag:s8] =	ssyncadd.s32 $0xFFFFC000  }
0x79: {  	[spmem:s2] =	stream.indirect.scatter.add.f32 [tilespmem:s7], [sflag:$0x5], $0x10, s20, s10, $0xb8;
	[tilespmem:$0x17780] =	vst v63  }
0x7a: {  	_ =	swait.ge [sflag:s6], $0x4000  }
0x7b: {  	[sflag:s6] =	ssyncset.done $0x0  }
0x7c: {  	[sflag:s6] =	ssyncadd.s32 $0xFFFFC000  }
0x7d: {  	[spmem:s2] =	stream.indirect.scatter.add.f32 [tilespmem:s7], [sflag:$0x6], $0x10, s19, s10, $0xb8;
	[tilespmem:$0x17780] =	vst v63  }
0x7e: {  	_ =	swait.ge [sflag:s11], $0x4000  }
0x7f: {  	[sflag:s11] =	ssyncset.done $0x0  }
0x80: {  	[sflag:s11] =	ssyncadd.s32 $0xFFFFC000  }
0x81: {  	[spmem:s2] =	stream.indirect.scatter.add.f32 [tilespmem:s7], [sflag:$0x7], $0x10, s17, s10, $0xb8;
	[tilespmem:$0x17780] =	vst v63  }
0x82: {  	_ =	swait.ge [sflag:s12], $0x4000  }
0x83: {  	[sflag:s12] =	ssyncset.done $0x0  }
0x84: {  	[sflag:s12] =	ssyncadd.s32 $0xFFFFC000  }
0x85: {  	[spmem:s2] =	stream.indirect.scatter.add.f32 [tilespmem:s7], [sflag:$0x8], $0x10, s18, s10, $0xb8;
	[tilespmem:$0x17780] =	vst v63  }
0x86: {  	_ =	swait.ge [sflag:s8], $0x4000  }
0x87: {  	[sflag:s8] =	ssyncset.done $0x0  }
0x88: {  	[sflag:s8] =	ssyncadd.s32 $0xFFFFC000  }
0x89: {  	[spmem:s2] =	stream.indirect.scatter.add.f32 [tilespmem:s7], [sflag:$0x5], $0x10, s15, s10, $0xb8;
	[tilespmem:$0x17780] =	vst v63  }
0x8a: {  	_ =	swait.ge [sflag:s6], $0x4000  }
0x8b: {  	[sflag:s6] =	ssyncset.done $0x0  }
0x8c: {  	[sflag:s6] =	ssyncadd.s32 $0xFFFFC000  }
0x8d: {  	[spmem:s2] =	stream.indirect.scatter.add.f32 [tilespmem:s7], [sflag:$0x6], $0x10, s14, s10, $0xb8;
	[tilespmem:$0x17780] =	vst v63  }
0x8e: {  	_ =	swait.ge [sflag:s11], $0x4000  }
0x8f: {  	[sflag:s11] =	ssyncset.done $0x0  }
0x90: {  	[sflag:s11] =	ssyncadd.s32 $0xFFFFC000  }
0x91: {  	_ =	swait.ge [sflag:s12], $0x4000  }
0x92: {  	[sflag:s12] =	ssyncset.done $0x0  }
0x93: {  	[sflag:s12] =	ssyncadd.s32 $0xFFFFC000  }
0x94: {  	_ =	swait.ge [sflag:s8], $0x4000  }
0x95: {  	[sflag:s8] =	ssyncset.done $0x0  }
0x96: {  	[sflag:s8] =	ssyncadd.s32 $0xFFFFC000  }
0x97: {  	_ =	swait.ge [sflag:s6], $0x4000  }
0x98: {  	p1 =	sne.s32 s1, $0x1;
	[sflag:s6] =	ssyncset.done $0x0  }
.Ltmp2:
0x99: {  	[sflag:s6] =	ssyncadd.s32 $0xFFFFC000;
	(pc) =	sbr.rel @p1 .LBB2_3-.Ltmp2, $4  }
0x9a: {  	[bflag:$0x0] =	sbarrier.arrive $0xFFFF  }
0x9b: {  	[hbm:s4], [sflag:s31] =	dma.local [spmem:s5], $0x4F0  }
0x9c: {  	_ =	swait.ge [sflag:s9], $0x4F0  }
0x9d: {  	s1 =	sadd.s32 $0xFFFFFFFF, s1;
	s0 =	rddreg [dreg:$0x5];
	[sflag:s9] =	ssyncset.done $0x0  }
0x9e: {  	s31 =	stileid.u32;
	s3 =	rddreg [dreg:$0x7]  }
.LBB2_5:
0x9f: {  	s1 =	rddreg [dreg:$0x6];
	[sflag:s9] =	ssyncadd.s32 @p0 $0xFFFFFB10  }
0xa0: {  	[spmem:s5], [sflag:s1] =	dma.local [hbm:s0], $0x4F0  }
0xa1: {  	[tilespmem:s13], [sflag:$0x2] =	stream.linear.gather [hbm4b:s29+s13], $0x2800, $0x38;
	[tilespmem:$0x17780] =	vst v63  }
0xa2: {  	_ = 	snop  }
0xa3: {  	[tilespmem:s16], [sflag:$0x3] =	stream.linear.gather [hbm4b:s26+s13], $0x2800, $0x38;
	[tilespmem:$0x17780] =	vst v63  }
0xa4: {  	s0 =	rddreg [dreg:$0x4]  }
0xa5: {  	[tilespmem:s7], [sflag:$0x4] =	stream.linear.gather [hbm4b:s0+s13], $0x4000, $0x38;
	[tilespmem:$0x17780] =	vst v63  }
0xa6: {  	_ =	swait.ge [sflag:s30], $0x4F0  }
0xa7: {  	[sflag:s30] =	ssyncset.done $0x0  }
0xa8: {  	[sflag:s30] =	ssyncadd.s32 $0xFFFFFB10  }
0xa9: {  	_ =	swait.ge [sflag:s28], $0x2800  }
0xaa: {  	[sflag:s28] =	ssyncset.done $0x0  }
0xab: {  	[sflag:s28] =	ssyncadd.s32 $0xFFFFD800  }
0xac: {  	_ =	swait.ge [sflag:s25], $0x2800  }
0xad: {  	[sflag:s25] =	ssyncset.done $0x0  }
0xae: {  	[sflag:s25] =	ssyncadd.s32 $0xFFFFD800  }
0xaf: {  	_ =	swait.ge [sflag:s24], $0x4000  }
0xb0: {  	[sflag:s24] =	ssyncset.done $0x0  }
0xb1: {  	[sflag:s24] =	ssyncadd.s32 $0xFFFFC000  }
0xb2: {  	[bflag:$0x0] =	sbarrier.arrive $0xFFFF  }
0xb3: {  	[spmem:s2] =	stream.indirect.scatter.add.f32 [tilespmem:s7], [sflag:$0x5], $0x10, s16, s10, $0xb8;
	[tilespmem:$0x17780] =	vst v63  }
0xb4: {  	_ = 	snop  }
0xb5: {  	[spmem:s2] =	stream.indirect.scatter.add.f32 [tilespmem:s7], [sflag:$0x6], $0x10, s21, s10, $0xb8;
	[tilespmem:$0x17780] =	vst v63  }
0xb6: {  	_ = 	snop  }
0xb7: {  	[spmem:s2] =	stream.indirect.scatter.add.f32 [tilespmem:s7], [sflag:$0x7], $0x10, s22, s10, $0xb8;
	[tilespmem:$0x17780] =	vst v63  }
0xb8: {  	_ = 	snop  }
0xb9: {  	[spmem:s2] =	stream.indirect.scatter.add.f32 [tilespmem:s7], [sflag:$0x8], $0x10, s23, s10, $0xb8;
	[tilespmem:$0x17780] =	vst v63  }
0xba: {  	_ =	swait.ge [sflag:s8], $0x4000  }
0xbb: {  	[sflag:s8] =	ssyncset.done $0x0  }
0xbc: {  	[sflag:s8] =	ssyncadd.s32 $0xFFFFC000  }
0xbd: {  	[spmem:s2] =	stream.indirect.scatter.add.f32 [tilespmem:s7], [sflag:$0x5], $0x10, s20, s10, $0xb8;
	[tilespmem:$0x17780] =	vst v63  }
0xbe: {  	_ =	swait.ge [sflag:s6], $0x4000  }
0xbf: {  	[sflag:s6] =	ssyncset.done $0x0  }
0xc0: {  	[sflag:s6] =	ssyncadd.s32 $0xFFFFC000  }
0xc1: {  	[spmem:s2] =	stream.indirect.scatter.add.f32 [tilespmem:s7], [sflag:$0x6], $0x10, s19, s10, $0xb8;
	[tilespmem:$0x17780] =	vst v63  }
0xc2: {  	_ =	swait.ge [sflag:s11], $0x4000  }
0xc3: {  	[sflag:s11] =	ssyncset.done $0x0  }
0xc4: {  	[sflag:s11] =	ssyncadd.s32 $0xFFFFC000  }
0xc5: {  	[spmem:s2] =	stream.indirect.scatter.add.f32 [tilespmem:s7], [sflag:$0x7], $0x10, s17, s10, $0xb8;
	[tilespmem:$0x17780] =	vst v63  }
0xc6: {  	_ =	swait.ge [sflag:s12], $0x4000  }
0xc7: {  	[sflag:s12] =	ssyncset.done $0x0  }
0xc8: {  	[sflag:s12] =	ssyncadd.s32 $0xFFFFC000  }
0xc9: {  	[spmem:s2] =	stream.indirect.scatter.add.f32 [tilespmem:s7], [sflag:$0x8], $0x10, s18, s10, $0xb8;
	[tilespmem:$0x17780] =	vst v63  }
0xca: {  	_ =	swait.ge [sflag:s8], $0x4000  }
0xcb: {  	[sflag:s8] =	ssyncset.done $0x0  }
0xcc: {  	[sflag:s8] =	ssyncadd.s32 $0xFFFFC000  }
0xcd: {  	[spmem:s2] =	stream.indirect.scatter.add.f32 [tilespmem:s7], [sflag:$0x5], $0x10, s15, s10, $0xb8;
	[tilespmem:$0x17780] =	vst v63  }
0xce: {  	_ =	swait.ge [sflag:s6], $0x4000  }
0xcf: {  	[sflag:s6] =	ssyncset.done $0x0  }
0xd0: {  	[sflag:s6] =	ssyncadd.s32 $0xFFFFC000  }
0xd1: {  	[spmem:s2] =	stream.indirect.scatter.add.f32 [tilespmem:s7], [sflag:$0x6], $0x10, s14, s10, $0xb8;
	[tilespmem:$0x17780] =	vst v63  }
0xd2: {  	_ =	swait.ge [sflag:s11], $0x4000  }
0xd3: {  	[sflag:s11] =	ssyncset.done $0x0  }
0xd4: {  	[sflag:s11] =	ssyncadd.s32 $0xFFFFC000  }
0xd5: {  	_ =	swait.ge [sflag:s12], $0x4000  }
0xd6: {  	[sflag:s12] =	ssyncset.done $0x0  }
0xd7: {  	[sflag:s12] =	ssyncadd.s32 $0xFFFFC000  }
0xd8: {  	_ =	swait.ge [sflag:s8], $0x4000  }
0xd9: {  	[sflag:s8] =	ssyncset.done $0x0  }
0xda: {  	[sflag:s8] =	ssyncadd.s32 $0xFFFFC000  }
0xdb: {  	_ =	swait.ge [sflag:s6], $0x4000  }
0xdc: {  	[sflag:s6] =	ssyncset.done $0x0  }
0xdd: {  	[sflag:s6] =	ssyncadd.s32 $0xFFFFC000  }
0xde: {  	s30 =	sor.u32 $0x1C09, s3;
	[bflag:$0x0] =	sbarrier.arrive $0xFFFF  }
0xdf: {  	[hbm:s4], [sflag:s30] =	dma.local [spmem:s5], $0x4F0  }
0xe0: {  	_ =	swait.ge [sflag:s9], $0x4F0  }
0xe1: {  	[sflag:s9] =	ssyncset.done $0x0  }
0xe2: {  	[sflag:s9] =	ssyncadd.s32 $0xFFFFFB10  }
0xe3: {  	_ =	sfence.sel $0x180000  }
0xe4: {  	[bflag:$0x0] =	sbarrier.arrive $0xFFFF  }
0xe5: {  	_ =	strace $0x90000047  }
0xe6: {  	[bflag:$0x2] =	sbarrier.arrive $0xFFFF  }
0xe7: {  	p0 =	sne.s32 s31, $0x0;
	s0 =	rddreg [dreg:$0x3]  }
0xe8: {  	s0 =	sadd.s32 @!p0 $0x100000, s0  }
0xe9: {  	[sflag:s0] =	ssyncadd.tile.s32 @!p0 $0x1;
	_ =	shalt  }
.LBB2_2:
.Ltmp3:
0xea: {  	(pc) =	sbr.rel .LBB2_5-.Ltmp3, $2  }
0xeb: {  	_ =	sdelay $0x2  }
0xec: {  	s31 =	stileid.u32;
	s3 =	rddreg [dreg:$0x7]  }
.Lfunc_end2:
_tile_overlayer_lowered:
.L_overlay_start_2:
0xed: {  	(tag) =	ssettag $0x2  }
0xee: {  	s0 =	rddreg [dreg:$0x0];
	s2 =	stileid.u32  }
0xef: {  	s1 =	rddreg [dreg:$0x1];
	p0 =	sne.s32 s2, $0x0  }
0xf0: {  	s3 =	rddreg [dreg:$0x2];
	[bflag:$0x3] =	sbarrier.arrive $0xFFFF;
	s2 =	simm.s32 @!p0 $0x1C09  }
0xf1: {  	[timem:s3], [sflag:s2] =	dma.local @!p0 [hbm:s0], s1  }
0xf2: {  	s0 =	simm.s32 @!p0 $0x9  }
0xf3: {  	_ =	swait.ge @!p0 [sflag:s0], s1  }
0xf4: {  	s1 =	ssub.s32 @!p0 $0x0, s1;
	[sflag:s0] =	ssyncset.done @!p0 $0x0  }
0xf5: {  	[sflag:s0] =	ssyncadd.s32 @!p0 s1  }
0xf6: {  	[bflag:$0x3] =	sbarrier.arrive $0xFFFF  }
0xf7: {  	_ =	shalt  }

</sc_bundles>
